<compile_context>
chip_gen: v7x
topology: tpu7x:2x2x1
jax: 0.10.2.dev20260603
libtpu: 0.0.44.dev20260713+nightly
codegen_flags: <defaults>
</compile_context>

<pallas_src>
import functools

import jax
import jax.numpy as jnp
from jax import lax
from jax.experimental import pallas as pl
from jax.experimental.pallas import tpu as pltpu
from jax.experimental.pallas import tpu_sc as plsc

_NC = 2
_NS = 16
_NW = _NC * _NS
_L = 16

_CSEG = 4000
_GRP = _CSEG // _L


def _vsqrt(x):
    x = jnp.maximum(x, jnp.float32(1e-35))
    i = plsc.bitcast(x, jnp.int32)
    i = jnp.int32(0x5F3759DF) - (i >> 1)
    y = plsc.bitcast(i, jnp.float32)
    hx = jnp.float32(0.5) * x
    y = y * (jnp.float32(1.5) - hx * y * y)
    y = y * (jnp.float32(1.5) - hx * y * y)
    return x * y


def _make_sc_kernel(S):
    assert S % _CSEG == 0
    nchunk = S // _CSEG
    assert nchunk >= _NW
    maxc = (nchunk + _NW - 1) // _NW
    mesh = plsc.VectorSubcoreMesh(core_axis_name="c", subcore_axis_name="s")

    @functools.partial(
        pl.kernel,
        mesh=mesh,
        out_type=jax.ShapeDtypeStruct((_NW, _L), jnp.float32),
        compiler_params=pltpu.CompilerParams(
            needs_layout_passes=False, use_tc_tiling_on_sc=False
        ),
        scratch_types=[
            pltpu.VMEM((_CSEG * 3,), jnp.float32),
            pltpu.VMEM((_CSEG * 3,), jnp.float32),
            pltpu.VMEM((_CSEG * 3,), jnp.float32),
            pltpu.VMEM((_CSEG * 3,), jnp.float32),
            pltpu.VMEM((_CSEG * 3,), jnp.float32),
            pltpu.VMEM((_CSEG * 3,), jnp.float32),
            pltpu.VMEM((_CSEG * 3,), jnp.float32),
            pltpu.VMEM((_CSEG * 3,), jnp.float32),
            pltpu.VMEM((_CSEG * 3,), jnp.float32),
            pltpu.VMEM((_CSEG * 3,), jnp.float32),
            pltpu.VMEM((_L,), jnp.float32),
            pltpu.SemaphoreType.DMA,
            pltpu.SemaphoreType.DMA,
        ],
    )
    def sc_kernel(
        inp_hbm, tx_hbm, ty_hbm, tz_hbm, msk_hbm, out_hbm,
        tx0, ty0, tz0, in0, mk0,
        tx1, ty1, tz1, in1, mk1,
        acc_v, sem0, sem1,
    ):
        cid = lax.axis_index("c")
        sid = lax.axis_index("s")
        wid = sid * _NC + cid
        cnt = (nchunk - wid + _NW - 1) // _NW

        hbms = (tx_hbm, ty_hbm, tz_hbm, inp_hbm, msk_hbm)
        sets = ((tx0, ty0, tz0, in0, mk0), (tx1, ty1, tz1, in1, mk1))
        sems = (sem0, sem1)

        iota = lax.iota(jnp.int32, _L)
        three = iota * 3
        third = jnp.float32(1.0 / 3.0)
        eps = jnp.float32(1e-6)

        def descs(k):
            c = jnp.where(k < cnt, wid + k * _NW, wid)
            rows = pl.ds(c * (_CSEG * 3), _CSEG * 3)
            return [
                pltpu.make_async_copy(h.at[rows], v, sems[k % 2])
                for h, v in zip(hbms, sets[k % 2])
            ]

        def chunk_sum(bufs):
            tx_v, ty_v, tz_v, inp_v, msk_v = bufs

            def grp_body(j, a):
                r0 = three + j * (3 * _L)
                r1 = r0 + 1
                r2 = r0 + 2
                t0x = plsc.load_gather(tx_v, [r0])
                t0y = plsc.load_gather(ty_v, [r0])
                t0z = plsc.load_gather(tz_v, [r0])
                t1x = plsc.load_gather(tx_v, [r1])
                t1y = plsc.load_gather(ty_v, [r1])
                t1z = plsc.load_gather(tz_v, [r1])
                t2x = plsc.load_gather(tx_v, [r2])
                t2y = plsc.load_gather(ty_v, [r2])
                t2z = plsc.load_gather(tz_v, [r2])
                m0 = plsc.load_gather(msk_v, [r0])
                m1 = plsc.load_gather(msk_v, [r1])
                m2 = plsc.load_gather(msk_v, [r2])
                x0 = plsc.load_gather(inp_v, [r0])
                x1 = plsc.load_gather(inp_v, [r1])
                x2 = plsc.load_gather(inp_v, [r2])

                ax = t0x - t1x
                ay = t0y - t1y
                az = t0z - t1z
                bx = t0x - t2x
                by = t0y - t2y
                bz = t0z - t2z
                cx = t1x - t2x
                cy = t1y - t2y
                cz = t1z - t2z
                d01 = _vsqrt(ax * ax + ay * ay + az * az)
                d02 = _vsqrt(bx * bx + by * by + bz * bz)
                d12 = _vsqrt(cx * cx + cy * cy + cz * cz)

                e0 = (m0 * m1) * (x0 - d01)
                e1 = (m0 * m2) * (x1 - d02)
                e2 = (m1 * m2) * (x2 - d12)
                r = e0 * e0 + e1 * e1 + e2 * e2
                return a + _vsqrt(r * third + eps)

            return lax.fori_loop(0, _GRP, grp_body, jnp.zeros((_L,), jnp.float32))

        all_descs = [descs(k) for k in range(maxc)]
        for d in all_descs[0]:
            d.start()
        acc = jnp.zeros((_L,), jnp.float32)
        for k in range(maxc):
            if k + 1 < maxc:
                for d in all_descs[k + 1]:
                    d.start()
            for d in all_descs[k]:
                d.wait()
            w = jnp.where(k < cnt, jnp.float32(1.0), jnp.float32(0.0))
            acc = acc + w * chunk_sum(sets[k % 2])
        acc_v[...] = acc
        pltpu.sync_copy(acc_v, out_hbm.at[wid])

    return sc_kernel


def kernel(inputs, target, mask, indices):
    S = indices.shape[0]
    tx = target[:, 0]
    ty = target[:, 1]
    tz = target[:, 2]
    partials = _make_sc_kernel(S)(inputs, tx, ty, tz, mask.reshape(-1))
    return jnp.sum(partials) / jnp.float32(S)

# --- scband reference (transcript-rebuilt; emitter-appended) ---
"""Pipeline reference for scband-structured-masked-ce-27616639713924 (READ-ONLY COPY).

The authoritative reference and input builder live on the scoring server;
editing this copy changes nothing except your own understanding.
"""

import jax, jax.numpy as jnp
import numpy as np

M = 1000000  # number of segments (residues); each contributes 3 rows after repeat_interleave


def _pairwise_pair_indices(idx_np):
    # idx_np: sorted segment ids per row (np int array). Emulates scatter.pairwise_no_pad's
    # pair enumeration: all (i<j) row pairs within each segment, concatenated without padding,
    # plus the segment id of each pair.
    idx_np = np.asarray(idx_np)
    S = int(idx_np.max()) + 1
    counts = np.bincount(idx_np, minlength=S)
    offsets = np.concatenate([np.zeros(1, dtype=np.int64), np.cumsum(counts)])[:-1]
    i_parts, j_parts, s_parts = [], [], []
    for c in np.unique(counts):
        if c < 2:
            continue
        segs = np.nonzero(counts == c)[0]
        ti, tj = np.triu_indices(int(c), k=1)
        offs = offsets[segs].astype(np.int64)
        i_parts.append((offs[:, None] + ti[None, :]).reshape(-1))
        j_parts.append((offs[:, None] + tj[None, :]).reshape(-1))
        s_parts.append(np.repeat(segs.astype(np.int64), ti.shape[0]))
    i_idx = np.concatenate(i_parts)
    j_idx = np.concatenate(j_parts)
    seg = np.concatenate(s_parts)
    order = np.argsort(seg, kind="stable")
    return i_idx[order], j_idx[order], seg[order], S


def setup_inputs(seed: int = 0):
    key = jax.random.key(seed)
    k1, k2, k3 = jax.random.split(key, 3)
    inputs = jax.random.normal(k1, (3 * M,), dtype=jnp.float32)
    target = jax.random.normal(k2, (3 * M, 3), dtype=jnp.float32)
    mask = jax.random.uniform(k3, (3 * M, 1), dtype=jnp.float32)
    indices = jnp.arange(M, dtype=jnp.int32)  # structure.indices (segment id per residue)
    return {"inputs": inputs, "target": target, "mask": mask, "indices": indices}


def reference(inputs, target, mask, indices):
    # indices repeated 3x, as in torch.repeat_interleave(structure.indices, 3)
    # indices is always arange(S): each segment occupies 3 consecutive rows starting
    # at 3*indices[s], yielding exactly the triu pairs (0,1),(0,2),(1,2) per segment
    # in segment-sorted order, matching _pairwise_pair_indices on the repeated ids.
    S = indices.shape[0]
    base = 3 * indices
    i_idx = jnp.stack([base, base, base + 1], axis=1).reshape(-1)
    j_idx = jnp.stack([base + 1, base + 2, base + 2], axis=1).reshape(-1)
    seg_j = jnp.repeat(indices, 3)

    tgt = target.reshape(-1, 3)
    # dst = lambda x, y: (x - y).norm(dim=1) applied pairwise within segments
    d = jnp.linalg.norm(tgt[i_idx] - tgt[j_idx], axis=1)
    # msk = lambda x, y: (x * y).squeeze(dim=1) applied pairwise within segments
    m = (mask[i_idx] * mask[j_idx]).squeeze(axis=1)

    result = (m * inputs - m * d) ** 2
    seg_sum = jax.ops.segment_sum(result, seg_j, num_segments=S)
    pair_counts = jax.ops.segment_sum(jnp.ones_like(result), seg_j, num_segments=S)
    seg_mean = seg_sum / jnp.maximum(pair_counts, 1.0)  # scatter.mean over rmsd_indices
    out = jnp.sqrt(seg_mean + 1e-6)
    return out.mean()

if __name__ == "__main__":
    import jax
    _d = setup_inputs()
    print(jax.jit(kernel)(*tuple(_d.values())))

</pallas_src>

<mosaic_0001>
#map = affine_map<(d0, d1) -> (0)>
#map1 = affine_map<(d0, d1) -> (0, 0)>
module attributes {stable_mosaic.version = 14 : i64} {
  func.func @sc_kernel(%arg0: i32, %arg1: i32, %arg2: memref<3000000xf32, #tpu.memory_space<hbm>>, %arg3: memref<3000000xf32, #tpu.memory_space<hbm>>, %arg4: memref<3000000xf32, #tpu.memory_space<hbm>>, %arg5: memref<3000000xf32, #tpu.memory_space<hbm>>, %arg6: memref<3000000xf32, #tpu.memory_space<hbm>>, %arg7: memref<32x16xf32, #tpu.memory_space<hbm>>, %arg8: memref<12000xf32, #tpu.memory_space<vmem>>, %arg9: memref<12000xf32, #tpu.memory_space<vmem>>, %arg10: memref<12000xf32, #tpu.memory_space<vmem>>, %arg11: memref<12000xf32, #tpu.memory_space<vmem>>, %arg12: memref<12000xf32, #tpu.memory_space<vmem>>, %arg13: memref<12000xf32, #tpu.memory_space<vmem>>, %arg14: memref<12000xf32, #tpu.memory_space<vmem>>, %arg15: memref<12000xf32, #tpu.memory_space<vmem>>, %arg16: memref<12000xf32, #tpu.memory_space<vmem>>, %arg17: memref<12000xf32, #tpu.memory_space<vmem>>, %arg18: memref<16xf32, #tpu.memory_space<vmem>>, %arg19: memref<!tpu.dma_semaphore, #tpu.memory_space<semaphore_mem>>, %arg20: memref<!tpu.dma_semaphore, #tpu.memory_space<semaphore_mem>>) attributes {dimension_semantics = [#tpu.dimension_semantics<core_parallel>, #tpu.dimension_semantics<subcore_parallel>], iteration_bounds = array<i64: 2, 16>, scalar_prefetch = 0 : i64, scratch_operands = 13 : i64, tpu.core_type = #tpu.core_type<sc_vector_subcore>, window_params = [{transform_indices = #map}, {transform_indices = #map}, {transform_indices = #map}, {transform_indices = #map}, {transform_indices = #map}, {transform_indices = #map1}]} {
    %mul3A = arith.constant 2 : i32
    %mul3A_0 = arith.muli %arg1, %mul3A : i32
    %add3A = arith.addi %mul3A_0, %arg0 : i32
    %sub3A = arith.constant 250 : i32
    %sub3A_1 = arith.subi %sub3A, %add3A : i32
    %add3A_2 = arith.constant 32 : i32
    %add3A_3 = arith.addi %sub3A_1, %add3A_2 : i32
    %sub3A_4 = arith.constant 1 : i32
    %sub3A_5 = arith.subi %add3A_3, %sub3A_4 : i32
    %jit3A = arith.constant 32 : i32
    %div3A = arith.divsi %sub3A_5, %jit3A : i32
    %sign3A = arith.constant 0 : i32
    %sign3A_6 = arith.cmpi sgt, %sub3A_5, %sign3A : i32
    %sign3A_7 = arith.extui %sign3A_6 : i1 to i32
    %sign3A_8 = arith.constant 0 : i32
    %sign3A_9 = arith.cmpi slt, %sub3A_5, %sign3A_8 : i32
    %sign3A_10 = arith.extui %sign3A_9 : i1 to i32
    %sign3A_11 = arith.subi %sign3A_7, %sign3A_10 : i32
    %sign3A_12 = arith.constant 0 : i32
    %sign3A_13 = arith.cmpi sgt, %jit3A, %sign3A_12 : i32
    %sign3A_14 = arith.extui %sign3A_13 : i1 to i32
    %sign3A_15 = arith.constant 0 : i32
    %sign3A_16 = arith.cmpi slt, %jit3A, %sign3A_15 : i32
    %sign3A_17 = arith.extui %sign3A_16 : i1 to i32
    %sign3A_18 = arith.subi %sign3A_14, %sign3A_17 : i32
    %ne3A = arith.cmpi ne, %sign3A_11, %sign3A_18 : i32
    %rem3A = arith.remsi %sub3A_5, %jit3A : i32
    %ne3A_19 = arith.constant 0 : i32
    %ne3A_20 = arith.cmpi ne, %rem3A, %ne3A_19 : i32
    %and3A = arith.andi %ne3A, %ne3A_20 : i1
    %sub3A_21 = arith.constant 1 : i32
    %sub3A_22 = arith.subi %div3A, %sub3A_21 : i32
    %select_n3A = arith.select %and3A, %sub3A_22, %div3A : i32
    %iota3A = tpu.iota {dimensions = array<i32: 0>} : vector<16xi32>
    %mul3A_23 = arith.constant 3 : i32
    %mul3A_24 = vector.broadcast %mul3A_23 : i32 to vector<16xi32>
    %mul3A_25 = arith.muli %iota3A, %mul3A_24 : vector<16xi32>
    %gt3A = arith.constant 0 : i32
    %gt3A_26 = arith.cmpi sgt, %select_n3A, %gt3A : i32
    %add3A_27 = arith.constant 0 : i32
    %add3A_28 = arith.addi %add3A, %add3A_27 : i32
    %select_n3A_29 = arith.select %gt3A_26, %add3A_28, %add3A : i32
    %mul3A_30 = arith.constant 12000 : i32
    %mul3A_31 = arith.muli %select_n3A_29, %mul3A_30 : i32
    %gt3A_32 = arith.constant 1 : i32
    %gt3A_33 = arith.cmpi sgt, %select_n3A, %gt3A_32 : i32
    %add3A_34 = arith.constant 32 : i32
    %add3A_35 = arith.addi %add3A, %add3A_34 : i32
    %select_n3A_36 = arith.select %gt3A_33, %add3A_35, %add3A : i32
    %mul3A_37 = arith.constant 12000 : i32
    %mul3A_38 = arith.muli %select_n3A_36, %mul3A_37 : i32
    %gt3A_39 = arith.constant 2 : i32
    %gt3A_40 = arith.cmpi sgt, %select_n3A, %gt3A_39 : i32
    %add3A_41 = arith.constant 64 : i32
    %add3A_42 = arith.addi %add3A, %add3A_41 : i32
    %select_n3A_43 = arith.select %gt3A_40, %add3A_42, %add3A : i32
    %mul3A_44 = arith.constant 12000 : i32
    %mul3A_45 = arith.muli %select_n3A_43, %mul3A_44 : i32
    %gt3A_46 = arith.constant 3 : i32
    %gt3A_47 = arith.cmpi sgt, %select_n3A, %gt3A_46 : i32
    %add3A_48 = arith.constant 96 : i32
    %add3A_49 = arith.addi %add3A, %add3A_48 : i32
    %select_n3A_50 = arith.select %gt3A_47, %add3A_49, %add3A : i32
    %mul3A_51 = arith.constant 12000 : i32
    %mul3A_52 = arith.muli %select_n3A_50, %mul3A_51 : i32
    %gt3A_53 = arith.constant 4 : i32
    %gt3A_54 = arith.cmpi sgt, %select_n3A, %gt3A_53 : i32
    %add3A_55 = arith.constant 128 : i32
    %add3A_56 = arith.addi %add3A, %add3A_55 : i32
    %select_n3A_57 = arith.select %gt3A_54, %add3A_56, %add3A : i32
    %mul3A_58 = arith.constant 12000 : i32
    %mul3A_59 = arith.muli %select_n3A_57, %mul3A_58 : i32
    %gt3A_60 = arith.constant 5 : i32
    %gt3A_61 = arith.cmpi sgt, %select_n3A, %gt3A_60 : i32
    %add3A_62 = arith.constant 160 : i32
    %add3A_63 = arith.addi %add3A, %add3A_62 : i32
    %select_n3A_64 = arith.select %gt3A_61, %add3A_63, %add3A : i32
    %mul3A_65 = arith.constant 12000 : i32
    %mul3A_66 = arith.muli %select_n3A_64, %mul3A_65 : i32
    %gt3A_67 = arith.constant 6 : i32
    %gt3A_68 = arith.cmpi sgt, %select_n3A, %gt3A_67 : i32
    %add3A_69 = arith.constant 192 : i32
    %add3A_70 = arith.addi %add3A, %add3A_69 : i32
    %select_n3A_71 = arith.select %gt3A_68, %add3A_70, %add3A : i32
    %mul3A_72 = arith.constant 12000 : i32
    %mul3A_73 = arith.muli %select_n3A_71, %mul3A_72 : i32
    %gt3A_74 = arith.constant 7 : i32
    %gt3A_75 = arith.cmpi sgt, %select_n3A, %gt3A_74 : i32
    %add3A_76 = arith.constant 224 : i32
    %add3A_77 = arith.addi %add3A, %add3A_76 : i32
    %select_n3A_78 = arith.select %gt3A_75, %add3A_77, %add3A : i32
    %mul3A_79 = arith.constant 12000 : i32
    %mul3A_80 = arith.muli %select_n3A_78, %mul3A_79 : i32
    %dma_start3A = tpu.memref_slice %arg3[%mul3A_31] : memref<3000000xf32, #tpu.memory_space<hbm>> -> memref<12000xf32, #tpu.memory_space<hbm>>
    %dma_start3A_81 = tpu.memref_slice %arg3[%mul3A_31] : memref<3000000xf32, #tpu.memory_space<hbm>> -> memref<12000xf32, #tpu.memory_space<hbm>>
    tpu.enqueue_dma source(%dma_start3A_81 : memref<12000xf32, #tpu.memory_space<hbm>>) target(%arg8 : memref<12000xf32, #tpu.memory_space<vmem>>) target_semaphore(%arg19 : memref<!tpu.dma_semaphore, #tpu.memory_space<semaphore_mem>>)
    %dma_start3A_82 = tpu.memref_slice %arg4[%mul3A_31] : memref<3000000xf32, #tpu.memory_space<hbm>> -> memref<12000xf32, #tpu.memory_space<hbm>>
    %dma_start3A_83 = tpu.memref_slice %arg4[%mul3A_31] : memref<3000000xf32, #tpu.memory_space<hbm>> -> memref<12000xf32, #tpu.memory_space<hbm>>
    tpu.enqueue_dma source(%dma_start3A_83 : memref<12000xf32, #tpu.memory_space<hbm>>) target(%arg9 : memref<12000xf32, #tpu.memory_space<vmem>>) target_semaphore(%arg19 : memref<!tpu.dma_semaphore, #tpu.memory_space<semaphore_mem>>)
    %dma_start3A_84 = tpu.memref_slice %arg5[%mul3A_31] : memref<3000000xf32, #tpu.memory_space<hbm>> -> memref<12000xf32, #tpu.memory_space<hbm>>
    %dma_start3A_85 = tpu.memref_slice %arg5[%mul3A_31] : memref<3000000xf32, #tpu.memory_space<hbm>> -> memref<12000xf32, #tpu.memory_space<hbm>>
    tpu.enqueue_dma source(%dma_start3A_85 : memref<12000xf32, #tpu.memory_space<hbm>>) target(%arg10 : memref<12000xf32, #tpu.memory_space<vmem>>) target_semaphore(%arg19 : memref<!tpu.dma_semaphore, #tpu.memory_space<semaphore_mem>>)
    %dma_start3A_86 = tpu.memref_slice %arg2[%mul3A_31] : memref<3000000xf32, #tpu.memory_space<hbm>> -> memref<12000xf32, #tpu.memory_space<hbm>>
    %dma_start3A_87 = tpu.memref_slice %arg2[%mul3A_31] : memref<3000000xf32, #tpu.memory_space<hbm>> -> memref<12000xf32, #tpu.memory_space<hbm>>
    tpu.enqueue_dma source(%dma_start3A_87 : memref<12000xf32, #tpu.memory_space<hbm>>) target(%arg11 : memref<12000xf32, #tpu.memory_space<vmem>>) target_semaphore(%arg19 : memref<!tpu.dma_semaphore, #tpu.memory_space<semaphore_mem>>)
    %dma_start3A_88 = tpu.memref_slice %arg6[%mul3A_31] : memref<3000000xf32, #tpu.memory_space<hbm>> -> memref<12000xf32, #tpu.memory_space<hbm>>
    %dma_start3A_89 = tpu.memref_slice %arg6[%mul3A_31] : memref<3000000xf32, #tpu.memory_space<hbm>> -> memref<12000xf32, #tpu.memory_space<hbm>>
    tpu.enqueue_dma source(%dma_start3A_89 : memref<12000xf32, #tpu.memory_space<hbm>>) target(%arg12 : memref<12000xf32, #tpu.memory_space<vmem>>) target_semaphore(%arg19 : memref<!tpu.dma_semaphore, #tpu.memory_space<semaphore_mem>>)
    %broadcast_in_dim3A = arith.constant 0.000000e+00 : f32
    %broadcast_in_dim3A_90 = vector.broadcast %broadcast_in_dim3A : f32 to vector<16xf32>
    %dma_start3A_91 = tpu.memref_slice %arg3[%mul3A_38] : memref<3000000xf32, #tpu.memory_space<hbm>> -> memref<12000xf32, #tpu.memory_space<hbm>>
    %dma_start3A_92 = tpu.memref_slice %arg3[%mul3A_38] : memref<3000000xf32, #tpu.memory_space<hbm>> -> memref<12000xf32, #tpu.memory_space<hbm>>
    tpu.enqueue_dma source(%dma_start3A_92 : memref<12000xf32, #tpu.memory_space<hbm>>) target(%arg13 : memref<12000xf32, #tpu.memory_space<vmem>>) target_semaphore(%arg20 : memref<!tpu.dma_semaphore, #tpu.memory_space<semaphore_mem>>)
    %dma_start3A_93 = tpu.memref_slice %arg4[%mul3A_38] : memref<3000000xf32, #tpu.memory_space<hbm>> -> memref<12000xf32, #tpu.memory_space<hbm>>
    %dma_start3A_94 = tpu.memref_slice %arg4[%mul3A_38] : memref<3000000xf32, #tpu.memory_space<hbm>> -> memref<12000xf32, #tpu.memory_space<hbm>>
    tpu.enqueue_dma source(%dma_start3A_94 : memref<12000xf32, #tpu.memory_space<hbm>>) target(%arg14 : memref<12000xf32, #tpu.memory_space<vmem>>) target_semaphore(%arg20 : memref<!tpu.dma_semaphore, #tpu.memory_space<semaphore_mem>>)
    %dma_start3A_95 = tpu.memref_slice %arg5[%mul3A_38] : memref<3000000xf32, #tpu.memory_space<hbm>> -> memref<12000xf32, #tpu.memory_space<hbm>>
    %dma_start3A_96 = tpu.memref_slice %arg5[%mul3A_38] : memref<3000000xf32, #tpu.memory_space<hbm>> -> memref<12000xf32, #tpu.memory_space<hbm>>
    tpu.enqueue_dma source(%dma_start3A_96 : memref<12000xf32, #tpu.memory_space<hbm>>) target(%arg15 : memref<12000xf32, #tpu.memory_space<vmem>>) target_semaphore(%arg20 : memref<!tpu.dma_semaphore, #tpu.memory_space<semaphore_mem>>)
    %dma_start3A_97 = tpu.memref_slice %arg2[%mul3A_38] : memref<3000000xf32, #tpu.memory_space<hbm>> -> memref<12000xf32, #tpu.memory_space<hbm>>
    %dma_start3A_98 = tpu.memref_slice %arg2[%mul3A_38] : memref<3000000xf32, #tpu.memory_space<hbm>> -> memref<12000xf32, #tpu.memory_space<hbm>>
    tpu.enqueue_dma source(%dma_start3A_98 : memref<12000xf32, #tpu.memory_space<hbm>>) target(%arg16 : memref<12000xf32, #tpu.memory_space<vmem>>) target_semaphore(%arg20 : memref<!tpu.dma_semaphore, #tpu.memory_space<semaphore_mem>>)
    %dma_start3A_99 = tpu.memref_slice %arg6[%mul3A_38] : memref<3000000xf32, #tpu.memory_space<hbm>> -> memref<12000xf32, #tpu.memory_space<hbm>>
    %dma_start3A_100 = tpu.memref_slice %arg6[%mul3A_38] : memref<3000000xf32, #tpu.memory_space<hbm>> -> memref<12000xf32, #tpu.memory_space<hbm>>
    tpu.enqueue_dma source(%dma_start3A_100 : memref<12000xf32, #tpu.memory_space<hbm>>) target(%arg17 : memref<12000xf32, #tpu.memory_space<vmem>>) target_semaphore(%arg20 : memref<!tpu.dma_semaphore, #tpu.memory_space<semaphore_mem>>)
    %dma_wait3A = tpu.memref_slice %arg3[%mul3A_31] : memref<3000000xf32, #tpu.memory_space<hbm>> -> memref<12000xf32, #tpu.memory_space<hbm>>
    %dma_wait3A_101 = tpu.memref_slice %arg3[%mul3A_31] : memref<3000000xf32, #tpu.memory_space<hbm>> -> memref<12000xf32, #tpu.memory_space<hbm>>
    tpu.wait_dma2 semaphore(%arg19 : memref<!tpu.dma_semaphore, #tpu.memory_space<semaphore_mem>>) src(%dma_wait3A_101 : memref<12000xf32, #tpu.memory_space<hbm>>) dst(%arg8 : memref<12000xf32, #tpu.memory_space<vmem>>)
    %dma_wait3A_102 = tpu.memref_slice %arg4[%mul3A_31] : memref<3000000xf32, #tpu.memory_space<hbm>> -> memref<12000xf32, #tpu.memory_space<hbm>>
    %dma_wait3A_103 = tpu.memref_slice %arg4[%mul3A_31] : memref<3000000xf32, #tpu.memory_space<hbm>> -> memref<12000xf32, #tpu.memory_space<hbm>>
    tpu.wait_dma2 semaphore(%arg19 : memref<!tpu.dma_semaphore, #tpu.memory_space<semaphore_mem>>) src(%dma_wait3A_103 : memref<12000xf32, #tpu.memory_space<hbm>>) dst(%arg9 : memref<12000xf32, #tpu.memory_space<vmem>>)
    %dma_wait3A_104 = tpu.memref_slice %arg5[%mul3A_31] : memref<3000000xf32, #tpu.memory_space<hbm>> -> memref<12000xf32, #tpu.memory_space<hbm>>
    %dma_wait3A_105 = tpu.memref_slice %arg5[%mul3A_31] : memref<3000000xf32, #tpu.memory_space<hbm>> -> memref<12000xf32, #tpu.memory_space<hbm>>
    tpu.wait_dma2 semaphore(%arg19 : memref<!tpu.dma_semaphore, #tpu.memory_space<semaphore_mem>>) src(%dma_wait3A_105 : memref<12000xf32, #tpu.memory_space<hbm>>) dst(%arg10 : memref<12000xf32, #tpu.memory_space<vmem>>)
    %dma_wait3A_106 = tpu.memref_slice %arg2[%mul3A_31] : memref<3000000xf32, #tpu.memory_space<hbm>> -> memref<12000xf32, #tpu.memory_space<hbm>>
    %dma_wait3A_107 = tpu.memref_slice %arg2[%mul3A_31] : memref<3000000xf32, #tpu.memory_space<hbm>> -> memref<12000xf32, #tpu.memory_space<hbm>>
    tpu.wait_dma2 semaphore(%arg19 : memref<!tpu.dma_semaphore, #tpu.memory_space<semaphore_mem>>) src(%dma_wait3A_107 : memref<12000xf32, #tpu.memory_space<hbm>>) dst(%arg11 : memref<12000xf32, #tpu.memory_space<vmem>>)
    %dma_wait3A_108 = tpu.memref_slice %arg6[%mul3A_31] : memref<3000000xf32, #tpu.memory_space<hbm>> -> memref<12000xf32, #tpu.memory_space<hbm>>
    %dma_wait3A_109 = tpu.memref_slice %arg6[%mul3A_31] : memref<3000000xf32, #tpu.memory_space<hbm>> -> memref<12000xf32, #tpu.memory_space<hbm>>
    tpu.wait_dma2 semaphore(%arg19 : memref<!tpu.dma_semaphore, #tpu.memory_space<semaphore_mem>>) src(%dma_wait3A_109 : memref<12000xf32, #tpu.memory_space<hbm>>) dst(%arg12 : memref<12000xf32, #tpu.memory_space<vmem>>)
    %gt3A_110 = arith.constant 0 : i32
    %gt3A_111 = arith.cmpi sgt, %select_n3A, %gt3A_110 : i32
    %jit3A_112 = arith.constant 1.000000e+00 : f32
    %jit3A_113 = arith.constant 0.000000e+00 : f32
    %select_n3A_114 = arith.select %gt3A_111, %jit3A_112, %jit3A_113 : f32
    %broadcast_in_dim3A_115 = arith.constant 0.000000e+00 : f32
    %broadcast_in_dim3A_116 = vector.broadcast %broadcast_in_dim3A_115 : f32 to vector<16xf32>
    %scan3A = arith.constant 0.333333343 : f32
    %scan3A_117 = arith.constant 9.99999997E-7 : f32
    %scan3A_118 = arith.constant 0 : i32
    %scan3A_119 = arith.constant 250 : i32
    %scan3A_120 = arith.addi %scan3A_118, %scan3A_119 : i32
    %scan3A_121 = arith.constant 1 : i32
    %scan3A_122 = scf.for %scan3A_384 = %scan3A_118 to %scan3A_120 step %scan3A_121 iter_args(%scan3A_385 = %broadcast_in_dim3A_116) -> (vector<16xf32>)  : i32 {
      %mul3A_386 = arith.constant 48 : i32
      %mul3A_387 = arith.muli %scan3A_384, %mul3A_386 : i32
      %add3A_388 = vector.broadcast %mul3A_387 : i32 to vector<16xi32>
      %add3A_389 = arith.addi %mul3A_25, %add3A_388 : vector<16xi32>
      %add3A_390 = arith.constant 1 : i32
      %add3A_391 = vector.broadcast %add3A_390 : i32 to vector<16xi32>
      %add3A_392 = arith.addi %add3A_389, %add3A_391 : vector<16xi32>
      %add3A_393 = arith.constant 2 : i32
      %add3A_394 = vector.broadcast %add3A_393 : i32 to vector<16xi32>
      %add3A_395 = arith.addi %add3A_389, %add3A_394 : vector<16xi32>
      %gather3A = tpu.vector_load_idx %arg8[%add3A_389] : memref<12000xf32, #tpu.memory_space<vmem>>[vector<16xi32>], vector<16xf32>,
      %gather3A_396 = tpu.vector_load_idx %arg9[%add3A_389] : memref<12000xf32, #tpu.memory_space<vmem>>[vector<16xi32>], vector<16xf32>,
      %gather3A_397 = tpu.vector_load_idx %arg10[%add3A_389] : memref<12000xf32, #tpu.memory_space<vmem>>[vector<16xi32>], vector<16xf32>,
      %gather3A_398 = tpu.vector_load_idx %arg8[%add3A_392] : memref<12000xf32, #tpu.memory_space<vmem>>[vector<16xi32>], vector<16xf32>,
      %gather3A_399 = tpu.vector_load_idx %arg9[%add3A_392] : memref<12000xf32, #tpu.memory_space<vmem>>[vector<16xi32>], vector<16xf32>,
      %gather3A_400 = tpu.vector_load_idx %arg10[%add3A_392] : memref<12000xf32, #tpu.memory_space<vmem>>[vector<16xi32>], vector<16xf32>,
      %gather3A_401 = tpu.vector_load_idx %arg8[%add3A_395] : memref<12000xf32, #tpu.memory_space<vmem>>[vector<16xi32>], vector<16xf32>,
      %gather3A_402 = tpu.vector_load_idx %arg9[%add3A_395] : memref<12000xf32, #tpu.memory_space<vmem>>[vector<16xi32>], vector<16xf32>,
      %gather3A_403 = tpu.vector_load_idx %arg10[%add3A_395] : memref<12000xf32, #tpu.memory_space<vmem>>[vector<16xi32>], vector<16xf32>,
      %gather3A_404 = tpu.vector_load_idx %arg12[%add3A_389] : memref<12000xf32, #tpu.memory_space<vmem>>[vector<16xi32>], vector<16xf32>,
      %gather3A_405 = tpu.vector_load_idx %arg12[%add3A_392] : memref<12000xf32, #tpu.memory_space<vmem>>[vector<16xi32>], vector<16xf32>,
      %gather3A_406 = tpu.vector_load_idx %arg12[%add3A_395] : memref<12000xf32, #tpu.memory_space<vmem>>[vector<16xi32>], vector<16xf32>,
      %gather3A_407 = tpu.vector_load_idx %arg11[%add3A_389] : memref<12000xf32, #tpu.memory_space<vmem>>[vector<16xi32>], vector<16xf32>,
      %gather3A_408 = tpu.vector_load_idx %arg11[%add3A_392] : memref<12000xf32, #tpu.memory_space<vmem>>[vector<16xi32>], vector<16xf32>,
      %gather3A_409 = tpu.vector_load_idx %arg11[%add3A_395] : memref<12000xf32, #tpu.memory_space<vmem>>[vector<16xi32>], vector<16xf32>,
      %sub3A_410 = arith.subf %gather3A, %gather3A_398 : vector<16xf32>
      %sub3A_411 = arith.subf %gather3A_396, %gather3A_399 : vector<16xf32>
      %sub3A_412 = arith.subf %gather3A_397, %gather3A_400 : vector<16xf32>
      %sub3A_413 = arith.subf %gather3A, %gather3A_401 : vector<16xf32>
      %sub3A_414 = arith.subf %gather3A_396, %gather3A_402 : vector<16xf32>
      %sub3A_415 = arith.subf %gather3A_397, %gather3A_403 : vector<16xf32>
      %sub3A_416 = arith.subf %gather3A_398, %gather3A_401 : vector<16xf32>
      %sub3A_417 = arith.subf %gather3A_399, %gather3A_402 : vector<16xf32>
      %sub3A_418 = arith.subf %gather3A_400, %gather3A_403 : vector<16xf32>
      %mul3A_419 = arith.mulf %sub3A_410, %sub3A_410 : vector<16xf32>
      %mul3A_420 = arith.mulf %sub3A_411, %sub3A_411 : vector<16xf32>
      %add3A_421 = arith.addf %mul3A_419, %mul3A_420 : vector<16xf32>
      %mul3A_422 = arith.mulf %sub3A_412, %sub3A_412 : vector<16xf32>
      %add3A_423 = arith.addf %add3A_421, %mul3A_422 : vector<16xf32>
      %max3A = arith.constant 1.000000e-35 : f32
      %max3A_424 = vector.broadcast %max3A : f32 to vector<16xf32>
      %max3A_425 = arith.maximumf %add3A_423, %max3A_424 : vector<16xf32>
      %bitcast3A = vector.bitcast %max3A_425 : vector<16xf32> to vector<16xi32>
      %shift_right_arithmetic3A = arith.constant 1 : i32
      %shift_right_arithmetic3A_426 = vector.broadcast %shift_right_arithmetic3A : i32 to vector<16xi32>
      %shift_right_arithmetic3A_427 = arith.shrsi %bitcast3A, %shift_right_arithmetic3A_426 : vector<16xi32>
      %sub3A_428 = arith.constant 1597463007 : i32
      %sub3A_429 = vector.broadcast %sub3A_428 : i32 to vector<16xi32>
      %sub3A_430 = arith.subi %sub3A_429, %shift_right_arithmetic3A_427 : vector<16xi32>
      %bitcast3A_431 = vector.bitcast %sub3A_430 : vector<16xi32> to vector<16xf32>
      %mul3A_432 = arith.constant 5.000000e-01 : f32
      %mul3A_433 = vector.broadcast %mul3A_432 : f32 to vector<16xf32>
      %mul3A_434 = arith.mulf %mul3A_433, %max3A_425 : vector<16xf32>
      %mul3A_435 = arith.mulf %mul3A_434, %bitcast3A_431 : vector<16xf32>
      %mul3A_436 = arith.mulf %mul3A_435, %bitcast3A_431 : vector<16xf32>
      %sub3A_437 = arith.constant 1.500000e+00 : f32
      %sub3A_438 = vector.broadcast %sub3A_437 : f32 to vector<16xf32>
      %sub3A_439 = arith.subf %sub3A_438, %mul3A_436 : vector<16xf32>
      %mul3A_440 = arith.mulf %bitcast3A_431, %sub3A_439 : vector<16xf32>
      %mul3A_441 = arith.mulf %mul3A_434, %mul3A_440 : vector<16xf32>
      %mul3A_442 = arith.mulf %mul3A_441, %mul3A_440 : vector<16xf32>
      %sub3A_443 = arith.constant 1.500000e+00 : f32
      %sub3A_444 = vector.broadcast %sub3A_443 : f32 to vector<16xf32>
      %sub3A_445 = arith.subf %sub3A_444, %mul3A_442 : vector<16xf32>
      %mul3A_446 = arith.mulf %mul3A_440, %sub3A_445 : vector<16xf32>
      %mul3A_447 = arith.mulf %max3A_425, %mul3A_446 : vector<16xf32>
      %mul3A_448 = arith.mulf %sub3A_413, %sub3A_413 : vector<16xf32>
      %mul3A_449 = arith.mulf %sub3A_414, %sub3A_414 : vector<16xf32>
      %add3A_450 = arith.addf %mul3A_448, %mul3A_449 : vector<16xf32>
      %mul3A_451 = arith.mulf %sub3A_415, %sub3A_415 : vector<16xf32>
      %add3A_452 = arith.addf %add3A_450, %mul3A_451 : vector<16xf32>
      %max3A_453 = arith.constant 1.000000e-35 : f32
      %max3A_454 = vector.broadcast %max3A_453 : f32 to vector<16xf32>
      %max3A_455 = arith.maximumf %add3A_452, %max3A_454 : vector<16xf32>
      %bitcast3A_456 = vector.bitcast %max3A_455 : vector<16xf32> to vector<16xi32>
      %shift_right_arithmetic3A_457 = arith.constant 1 : i32
      %shift_right_arithmetic3A_458 = vector.broadcast %shift_right_arithmetic3A_457 : i32 to vector<16xi32>
      %shift_right_arithmetic3A_459 = arith.shrsi %bitcast3A_456, %shift_right_arithmetic3A_458 : vector<16xi32>
      %sub3A_460 = arith.constant 1597463007 : i32
      %sub3A_461 = vector.broadcast %sub3A_460 : i32 to vector<16xi32>
      %sub3A_462 = arith.subi %sub3A_461, %shift_right_arithmetic3A_459 : vector<16xi32>
      %bitcast3A_463 = vector.bitcast %sub3A_462 : vector<16xi32> to vector<16xf32>
      %mul3A_464 = arith.constant 5.000000e-01 : f32
      %mul3A_465 = vector.broadcast %mul3A_464 : f32 to vector<16xf32>
      %mul3A_466 = arith.mulf %mul3A_465, %max3A_455 : vector<16xf32>
      %mul3A_467 = arith.mulf %mul3A_466, %bitcast3A_463 : vector<16xf32>
      %mul3A_468 = arith.mulf %mul3A_467, %bitcast3A_463 : vector<16xf32>
      %sub3A_469 = arith.constant 1.500000e+00 : f32
      %sub3A_470 = vector.broadcast %sub3A_469 : f32 to vector<16xf32>
      %sub3A_471 = arith.subf %sub3A_470, %mul3A_468 : vector<16xf32>
      %mul3A_472 = arith.mulf %bitcast3A_463, %sub3A_471 : vector<16xf32>
      %mul3A_473 = arith.mulf %mul3A_466, %mul3A_472 : vector<16xf32>
      %mul3A_474 = arith.mulf %mul3A_473, %mul3A_472 : vector<16xf32>
      %sub3A_475 = arith.constant 1.500000e+00 : f32
      %sub3A_476 = vector.broadcast %sub3A_475 : f32 to vector<16xf32>
      %sub3A_477 = arith.subf %sub3A_476, %mul3A_474 : vector<16xf32>
      %mul3A_478 = arith.mulf %mul3A_472, %sub3A_477 : vector<16xf32>
      %mul3A_479 = arith.mulf %max3A_455, %mul3A_478 : vector<16xf32>
      %mul3A_480 = arith.mulf %sub3A_416, %sub3A_416 : vector<16xf32>
      %mul3A_481 = arith.mulf %sub3A_417, %sub3A_417 : vector<16xf32>
      %add3A_482 = arith.addf %mul3A_480, %mul3A_481 : vector<16xf32>
      %mul3A_483 = arith.mulf %sub3A_418, %sub3A_418 : vector<16xf32>
      %add3A_484 = arith.addf %add3A_482, %mul3A_483 : vector<16xf32>
      %max3A_485 = arith.constant 1.000000e-35 : f32
      %max3A_486 = vector.broadcast %max3A_485 : f32 to vector<16xf32>
      %max3A_487 = arith.maximumf %add3A_484, %max3A_486 : vector<16xf32>
      %bitcast3A_488 = vector.bitcast %max3A_487 : vector<16xf32> to vector<16xi32>
      %shift_right_arithmetic3A_489 = arith.constant 1 : i32
      %shift_right_arithmetic3A_490 = vector.broadcast %shift_right_arithmetic3A_489 : i32 to vector<16xi32>
      %shift_right_arithmetic3A_491 = arith.shrsi %bitcast3A_488, %shift_right_arithmetic3A_490 : vector<16xi32>
      %sub3A_492 = arith.constant 1597463007 : i32
      %sub3A_493 = vector.broadcast %sub3A_492 : i32 to vector<16xi32>
      %sub3A_494 = arith.subi %sub3A_493, %shift_right_arithmetic3A_491 : vector<16xi32>
      %bitcast3A_495 = vector.bitcast %sub3A_494 : vector<16xi32> to vector<16xf32>
      %mul3A_496 = arith.constant 5.000000e-01 : f32
      %mul3A_497 = vector.broadcast %mul3A_496 : f32 to vector<16xf32>
      %mul3A_498 = arith.mulf %mul3A_497, %max3A_487 : vector<16xf32>
      %mul3A_499 = arith.mulf %mul3A_498, %bitcast3A_495 : vector<16xf32>
      %mul3A_500 = arith.mulf %mul3A_499, %bitcast3A_495 : vector<16xf32>
      %sub3A_501 = arith.constant 1.500000e+00 : f32
      %sub3A_502 = vector.broadcast %sub3A_501 : f32 to vector<16xf32>
      %sub3A_503 = arith.subf %sub3A_502, %mul3A_500 : vector<16xf32>
      %mul3A_504 = arith.mulf %bitcast3A_495, %sub3A_503 : vector<16xf32>
      %mul3A_505 = arith.mulf %mul3A_498, %mul3A_504 : vector<16xf32>
      %mul3A_506 = arith.mulf %mul3A_505, %mul3A_504 : vector<16xf32>
      %sub3A_507 = arith.constant 1.500000e+00 : f32
      %sub3A_508 = vector.broadcast %sub3A_507 : f32 to vector<16xf32>
      %sub3A_509 = arith.subf %sub3A_508, %mul3A_506 : vector<16xf32>
      %mul3A_510 = arith.mulf %mul3A_504, %sub3A_509 : vector<16xf32>
      %mul3A_511 = arith.mulf %max3A_487, %mul3A_510 : vector<16xf32>
      %mul3A_512 = arith.mulf %gather3A_404, %gather3A_405 : vector<16xf32>
      %sub3A_513 = arith.subf %gather3A_407, %mul3A_447 : vector<16xf32>
      %mul3A_514 = arith.mulf %mul3A_512, %sub3A_513 : vector<16xf32>
      %mul3A_515 = arith.mulf %gather3A_404, %gather3A_406 : vector<16xf32>
      %sub3A_516 = arith.subf %gather3A_408, %mul3A_479 : vector<16xf32>
      %mul3A_517 = arith.mulf %mul3A_515, %sub3A_516 : vector<16xf32>
      %mul3A_518 = arith.mulf %gather3A_405, %gather3A_406 : vector<16xf32>
      %sub3A_519 = arith.subf %gather3A_409, %mul3A_511 : vector<16xf32>
      %mul3A_520 = arith.mulf %mul3A_518, %sub3A_519 : vector<16xf32>
      %mul3A_521 = arith.mulf %mul3A_514, %mul3A_514 : vector<16xf32>
      %mul3A_522 = arith.mulf %mul3A_517, %mul3A_517 : vector<16xf32>
      %add3A_523 = arith.addf %mul3A_521, %mul3A_522 : vector<16xf32>
      %mul3A_524 = arith.mulf %mul3A_520, %mul3A_520 : vector<16xf32>
      %add3A_525 = arith.addf %add3A_523, %mul3A_524 : vector<16xf32>
      %mul3A_526 = vector.broadcast %scan3A : f32 to vector<16xf32>
      %mul3A_527 = arith.mulf %add3A_525, %mul3A_526 : vector<16xf32>
      %add3A_528 = vector.broadcast %scan3A_117 : f32 to vector<16xf32>
      %add3A_529 = arith.addf %mul3A_527, %add3A_528 : vector<16xf32>
      %max3A_530 = arith.constant 1.000000e-35 : f32
      %max3A_531 = vector.broadcast %max3A_530 : f32 to vector<16xf32>
      %max3A_532 = arith.maximumf %add3A_529, %max3A_531 : vector<16xf32>
      %bitcast3A_533 = vector.bitcast %max3A_532 : vector<16xf32> to vector<16xi32>
      %shift_right_arithmetic3A_534 = arith.constant 1 : i32
      %shift_right_arithmetic3A_535 = vector.broadcast %shift_right_arithmetic3A_534 : i32 to vector<16xi32>
      %shift_right_arithmetic3A_536 = arith.shrsi %bitcast3A_533, %shift_right_arithmetic3A_535 : vector<16xi32>
      %sub3A_537 = arith.constant 1597463007 : i32
      %sub3A_538 = vector.broadcast %sub3A_537 : i32 to vector<16xi32>
      %sub3A_539 = arith.subi %sub3A_538, %shift_right_arithmetic3A_536 : vector<16xi32>
      %bitcast3A_540 = vector.bitcast %sub3A_539 : vector<16xi32> to vector<16xf32>
      %mul3A_541 = arith.constant 5.000000e-01 : f32
      %mul3A_542 = vector.broadcast %mul3A_541 : f32 to vector<16xf32>
      %mul3A_543 = arith.mulf %mul3A_542, %max3A_532 : vector<16xf32>
      %mul3A_544 = arith.mulf %mul3A_543, %bitcast3A_540 : vector<16xf32>
      %mul3A_545 = arith.mulf %mul3A_544, %bitcast3A_540 : vector<16xf32>
      %sub3A_546 = arith.constant 1.500000e+00 : f32
      %sub3A_547 = vector.broadcast %sub3A_546 : f32 to vector<16xf32>
      %sub3A_548 = arith.subf %sub3A_547, %mul3A_545 : vector<16xf32>
      %mul3A_549 = arith.mulf %bitcast3A_540, %sub3A_548 : vector<16xf32>
      %mul3A_550 = arith.mulf %mul3A_543, %mul3A_549 : vector<16xf32>
      %mul3A_551 = arith.mulf %mul3A_550, %mul3A_549 : vector<16xf32>
      %sub3A_552 = arith.constant 1.500000e+00 : f32
      %sub3A_553 = vector.broadcast %sub3A_552 : f32 to vector<16xf32>
      %sub3A_554 = arith.subf %sub3A_553, %mul3A_551 : vector<16xf32>
      %mul3A_555 = arith.mulf %mul3A_549, %sub3A_554 : vector<16xf32>
      %mul3A_556 = arith.mulf %max3A_532, %mul3A_555 : vector<16xf32>
      %add3A_557 = arith.addf %scan3A_385, %mul3A_556 : vector<16xf32>
      scf.yield %add3A_557 : vector<16xf32>
    }
    %scan3A_123 = arith.constant 250 : i32
    %mul3A_124 = vector.broadcast %select_n3A_114 : f32 to vector<16xf32>
    %mul3A_125 = arith.mulf %mul3A_124, %scan3A_122 : vector<16xf32>
    %add3A_126 = arith.addf %broadcast_in_dim3A_90, %mul3A_125 : vector<16xf32>
    %dma_start3A_127 = tpu.memref_slice %arg3[%mul3A_45] : memref<3000000xf32, #tpu.memory_space<hbm>> -> memref<12000xf32, #tpu.memory_space<hbm>>
    %dma_start3A_128 = tpu.memref_slice %arg3[%mul3A_45] : memref<3000000xf32, #tpu.memory_space<hbm>> -> memref<12000xf32, #tpu.memory_space<hbm>>
    tpu.enqueue_dma source(%dma_start3A_128 : memref<12000xf32, #tpu.memory_space<hbm>>) target(%arg8 : memref<12000xf32, #tpu.memory_space<vmem>>) target_semaphore(%arg19 : memref<!tpu.dma_semaphore, #tpu.memory_space<semaphore_mem>>)
    %dma_start3A_129 = tpu.memref_slice %arg4[%mul3A_45] : memref<3000000xf32, #tpu.memory_space<hbm>> -> memref<12000xf32, #tpu.memory_space<hbm>>
    %dma_start3A_130 = tpu.memref_slice %arg4[%mul3A_45] : memref<3000000xf32, #tpu.memory_space<hbm>> -> memref<12000xf32, #tpu.memory_space<hbm>>
    tpu.enqueue_dma source(%dma_start3A_130 : memref<12000xf32, #tpu.memory_space<hbm>>) target(%arg9 : memref<12000xf32, #tpu.memory_space<vmem>>) target_semaphore(%arg19 : memref<!tpu.dma_semaphore, #tpu.memory_space<semaphore_mem>>)
    %dma_start3A_131 = tpu.memref_slice %arg5[%mul3A_45] : memref<3000000xf32, #tpu.memory_space<hbm>> -> memref<12000xf32, #tpu.memory_space<hbm>>
    %dma_start3A_132 = tpu.memref_slice %arg5[%mul3A_45] : memref<3000000xf32, #tpu.memory_space<hbm>> -> memref<12000xf32, #tpu.memory_space<hbm>>
    tpu.enqueue_dma source(%dma_start3A_132 : memref<12000xf32, #tpu.memory_space<hbm>>) target(%arg10 : memref<12000xf32, #tpu.memory_space<vmem>>) target_semaphore(%arg19 : memref<!tpu.dma_semaphore, #tpu.memory_space<semaphore_mem>>)
    %dma_start3A_133 = tpu.memref_slice %arg2[%mul3A_45] : memref<3000000xf32, #tpu.memory_space<hbm>> -> memref<12000xf32, #tpu.memory_space<hbm>>
    %dma_start3A_134 = tpu.memref_slice %arg2[%mul3A_45] : memref<3000000xf32, #tpu.memory_space<hbm>> -> memref<12000xf32, #tpu.memory_space<hbm>>
    tpu.enqueue_dma source(%dma_start3A_134 : memref<12000xf32, #tpu.memory_space<hbm>>) target(%arg11 : memref<12000xf32, #tpu.memory_space<vmem>>) target_semaphore(%arg19 : memref<!tpu.dma_semaphore, #tpu.memory_space<semaphore_mem>>)
    %dma_start3A_135 = tpu.memref_slice %arg6[%mul3A_45] : memref<3000000xf32, #tpu.memory_space<hbm>> -> memref<12000xf32, #tpu.memory_space<hbm>>
    %dma_start3A_136 = tpu.memref_slice %arg6[%mul3A_45] : memref<3000000xf32, #tpu.memory_space<hbm>> -> memref<12000xf32, #tpu.memory_space<hbm>>
    tpu.enqueue_dma source(%dma_start3A_136 : memref<12000xf32, #tpu.memory_space<hbm>>) target(%arg12 : memref<12000xf32, #tpu.memory_space<vmem>>) target_semaphore(%arg19 : memref<!tpu.dma_semaphore, #tpu.memory_space<semaphore_mem>>)
    %dma_wait3A_137 = tpu.memref_slice %arg3[%mul3A_38] : memref<3000000xf32, #tpu.memory_space<hbm>> -> memref<12000xf32, #tpu.memory_space<hbm>>
    %dma_wait3A_138 = tpu.memref_slice %arg3[%mul3A_38] : memref<3000000xf32, #tpu.memory_space<hbm>> -> memref<12000xf32, #tpu.memory_space<hbm>>
    tpu.wait_dma2 semaphore(%arg20 : memref<!tpu.dma_semaphore, #tpu.memory_space<semaphore_mem>>) src(%dma_wait3A_138 : memref<12000xf32, #tpu.memory_space<hbm>>) dst(%arg13 : memref<12000xf32, #tpu.memory_space<vmem>>)
    %dma_wait3A_139 = tpu.memref_slice %arg4[%mul3A_38] : memref<3000000xf32, #tpu.memory_space<hbm>> -> memref<12000xf32, #tpu.memory_space<hbm>>
    %dma_wait3A_140 = tpu.memref_slice %arg4[%mul3A_38] : memref<3000000xf32, #tpu.memory_space<hbm>> -> memref<12000xf32, #tpu.memory_space<hbm>>
    tpu.wait_dma2 semaphore(%arg20 : memref<!tpu.dma_semaphore, #tpu.memory_space<semaphore_mem>>) src(%dma_wait3A_140 : memref<12000xf32, #tpu.memory_space<hbm>>) dst(%arg14 : memref<12000xf32, #tpu.memory_space<vmem>>)
    %dma_wait3A_141 = tpu.memref_slice %arg5[%mul3A_38] : memref<3000000xf32, #tpu.memory_space<hbm>> -> memref<12000xf32, #tpu.memory_space<hbm>>
    %dma_wait3A_142 = tpu.memref_slice %arg5[%mul3A_38] : memref<3000000xf32, #tpu.memory_space<hbm>> -> memref<12000xf32, #tpu.memory_space<hbm>>
    tpu.wait_dma2 semaphore(%arg20 : memref<!tpu.dma_semaphore, #tpu.memory_space<semaphore_mem>>) src(%dma_wait3A_142 : memref<12000xf32, #tpu.memory_space<hbm>>) dst(%arg15 : memref<12000xf32, #tpu.memory_space<vmem>>)
    %dma_wait3A_143 = tpu.memref_slice %arg2[%mul3A_38] : memref<3000000xf32, #tpu.memory_space<hbm>> -> memref<12000xf32, #tpu.memory_space<hbm>>
    %dma_wait3A_144 = tpu.memref_slice %arg2[%mul3A_38] : memref<3000000xf32, #tpu.memory_space<hbm>> -> memref<12000xf32, #tpu.memory_space<hbm>>
    tpu.wait_dma2 semaphore(%arg20 : memref<!tpu.dma_semaphore, #tpu.memory_space<semaphore_mem>>) src(%dma_wait3A_144 : memref<12000xf32, #tpu.memory_space<hbm>>) dst(%arg16 : memref<12000xf32, #tpu.memory_space<vmem>>)
    %dma_wait3A_145 = tpu.memref_slice %arg6[%mul3A_38] : memref<3000000xf32, #tpu.memory_space<hbm>> -> memref<12000xf32, #tpu.memory_space<hbm>>
    %dma_wait3A_146 = tpu.memref_slice %arg6[%mul3A_38] : memref<3000000xf32, #tpu.memory_space<hbm>> -> memref<12000xf32, #tpu.memory_space<hbm>>
    tpu.wait_dma2 semaphore(%arg20 : memref<!tpu.dma_semaphore, #tpu.memory_space<semaphore_mem>>) src(%dma_wait3A_146 : memref<12000xf32, #tpu.memory_space<hbm>>) dst(%arg17 : memref<12000xf32, #tpu.memory_space<vmem>>)
    %gt3A_147 = arith.constant 1 : i32
    %gt3A_148 = arith.cmpi sgt, %select_n3A, %gt3A_147 : i32
    %jit3A_149 = arith.constant 1.000000e+00 : f32
    %jit3A_150 = arith.constant 0.000000e+00 : f32
    %select_n3A_151 = arith.select %gt3A_148, %jit3A_149, %jit3A_150 : f32
    %broadcast_in_dim3A_152 = arith.constant 0.000000e+00 : f32
    %broadcast_in_dim3A_153 = vector.broadcast %broadcast_in_dim3A_152 : f32 to vector<16xf32>
    %scan3A_154 = arith.constant 0.333333343 : f32
    %scan3A_155 = arith.constant 9.99999997E-7 : f32
    %scan3A_156 = arith.constant 0 : i32
    %scan3A_157 = arith.constant 250 : i32
    %scan3A_158 = arith.addi %scan3A_156, %scan3A_157 : i32
    %scan3A_159 = arith.constant 1 : i32
    %scan3A_160 = scf.for %scan3A_384 = %scan3A_156 to %scan3A_158 step %scan3A_159 iter_args(%scan3A_385 = %broadcast_in_dim3A_153) -> (vector<16xf32>)  : i32 {
      %mul3A_386 = arith.constant 48 : i32
      %mul3A_387 = arith.muli %scan3A_384, %mul3A_386 : i32
      %add3A_388 = vector.broadcast %mul3A_387 : i32 to vector<16xi32>
      %add3A_389 = arith.addi %mul3A_25, %add3A_388 : vector<16xi32>
      %add3A_390 = arith.constant 1 : i32
      %add3A_391 = vector.broadcast %add3A_390 : i32 to vector<16xi32>
      %add3A_392 = arith.addi %add3A_389, %add3A_391 : vector<16xi32>
      %add3A_393 = arith.constant 2 : i32
      %add3A_394 = vector.broadcast %add3A_393 : i32 to vector<16xi32>
      %add3A_395 = arith.addi %add3A_389, %add3A_394 : vector<16xi32>
      %gather3A = tpu.vector_load_idx %arg13[%add3A_389] : memref<12000xf32, #tpu.memory_space<vmem>>[vector<16xi32>], vector<16xf32>,
      %gather3A_396 = tpu.vector_load_idx %arg14[%add3A_389] : memref<12000xf32, #tpu.memory_space<vmem>>[vector<16xi32>], vector<16xf32>,
      %gather3A_397 = tpu.vector_load_idx %arg15[%add3A_389] : memref<12000xf32, #tpu.memory_space<vmem>>[vector<16xi32>], vector<16xf32>,
      %gather3A_398 = tpu.vector_load_idx %arg13[%add3A_392] : memref<12000xf32, #tpu.memory_space<vmem>>[vector<16xi32>], vector<16xf32>,
      %gather3A_399 = tpu.vector_load_idx %arg14[%add3A_392] : memref<12000xf32, #tpu.memory_space<vmem>>[vector<16xi32>], vector<16xf32>,
      %gather3A_400 = tpu.vector_load_idx %arg15[%add3A_392] : memref<12000xf32, #tpu.memory_space<vmem>>[vector<16xi32>], vector<16xf32>,
      %gather3A_401 = tpu.vector_load_idx %arg13[%add3A_395] : memref<12000xf32, #tpu.memory_space<vmem>>[vector<16xi32>], vector<16xf32>,
      %gather3A_402 = tpu.vector_load_idx %arg14[%add3A_395] : memref<12000xf32, #tpu.memory_space<vmem>>[vector<16xi32>], vector<16xf32>,
      %gather3A_403 = tpu.vector_load_idx %arg15[%add3A_395] : memref<12000xf32, #tpu.memory_space<vmem>>[vector<16xi32>], vector<16xf32>,
      %gather3A_404 = tpu.vector_load_idx %arg17[%add3A_389] : memref<12000xf32, #tpu.memory_space<vmem>>[vector<16xi32>], vector<16xf32>,
      %gather3A_405 = tpu.vector_load_idx %arg17[%add3A_392] : memref<12000xf32, #tpu.memory_space<vmem>>[vector<16xi32>], vector<16xf32>,
      %gather3A_406 = tpu.vector_load_idx %arg17[%add3A_395] : memref<12000xf32, #tpu.memory_space<vmem>>[vector<16xi32>], vector<16xf32>,
      %gather3A_407 = tpu.vector_load_idx %arg16[%add3A_389] : memref<12000xf32, #tpu.memory_space<vmem>>[vector<16xi32>], vector<16xf32>,
      %gather3A_408 = tpu.vector_load_idx %arg16[%add3A_392] : memref<12000xf32, #tpu.memory_space<vmem>>[vector<16xi32>], vector<16xf32>,
      %gather3A_409 = tpu.vector_load_idx %arg16[%add3A_395] : memref<12000xf32, #tpu.memory_space<vmem>>[vector<16xi32>], vector<16xf32>,
      %sub3A_410 = arith.subf %gather3A, %gather3A_398 : vector<16xf32>
      %sub3A_411 = arith.subf %gather3A_396, %gather3A_399 : vector<16xf32>
      %sub3A_412 = arith.subf %gather3A_397, %gather3A_400 : vector<16xf32>
      %sub3A_413 = arith.subf %gather3A, %gather3A_401 : vector<16xf32>
      %sub3A_414 = arith.subf %gather3A_396, %gather3A_402 : vector<16xf32>
      %sub3A_415 = arith.subf %gather3A_397, %gather3A_403 : vector<16xf32>
      %sub3A_416 = arith.subf %gather3A_398, %gather3A_401 : vector<16xf32>
      %sub3A_417 = arith.subf %gather3A_399, %gather3A_402 : vector<16xf32>
      %sub3A_418 = arith.subf %gather3A_400, %gather3A_403 : vector<16xf32>
      %mul3A_419 = arith.mulf %sub3A_410, %sub3A_410 : vector<16xf32>
      %mul3A_420 = arith.mulf %sub3A_411, %sub3A_411 : vector<16xf32>
      %add3A_421 = arith.addf %mul3A_419, %mul3A_420 : vector<16xf32>
      %mul3A_422 = arith.mulf %sub3A_412, %sub3A_412 : vector<16xf32>
      %add3A_423 = arith.addf %add3A_421, %mul3A_422 : vector<16xf32>
      %max3A = arith.constant 1.000000e-35 : f32
      %max3A_424 = vector.broadcast %max3A : f32 to vector<16xf32>
      %max3A_425 = arith.maximumf %add3A_423, %max3A_424 : vector<16xf32>
      %bitcast3A = vector.bitcast %max3A_425 : vector<16xf32> to vector<16xi32>
      %shift_right_arithmetic3A = arith.constant 1 : i32
      %shift_right_arithmetic3A_426 = vector.broadcast %shift_right_arithmetic3A : i32 to vector<16xi32>
      %shift_right_arithmetic3A_427 = arith.shrsi %bitcast3A, %shift_right_arithmetic3A_426 : vector<16xi32>
      %sub3A_428 = arith.constant 1597463007 : i32
      %sub3A_429 = vector.broadcast %sub3A_428 : i32 to vector<16xi32>
      %sub3A_430 = arith.subi %sub3A_429, %shift_right_arithmetic3A_427 : vector<16xi32>
      %bitcast3A_431 = vector.bitcast %sub3A_430 : vector<16xi32> to vector<16xf32>
      %mul3A_432 = arith.constant 5.000000e-01 : f32
      %mul3A_433 = vector.broadcast %mul3A_432 : f32 to vector<16xf32>
      %mul3A_434 = arith.mulf %mul3A_433, %max3A_425 : vector<16xf32>
      %mul3A_435 = arith.mulf %mul3A_434, %bitcast3A_431 : vector<16xf32>
      %mul3A_436 = arith.mulf %mul3A_435, %bitcast3A_431 : vector<16xf32>
      %sub3A_437 = arith.constant 1.500000e+00 : f32
      %sub3A_438 = vector.broadcast %sub3A_437 : f32 to vector<16xf32>
      %sub3A_439 = arith.subf %sub3A_438, %mul3A_436 : vector<16xf32>
      %mul3A_440 = arith.mulf %bitcast3A_431, %sub3A_439 : vector<16xf32>
      %mul3A_441 = arith.mulf %mul3A_434, %mul3A_440 : vector<16xf32>
      %mul3A_442 = arith.mulf %mul3A_441, %mul3A_440 : vector<16xf32>
      %sub3A_443 = arith.constant 1.500000e+00 : f32
      %sub3A_444 = vector.broadcast %sub3A_443 : f32 to vector<16xf32>
      %sub3A_445 = arith.subf %sub3A_444, %mul3A_442 : vector<16xf32>
      %mul3A_446 = arith.mulf %mul3A_440, %sub3A_445 : vector<16xf32>
      %mul3A_447 = arith.mulf %max3A_425, %mul3A_446 : vector<16xf32>
      %mul3A_448 = arith.mulf %sub3A_413, %sub3A_413 : vector<16xf32>
      %mul3A_449 = arith.mulf %sub3A_414, %sub3A_414 : vector<16xf32>
      %add3A_450 = arith.addf %mul3A_448, %mul3A_449 : vector<16xf32>
      %mul3A_451 = arith.mulf %sub3A_415, %sub3A_415 : vector<16xf32>
      %add3A_452 = arith.addf %add3A_450, %mul3A_451 : vector<16xf32>
      %max3A_453 = arith.constant 1.000000e-35 : f32
      %max3A_454 = vector.broadcast %max3A_453 : f32 to vector<16xf32>
      %max3A_455 = arith.maximumf %add3A_452, %max3A_454 : vector<16xf32>
      %bitcast3A_456 = vector.bitcast %max3A_455 : vector<16xf32> to vector<16xi32>
      %shift_right_arithmetic3A_457 = arith.constant 1 : i32
      %shift_right_arithmetic3A_458 = vector.broadcast %shift_right_arithmetic3A_457 : i32 to vector<16xi32>
      %shift_right_arithmetic3A_459 = arith.shrsi %bitcast3A_456, %shift_right_arithmetic3A_458 : vector<16xi32>
      %sub3A_460 = arith.constant 1597463007 : i32
      %sub3A_461 = vector.broadcast %sub3A_460 : i32 to vector<16xi32>
      %sub3A_462 = arith.subi %sub3A_461, %shift_right_arithmetic3A_459 : vector<16xi32>
      %bitcast3A_463 = vector.bitcast %sub3A_462 : vector<16xi32> to vector<16xf32>
      %mul3A_464 = arith.constant 5.000000e-01 : f32
      %mul3A_465 = vector.broadcast %mul3A_464 : f32 to vector<16xf32>
      %mul3A_466 = arith.mulf %mul3A_465, %max3A_455 : vector<16xf32>
      %mul3A_467 = arith.mulf %mul3A_466, %bitcast3A_463 : vector<16xf32>
      %mul3A_468 = arith.mulf %mul3A_467, %bitcast3A_463 : vector<16xf32>
      %sub3A_469 = arith.constant 1.500000e+00 : f32
      %sub3A_470 = vector.broadcast %sub3A_469 : f32 to vector<16xf32>
      %sub3A_471 = arith.subf %sub3A_470, %mul3A_468 : vector<16xf32>
      %mul3A_472 = arith.mulf %bitcast3A_463, %sub3A_471 : vector<16xf32>
      %mul3A_473 = arith.mulf %mul3A_466, %mul3A_472 : vector<16xf32>
      %mul3A_474 = arith.mulf %mul3A_473, %mul3A_472 : vector<16xf32>
      %sub3A_475 = arith.constant 1.500000e+00 : f32
      %sub3A_476 = vector.broadcast %sub3A_475 : f32 to vector<16xf32>
      %sub3A_477 = arith.subf %sub3A_476, %mul3A_474 : vector<16xf32>
      %mul3A_478 = arith.mulf %mul3A_472, %sub3A_477 : vector<16xf32>
      %mul3A_479 = arith.mulf %max3A_455, %mul3A_478 : vector<16xf32>
      %mul3A_480 = arith.mulf %sub3A_416, %sub3A_416 : vector<16xf32>
      %mul3A_481 = arith.mulf %sub3A_417, %sub3A_417 : vector<16xf32>
      %add3A_482 = arith.addf %mul3A_480, %mul3A_481 : vector<16xf32>
      %mul3A_483 = arith.mulf %sub3A_418, %sub3A_418 : vector<16xf32>
      %add3A_484 = arith.addf %add3A_482, %mul3A_483 : vector<16xf32>
      %max3A_485 = arith.constant 1.000000e-35 : f32
      %max3A_486 = vector.broadcast %max3A_485 : f32 to vector<16xf32>
      %max3A_487 = arith.maximumf %add3A_484, %max3A_486 : vector<16xf32>
      %bitcast3A_488 = vector.bitcast %max3A_487 : vector<16xf32> to vector<16xi32>
      %shift_right_arithmetic3A_489 = arith.constant 1 : i32
      %shift_right_arithmetic3A_490 = vector.broadcast %shift_right_arithmetic3A_489 : i32 to vector<16xi32>
      %shift_right_arithmetic3A_491 = arith.shrsi %bitcast3A_488, %shift_right_arithmetic3A_490 : vector<16xi32>
      %sub3A_492 = arith.constant 1597463007 : i32
      %sub3A_493 = vector.broadcast %sub3A_492 : i32 to vector<16xi32>
      %sub3A_494 = arith.subi %sub3A_493, %shift_right_arithmetic3A_491 : vector<16xi32>
      %bitcast3A_495 = vector.bitcast %sub3A_494 : vector<16xi32> to vector<16xf32>
      %mul3A_496 = arith.constant 5.000000e-01 : f32
      %mul3A_497 = vector.broadcast %mul3A_496 : f32 to vector<16xf32>
      %mul3A_498 = arith.mulf %mul3A_497, %max3A_487 : vector<16xf32>
      %mul3A_499 = arith.mulf %mul3A_498, %bitcast3A_495 : vector<16xf32>
      %mul3A_500 = arith.mulf %mul3A_499, %bitcast3A_495 : vector<16xf32>
      %sub3A_501 = arith.constant 1.500000e+00 : f32
      %sub3A_502 = vector.broadcast %sub3A_501 : f32 to vector<16xf32>
      %sub3A_503 = arith.subf %sub3A_502, %mul3A_500 : vector<16xf32>
      %mul3A_504 = arith.mulf %bitcast3A_495, %sub3A_503 : vector<16xf32>
      %mul3A_505 = arith.mulf %mul3A_498, %mul3A_504 : vector<16xf32>
      %mul3A_506 = arith.mulf %mul3A_505, %mul3A_504 : vector<16xf32>
      %sub3A_507 = arith.constant 1.500000e+00 : f32
      %sub3A_508 = vector.broadcast %sub3A_507 : f32 to vector<16xf32>
      %sub3A_509 = arith.subf %sub3A_508, %mul3A_506 : vector<16xf32>
      %mul3A_510 = arith.mulf %mul3A_504, %sub3A_509 : vector<16xf32>
      %mul3A_511 = arith.mulf %max3A_487, %mul3A_510 : vector<16xf32>
      %mul3A_512 = arith.mulf %gather3A_404, %gather3A_405 : vector<16xf32>
      %sub3A_513 = arith.subf %gather3A_407, %mul3A_447 : vector<16xf32>
      %mul3A_514 = arith.mulf %mul3A_512, %sub3A_513 : vector<16xf32>
      %mul3A_515 = arith.mulf %gather3A_404, %gather3A_406 : vector<16xf32>
      %sub3A_516 = arith.subf %gather3A_408, %mul3A_479 : vector<16xf32>
      %mul3A_517 = arith.mulf %mul3A_515, %sub3A_516 : vector<16xf32>
      %mul3A_518 = arith.mulf %gather3A_405, %gather3A_406 : vector<16xf32>
      %sub3A_519 = arith.subf %gather3A_409, %mul3A_511 : vector<16xf32>
      %mul3A_520 = arith.mulf %mul3A_518, %sub3A_519 : vector<16xf32>
      %mul3A_521 = arith.mulf %mul3A_514, %mul3A_514 : vector<16xf32>
      %mul3A_522 = arith.mulf %mul3A_517, %mul3A_517 : vector<16xf32>
      %add3A_523 = arith.addf %mul3A_521, %mul3A_522 : vector<16xf32>
      %mul3A_524 = arith.mulf %mul3A_520, %mul3A_520 : vector<16xf32>
      %add3A_525 = arith.addf %add3A_523, %mul3A_524 : vector<16xf32>
      %mul3A_526 = vector.broadcast %scan3A_154 : f32 to vector<16xf32>
      %mul3A_527 = arith.mulf %add3A_525, %mul3A_526 : vector<16xf32>
      %add3A_528 = vector.broadcast %scan3A_155 : f32 to vector<16xf32>
      %add3A_529 = arith.addf %mul3A_527, %add3A_528 : vector<16xf32>
      %max3A_530 = arith.constant 1.000000e-35 : f32
      %max3A_531 = vector.broadcast %max3A_530 : f32 to vector<16xf32>
      %max3A_532 = arith.maximumf %add3A_529, %max3A_531 : vector<16xf32>
      %bitcast3A_533 = vector.bitcast %max3A_532 : vector<16xf32> to vector<16xi32>
      %shift_right_arithmetic3A_534 = arith.constant 1 : i32
      %shift_right_arithmetic3A_535 = vector.broadcast %shift_right_arithmetic3A_534 : i32 to vector<16xi32>
      %shift_right_arithmetic3A_536 = arith.shrsi %bitcast3A_533, %shift_right_arithmetic3A_535 : vector<16xi32>
      %sub3A_537 = arith.constant 1597463007 : i32
      %sub3A_538 = vector.broadcast %sub3A_537 : i32 to vector<16xi32>
      %sub3A_539 = arith.subi %sub3A_538, %shift_right_arithmetic3A_536 : vector<16xi32>
      %bitcast3A_540 = vector.bitcast %sub3A_539 : vector<16xi32> to vector<16xf32>
      %mul3A_541 = arith.constant 5.000000e-01 : f32
      %mul3A_542 = vector.broadcast %mul3A_541 : f32 to vector<16xf32>
      %mul3A_543 = arith.mulf %mul3A_542, %max3A_532 : vector<16xf32>
      %mul3A_544 = arith.mulf %mul3A_543, %bitcast3A_540 : vector<16xf32>
      %mul3A_545 = arith.mulf %mul3A_544, %bitcast3A_540 : vector<16xf32>
      %sub3A_546 = arith.constant 1.500000e+00 : f32
      %sub3A_547 = vector.broadcast %sub3A_546 : f32 to vector<16xf32>
      %sub3A_548 = arith.subf %sub3A_547, %mul3A_545 : vector<16xf32>
      %mul3A_549 = arith.mulf %bitcast3A_540, %sub3A_548 : vector<16xf32>
      %mul3A_550 = arith.mulf %mul3A_543, %mul3A_549 : vector<16xf32>
      %mul3A_551 = arith.mulf %mul3A_550, %mul3A_549 : vector<16xf32>
      %sub3A_552 = arith.constant 1.500000e+00 : f32
      %sub3A_553 = vector.broadcast %sub3A_552 : f32 to vector<16xf32>
      %sub3A_554 = arith.subf %sub3A_553, %mul3A_551 : vector<16xf32>
      %mul3A_555 = arith.mulf %mul3A_549, %sub3A_554 : vector<16xf32>
      %mul3A_556 = arith.mulf %max3A_532, %mul3A_555 : vector<16xf32>
      %add3A_557 = arith.addf %scan3A_385, %mul3A_556 : vector<16xf32>
      scf.yield %add3A_557 : vector<16xf32>
    }
    %scan3A_161 = arith.constant 250 : i32
    %mul3A_162 = vector.broadcast %select_n3A_151 : f32 to vector<16xf32>
    %mul3A_163 = arith.mulf %mul3A_162, %scan3A_160 : vector<16xf32>
    %add3A_164 = arith.addf %add3A_126, %mul3A_163 : vector<16xf32>
    %dma_start3A_165 = tpu.memref_slice %arg3[%mul3A_52] : memref<3000000xf32, #tpu.memory_space<hbm>> -> memref<12000xf32, #tpu.memory_space<hbm>>
    %dma_start3A_166 = tpu.memref_slice %arg3[%mul3A_52] : memref<3000000xf32, #tpu.memory_space<hbm>> -> memref<12000xf32, #tpu.memory_space<hbm>>
    tpu.enqueue_dma source(%dma_start3A_166 : memref<12000xf32, #tpu.memory_space<hbm>>) target(%arg13 : memref<12000xf32, #tpu.memory_space<vmem>>) target_semaphore(%arg20 : memref<!tpu.dma_semaphore, #tpu.memory_space<semaphore_mem>>)
    %dma_start3A_167 = tpu.memref_slice %arg4[%mul3A_52] : memref<3000000xf32, #tpu.memory_space<hbm>> -> memref<12000xf32, #tpu.memory_space<hbm>>
    %dma_start3A_168 = tpu.memref_slice %arg4[%mul3A_52] : memref<3000000xf32, #tpu.memory_space<hbm>> -> memref<12000xf32, #tpu.memory_space<hbm>>
    tpu.enqueue_dma source(%dma_start3A_168 : memref<12000xf32, #tpu.memory_space<hbm>>) target(%arg14 : memref<12000xf32, #tpu.memory_space<vmem>>) target_semaphore(%arg20 : memref<!tpu.dma_semaphore, #tpu.memory_space<semaphore_mem>>)
    %dma_start3A_169 = tpu.memref_slice %arg5[%mul3A_52] : memref<3000000xf32, #tpu.memory_space<hbm>> -> memref<12000xf32, #tpu.memory_space<hbm>>
    %dma_start3A_170 = tpu.memref_slice %arg5[%mul3A_52] : memref<3000000xf32, #tpu.memory_space<hbm>> -> memref<12000xf32, #tpu.memory_space<hbm>>
    tpu.enqueue_dma source(%dma_start3A_170 : memref<12000xf32, #tpu.memory_space<hbm>>) target(%arg15 : memref<12000xf32, #tpu.memory_space<vmem>>) target_semaphore(%arg20 : memref<!tpu.dma_semaphore, #tpu.memory_space<semaphore_mem>>)
    %dma_start3A_171 = tpu.memref_slice %arg2[%mul3A_52] : memref<3000000xf32, #tpu.memory_space<hbm>> -> memref<12000xf32, #tpu.memory_space<hbm>>
    %dma_start3A_172 = tpu.memref_slice %arg2[%mul3A_52] : memref<3000000xf32, #tpu.memory_space<hbm>> -> memref<12000xf32, #tpu.memory_space<hbm>>
    tpu.enqueue_dma source(%dma_start3A_172 : memref<12000xf32, #tpu.memory_space<hbm>>) target(%arg16 : memref<12000xf32, #tpu.memory_space<vmem>>) target_semaphore(%arg20 : memref<!tpu.dma_semaphore, #tpu.memory_space<semaphore_mem>>)
    %dma_start3A_173 = tpu.memref_slice %arg6[%mul3A_52] : memref<3000000xf32, #tpu.memory_space<hbm>> -> memref<12000xf32, #tpu.memory_space<hbm>>
    %dma_start3A_174 = tpu.memref_slice %arg6[%mul3A_52] : memref<3000000xf32, #tpu.memory_space<hbm>> -> memref<12000xf32, #tpu.memory_space<hbm>>
    tpu.enqueue_dma source(%dma_start3A_174 : memref<12000xf32, #tpu.memory_space<hbm>>) target(%arg17 : memref<12000xf32, #tpu.memory_space<vmem>>) target_semaphore(%arg20 : memref<!tpu.dma_semaphore, #tpu.memory_space<semaphore_mem>>)
    %dma_wait3A_175 = tpu.memref_slice %arg3[%mul3A_45] : memref<3000000xf32, #tpu.memory_space<hbm>> -> memref<12000xf32, #tpu.memory_space<hbm>>
    %dma_wait3A_176 = tpu.memref_slice %arg3[%mul3A_45] : memref<3000000xf32, #tpu.memory_space<hbm>> -> memref<12000xf32, #tpu.memory_space<hbm>>
    tpu.wait_dma2 semaphore(%arg19 : memref<!tpu.dma_semaphore, #tpu.memory_space<semaphore_mem>>) src(%dma_wait3A_176 : memref<12000xf32, #tpu.memory_space<hbm>>) dst(%arg8 : memref<12000xf32, #tpu.memory_space<vmem>>)
    %dma_wait3A_177 = tpu.memref_slice %arg4[%mul3A_45] : memref<3000000xf32, #tpu.memory_space<hbm>> -> memref<12000xf32, #tpu.memory_space<hbm>>
    %dma_wait3A_178 = tpu.memref_slice %arg4[%mul3A_45] : memref<3000000xf32, #tpu.memory_space<hbm>> -> memref<12000xf32, #tpu.memory_space<hbm>>
    tpu.wait_dma2 semaphore(%arg19 : memref<!tpu.dma_semaphore, #tpu.memory_space<semaphore_mem>>) src(%dma_wait3A_178 : memref<12000xf32, #tpu.memory_space<hbm>>) dst(%arg9 : memref<12000xf32, #tpu.memory_space<vmem>>)
    %dma_wait3A_179 = tpu.memref_slice %arg5[%mul3A_45] : memref<3000000xf32, #tpu.memory_space<hbm>> -> memref<12000xf32, #tpu.memory_space<hbm>>
    %dma_wait3A_180 = tpu.memref_slice %arg5[%mul3A_45] : memref<3000000xf32, #tpu.memory_space<hbm>> -> memref<12000xf32, #tpu.memory_space<hbm>>
    tpu.wait_dma2 semaphore(%arg19 : memref<!tpu.dma_semaphore, #tpu.memory_space<semaphore_mem>>) src(%dma_wait3A_180 : memref<12000xf32, #tpu.memory_space<hbm>>) dst(%arg10 : memref<12000xf32, #tpu.memory_space<vmem>>)
    %dma_wait3A_181 = tpu.memref_slice %arg2[%mul3A_45] : memref<3000000xf32, #tpu.memory_space<hbm>> -> memref<12000xf32, #tpu.memory_space<hbm>>
    %dma_wait3A_182 = tpu.memref_slice %arg2[%mul3A_45] : memref<3000000xf32, #tpu.memory_space<hbm>> -> memref<12000xf32, #tpu.memory_space<hbm>>
    tpu.wait_dma2 semaphore(%arg19 : memref<!tpu.dma_semaphore, #tpu.memory_space<semaphore_mem>>) src(%dma_wait3A_182 : memref<12000xf32, #tpu.memory_space<hbm>>) dst(%arg11 : memref<12000xf32, #tpu.memory_space<vmem>>)
    %dma_wait3A_183 = tpu.memref_slice %arg6[%mul3A_45] : memref<3000000xf32, #tpu.memory_space<hbm>> -> memref<12000xf32, #tpu.memory_space<hbm>>
    %dma_wait3A_184 = tpu.memref_slice %arg6[%mul3A_45] : memref<3000000xf32, #tpu.memory_space<hbm>> -> memref<12000xf32, #tpu.memory_space<hbm>>
    tpu.wait_dma2 semaphore(%arg19 : memref<!tpu.dma_semaphore, #tpu.memory_space<semaphore_mem>>) src(%dma_wait3A_184 : memref<12000xf32, #tpu.memory_space<hbm>>) dst(%arg12 : memref<12000xf32, #tpu.memory_space<vmem>>)
    %gt3A_185 = arith.constant 2 : i32
    %gt3A_186 = arith.cmpi sgt, %select_n3A, %gt3A_185 : i32
    %jit3A_187 = arith.constant 1.000000e+00 : f32
    %jit3A_188 = arith.constant 0.000000e+00 : f32
    %select_n3A_189 = arith.select %gt3A_186, %jit3A_187, %jit3A_188 : f32
    %broadcast_in_dim3A_190 = arith.constant 0.000000e+00 : f32
    %broadcast_in_dim3A_191 = vector.broadcast %broadcast_in_dim3A_190 : f32 to vector<16xf32>
    %scan3A_192 = arith.constant 0.333333343 : f32
    %scan3A_193 = arith.constant 9.99999997E-7 : f32
    %scan3A_194 = arith.constant 0 : i32
    %scan3A_195 = arith.constant 250 : i32
    %scan3A_196 = arith.addi %scan3A_194, %scan3A_195 : i32
    %scan3A_197 = arith.constant 1 : i32
    %scan3A_198 = scf.for %scan3A_384 = %scan3A_194 to %scan3A_196 step %scan3A_197 iter_args(%scan3A_385 = %broadcast_in_dim3A_191) -> (vector<16xf32>)  : i32 {
      %mul3A_386 = arith.constant 48 : i32
      %mul3A_387 = arith.muli %scan3A_384, %mul3A_386 : i32
      %add3A_388 = vector.broadcast %mul3A_387 : i32 to vector<16xi32>
      %add3A_389 = arith.addi %mul3A_25, %add3A_388 : vector<16xi32>
      %add3A_390 = arith.constant 1 : i32
      %add3A_391 = vector.broadcast %add3A_390 : i32 to vector<16xi32>
      %add3A_392 = arith.addi %add3A_389, %add3A_391 : vector<16xi32>
      %add3A_393 = arith.constant 2 : i32
      %add3A_394 = vector.broadcast %add3A_393 : i32 to vector<16xi32>
      %add3A_395 = arith.addi %add3A_389, %add3A_394 : vector<16xi32>
      %gather3A = tpu.vector_load_idx %arg8[%add3A_389] : memref<12000xf32, #tpu.memory_space<vmem>>[vector<16xi32>], vector<16xf32>,
      %gather3A_396 = tpu.vector_load_idx %arg9[%add3A_389] : memref<12000xf32, #tpu.memory_space<vmem>>[vector<16xi32>], vector<16xf32>,
      %gather3A_397 = tpu.vector_load_idx %arg10[%add3A_389] : memref<12000xf32, #tpu.memory_space<vmem>>[vector<16xi32>], vector<16xf32>,
      %gather3A_398 = tpu.vector_load_idx %arg8[%add3A_392] : memref<12000xf32, #tpu.memory_space<vmem>>[vector<16xi32>], vector<16xf32>,
      %gather3A_399 = tpu.vector_load_idx %arg9[%add3A_392] : memref<12000xf32, #tpu.memory_space<vmem>>[vector<16xi32>], vector<16xf32>,
      %gather3A_400 = tpu.vector_load_idx %arg10[%add3A_392] : memref<12000xf32, #tpu.memory_space<vmem>>[vector<16xi32>], vector<16xf32>,
      %gather3A_401 = tpu.vector_load_idx %arg8[%add3A_395] : memref<12000xf32, #tpu.memory_space<vmem>>[vector<16xi32>], vector<16xf32>,
      %gather3A_402 = tpu.vector_load_idx %arg9[%add3A_395] : memref<12000xf32, #tpu.memory_space<vmem>>[vector<16xi32>], vector<16xf32>,
      %gather3A_403 = tpu.vector_load_idx %arg10[%add3A_395] : memref<12000xf32, #tpu.memory_space<vmem>>[vector<16xi32>], vector<16xf32>,
      %gather3A_404 = tpu.vector_load_idx %arg12[%add3A_389] : memref<12000xf32, #tpu.memory_space<vmem>>[vector<16xi32>], vector<16xf32>,
      %gather3A_405 = tpu.vector_load_idx %arg12[%add3A_392] : memref<12000xf32, #tpu.memory_space<vmem>>[vector<16xi32>], vector<16xf32>,
      %gather3A_406 = tpu.vector_load_idx %arg12[%add3A_395] : memref<12000xf32, #tpu.memory_space<vmem>>[vector<16xi32>], vector<16xf32>,
      %gather3A_407 = tpu.vector_load_idx %arg11[%add3A_389] : memref<12000xf32, #tpu.memory_space<vmem>>[vector<16xi32>], vector<16xf32>,
      %gather3A_408 = tpu.vector_load_idx %arg11[%add3A_392] : memref<12000xf32, #tpu.memory_space<vmem>>[vector<16xi32>], vector<16xf32>,
      %gather3A_409 = tpu.vector_load_idx %arg11[%add3A_395] : memref<12000xf32, #tpu.memory_space<vmem>>[vector<16xi32>], vector<16xf32>,
      %sub3A_410 = arith.subf %gather3A, %gather3A_398 : vector<16xf32>
      %sub3A_411 = arith.subf %gather3A_396, %gather3A_399 : vector<16xf32>
      %sub3A_412 = arith.subf %gather3A_397, %gather3A_400 : vector<16xf32>
      %sub3A_413 = arith.subf %gather3A, %gather3A_401 : vector<16xf32>
      %sub3A_414 = arith.subf %gather3A_396, %gather3A_402 : vector<16xf32>
      %sub3A_415 = arith.subf %gather3A_397, %gather3A_403 : vector<16xf32>
      %sub3A_416 = arith.subf %gather3A_398, %gather3A_401 : vector<16xf32>
      %sub3A_417 = arith.subf %gather3A_399, %gather3A_402 : vector<16xf32>
      %sub3A_418 = arith.subf %gather3A_400, %gather3A_403 : vector<16xf32>
      %mul3A_419 = arith.mulf %sub3A_410, %sub3A_410 : vector<16xf32>
      %mul3A_420 = arith.mulf %sub3A_411, %sub3A_411 : vector<16xf32>
      %add3A_421 = arith.addf %mul3A_419, %mul3A_420 : vector<16xf32>
      %mul3A_422 = arith.mulf %sub3A_412, %sub3A_412 : vector<16xf32>
      %add3A_423 = arith.addf %add3A_421, %mul3A_422 : vector<16xf32>
      %max3A = arith.constant 1.000000e-35 : f32
      %max3A_424 = vector.broadcast %max3A : f32 to vector<16xf32>
      %max3A_425 = arith.maximumf %add3A_423, %max3A_424 : vector<16xf32>
      %bitcast3A = vector.bitcast %max3A_425 : vector<16xf32> to vector<16xi32>
      %shift_right_arithmetic3A = arith.constant 1 : i32
      %shift_right_arithmetic3A_426 = vector.broadcast %shift_right_arithmetic3A : i32 to vector<16xi32>
      %shift_right_arithmetic3A_427 = arith.shrsi %bitcast3A, %shift_right_arithmetic3A_426 : vector<16xi32>
      %sub3A_428 = arith.constant 1597463007 : i32
      %sub3A_429 = vector.broadcast %sub3A_428 : i32 to vector<16xi32>
      %sub3A_430 = arith.subi %sub3A_429, %shift_right_arithmetic3A_427 : vector<16xi32>
      %bitcast3A_431 = vector.bitcast %sub3A_430 : vector<16xi32> to vector<16xf32>
      %mul3A_432 = arith.constant 5.000000e-01 : f32
      %mul3A_433 = vector.broadcast %mul3A_432 : f32 to vector<16xf32>
      %mul3A_434 = arith.mulf %mul3A_433, %max3A_425 : vector<16xf32>
      %mul3A_435 = arith.mulf %mul3A_434, %bitcast3A_431 : vector<16xf32>
      %mul3A_436 = arith.mulf %mul3A_435, %bitcast3A_431 : vector<16xf32>
      %sub3A_437 = arith.constant 1.500000e+00 : f32
      %sub3A_438 = vector.broadcast %sub3A_437 : f32 to vector<16xf32>
      %sub3A_439 = arith.subf %sub3A_438, %mul3A_436 : vector<16xf32>
      %mul3A_440 = arith.mulf %bitcast3A_431, %sub3A_439 : vector<16xf32>
      %mul3A_441 = arith.mulf %mul3A_434, %mul3A_440 : vector<16xf32>
      %mul3A_442 = arith.mulf %mul3A_441, %mul3A_440 : vector<16xf32>
      %sub3A_443 = arith.constant 1.500000e+00 : f32
      %sub3A_444 = vector.broadcast %sub3A_443 : f32 to vector<16xf32>
      %sub3A_445 = arith.subf %sub3A_444, %mul3A_442 : vector<16xf32>
      %mul3A_446 = arith.mulf %mul3A_440, %sub3A_445 : vector<16xf32>
      %mul3A_447 = arith.mulf %max3A_425, %mul3A_446 : vector<16xf32>
      %mul3A_448 = arith.mulf %sub3A_413, %sub3A_413 : vector<16xf32>
      %mul3A_449 = arith.mulf %sub3A_414, %sub3A_414 : vector<16xf32>
      %add3A_450 = arith.addf %mul3A_448, %mul3A_449 : vector<16xf32>
      %mul3A_451 = arith.mulf %sub3A_415, %sub3A_415 : vector<16xf32>
      %add3A_452 = arith.addf %add3A_450, %mul3A_451 : vector<16xf32>
      %max3A_453 = arith.constant 1.000000e-35 : f32
      %max3A_454 = vector.broadcast %max3A_453 : f32 to vector<16xf32>
      %max3A_455 = arith.maximumf %add3A_452, %max3A_454 : vector<16xf32>
      %bitcast3A_456 = vector.bitcast %max3A_455 : vector<16xf32> to vector<16xi32>
      %shift_right_arithmetic3A_457 = arith.constant 1 : i32
      %shift_right_arithmetic3A_458 = vector.broadcast %shift_right_arithmetic3A_457 : i32 to vector<16xi32>
      %shift_right_arithmetic3A_459 = arith.shrsi %bitcast3A_456, %shift_right_arithmetic3A_458 : vector<16xi32>
      %sub3A_460 = arith.constant 1597463007 : i32
      %sub3A_461 = vector.broadcast %sub3A_460 : i32 to vector<16xi32>
      %sub3A_462 = arith.subi %sub3A_461, %shift_right_arithmetic3A_459 : vector<16xi32>
      %bitcast3A_463 = vector.bitcast %sub3A_462 : vector<16xi32> to vector<16xf32>
      %mul3A_464 = arith.constant 5.000000e-01 : f32
      %mul3A_465 = vector.broadcast %mul3A_464 : f32 to vector<16xf32>
      %mul3A_466 = arith.mulf %mul3A_465, %max3A_455 : vector<16xf32>
      %mul3A_467 = arith.mulf %mul3A_466, %bitcast3A_463 : vector<16xf32>
      %mul3A_468 = arith.mulf %mul3A_467, %bitcast3A_463 : vector<16xf32>
      %sub3A_469 = arith.constant 1.500000e+00 : f32
      %sub3A_470 = vector.broadcast %sub3A_469 : f32 to vector<16xf32>
      %sub3A_471 = arith.subf %sub3A_470, %mul3A_468 : vector<16xf32>
      %mul3A_472 = arith.mulf %bitcast3A_463, %sub3A_471 : vector<16xf32>
      %mul3A_473 = arith.mulf %mul3A_466, %mul3A_472 : vector<16xf32>
      %mul3A_474 = arith.mulf %mul3A_473, %mul3A_472 : vector<16xf32>
      %sub3A_475 = arith.constant 1.500000e+00 : f32
      %sub3A_476 = vector.broadcast %sub3A_475 : f32 to vector<16xf32>
      %sub3A_477 = arith.subf %sub3A_476, %mul3A_474 : vector<16xf32>
      %mul3A_478 = arith.mulf %mul3A_472, %sub3A_477 : vector<16xf32>
      %mul3A_479 = arith.mulf %max3A_455, %mul3A_478 : vector<16xf32>
      %mul3A_480 = arith.mulf %sub3A_416, %sub3A_416 : vector<16xf32>
      %mul3A_481 = arith.mulf %sub3A_417, %sub3A_417 : vector<16xf32>
      %add3A_482 = arith.addf %mul3A_480, %mul3A_481 : vector<16xf32>
      %mul3A_483 = arith.mulf %sub3A_418, %sub3A_418 : vector<16xf32>
      %add3A_484 = arith.addf %add3A_482, %mul3A_483 : vector<16xf32>
      %max3A_485 = arith.constant 1.000000e-35 : f32
      %max3A_486 = vector.broadcast %max3A_485 : f32 to vector<16xf32>
      %max3A_487 = arith.maximumf %add3A_484, %max3A_486 : vector<16xf32>
      %bitcast3A_488 = vector.bitcast %max3A_487 : vector<16xf32> to vector<16xi32>
      %shift_right_arithmetic3A_489 = arith.constant 1 : i32
      %shift_right_arithmetic3A_490 = vector.broadcast %shift_right_arithmetic3A_489 : i32 to vector<16xi32>
      %shift_right_arithmetic3A_491 = arith.shrsi %bitcast3A_488, %shift_right_arithmetic3A_490 : vector<16xi32>
      %sub3A_492 = arith.constant 1597463007 : i32
      %sub3A_493 = vector.broadcast %sub3A_492 : i32 to vector<16xi32>
      %sub3A_494 = arith.subi %sub3A_493, %shift_right_arithmetic3A_491 : vector<16xi32>
      %bitcast3A_495 = vector.bitcast %sub3A_494 : vector<16xi32> to vector<16xf32>
      %mul3A_496 = arith.constant 5.000000e-01 : f32
      %mul3A_497 = vector.broadcast %mul3A_496 : f32 to vector<16xf32>
      %mul3A_498 = arith.mulf %mul3A_497, %max3A_487 : vector<16xf32>
      %mul3A_499 = arith.mulf %mul3A_498, %bitcast3A_495 : vector<16xf32>
      %mul3A_500 = arith.mulf %mul3A_499, %bitcast3A_495 : vector<16xf32>
      %sub3A_501 = arith.constant 1.500000e+00 : f32
      %sub3A_502 = vector.broadcast %sub3A_501 : f32 to vector<16xf32>
      %sub3A_503 = arith.subf %sub3A_502, %mul3A_500 : vector<16xf32>
      %mul3A_504 = arith.mulf %bitcast3A_495, %sub3A_503 : vector<16xf32>
      %mul3A_505 = arith.mulf %mul3A_498, %mul3A_504 : vector<16xf32>
      %mul3A_506 = arith.mulf %mul3A_505, %mul3A_504 : vector<16xf32>
      %sub3A_507 = arith.constant 1.500000e+00 : f32
      %sub3A_508 = vector.broadcast %sub3A_507 : f32 to vector<16xf32>
      %sub3A_509 = arith.subf %sub3A_508, %mul3A_506 : vector<16xf32>
      %mul3A_510 = arith.mulf %mul3A_504, %sub3A_509 : vector<16xf32>
      %mul3A_511 = arith.mulf %max3A_487, %mul3A_510 : vector<16xf32>
      %mul3A_512 = arith.mulf %gather3A_404, %gather3A_405 : vector<16xf32>
      %sub3A_513 = arith.subf %gather3A_407, %mul3A_447 : vector<16xf32>
      %mul3A_514 = arith.mulf %mul3A_512, %sub3A_513 : vector<16xf32>
      %mul3A_515 = arith.mulf %gather3A_404, %gather3A_406 : vector<16xf32>
      %sub3A_516 = arith.subf %gather3A_408, %mul3A_479 : vector<16xf32>
      %mul3A_517 = arith.mulf %mul3A_515, %sub3A_516 : vector<16xf32>
      %mul3A_518 = arith.mulf %gather3A_405, %gather3A_406 : vector<16xf32>
      %sub3A_519 = arith.subf %gather3A_409, %mul3A_511 : vector<16xf32>
      %mul3A_520 = arith.mulf %mul3A_518, %sub3A_519 : vector<16xf32>
      %mul3A_521 = arith.mulf %mul3A_514, %mul3A_514 : vector<16xf32>
      %mul3A_522 = arith.mulf %mul3A_517, %mul3A_517 : vector<16xf32>
      %add3A_523 = arith.addf %mul3A_521, %mul3A_522 : vector<16xf32>
      %mul3A_524 = arith.mulf %mul3A_520, %mul3A_520 : vector<16xf32>
      %add3A_525 = arith.addf %add3A_523, %mul3A_524 : vector<16xf32>
      %mul3A_526 = vector.broadcast %scan3A_192 : f32 to vector<16xf32>
      %mul3A_527 = arith.mulf %add3A_525, %mul3A_526 : vector<16xf32>
      %add3A_528 = vector.broadcast %scan3A_193 : f32 to vector<16xf32>
      %add3A_529 = arith.addf %mul3A_527, %add3A_528 : vector<16xf32>
      %max3A_530 = arith.constant 1.000000e-35 : f32
      %max3A_531 = vector.broadcast %max3A_530 : f32 to vector<16xf32>
      %max3A_532 = arith.maximumf %add3A_529, %max3A_531 : vector<16xf32>
      %bitcast3A_533 = vector.bitcast %max3A_532 : vector<16xf32> to vector<16xi32>
      %shift_right_arithmetic3A_534 = arith.constant 1 : i32
      %shift_right_arithmetic3A_535 = vector.broadcast %shift_right_arithmetic3A_534 : i32 to vector<16xi32>
      %shift_right_arithmetic3A_536 = arith.shrsi %bitcast3A_533, %shift_right_arithmetic3A_535 : vector<16xi32>
      %sub3A_537 = arith.constant 1597463007 : i32
      %sub3A_538 = vector.broadcast %sub3A_537 : i32 to vector<16xi32>
      %sub3A_539 = arith.subi %sub3A_538, %shift_right_arithmetic3A_536 : vector<16xi32>
      %bitcast3A_540 = vector.bitcast %sub3A_539 : vector<16xi32> to vector<16xf32>
      %mul3A_541 = arith.constant 5.000000e-01 : f32
      %mul3A_542 = vector.broadcast %mul3A_541 : f32 to vector<16xf32>
      %mul3A_543 = arith.mulf %mul3A_542, %max3A_532 : vector<16xf32>
      %mul3A_544 = arith.mulf %mul3A_543, %bitcast3A_540 : vector<16xf32>
      %mul3A_545 = arith.mulf %mul3A_544, %bitcast3A_540 : vector<16xf32>
      %sub3A_546 = arith.constant 1.500000e+00 : f32
      %sub3A_547 = vector.broadcast %sub3A_546 : f32 to vector<16xf32>
      %sub3A_548 = arith.subf %sub3A_547, %mul3A_545 : vector<16xf32>
      %mul3A_549 = arith.mulf %bitcast3A_540, %sub3A_548 : vector<16xf32>
      %mul3A_550 = arith.mulf %mul3A_543, %mul3A_549 : vector<16xf32>
      %mul3A_551 = arith.mulf %mul3A_550, %mul3A_549 : vector<16xf32>
      %sub3A_552 = arith.constant 1.500000e+00 : f32
      %sub3A_553 = vector.broadcast %sub3A_552 : f32 to vector<16xf32>
      %sub3A_554 = arith.subf %sub3A_553, %mul3A_551 : vector<16xf32>
      %mul3A_555 = arith.mulf %mul3A_549, %sub3A_554 : vector<16xf32>
      %mul3A_556 = arith.mulf %max3A_532, %mul3A_555 : vector<16xf32>
      %add3A_557 = arith.addf %scan3A_385, %mul3A_556 : vector<16xf32>
      scf.yield %add3A_557 : vector<16xf32>
    }
    %scan3A_199 = arith.constant 250 : i32
    %mul3A_200 = vector.broadcast %select_n3A_189 : f32 to vector<16xf32>
    %mul3A_201 = arith.mulf %mul3A_200, %scan3A_198 : vector<16xf32>
    %add3A_202 = arith.addf %add3A_164, %mul3A_201 : vector<16xf32>
    %dma_start3A_203 = tpu.memref_slice %arg3[%mul3A_59] : memref<3000000xf32, #tpu.memory_space<hbm>> -> memref<12000xf32, #tpu.memory_space<hbm>>
    %dma_start3A_204 = tpu.memref_slice %arg3[%mul3A_59] : memref<3000000xf32, #tpu.memory_space<hbm>> -> memref<12000xf32, #tpu.memory_space<hbm>>
    tpu.enqueue_dma source(%dma_start3A_204 : memref<12000xf32, #tpu.memory_space<hbm>>) target(%arg8 : memref<12000xf32, #tpu.memory_space<vmem>>) target_semaphore(%arg19 : memref<!tpu.dma_semaphore, #tpu.memory_space<semaphore_mem>>)
    %dma_start3A_205 = tpu.memref_slice %arg4[%mul3A_59] : memref<3000000xf32, #tpu.memory_space<hbm>> -> memref<12000xf32, #tpu.memory_space<hbm>>
    %dma_start3A_206 = tpu.memref_slice %arg4[%mul3A_59] : memref<3000000xf32, #tpu.memory_space<hbm>> -> memref<12000xf32, #tpu.memory_space<hbm>>
    tpu.enqueue_dma source(%dma_start3A_206 : memref<12000xf32, #tpu.memory_space<hbm>>) target(%arg9 : memref<12000xf32, #tpu.memory_space<vmem>>) target_semaphore(%arg19 : memref<!tpu.dma_semaphore, #tpu.memory_space<semaphore_mem>>)
    %dma_start3A_207 = tpu.memref_slice %arg5[%mul3A_59] : memref<3000000xf32, #tpu.memory_space<hbm>> -> memref<12000xf32, #tpu.memory_space<hbm>>
    %dma_start3A_208 = tpu.memref_slice %arg5[%mul3A_59] : memref<3000000xf32, #tpu.memory_space<hbm>> -> memref<12000xf32, #tpu.memory_space<hbm>>
    tpu.enqueue_dma source(%dma_start3A_208 : memref<12000xf32, #tpu.memory_space<hbm>>) target(%arg10 : memref<12000xf32, #tpu.memory_space<vmem>>) target_semaphore(%arg19 : memref<!tpu.dma_semaphore, #tpu.memory_space<semaphore_mem>>)
    %dma_start3A_209 = tpu.memref_slice %arg2[%mul3A_59] : memref<3000000xf32, #tpu.memory_space<hbm>> -> memref<12000xf32, #tpu.memory_space<hbm>>
    %dma_start3A_210 = tpu.memref_slice %arg2[%mul3A_59] : memref<3000000xf32, #tpu.memory_space<hbm>> -> memref<12000xf32, #tpu.memory_space<hbm>>
    tpu.enqueue_dma source(%dma_start3A_210 : memref<12000xf32, #tpu.memory_space<hbm>>) target(%arg11 : memref<12000xf32, #tpu.memory_space<vmem>>) target_semaphore(%arg19 : memref<!tpu.dma_semaphore, #tpu.memory_space<semaphore_mem>>)
    %dma_start3A_211 = tpu.memref_slice %arg6[%mul3A_59] : memref<3000000xf32, #tpu.memory_space<hbm>> -> memref<12000xf32, #tpu.memory_space<hbm>>
    %dma_start3A_212 = tpu.memref_slice %arg6[%mul3A_59] : memref<3000000xf32, #tpu.memory_space<hbm>> -> memref<12000xf32, #tpu.memory_space<hbm>>
    tpu.enqueue_dma source(%dma_start3A_212 : memref<12000xf32, #tpu.memory_space<hbm>>) target(%arg12 : memref<12000xf32, #tpu.memory_space<vmem>>) target_semaphore(%arg19 : memref<!tpu.dma_semaphore, #tpu.memory_space<semaphore_mem>>)
    %dma_wait3A_213 = tpu.memref_slice %arg3[%mul3A_52] : memref<3000000xf32, #tpu.memory_space<hbm>> -> memref<12000xf32, #tpu.memory_space<hbm>>
    %dma_wait3A_214 = tpu.memref_slice %arg3[%mul3A_52] : memref<3000000xf32, #tpu.memory_space<hbm>> -> memref<12000xf32, #tpu.memory_space<hbm>>
    tpu.wait_dma2 semaphore(%arg20 : memref<!tpu.dma_semaphore, #tpu.memory_space<semaphore_mem>>) src(%dma_wait3A_214 : memref<12000xf32, #tpu.memory_space<hbm>>) dst(%arg13 : memref<12000xf32, #tpu.memory_space<vmem>>)
    %dma_wait3A_215 = tpu.memref_slice %arg4[%mul3A_52] : memref<3000000xf32, #tpu.memory_space<hbm>> -> memref<12000xf32, #tpu.memory_space<hbm>>
    %dma_wait3A_216 = tpu.memref_slice %arg4[%mul3A_52] : memref<3000000xf32, #tpu.memory_space<hbm>> -> memref<12000xf32, #tpu.memory_space<hbm>>
    tpu.wait_dma2 semaphore(%arg20 : memref<!tpu.dma_semaphore, #tpu.memory_space<semaphore_mem>>) src(%dma_wait3A_216 : memref<12000xf32, #tpu.memory_space<hbm>>) dst(%arg14 : memref<12000xf32, #tpu.memory_space<vmem>>)
    %dma_wait3A_217 = tpu.memref_slice %arg5[%mul3A_52] : memref<3000000xf32, #tpu.memory_space<hbm>> -> memref<12000xf32, #tpu.memory_space<hbm>>
    %dma_wait3A_218 = tpu.memref_slice %arg5[%mul3A_52] : memref<3000000xf32, #tpu.memory_space<hbm>> -> memref<12000xf32, #tpu.memory_space<hbm>>
    tpu.wait_dma2 semaphore(%arg20 : memref<!tpu.dma_semaphore, #tpu.memory_space<semaphore_mem>>) src(%dma_wait3A_218 : memref<12000xf32, #tpu.memory_space<hbm>>) dst(%arg15 : memref<12000xf32, #tpu.memory_space<vmem>>)
    %dma_wait3A_219 = tpu.memref_slice %arg2[%mul3A_52] : memref<3000000xf32, #tpu.memory_space<hbm>> -> memref<12000xf32, #tpu.memory_space<hbm>>
    %dma_wait3A_220 = tpu.memref_slice %arg2[%mul3A_52] : memref<3000000xf32, #tpu.memory_space<hbm>> -> memref<12000xf32, #tpu.memory_space<hbm>>
    tpu.wait_dma2 semaphore(%arg20 : memref<!tpu.dma_semaphore, #tpu.memory_space<semaphore_mem>>) src(%dma_wait3A_220 : memref<12000xf32, #tpu.memory_space<hbm>>) dst(%arg16 : memref<12000xf32, #tpu.memory_space<vmem>>)
    %dma_wait3A_221 = tpu.memref_slice %arg6[%mul3A_52] : memref<3000000xf32, #tpu.memory_space<hbm>> -> memref<12000xf32, #tpu.memory_space<hbm>>
    %dma_wait3A_222 = tpu.memref_slice %arg6[%mul3A_52] : memref<3000000xf32, #tpu.memory_space<hbm>> -> memref<12000xf32, #tpu.memory_space<hbm>>
    tpu.wait_dma2 semaphore(%arg20 : memref<!tpu.dma_semaphore, #tpu.memory_space<semaphore_mem>>) src(%dma_wait3A_222 : memref<12000xf32, #tpu.memory_space<hbm>>) dst(%arg17 : memref<12000xf32, #tpu.memory_space<vmem>>)
    %gt3A_223 = arith.constant 3 : i32
    %gt3A_224 = arith.cmpi sgt, %select_n3A, %gt3A_223 : i32
    %jit3A_225 = arith.constant 1.000000e+00 : f32
    %jit3A_226 = arith.constant 0.000000e+00 : f32
    %select_n3A_227 = arith.select %gt3A_224, %jit3A_225, %jit3A_226 : f32
    %broadcast_in_dim3A_228 = arith.constant 0.000000e+00 : f32
    %broadcast_in_dim3A_229 = vector.broadcast %broadcast_in_dim3A_228 : f32 to vector<16xf32>
    %scan3A_230 = arith.constant 0.333333343 : f32
    %scan3A_231 = arith.constant 9.99999997E-7 : f32
    %scan3A_232 = arith.constant 0 : i32
    %scan3A_233 = arith.constant 250 : i32
    %scan3A_234 = arith.addi %scan3A_232, %scan3A_233 : i32
    %scan3A_235 = arith.constant 1 : i32
    %scan3A_236 = scf.for %scan3A_384 = %scan3A_232 to %scan3A_234 step %scan3A_235 iter_args(%scan3A_385 = %broadcast_in_dim3A_229) -> (vector<16xf32>)  : i32 {
      %mul3A_386 = arith.constant 48 : i32
      %mul3A_387 = arith.muli %scan3A_384, %mul3A_386 : i32
      %add3A_388 = vector.broadcast %mul3A_387 : i32 to vector<16xi32>
      %add3A_389 = arith.addi %mul3A_25, %add3A_388 : vector<16xi32>
      %add3A_390 = arith.constant 1 : i32
      %add3A_391 = vector.broadcast %add3A_390 : i32 to vector<16xi32>
      %add3A_392 = arith.addi %add3A_389, %add3A_391 : vector<16xi32>
      %add3A_393 = arith.constant 2 : i32
      %add3A_394 = vector.broadcast %add3A_393 : i32 to vector<16xi32>
      %add3A_395 = arith.addi %add3A_389, %add3A_394 : vector<16xi32>
      %gather3A = tpu.vector_load_idx %arg13[%add3A_389] : memref<12000xf32, #tpu.memory_space<vmem>>[vector<16xi32>], vector<16xf32>,
      %gather3A_396 = tpu.vector_load_idx %arg14[%add3A_389] : memref<12000xf32, #tpu.memory_space<vmem>>[vector<16xi32>], vector<16xf32>,
      %gather3A_397 = tpu.vector_load_idx %arg15[%add3A_389] : memref<12000xf32, #tpu.memory_space<vmem>>[vector<16xi32>], vector<16xf32>,
      %gather3A_398 = tpu.vector_load_idx %arg13[%add3A_392] : memref<12000xf32, #tpu.memory_space<vmem>>[vector<16xi32>], vector<16xf32>,
      %gather3A_399 = tpu.vector_load_idx %arg14[%add3A_392] : memref<12000xf32, #tpu.memory_space<vmem>>[vector<16xi32>], vector<16xf32>,
      %gather3A_400 = tpu.vector_load_idx %arg15[%add3A_392] : memref<12000xf32, #tpu.memory_space<vmem>>[vector<16xi32>], vector<16xf32>,
      %gather3A_401 = tpu.vector_load_idx %arg13[%add3A_395] : memref<12000xf32, #tpu.memory_space<vmem>>[vector<16xi32>], vector<16xf32>,
      %gather3A_402 = tpu.vector_load_idx %arg14[%add3A_395] : memref<12000xf32, #tpu.memory_space<vmem>>[vector<16xi32>], vector<16xf32>,
      %gather3A_403 = tpu.vector_load_idx %arg15[%add3A_395] : memref<12000xf32, #tpu.memory_space<vmem>>[vector<16xi32>], vector<16xf32>,
      %gather3A_404 = tpu.vector_load_idx %arg17[%add3A_389] : memref<12000xf32, #tpu.memory_space<vmem>>[vector<16xi32>], vector<16xf32>,
      %gather3A_405 = tpu.vector_load_idx %arg17[%add3A_392] : memref<12000xf32, #tpu.memory_space<vmem>>[vector<16xi32>], vector<16xf32>,
      %gather3A_406 = tpu.vector_load_idx %arg17[%add3A_395] : memref<12000xf32, #tpu.memory_space<vmem>>[vector<16xi32>], vector<16xf32>,
      %gather3A_407 = tpu.vector_load_idx %arg16[%add3A_389] : memref<12000xf32, #tpu.memory_space<vmem>>[vector<16xi32>], vector<16xf32>,
      %gather3A_408 = tpu.vector_load_idx %arg16[%add3A_392] : memref<12000xf32, #tpu.memory_space<vmem>>[vector<16xi32>], vector<16xf32>,
      %gather3A_409 = tpu.vector_load_idx %arg16[%add3A_395] : memref<12000xf32, #tpu.memory_space<vmem>>[vector<16xi32>], vector<16xf32>,
      %sub3A_410 = arith.subf %gather3A, %gather3A_398 : vector<16xf32>
      %sub3A_411 = arith.subf %gather3A_396, %gather3A_399 : vector<16xf32>
      %sub3A_412 = arith.subf %gather3A_397, %gather3A_400 : vector<16xf32>
      %sub3A_413 = arith.subf %gather3A, %gather3A_401 : vector<16xf32>
      %sub3A_414 = arith.subf %gather3A_396, %gather3A_402 : vector<16xf32>
      %sub3A_415 = arith.subf %gather3A_397, %gather3A_403 : vector<16xf32>
      %sub3A_416 = arith.subf %gather3A_398, %gather3A_401 : vector<16xf32>
      %sub3A_417 = arith.subf %gather3A_399, %gather3A_402 : vector<16xf32>
      %sub3A_418 = arith.subf %gather3A_400, %gather3A_403 : vector<16xf32>
      %mul3A_419 = arith.mulf %sub3A_410, %sub3A_410 : vector<16xf32>
      %mul3A_420 = arith.mulf %sub3A_411, %sub3A_411 : vector<16xf32>
      %add3A_421 = arith.addf %mul3A_419, %mul3A_420 : vector<16xf32>
      %mul3A_422 = arith.mulf %sub3A_412, %sub3A_412 : vector<16xf32>
      %add3A_423 = arith.addf %add3A_421, %mul3A_422 : vector<16xf32>
      %max3A = arith.constant 1.000000e-35 : f32
      %max3A_424 = vector.broadcast %max3A : f32 to vector<16xf32>
      %max3A_425 = arith.maximumf %add3A_423, %max3A_424 : vector<16xf32>
      %bitcast3A = vector.bitcast %max3A_425 : vector<16xf32> to vector<16xi32>
      %shift_right_arithmetic3A = arith.constant 1 : i32
      %shift_right_arithmetic3A_426 = vector.broadcast %shift_right_arithmetic3A : i32 to vector<16xi32>
      %shift_right_arithmetic3A_427 = arith.shrsi %bitcast3A, %shift_right_arithmetic3A_426 : vector<16xi32>
      %sub3A_428 = arith.constant 1597463007 : i32
      %sub3A_429 = vector.broadcast %sub3A_428 : i32 to vector<16xi32>
      %sub3A_430 = arith.subi %sub3A_429, %shift_right_arithmetic3A_427 : vector<16xi32>
      %bitcast3A_431 = vector.bitcast %sub3A_430 : vector<16xi32> to vector<16xf32>
      %mul3A_432 = arith.constant 5.000000e-01 : f32
      %mul3A_433 = vector.broadcast %mul3A_432 : f32 to vector<16xf32>
      %mul3A_434 = arith.mulf %mul3A_433, %max3A_425 : vector<16xf32>
      %mul3A_435 = arith.mulf %mul3A_434, %bitcast3A_431 : vector<16xf32>
      %mul3A_436 = arith.mulf %mul3A_435, %bitcast3A_431 : vector<16xf32>
      %sub3A_437 = arith.constant 1.500000e+00 : f32
      %sub3A_438 = vector.broadcast %sub3A_437 : f32 to vector<16xf32>
      %sub3A_439 = arith.subf %sub3A_438, %mul3A_436 : vector<16xf32>
      %mul3A_440 = arith.mulf %bitcast3A_431, %sub3A_439 : vector<16xf32>
      %mul3A_441 = arith.mulf %mul3A_434, %mul3A_440 : vector<16xf32>
      %mul3A_442 = arith.mulf %mul3A_441, %mul3A_440 : vector<16xf32>
      %sub3A_443 = arith.constant 1.500000e+00 : f32
      %sub3A_444 = vector.broadcast %sub3A_443 : f32 to vector<16xf32>
      %sub3A_445 = arith.subf %sub3A_444, %mul3A_442 : vector<16xf32>
      %mul3A_446 = arith.mulf %mul3A_440, %sub3A_445 : vector<16xf32>
      %mul3A_447 = arith.mulf %max3A_425, %mul3A_446 : vector<16xf32>
      %mul3A_448 = arith.mulf %sub3A_413, %sub3A_413 : vector<16xf32>
      %mul3A_449 = arith.mulf %sub3A_414, %sub3A_414 : vector<16xf32>
      %add3A_450 = arith.addf %mul3A_448, %mul3A_449 : vector<16xf32>
      %mul3A_451 = arith.mulf %sub3A_415, %sub3A_415 : vector<16xf32>
      %add3A_452 = arith.addf %add3A_450, %mul3A_451 : vector<16xf32>
      %max3A_453 = arith.constant 1.000000e-35 : f32
      %max3A_454 = vector.broadcast %max3A_453 : f32 to vector<16xf32>
      %max3A_455 = arith.maximumf %add3A_452, %max3A_454 : vector<16xf32>
      %bitcast3A_456 = vector.bitcast %max3A_455 : vector<16xf32> to vector<16xi32>
      %shift_right_arithmetic3A_457 = arith.constant 1 : i32
      %shift_right_arithmetic3A_458 = vector.broadcast %shift_right_arithmetic3A_457 : i32 to vector<16xi32>
      %shift_right_arithmetic3A_459 = arith.shrsi %bitcast3A_456, %shift_right_arithmetic3A_458 : vector<16xi32>
      %sub3A_460 = arith.constant 1597463007 : i32
      %sub3A_461 = vector.broadcast %sub3A_460 : i32 to vector<16xi32>
      %sub3A_462 = arith.subi %sub3A_461, %shift_right_arithmetic3A_459 : vector<16xi32>
      %bitcast3A_463 = vector.bitcast %sub3A_462 : vector<16xi32> to vector<16xf32>
      %mul3A_464 = arith.constant 5.000000e-01 : f32
      %mul3A_465 = vector.broadcast %mul3A_464 : f32 to vector<16xf32>
      %mul3A_466 = arith.mulf %mul3A_465, %max3A_455 : vector<16xf32>
      %mul3A_467 = arith.mulf %mul3A_466, %bitcast3A_463 : vector<16xf32>
      %mul3A_468 = arith.mulf %mul3A_467, %bitcast3A_463 : vector<16xf32>
      %sub3A_469 = arith.constant 1.500000e+00 : f32
      %sub3A_470 = vector.broadcast %sub3A_469 : f32 to vector<16xf32>
      %sub3A_471 = arith.subf %sub3A_470, %mul3A_468 : vector<16xf32>
      %mul3A_472 = arith.mulf %bitcast3A_463, %sub3A_471 : vector<16xf32>
      %mul3A_473 = arith.mulf %mul3A_466, %mul3A_472 : vector<16xf32>
      %mul3A_474 = arith.mulf %mul3A_473, %mul3A_472 : vector<16xf32>
      %sub3A_475 = arith.constant 1.500000e+00 : f32
      %sub3A_476 = vector.broadcast %sub3A_475 : f32 to vector<16xf32>
      %sub3A_477 = arith.subf %sub3A_476, %mul3A_474 : vector<16xf32>
      %mul3A_478 = arith.mulf %mul3A_472, %sub3A_477 : vector<16xf32>
      %mul3A_479 = arith.mulf %max3A_455, %mul3A_478 : vector<16xf32>
      %mul3A_480 = arith.mulf %sub3A_416, %sub3A_416 : vector<16xf32>
      %mul3A_481 = arith.mulf %sub3A_417, %sub3A_417 : vector<16xf32>
      %add3A_482 = arith.addf %mul3A_480, %mul3A_481 : vector<16xf32>
      %mul3A_483 = arith.mulf %sub3A_418, %sub3A_418 : vector<16xf32>
      %add3A_484 = arith.addf %add3A_482, %mul3A_483 : vector<16xf32>
      %max3A_485 = arith.constant 1.000000e-35 : f32
      %max3A_486 = vector.broadcast %max3A_485 : f32 to vector<16xf32>
      %max3A_487 = arith.maximumf %add3A_484, %max3A_486 : vector<16xf32>
      %bitcast3A_488 = vector.bitcast %max3A_487 : vector<16xf32> to vector<16xi32>
      %shift_right_arithmetic3A_489 = arith.constant 1 : i32
      %shift_right_arithmetic3A_490 = vector.broadcast %shift_right_arithmetic3A_489 : i32 to vector<16xi32>
      %shift_right_arithmetic3A_491 = arith.shrsi %bitcast3A_488, %shift_right_arithmetic3A_490 : vector<16xi32>
      %sub3A_492 = arith.constant 1597463007 : i32
      %sub3A_493 = vector.broadcast %sub3A_492 : i32 to vector<16xi32>
      %sub3A_494 = arith.subi %sub3A_493, %shift_right_arithmetic3A_491 : vector<16xi32>
      %bitcast3A_495 = vector.bitcast %sub3A_494 : vector<16xi32> to vector<16xf32>
      %mul3A_496 = arith.constant 5.000000e-01 : f32
      %mul3A_497 = vector.broadcast %mul3A_496 : f32 to vector<16xf32>
      %mul3A_498 = arith.mulf %mul3A_497, %max3A_487 : vector<16xf32>
      %mul3A_499 = arith.mulf %mul3A_498, %bitcast3A_495 : vector<16xf32>
      %mul3A_500 = arith.mulf %mul3A_499, %bitcast3A_495 : vector<16xf32>
      %sub3A_501 = arith.constant 1.500000e+00 : f32
      %sub3A_502 = vector.broadcast %sub3A_501 : f32 to vector<16xf32>
      %sub3A_503 = arith.subf %sub3A_502, %mul3A_500 : vector<16xf32>
      %mul3A_504 = arith.mulf %bitcast3A_495, %sub3A_503 : vector<16xf32>
      %mul3A_505 = arith.mulf %mul3A_498, %mul3A_504 : vector<16xf32>
      %mul3A_506 = arith.mulf %mul3A_505, %mul3A_504 : vector<16xf32>
      %sub3A_507 = arith.constant 1.500000e+00 : f32
      %sub3A_508 = vector.broadcast %sub3A_507 : f32 to vector<16xf32>
      %sub3A_509 = arith.subf %sub3A_508, %mul3A_506 : vector<16xf32>
      %mul3A_510 = arith.mulf %mul3A_504, %sub3A_509 : vector<16xf32>
      %mul3A_511 = arith.mulf %max3A_487, %mul3A_510 : vector<16xf32>
      %mul3A_512 = arith.mulf %gather3A_404, %gather3A_405 : vector<16xf32>
      %sub3A_513 = arith.subf %gather3A_407, %mul3A_447 : vector<16xf32>
      %mul3A_514 = arith.mulf %mul3A_512, %sub3A_513 : vector<16xf32>
      %mul3A_515 = arith.mulf %gather3A_404, %gather3A_406 : vector<16xf32>
      %sub3A_516 = arith.subf %gather3A_408, %mul3A_479 : vector<16xf32>
      %mul3A_517 = arith.mulf %mul3A_515, %sub3A_516 : vector<16xf32>
      %mul3A_518 = arith.mulf %gather3A_405, %gather3A_406 : vector<16xf32>
      %sub3A_519 = arith.subf %gather3A_409, %mul3A_511 : vector<16xf32>
      %mul3A_520 = arith.mulf %mul3A_518, %sub3A_519 : vector<16xf32>
      %mul3A_521 = arith.mulf %mul3A_514, %mul3A_514 : vector<16xf32>
      %mul3A_522 = arith.mulf %mul3A_517, %mul3A_517 : vector<16xf32>
      %add3A_523 = arith.addf %mul3A_521, %mul3A_522 : vector<16xf32>
      %mul3A_524 = arith.mulf %mul3A_520, %mul3A_520 : vector<16xf32>
      %add3A_525 = arith.addf %add3A_523, %mul3A_524 : vector<16xf32>
      %mul3A_526 = vector.broadcast %scan3A_230 : f32 to vector<16xf32>
      %mul3A_527 = arith.mulf %add3A_525, %mul3A_526 : vector<16xf32>
      %add3A_528 = vector.broadcast %scan3A_231 : f32 to vector<16xf32>
      %add3A_529 = arith.addf %mul3A_527, %add3A_528 : vector<16xf32>
      %max3A_530 = arith.constant 1.000000e-35 : f32
      %max3A_531 = vector.broadcast %max3A_530 : f32 to vector<16xf32>
      %max3A_532 = arith.maximumf %add3A_529, %max3A_531 : vector<16xf32>
      %bitcast3A_533 = vector.bitcast %max3A_532 : vector<16xf32> to vector<16xi32>
      %shift_right_arithmetic3A_534 = arith.constant 1 : i32
      %shift_right_arithmetic3A_535 = vector.broadcast %shift_right_arithmetic3A_534 : i32 to vector<16xi32>
      %shift_right_arithmetic3A_536 = arith.shrsi %bitcast3A_533, %shift_right_arithmetic3A_535 : vector<16xi32>
      %sub3A_537 = arith.constant 1597463007 : i32
      %sub3A_538 = vector.broadcast %sub3A_537 : i32 to vector<16xi32>
      %sub3A_539 = arith.subi %sub3A_538, %shift_right_arithmetic3A_536 : vector<16xi32>
      %bitcast3A_540 = vector.bitcast %sub3A_539 : vector<16xi32> to vector<16xf32>
      %mul3A_541 = arith.constant 5.000000e-01 : f32
      %mul3A_542 = vector.broadcast %mul3A_541 : f32 to vector<16xf32>
      %mul3A_543 = arith.mulf %mul3A_542, %max3A_532 : vector<16xf32>
      %mul3A_544 = arith.mulf %mul3A_543, %bitcast3A_540 : vector<16xf32>
      %mul3A_545 = arith.mulf %mul3A_544, %bitcast3A_540 : vector<16xf32>
      %sub3A_546 = arith.constant 1.500000e+00 : f32
      %sub3A_547 = vector.broadcast %sub3A_546 : f32 to vector<16xf32>
      %sub3A_548 = arith.subf %sub3A_547, %mul3A_545 : vector<16xf32>
      %mul3A_549 = arith.mulf %bitcast3A_540, %sub3A_548 : vector<16xf32>
      %mul3A_550 = arith.mulf %mul3A_543, %mul3A_549 : vector<16xf32>
      %mul3A_551 = arith.mulf %mul3A_550, %mul3A_549 : vector<16xf32>
      %sub3A_552 = arith.constant 1.500000e+00 : f32
      %sub3A_553 = vector.broadcast %sub3A_552 : f32 to vector<16xf32>
      %sub3A_554 = arith.subf %sub3A_553, %mul3A_551 : vector<16xf32>
      %mul3A_555 = arith.mulf %mul3A_549, %sub3A_554 : vector<16xf32>
      %mul3A_556 = arith.mulf %max3A_532, %mul3A_555 : vector<16xf32>
      %add3A_557 = arith.addf %scan3A_385, %mul3A_556 : vector<16xf32>
      scf.yield %add3A_557 : vector<16xf32>
    }
    %scan3A_237 = arith.constant 250 : i32
    %mul3A_238 = vector.broadcast %select_n3A_227 : f32 to vector<16xf32>
    %mul3A_239 = arith.mulf %mul3A_238, %scan3A_236 : vector<16xf32>
    %add3A_240 = arith.addf %add3A_202, %mul3A_239 : vector<16xf32>
    %dma_start3A_241 = tpu.memref_slice %arg3[%mul3A_66] : memref<3000000xf32, #tpu.memory_space<hbm>> -> memref<12000xf32, #tpu.memory_space<hbm>>
    %dma_start3A_242 = tpu.memref_slice %arg3[%mul3A_66] : memref<3000000xf32, #tpu.memory_space<hbm>> -> memref<12000xf32, #tpu.memory_space<hbm>>
    tpu.enqueue_dma source(%dma_start3A_242 : memref<12000xf32, #tpu.memory_space<hbm>>) target(%arg13 : memref<12000xf32, #tpu.memory_space<vmem>>) target_semaphore(%arg20 : memref<!tpu.dma_semaphore, #tpu.memory_space<semaphore_mem>>)
    %dma_start3A_243 = tpu.memref_slice %arg4[%mul3A_66] : memref<3000000xf32, #tpu.memory_space<hbm>> -> memref<12000xf32, #tpu.memory_space<hbm>>
    %dma_start3A_244 = tpu.memref_slice %arg4[%mul3A_66] : memref<3000000xf32, #tpu.memory_space<hbm>> -> memref<12000xf32, #tpu.memory_space<hbm>>
    tpu.enqueue_dma source(%dma_start3A_244 : memref<12000xf32, #tpu.memory_space<hbm>>) target(%arg14 : memref<12000xf32, #tpu.memory_space<vmem>>) target_semaphore(%arg20 : memref<!tpu.dma_semaphore, #tpu.memory_space<semaphore_mem>>)
    %dma_start3A_245 = tpu.memref_slice %arg5[%mul3A_66] : memref<3000000xf32, #tpu.memory_space<hbm>> -> memref<12000xf32, #tpu.memory_space<hbm>>
    %dma_start3A_246 = tpu.memref_slice %arg5[%mul3A_66] : memref<3000000xf32, #tpu.memory_space<hbm>> -> memref<12000xf32, #tpu.memory_space<hbm>>
    tpu.enqueue_dma source(%dma_start3A_246 : memref<12000xf32, #tpu.memory_space<hbm>>) target(%arg15 : memref<12000xf32, #tpu.memory_space<vmem>>) target_semaphore(%arg20 : memref<!tpu.dma_semaphore, #tpu.memory_space<semaphore_mem>>)
    %dma_start3A_247 = tpu.memref_slice %arg2[%mul3A_66] : memref<3000000xf32, #tpu.memory_space<hbm>> -> memref<12000xf32, #tpu.memory_space<hbm>>
    %dma_start3A_248 = tpu.memref_slice %arg2[%mul3A_66] : memref<3000000xf32, #tpu.memory_space<hbm>> -> memref<12000xf32, #tpu.memory_space<hbm>>
    tpu.enqueue_dma source(%dma_start3A_248 : memref<12000xf32, #tpu.memory_space<hbm>>) target(%arg16 : memref<12000xf32, #tpu.memory_space<vmem>>) target_semaphore(%arg20 : memref<!tpu.dma_semaphore, #tpu.memory_space<semaphore_mem>>)
    %dma_start3A_249 = tpu.memref_slice %arg6[%mul3A_66] : memref<3000000xf32, #tpu.memory_space<hbm>> -> memref<12000xf32, #tpu.memory_space<hbm>>
    %dma_start3A_250 = tpu.memref_slice %arg6[%mul3A_66] : memref<3000000xf32, #tpu.memory_space<hbm>> -> memref<12000xf32, #tpu.memory_space<hbm>>
    tpu.enqueue_dma source(%dma_start3A_250 : memref<12000xf32, #tpu.memory_space<hbm>>) target(%arg17 : memref<12000xf32, #tpu.memory_space<vmem>>) target_semaphore(%arg20 : memref<!tpu.dma_semaphore, #tpu.memory_space<semaphore_mem>>)
    %dma_wait3A_251 = tpu.memref_slice %arg3[%mul3A_59] : memref<3000000xf32, #tpu.memory_space<hbm>> -> memref<12000xf32, #tpu.memory_space<hbm>>
    %dma_wait3A_252 = tpu.memref_slice %arg3[%mul3A_59] : memref<3000000xf32, #tpu.memory_space<hbm>> -> memref<12000xf32, #tpu.memory_space<hbm>>
    tpu.wait_dma2 semaphore(%arg19 : memref<!tpu.dma_semaphore, #tpu.memory_space<semaphore_mem>>) src(%dma_wait3A_252 : memref<12000xf32, #tpu.memory_space<hbm>>) dst(%arg8 : memref<12000xf32, #tpu.memory_space<vmem>>)
    %dma_wait3A_253 = tpu.memref_slice %arg4[%mul3A_59] : memref<3000000xf32, #tpu.memory_space<hbm>> -> memref<12000xf32, #tpu.memory_space<hbm>>
    %dma_wait3A_254 = tpu.memref_slice %arg4[%mul3A_59] : memref<3000000xf32, #tpu.memory_space<hbm>> -> memref<12000xf32, #tpu.memory_space<hbm>>
    tpu.wait_dma2 semaphore(%arg19 : memref<!tpu.dma_semaphore, #tpu.memory_space<semaphore_mem>>) src(%dma_wait3A_254 : memref<12000xf32, #tpu.memory_space<hbm>>) dst(%arg9 : memref<12000xf32, #tpu.memory_space<vmem>>)
    %dma_wait3A_255 = tpu.memref_slice %arg5[%mul3A_59] : memref<3000000xf32, #tpu.memory_space<hbm>> -> memref<12000xf32, #tpu.memory_space<hbm>>
    %dma_wait3A_256 = tpu.memref_slice %arg5[%mul3A_59] : memref<3000000xf32, #tpu.memory_space<hbm>> -> memref<12000xf32, #tpu.memory_space<hbm>>
    tpu.wait_dma2 semaphore(%arg19 : memref<!tpu.dma_semaphore, #tpu.memory_space<semaphore_mem>>) src(%dma_wait3A_256 : memref<12000xf32, #tpu.memory_space<hbm>>) dst(%arg10 : memref<12000xf32, #tpu.memory_space<vmem>>)
    %dma_wait3A_257 = tpu.memref_slice %arg2[%mul3A_59] : memref<3000000xf32, #tpu.memory_space<hbm>> -> memref<12000xf32, #tpu.memory_space<hbm>>
    %dma_wait3A_258 = tpu.memref_slice %arg2[%mul3A_59] : memref<3000000xf32, #tpu.memory_space<hbm>> -> memref<12000xf32, #tpu.memory_space<hbm>>
    tpu.wait_dma2 semaphore(%arg19 : memref<!tpu.dma_semaphore, #tpu.memory_space<semaphore_mem>>) src(%dma_wait3A_258 : memref<12000xf32, #tpu.memory_space<hbm>>) dst(%arg11 : memref<12000xf32, #tpu.memory_space<vmem>>)
    %dma_wait3A_259 = tpu.memref_slice %arg6[%mul3A_59] : memref<3000000xf32, #tpu.memory_space<hbm>> -> memref<12000xf32, #tpu.memory_space<hbm>>
    %dma_wait3A_260 = tpu.memref_slice %arg6[%mul3A_59] : memref<3000000xf32, #tpu.memory_space<hbm>> -> memref<12000xf32, #tpu.memory_space<hbm>>
    tpu.wait_dma2 semaphore(%arg19 : memref<!tpu.dma_semaphore, #tpu.memory_space<semaphore_mem>>) src(%dma_wait3A_260 : memref<12000xf32, #tpu.memory_space<hbm>>) dst(%arg12 : memref<12000xf32, #tpu.memory_space<vmem>>)
    %gt3A_261 = arith.constant 4 : i32
    %gt3A_262 = arith.cmpi sgt, %select_n3A, %gt3A_261 : i32
    %jit3A_263 = arith.constant 1.000000e+00 : f32
    %jit3A_264 = arith.constant 0.000000e+00 : f32
    %select_n3A_265 = arith.select %gt3A_262, %jit3A_263, %jit3A_264 : f32
    %broadcast_in_dim3A_266 = arith.constant 0.000000e+00 : f32
    %broadcast_in_dim3A_267 = vector.broadcast %broadcast_in_dim3A_266 : f32 to vector<16xf32>
    %scan3A_268 = arith.constant 0.333333343 : f32
    %scan3A_269 = arith.constant 9.99999997E-7 : f32
    %scan3A_270 = arith.constant 0 : i32
    %scan3A_271 = arith.constant 250 : i32
    %scan3A_272 = arith.addi %scan3A_270, %scan3A_271 : i32
    %scan3A_273 = arith.constant 1 : i32
    %scan3A_274 = scf.for %scan3A_384 = %scan3A_270 to %scan3A_272 step %scan3A_273 iter_args(%scan3A_385 = %broadcast_in_dim3A_267) -> (vector<16xf32>)  : i32 {
      %mul3A_386 = arith.constant 48 : i32
      %mul3A_387 = arith.muli %scan3A_384, %mul3A_386 : i32
      %add3A_388 = vector.broadcast %mul3A_387 : i32 to vector<16xi32>
      %add3A_389 = arith.addi %mul3A_25, %add3A_388 : vector<16xi32>
      %add3A_390 = arith.constant 1 : i32
      %add3A_391 = vector.broadcast %add3A_390 : i32 to vector<16xi32>
      %add3A_392 = arith.addi %add3A_389, %add3A_391 : vector<16xi32>
      %add3A_393 = arith.constant 2 : i32
      %add3A_394 = vector.broadcast %add3A_393 : i32 to vector<16xi32>
      %add3A_395 = arith.addi %add3A_389, %add3A_394 : vector<16xi32>
      %gather3A = tpu.vector_load_idx %arg8[%add3A_389] : memref<12000xf32, #tpu.memory_space<vmem>>[vector<16xi32>], vector<16xf32>,
      %gather3A_396 = tpu.vector_load_idx %arg9[%add3A_389] : memref<12000xf32, #tpu.memory_space<vmem>>[vector<16xi32>], vector<16xf32>,
      %gather3A_397 = tpu.vector_load_idx %arg10[%add3A_389] : memref<12000xf32, #tpu.memory_space<vmem>>[vector<16xi32>], vector<16xf32>,
      %gather3A_398 = tpu.vector_load_idx %arg8[%add3A_392] : memref<12000xf32, #tpu.memory_space<vmem>>[vector<16xi32>], vector<16xf32>,
      %gather3A_399 = tpu.vector_load_idx %arg9[%add3A_392] : memref<12000xf32, #tpu.memory_space<vmem>>[vector<16xi32>], vector<16xf32>,
      %gather3A_400 = tpu.vector_load_idx %arg10[%add3A_392] : memref<12000xf32, #tpu.memory_space<vmem>>[vector<16xi32>], vector<16xf32>,
      %gather3A_401 = tpu.vector_load_idx %arg8[%add3A_395] : memref<12000xf32, #tpu.memory_space<vmem>>[vector<16xi32>], vector<16xf32>,
      %gather3A_402 = tpu.vector_load_idx %arg9[%add3A_395] : memref<12000xf32, #tpu.memory_space<vmem>>[vector<16xi32>], vector<16xf32>,
      %gather3A_403 = tpu.vector_load_idx %arg10[%add3A_395] : memref<12000xf32, #tpu.memory_space<vmem>>[vector<16xi32>], vector<16xf32>,
      %gather3A_404 = tpu.vector_load_idx %arg12[%add3A_389] : memref<12000xf32, #tpu.memory_space<vmem>>[vector<16xi32>], vector<16xf32>,
      %gather3A_405 = tpu.vector_load_idx %arg12[%add3A_392] : memref<12000xf32, #tpu.memory_space<vmem>>[vector<16xi32>], vector<16xf32>,
      %gather3A_406 = tpu.vector_load_idx %arg12[%add3A_395] : memref<12000xf32, #tpu.memory_space<vmem>>[vector<16xi32>], vector<16xf32>,
      %gather3A_407 = tpu.vector_load_idx %arg11[%add3A_389] : memref<12000xf32, #tpu.memory_space<vmem>>[vector<16xi32>], vector<16xf32>,
      %gather3A_408 = tpu.vector_load_idx %arg11[%add3A_392] : memref<12000xf32, #tpu.memory_space<vmem>>[vector<16xi32>], vector<16xf32>,
      %gather3A_409 = tpu.vector_load_idx %arg11[%add3A_395] : memref<12000xf32, #tpu.memory_space<vmem>>[vector<16xi32>], vector<16xf32>,
      %sub3A_410 = arith.subf %gather3A, %gather3A_398 : vector<16xf32>
      %sub3A_411 = arith.subf %gather3A_396, %gather3A_399 : vector<16xf32>
      %sub3A_412 = arith.subf %gather3A_397, %gather3A_400 : vector<16xf32>
      %sub3A_413 = arith.subf %gather3A, %gather3A_401 : vector<16xf32>
      %sub3A_414 = arith.subf %gather3A_396, %gather3A_402 : vector<16xf32>
      %sub3A_415 = arith.subf %gather3A_397, %gather3A_403 : vector<16xf32>
      %sub3A_416 = arith.subf %gather3A_398, %gather3A_401 : vector<16xf32>
      %sub3A_417 = arith.subf %gather3A_399, %gather3A_402 : vector<16xf32>
      %sub3A_418 = arith.subf %gather3A_400, %gather3A_403 : vector<16xf32>
      %mul3A_419 = arith.mulf %sub3A_410, %sub3A_410 : vector<16xf32>
      %mul3A_420 = arith.mulf %sub3A_411, %sub3A_411 : vector<16xf32>
      %add3A_421 = arith.addf %mul3A_419, %mul3A_420 : vector<16xf32>
      %mul3A_422 = arith.mulf %sub3A_412, %sub3A_412 : vector<16xf32>
      %add3A_423 = arith.addf %add3A_421, %mul3A_422 : vector<16xf32>
      %max3A = arith.constant 1.000000e-35 : f32
      %max3A_424 = vector.broadcast %max3A : f32 to vector<16xf32>
      %max3A_425 = arith.maximumf %add3A_423, %max3A_424 : vector<16xf32>
      %bitcast3A = vector.bitcast %max3A_425 : vector<16xf32> to vector<16xi32>
      %shift_right_arithmetic3A = arith.constant 1 : i32
      %shift_right_arithmetic3A_426 = vector.broadcast %shift_right_arithmetic3A : i32 to vector<16xi32>
      %shift_right_arithmetic3A_427 = arith.shrsi %bitcast3A, %shift_right_arithmetic3A_426 : vector<16xi32>
      %sub3A_428 = arith.constant 1597463007 : i32
      %sub3A_429 = vector.broadcast %sub3A_428 : i32 to vector<16xi32>
      %sub3A_430 = arith.subi %sub3A_429, %shift_right_arithmetic3A_427 : vector<16xi32>
      %bitcast3A_431 = vector.bitcast %sub3A_430 : vector<16xi32> to vector<16xf32>
      %mul3A_432 = arith.constant 5.000000e-01 : f32
      %mul3A_433 = vector.broadcast %mul3A_432 : f32 to vector<16xf32>
      %mul3A_434 = arith.mulf %mul3A_433, %max3A_425 : vector<16xf32>
      %mul3A_435 = arith.mulf %mul3A_434, %bitcast3A_431 : vector<16xf32>
      %mul3A_436 = arith.mulf %mul3A_435, %bitcast3A_431 : vector<16xf32>
      %sub3A_437 = arith.constant 1.500000e+00 : f32
      %sub3A_438 = vector.broadcast %sub3A_437 : f32 to vector<16xf32>
      %sub3A_439 = arith.subf %sub3A_438, %mul3A_436 : vector<16xf32>
      %mul3A_440 = arith.mulf %bitcast3A_431, %sub3A_439 : vector<16xf32>
      %mul3A_441 = arith.mulf %mul3A_434, %mul3A_440 : vector<16xf32>
      %mul3A_442 = arith.mulf %mul3A_441, %mul3A_440 : vector<16xf32>
      %sub3A_443 = arith.constant 1.500000e+00 : f32
      %sub3A_444 = vector.broadcast %sub3A_443 : f32 to vector<16xf32>
      %sub3A_445 = arith.subf %sub3A_444, %mul3A_442 : vector<16xf32>
      %mul3A_446 = arith.mulf %mul3A_440, %sub3A_445 : vector<16xf32>
      %mul3A_447 = arith.mulf %max3A_425, %mul3A_446 : vector<16xf32>
      %mul3A_448 = arith.mulf %sub3A_413, %sub3A_413 : vector<16xf32>
      %mul3A_449 = arith.mulf %sub3A_414, %sub3A_414 : vector<16xf32>
      %add3A_450 = arith.addf %mul3A_448, %mul3A_449 : vector<16xf32>
      %mul3A_451 = arith.mulf %sub3A_415, %sub3A_415 : vector<16xf32>
      %add3A_452 = arith.addf %add3A_450, %mul3A_451 : vector<16xf32>
      %max3A_453 = arith.constant 1.000000e-35 : f32
      %max3A_454 = vector.broadcast %max3A_453 : f32 to vector<16xf32>
      %max3A_455 = arith.maximumf %add3A_452, %max3A_454 : vector<16xf32>
      %bitcast3A_456 = vector.bitcast %max3A_455 : vector<16xf32> to vector<16xi32>
      %shift_right_arithmetic3A_457 = arith.constant 1 : i32
      %shift_right_arithmetic3A_458 = vector.broadcast %shift_right_arithmetic3A_457 : i32 to vector<16xi32>
      %shift_right_arithmetic3A_459 = arith.shrsi %bitcast3A_456, %shift_right_arithmetic3A_458 : vector<16xi32>
      %sub3A_460 = arith.constant 1597463007 : i32
      %sub3A_461 = vector.broadcast %sub3A_460 : i32 to vector<16xi32>
      %sub3A_462 = arith.subi %sub3A_461, %shift_right_arithmetic3A_459 : vector<16xi32>
      %bitcast3A_463 = vector.bitcast %sub3A_462 : vector<16xi32> to vector<16xf32>
      %mul3A_464 = arith.constant 5.000000e-01 : f32
      %mul3A_465 = vector.broadcast %mul3A_464 : f32 to vector<16xf32>
      %mul3A_466 = arith.mulf %mul3A_465, %max3A_455 : vector<16xf32>
      %mul3A_467 = arith.mulf %mul3A_466, %bitcast3A_463 : vector<16xf32>
      %mul3A_468 = arith.mulf %mul3A_467, %bitcast3A_463 : vector<16xf32>
      %sub3A_469 = arith.constant 1.500000e+00 : f32
      %sub3A_470 = vector.broadcast %sub3A_469 : f32 to vector<16xf32>
      %sub3A_471 = arith.subf %sub3A_470, %mul3A_468 : vector<16xf32>
      %mul3A_472 = arith.mulf %bitcast3A_463, %sub3A_471 : vector<16xf32>
      %mul3A_473 = arith.mulf %mul3A_466, %mul3A_472 : vector<16xf32>
      %mul3A_474 = arith.mulf %mul3A_473, %mul3A_472 : vector<16xf32>
      %sub3A_475 = arith.constant 1.500000e+00 : f32
      %sub3A_476 = vector.broadcast %sub3A_475 : f32 to vector<16xf32>
      %sub3A_477 = arith.subf %sub3A_476, %mul3A_474 : vector<16xf32>
      %mul3A_478 = arith.mulf %mul3A_472, %sub3A_477 : vector<16xf32>
      %mul3A_479 = arith.mulf %max3A_455, %mul3A_478 : vector<16xf32>
      %mul3A_480 = arith.mulf %sub3A_416, %sub3A_416 : vector<16xf32>
      %mul3A_481 = arith.mulf %sub3A_417, %sub3A_417 : vector<16xf32>
      %add3A_482 = arith.addf %mul3A_480, %mul3A_481 : vector<16xf32>
      %mul3A_483 = arith.mulf %sub3A_418, %sub3A_418 : vector<16xf32>
      %add3A_484 = arith.addf %add3A_482, %mul3A_483 : vector<16xf32>
      %max3A_485 = arith.constant 1.000000e-35 : f32
      %max3A_486 = vector.broadcast %max3A_485 : f32 to vector<16xf32>
      %max3A_487 = arith.maximumf %add3A_484, %max3A_486 : vector<16xf32>
      %bitcast3A_488 = vector.bitcast %max3A_487 : vector<16xf32> to vector<16xi32>
      %shift_right_arithmetic3A_489 = arith.constant 1 : i32
      %shift_right_arithmetic3A_490 = vector.broadcast %shift_right_arithmetic3A_489 : i32 to vector<16xi32>
      %shift_right_arithmetic3A_491 = arith.shrsi %bitcast3A_488, %shift_right_arithmetic3A_490 : vector<16xi32>
      %sub3A_492 = arith.constant 1597463007 : i32
      %sub3A_493 = vector.broadcast %sub3A_492 : i32 to vector<16xi32>
      %sub3A_494 = arith.subi %sub3A_493, %shift_right_arithmetic3A_491 : vector<16xi32>
      %bitcast3A_495 = vector.bitcast %sub3A_494 : vector<16xi32> to vector<16xf32>
      %mul3A_496 = arith.constant 5.000000e-01 : f32
      %mul3A_497 = vector.broadcast %mul3A_496 : f32 to vector<16xf32>
      %mul3A_498 = arith.mulf %mul3A_497, %max3A_487 : vector<16xf32>
      %mul3A_499 = arith.mulf %mul3A_498, %bitcast3A_495 : vector<16xf32>
      %mul3A_500 = arith.mulf %mul3A_499, %bitcast3A_495 : vector<16xf32>
      %sub3A_501 = arith.constant 1.500000e+00 : f32
      %sub3A_502 = vector.broadcast %sub3A_501 : f32 to vector<16xf32>
      %sub3A_503 = arith.subf %sub3A_502, %mul3A_500 : vector<16xf32>
      %mul3A_504 = arith.mulf %bitcast3A_495, %sub3A_503 : vector<16xf32>
      %mul3A_505 = arith.mulf %mul3A_498, %mul3A_504 : vector<16xf32>
      %mul3A_506 = arith.mulf %mul3A_505, %mul3A_504 : vector<16xf32>
      %sub3A_507 = arith.constant 1.500000e+00 : f32
      %sub3A_508 = vector.broadcast %sub3A_507 : f32 to vector<16xf32>
      %sub3A_509 = arith.subf %sub3A_508, %mul3A_506 : vector<16xf32>
      %mul3A_510 = arith.mulf %mul3A_504, %sub3A_509 : vector<16xf32>
      %mul3A_511 = arith.mulf %max3A_487, %mul3A_510 : vector<16xf32>
      %mul3A_512 = arith.mulf %gather3A_404, %gather3A_405 : vector<16xf32>
      %sub3A_513 = arith.subf %gather3A_407, %mul3A_447 : vector<16xf32>
      %mul3A_514 = arith.mulf %mul3A_512, %sub3A_513 : vector<16xf32>
      %mul3A_515 = arith.mulf %gather3A_404, %gather3A_406 : vector<16xf32>
      %sub3A_516 = arith.subf %gather3A_408, %mul3A_479 : vector<16xf32>
      %mul3A_517 = arith.mulf %mul3A_515, %sub3A_516 : vector<16xf32>
      %mul3A_518 = arith.mulf %gather3A_405, %gather3A_406 : vector<16xf32>
      %sub3A_519 = arith.subf %gather3A_409, %mul3A_511 : vector<16xf32>
      %mul3A_520 = arith.mulf %mul3A_518, %sub3A_519 : vector<16xf32>
      %mul3A_521 = arith.mulf %mul3A_514, %mul3A_514 : vector<16xf32>
      %mul3A_522 = arith.mulf %mul3A_517, %mul3A_517 : vector<16xf32>
      %add3A_523 = arith.addf %mul3A_521, %mul3A_522 : vector<16xf32>
      %mul3A_524 = arith.mulf %mul3A_520, %mul3A_520 : vector<16xf32>
      %add3A_525 = arith.addf %add3A_523, %mul3A_524 : vector<16xf32>
      %mul3A_526 = vector.broadcast %scan3A_268 : f32 to vector<16xf32>
      %mul3A_527 = arith.mulf %add3A_525, %mul3A_526 : vector<16xf32>
      %add3A_528 = vector.broadcast %scan3A_269 : f32 to vector<16xf32>
      %add3A_529 = arith.addf %mul3A_527, %add3A_528 : vector<16xf32>
      %max3A_530 = arith.constant 1.000000e-35 : f32
      %max3A_531 = vector.broadcast %max3A_530 : f32 to vector<16xf32>
      %max3A_532 = arith.maximumf %add3A_529, %max3A_531 : vector<16xf32>
      %bitcast3A_533 = vector.bitcast %max3A_532 : vector<16xf32> to vector<16xi32>
      %shift_right_arithmetic3A_534 = arith.constant 1 : i32
      %shift_right_arithmetic3A_535 = vector.broadcast %shift_right_arithmetic3A_534 : i32 to vector<16xi32>
      %shift_right_arithmetic3A_536 = arith.shrsi %bitcast3A_533, %shift_right_arithmetic3A_535 : vector<16xi32>
      %sub3A_537 = arith.constant 1597463007 : i32
      %sub3A_538 = vector.broadcast %sub3A_537 : i32 to vector<16xi32>
      %sub3A_539 = arith.subi %sub3A_538, %shift_right_arithmetic3A_536 : vector<16xi32>
      %bitcast3A_540 = vector.bitcast %sub3A_539 : vector<16xi32> to vector<16xf32>
      %mul3A_541 = arith.constant 5.000000e-01 : f32
      %mul3A_542 = vector.broadcast %mul3A_541 : f32 to vector<16xf32>
      %mul3A_543 = arith.mulf %mul3A_542, %max3A_532 : vector<16xf32>
      %mul3A_544 = arith.mulf %mul3A_543, %bitcast3A_540 : vector<16xf32>
      %mul3A_545 = arith.mulf %mul3A_544, %bitcast3A_540 : vector<16xf32>
      %sub3A_546 = arith.constant 1.500000e+00 : f32
      %sub3A_547 = vector.broadcast %sub3A_546 : f32 to vector<16xf32>
      %sub3A_548 = arith.subf %sub3A_547, %mul3A_545 : vector<16xf32>
      %mul3A_549 = arith.mulf %bitcast3A_540, %sub3A_548 : vector<16xf32>
      %mul3A_550 = arith.mulf %mul3A_543, %mul3A_549 : vector<16xf32>
      %mul3A_551 = arith.mulf %mul3A_550, %mul3A_549 : vector<16xf32>
      %sub3A_552 = arith.constant 1.500000e+00 : f32
      %sub3A_553 = vector.broadcast %sub3A_552 : f32 to vector<16xf32>
      %sub3A_554 = arith.subf %sub3A_553, %mul3A_551 : vector<16xf32>
      %mul3A_555 = arith.mulf %mul3A_549, %sub3A_554 : vector<16xf32>
      %mul3A_556 = arith.mulf %max3A_532, %mul3A_555 : vector<16xf32>
      %add3A_557 = arith.addf %scan3A_385, %mul3A_556 : vector<16xf32>
      scf.yield %add3A_557 : vector<16xf32>
    }
    %scan3A_275 = arith.constant 250 : i32
    %mul3A_276 = vector.broadcast %select_n3A_265 : f32 to vector<16xf32>
    %mul3A_277 = arith.mulf %mul3A_276, %scan3A_274 : vector<16xf32>
    %add3A_278 = arith.addf %add3A_240, %mul3A_277 : vector<16xf32>
    %dma_start3A_279 = tpu.memref_slice %arg3[%mul3A_73] : memref<3000000xf32, #tpu.memory_space<hbm>> -> memref<12000xf32, #tpu.memory_space<hbm>>
    %dma_start3A_280 = tpu.memref_slice %arg3[%mul3A_73] : memref<3000000xf32, #tpu.memory_space<hbm>> -> memref<12000xf32, #tpu.memory_space<hbm>>
    tpu.enqueue_dma source(%dma_start3A_280 : memref<12000xf32, #tpu.memory_space<hbm>>) target(%arg8 : memref<12000xf32, #tpu.memory_space<vmem>>) target_semaphore(%arg19 : memref<!tpu.dma_semaphore, #tpu.memory_space<semaphore_mem>>)
    %dma_start3A_281 = tpu.memref_slice %arg4[%mul3A_73] : memref<3000000xf32, #tpu.memory_space<hbm>> -> memref<12000xf32, #tpu.memory_space<hbm>>
    %dma_start3A_282 = tpu.memref_slice %arg4[%mul3A_73] : memref<3000000xf32, #tpu.memory_space<hbm>> -> memref<12000xf32, #tpu.memory_space<hbm>>
    tpu.enqueue_dma source(%dma_start3A_282 : memref<12000xf32, #tpu.memory_space<hbm>>) target(%arg9 : memref<12000xf32, #tpu.memory_space<vmem>>) target_semaphore(%arg19 : memref<!tpu.dma_semaphore, #tpu.memory_space<semaphore_mem>>)
    %dma_start3A_283 = tpu.memref_slice %arg5[%mul3A_73] : memref<3000000xf32, #tpu.memory_space<hbm>> -> memref<12000xf32, #tpu.memory_space<hbm>>
    %dma_start3A_284 = tpu.memref_slice %arg5[%mul3A_73] : memref<3000000xf32, #tpu.memory_space<hbm>> -> memref<12000xf32, #tpu.memory_space<hbm>>
    tpu.enqueue_dma source(%dma_start3A_284 : memref<12000xf32, #tpu.memory_space<hbm>>) target(%arg10 : memref<12000xf32, #tpu.memory_space<vmem>>) target_semaphore(%arg19 : memref<!tpu.dma_semaphore, #tpu.memory_space<semaphore_mem>>)
    %dma_start3A_285 = tpu.memref_slice %arg2[%mul3A_73] : memref<3000000xf32, #tpu.memory_space<hbm>> -> memref<12000xf32, #tpu.memory_space<hbm>>
    %dma_start3A_286 = tpu.memref_slice %arg2[%mul3A_73] : memref<3000000xf32, #tpu.memory_space<hbm>> -> memref<12000xf32, #tpu.memory_space<hbm>>
    tpu.enqueue_dma source(%dma_start3A_286 : memref<12000xf32, #tpu.memory_space<hbm>>) target(%arg11 : memref<12000xf32, #tpu.memory_space<vmem>>) target_semaphore(%arg19 : memref<!tpu.dma_semaphore, #tpu.memory_space<semaphore_mem>>)
    %dma_start3A_287 = tpu.memref_slice %arg6[%mul3A_73] : memref<3000000xf32, #tpu.memory_space<hbm>> -> memref<12000xf32, #tpu.memory_space<hbm>>
    %dma_start3A_288 = tpu.memref_slice %arg6[%mul3A_73] : memref<3000000xf32, #tpu.memory_space<hbm>> -> memref<12000xf32, #tpu.memory_space<hbm>>
    tpu.enqueue_dma source(%dma_start3A_288 : memref<12000xf32, #tpu.memory_space<hbm>>) target(%arg12 : memref<12000xf32, #tpu.memory_space<vmem>>) target_semaphore(%arg19 : memref<!tpu.dma_semaphore, #tpu.memory_space<semaphore_mem>>)
    %dma_wait3A_289 = tpu.memref_slice %arg3[%mul3A_66] : memref<3000000xf32, #tpu.memory_space<hbm>> -> memref<12000xf32, #tpu.memory_space<hbm>>
    %dma_wait3A_290 = tpu.memref_slice %arg3[%mul3A_66] : memref<3000000xf32, #tpu.memory_space<hbm>> -> memref<12000xf32, #tpu.memory_space<hbm>>
    tpu.wait_dma2 semaphore(%arg20 : memref<!tpu.dma_semaphore, #tpu.memory_space<semaphore_mem>>) src(%dma_wait3A_290 : memref<12000xf32, #tpu.memory_space<hbm>>) dst(%arg13 : memref<12000xf32, #tpu.memory_space<vmem>>)
    %dma_wait3A_291 = tpu.memref_slice %arg4[%mul3A_66] : memref<3000000xf32, #tpu.memory_space<hbm>> -> memref<12000xf32, #tpu.memory_space<hbm>>
    %dma_wait3A_292 = tpu.memref_slice %arg4[%mul3A_66] : memref<3000000xf32, #tpu.memory_space<hbm>> -> memref<12000xf32, #tpu.memory_space<hbm>>
    tpu.wait_dma2 semaphore(%arg20 : memref<!tpu.dma_semaphore, #tpu.memory_space<semaphore_mem>>) src(%dma_wait3A_292 : memref<12000xf32, #tpu.memory_space<hbm>>) dst(%arg14 : memref<12000xf32, #tpu.memory_space<vmem>>)
    %dma_wait3A_293 = tpu.memref_slice %arg5[%mul3A_66] : memref<3000000xf32, #tpu.memory_space<hbm>> -> memref<12000xf32, #tpu.memory_space<hbm>>
    %dma_wait3A_294 = tpu.memref_slice %arg5[%mul3A_66] : memref<3000000xf32, #tpu.memory_space<hbm>> -> memref<12000xf32, #tpu.memory_space<hbm>>
    tpu.wait_dma2 semaphore(%arg20 : memref<!tpu.dma_semaphore, #tpu.memory_space<semaphore_mem>>) src(%dma_wait3A_294 : memref<12000xf32, #tpu.memory_space<hbm>>) dst(%arg15 : memref<12000xf32, #tpu.memory_space<vmem>>)
    %dma_wait3A_295 = tpu.memref_slice %arg2[%mul3A_66] : memref<3000000xf32, #tpu.memory_space<hbm>> -> memref<12000xf32, #tpu.memory_space<hbm>>
    %dma_wait3A_296 = tpu.memref_slice %arg2[%mul3A_66] : memref<3000000xf32, #tpu.memory_space<hbm>> -> memref<12000xf32, #tpu.memory_space<hbm>>
    tpu.wait_dma2 semaphore(%arg20 : memref<!tpu.dma_semaphore, #tpu.memory_space<semaphore_mem>>) src(%dma_wait3A_296 : memref<12000xf32, #tpu.memory_space<hbm>>) dst(%arg16 : memref<12000xf32, #tpu.memory_space<vmem>>)
    %dma_wait3A_297 = tpu.memref_slice %arg6[%mul3A_66] : memref<3000000xf32, #tpu.memory_space<hbm>> -> memref<12000xf32, #tpu.memory_space<hbm>>
    %dma_wait3A_298 = tpu.memref_slice %arg6[%mul3A_66] : memref<3000000xf32, #tpu.memory_space<hbm>> -> memref<12000xf32, #tpu.memory_space<hbm>>
    tpu.wait_dma2 semaphore(%arg20 : memref<!tpu.dma_semaphore, #tpu.memory_space<semaphore_mem>>) src(%dma_wait3A_298 : memref<12000xf32, #tpu.memory_space<hbm>>) dst(%arg17 : memref<12000xf32, #tpu.memory_space<vmem>>)
    %gt3A_299 = arith.constant 5 : i32
    %gt3A_300 = arith.cmpi sgt, %select_n3A, %gt3A_299 : i32
    %jit3A_301 = arith.constant 1.000000e+00 : f32
    %jit3A_302 = arith.constant 0.000000e+00 : f32
    %select_n3A_303 = arith.select %gt3A_300, %jit3A_301, %jit3A_302 : f32
    %broadcast_in_dim3A_304 = arith.constant 0.000000e+00 : f32
    %broadcast_in_dim3A_305 = vector.broadcast %broadcast_in_dim3A_304 : f32 to vector<16xf32>
    %scan3A_306 = arith.constant 0.333333343 : f32
    %scan3A_307 = arith.constant 9.99999997E-7 : f32
    %scan3A_308 = arith.constant 0 : i32
    %scan3A_309 = arith.constant 250 : i32
    %scan3A_310 = arith.addi %scan3A_308, %scan3A_309 : i32
    %scan3A_311 = arith.constant 1 : i32
    %scan3A_312 = scf.for %scan3A_384 = %scan3A_308 to %scan3A_310 step %scan3A_311 iter_args(%scan3A_385 = %broadcast_in_dim3A_305) -> (vector<16xf32>)  : i32 {
      %mul3A_386 = arith.constant 48 : i32
      %mul3A_387 = arith.muli %scan3A_384, %mul3A_386 : i32
      %add3A_388 = vector.broadcast %mul3A_387 : i32 to vector<16xi32>
      %add3A_389 = arith.addi %mul3A_25, %add3A_388 : vector<16xi32>
      %add3A_390 = arith.constant 1 : i32
      %add3A_391 = vector.broadcast %add3A_390 : i32 to vector<16xi32>
      %add3A_392 = arith.addi %add3A_389, %add3A_391 : vector<16xi32>
      %add3A_393 = arith.constant 2 : i32
      %add3A_394 = vector.broadcast %add3A_393 : i32 to vector<16xi32>
      %add3A_395 = arith.addi %add3A_389, %add3A_394 : vector<16xi32>
      %gather3A = tpu.vector_load_idx %arg13[%add3A_389] : memref<12000xf32, #tpu.memory_space<vmem>>[vector<16xi32>], vector<16xf32>,
      %gather3A_396 = tpu.vector_load_idx %arg14[%add3A_389] : memref<12000xf32, #tpu.memory_space<vmem>>[vector<16xi32>], vector<16xf32>,
      %gather3A_397 = tpu.vector_load_idx %arg15[%add3A_389] : memref<12000xf32, #tpu.memory_space<vmem>>[vector<16xi32>], vector<16xf32>,
      %gather3A_398 = tpu.vector_load_idx %arg13[%add3A_392] : memref<12000xf32, #tpu.memory_space<vmem>>[vector<16xi32>], vector<16xf32>,
      %gather3A_399 = tpu.vector_load_idx %arg14[%add3A_392] : memref<12000xf32, #tpu.memory_space<vmem>>[vector<16xi32>], vector<16xf32>,
      %gather3A_400 = tpu.vector_load_idx %arg15[%add3A_392] : memref<12000xf32, #tpu.memory_space<vmem>>[vector<16xi32>], vector<16xf32>,
      %gather3A_401 = tpu.vector_load_idx %arg13[%add3A_395] : memref<12000xf32, #tpu.memory_space<vmem>>[vector<16xi32>], vector<16xf32>,
      %gather3A_402 = tpu.vector_load_idx %arg14[%add3A_395] : memref<12000xf32, #tpu.memory_space<vmem>>[vector<16xi32>], vector<16xf32>,
      %gather3A_403 = tpu.vector_load_idx %arg15[%add3A_395] : memref<12000xf32, #tpu.memory_space<vmem>>[vector<16xi32>], vector<16xf32>,
      %gather3A_404 = tpu.vector_load_idx %arg17[%add3A_389] : memref<12000xf32, #tpu.memory_space<vmem>>[vector<16xi32>], vector<16xf32>,
      %gather3A_405 = tpu.vector_load_idx %arg17[%add3A_392] : memref<12000xf32, #tpu.memory_space<vmem>>[vector<16xi32>], vector<16xf32>,
      %gather3A_406 = tpu.vector_load_idx %arg17[%add3A_395] : memref<12000xf32, #tpu.memory_space<vmem>>[vector<16xi32>], vector<16xf32>,
      %gather3A_407 = tpu.vector_load_idx %arg16[%add3A_389] : memref<12000xf32, #tpu.memory_space<vmem>>[vector<16xi32>], vector<16xf32>,
      %gather3A_408 = tpu.vector_load_idx %arg16[%add3A_392] : memref<12000xf32, #tpu.memory_space<vmem>>[vector<16xi32>], vector<16xf32>,
      %gather3A_409 = tpu.vector_load_idx %arg16[%add3A_395] : memref<12000xf32, #tpu.memory_space<vmem>>[vector<16xi32>], vector<16xf32>,
      %sub3A_410 = arith.subf %gather3A, %gather3A_398 : vector<16xf32>
      %sub3A_411 = arith.subf %gather3A_396, %gather3A_399 : vector<16xf32>
      %sub3A_412 = arith.subf %gather3A_397, %gather3A_400 : vector<16xf32>
      %sub3A_413 = arith.subf %gather3A, %gather3A_401 : vector<16xf32>
      %sub3A_414 = arith.subf %gather3A_396, %gather3A_402 : vector<16xf32>
      %sub3A_415 = arith.subf %gather3A_397, %gather3A_403 : vector<16xf32>
      %sub3A_416 = arith.subf %gather3A_398, %gather3A_401 : vector<16xf32>
      %sub3A_417 = arith.subf %gather3A_399, %gather3A_402 : vector<16xf32>
      %sub3A_418 = arith.subf %gather3A_400, %gather3A_403 : vector<16xf32>
      %mul3A_419 = arith.mulf %sub3A_410, %sub3A_410 : vector<16xf32>
      %mul3A_420 = arith.mulf %sub3A_411, %sub3A_411 : vector<16xf32>
      %add3A_421 = arith.addf %mul3A_419, %mul3A_420 : vector<16xf32>
      %mul3A_422 = arith.mulf %sub3A_412, %sub3A_412 : vector<16xf32>
      %add3A_423 = arith.addf %add3A_421, %mul3A_422 : vector<16xf32>
      %max3A = arith.constant 1.000000e-35 : f32
      %max3A_424 = vector.broadcast %max3A : f32 to vector<16xf32>
      %max3A_425 = arith.maximumf %add3A_423, %max3A_424 : vector<16xf32>
      %bitcast3A = vector.bitcast %max3A_425 : vector<16xf32> to vector<16xi32>
      %shift_right_arithmetic3A = arith.constant 1 : i32
      %shift_right_arithmetic3A_426 = vector.broadcast %shift_right_arithmetic3A : i32 to vector<16xi32>
      %shift_right_arithmetic3A_427 = arith.shrsi %bitcast3A, %shift_right_arithmetic3A_426 : vector<16xi32>
      %sub3A_428 = arith.constant 1597463007 : i32
      %sub3A_429 = vector.broadcast %sub3A_428 : i32 to vector<16xi32>
      %sub3A_430 = arith.subi %sub3A_429, %shift_right_arithmetic3A_427 : vector<16xi32>
      %bitcast3A_431 = vector.bitcast %sub3A_430 : vector<16xi32> to vector<16xf32>
      %mul3A_432 = arith.constant 5.000000e-01 : f32
      %mul3A_433 = vector.broadcast %mul3A_432 : f32 to vector<16xf32>
      %mul3A_434 = arith.mulf %mul3A_433, %max3A_425 : vector<16xf32>
      %mul3A_435 = arith.mulf %mul3A_434, %bitcast3A_431 : vector<16xf32>
      %mul3A_436 = arith.mulf %mul3A_435, %bitcast3A_431 : vector<16xf32>
      %sub3A_437 = arith.constant 1.500000e+00 : f32
      %sub3A_438 = vector.broadcast %sub3A_437 : f32 to vector<16xf32>
      %sub3A_439 = arith.subf %sub3A_438, %mul3A_436 : vector<16xf32>
      %mul3A_440 = arith.mulf %bitcast3A_431, %sub3A_439 : vector<16xf32>
      %mul3A_441 = arith.mulf %mul3A_434, %mul3A_440 : vector<16xf32>
      %mul3A_442 = arith.mulf %mul3A_441, %mul3A_440 : vector<16xf32>
      %sub3A_443 = arith.constant 1.500000e+00 : f32
      %sub3A_444 = vector.broadcast %sub3A_443 : f32 to vector<16xf32>
      %sub3A_445 = arith.subf %sub3A_444, %mul3A_442 : vector<16xf32>
      %mul3A_446 = arith.mulf %mul3A_440, %sub3A_445 : vector<16xf32>
      %mul3A_447 = arith.mulf %max3A_425, %mul3A_446 : vector<16xf32>
      %mul3A_448 = arith.mulf %sub3A_413, %sub3A_413 : vector<16xf32>
      %mul3A_449 = arith.mulf %sub3A_414, %sub3A_414 : vector<16xf32>
      %add3A_450 = arith.addf %mul3A_448, %mul3A_449 : vector<16xf32>
      %mul3A_451 = arith.mulf %sub3A_415, %sub3A_415 : vector<16xf32>
      %add3A_452 = arith.addf %add3A_450, %mul3A_451 : vector<16xf32>
      %max3A_453 = arith.constant 1.000000e-35 : f32
      %max3A_454 = vector.broadcast %max3A_453 : f32 to vector<16xf32>
      %max3A_455 = arith.maximumf %add3A_452, %max3A_454 : vector<16xf32>
      %bitcast3A_456 = vector.bitcast %max3A_455 : vector<16xf32> to vector<16xi32>
      %shift_right_arithmetic3A_457 = arith.constant 1 : i32
      %shift_right_arithmetic3A_458 = vector.broadcast %shift_right_arithmetic3A_457 : i32 to vector<16xi32>
      %shift_right_arithmetic3A_459 = arith.shrsi %bitcast3A_456, %shift_right_arithmetic3A_458 : vector<16xi32>
      %sub3A_460 = arith.constant 1597463007 : i32
      %sub3A_461 = vector.broadcast %sub3A_460 : i32 to vector<16xi32>
      %sub3A_462 = arith.subi %sub3A_461, %shift_right_arithmetic3A_459 : vector<16xi32>
      %bitcast3A_463 = vector.bitcast %sub3A_462 : vector<16xi32> to vector<16xf32>
      %mul3A_464 = arith.constant 5.000000e-01 : f32
      %mul3A_465 = vector.broadcast %mul3A_464 : f32 to vector<16xf32>
      %mul3A_466 = arith.mulf %mul3A_465, %max3A_455 : vector<16xf32>
      %mul3A_467 = arith.mulf %mul3A_466, %bitcast3A_463 : vector<16xf32>
      %mul3A_468 = arith.mulf %mul3A_467, %bitcast3A_463 : vector<16xf32>
      %sub3A_469 = arith.constant 1.500000e+00 : f32
      %sub3A_470 = vector.broadcast %sub3A_469 : f32 to vector<16xf32>
      %sub3A_471 = arith.subf %sub3A_470, %mul3A_468 : vector<16xf32>
      %mul3A_472 = arith.mulf %bitcast3A_463, %sub3A_471 : vector<16xf32>
      %mul3A_473 = arith.mulf %mul3A_466, %mul3A_472 : vector<16xf32>
      %mul3A_474 = arith.mulf %mul3A_473, %mul3A_472 : vector<16xf32>
      %sub3A_475 = arith.constant 1.500000e+00 : f32
      %sub3A_476 = vector.broadcast %sub3A_475 : f32 to vector<16xf32>
      %sub3A_477 = arith.subf %sub3A_476, %mul3A_474 : vector<16xf32>
      %mul3A_478 = arith.mulf %mul3A_472, %sub3A_477 : vector<16xf32>
      %mul3A_479 = arith.mulf %max3A_455, %mul3A_478 : vector<16xf32>
      %mul3A_480 = arith.mulf %sub3A_416, %sub3A_416 : vector<16xf32>
      %mul3A_481 = arith.mulf %sub3A_417, %sub3A_417 : vector<16xf32>
      %add3A_482 = arith.addf %mul3A_480, %mul3A_481 : vector<16xf32>
      %mul3A_483 = arith.mulf %sub3A_418, %sub3A_418 : vector<16xf32>
      %add3A_484 = arith.addf %add3A_482, %mul3A_483 : vector<16xf32>
      %max3A_485 = arith.constant 1.000000e-35 : f32
      %max3A_486 = vector.broadcast %max3A_485 : f32 to vector<16xf32>
      %max3A_487 = arith.maximumf %add3A_484, %max3A_486 : vector<16xf32>
      %bitcast3A_488 = vector.bitcast %max3A_487 : vector<16xf32> to vector<16xi32>
      %shift_right_arithmetic3A_489 = arith.constant 1 : i32
      %shift_right_arithmetic3A_490 = vector.broadcast %shift_right_arithmetic3A_489 : i32 to vector<16xi32>
      %shift_right_arithmetic3A_491 = arith.shrsi %bitcast3A_488, %shift_right_arithmetic3A_490 : vector<16xi32>
      %sub3A_492 = arith.constant 1597463007 : i32
      %sub3A_493 = vector.broadcast %sub3A_492 : i32 to vector<16xi32>
      %sub3A_494 = arith.subi %sub3A_493, %shift_right_arithmetic3A_491 : vector<16xi32>
      %bitcast3A_495 = vector.bitcast %sub3A_494 : vector<16xi32> to vector<16xf32>
      %mul3A_496 = arith.constant 5.000000e-01 : f32
      %mul3A_497 = vector.broadcast %mul3A_496 : f32 to vector<16xf32>
      %mul3A_498 = arith.mulf %mul3A_497, %max3A_487 : vector<16xf32>
      %mul3A_499 = arith.mulf %mul3A_498, %bitcast3A_495 : vector<16xf32>
      %mul3A_500 = arith.mulf %mul3A_499, %bitcast3A_495 : vector<16xf32>
      %sub3A_501 = arith.constant 1.500000e+00 : f32
      %sub3A_502 = vector.broadcast %sub3A_501 : f32 to vector<16xf32>
      %sub3A_503 = arith.subf %sub3A_502, %mul3A_500 : vector<16xf32>
      %mul3A_504 = arith.mulf %bitcast3A_495, %sub3A_503 : vector<16xf32>
      %mul3A_505 = arith.mulf %mul3A_498, %mul3A_504 : vector<16xf32>
      %mul3A_506 = arith.mulf %mul3A_505, %mul3A_504 : vector<16xf32>
      %sub3A_507 = arith.constant 1.500000e+00 : f32
      %sub3A_508 = vector.broadcast %sub3A_507 : f32 to vector<16xf32>
      %sub3A_509 = arith.subf %sub3A_508, %mul3A_506 : vector<16xf32>
      %mul3A_510 = arith.mulf %mul3A_504, %sub3A_509 : vector<16xf32>
      %mul3A_511 = arith.mulf %max3A_487, %mul3A_510 : vector<16xf32>
      %mul3A_512 = arith.mulf %gather3A_404, %gather3A_405 : vector<16xf32>
      %sub3A_513 = arith.subf %gather3A_407, %mul3A_447 : vector<16xf32>
      %mul3A_514 = arith.mulf %mul3A_512, %sub3A_513 : vector<16xf32>
      %mul3A_515 = arith.mulf %gather3A_404, %gather3A_406 : vector<16xf32>
      %sub3A_516 = arith.subf %gather3A_408, %mul3A_479 : vector<16xf32>
      %mul3A_517 = arith.mulf %mul3A_515, %sub3A_516 : vector<16xf32>
      %mul3A_518 = arith.mulf %gather3A_405, %gather3A_406 : vector<16xf32>
      %sub3A_519 = arith.subf %gather3A_409, %mul3A_511 : vector<16xf32>
      %mul3A_520 = arith.mulf %mul3A_518, %sub3A_519 : vector<16xf32>
      %mul3A_521 = arith.mulf %mul3A_514, %mul3A_514 : vector<16xf32>
      %mul3A_522 = arith.mulf %mul3A_517, %mul3A_517 : vector<16xf32>
      %add3A_523 = arith.addf %mul3A_521, %mul3A_522 : vector<16xf32>
      %mul3A_524 = arith.mulf %mul3A_520, %mul3A_520 : vector<16xf32>
      %add3A_525 = arith.addf %add3A_523, %mul3A_524 : vector<16xf32>
      %mul3A_526 = vector.broadcast %scan3A_306 : f32 to vector<16xf32>
      %mul3A_527 = arith.mulf %add3A_525, %mul3A_526 : vector<16xf32>
      %add3A_528 = vector.broadcast %scan3A_307 : f32 to vector<16xf32>
      %add3A_529 = arith.addf %mul3A_527, %add3A_528 : vector<16xf32>
      %max3A_530 = arith.constant 1.000000e-35 : f32
      %max3A_531 = vector.broadcast %max3A_530 : f32 to vector<16xf32>
      %max3A_532 = arith.maximumf %add3A_529, %max3A_531 : vector<16xf32>
      %bitcast3A_533 = vector.bitcast %max3A_532 : vector<16xf32> to vector<16xi32>
      %shift_right_arithmetic3A_534 = arith.constant 1 : i32
      %shift_right_arithmetic3A_535 = vector.broadcast %shift_right_arithmetic3A_534 : i32 to vector<16xi32>
      %shift_right_arithmetic3A_536 = arith.shrsi %bitcast3A_533, %shift_right_arithmetic3A_535 : vector<16xi32>
      %sub3A_537 = arith.constant 1597463007 : i32
      %sub3A_538 = vector.broadcast %sub3A_537 : i32 to vector<16xi32>
      %sub3A_539 = arith.subi %sub3A_538, %shift_right_arithmetic3A_536 : vector<16xi32>
      %bitcast3A_540 = vector.bitcast %sub3A_539 : vector<16xi32> to vector<16xf32>
      %mul3A_541 = arith.constant 5.000000e-01 : f32
      %mul3A_542 = vector.broadcast %mul3A_541 : f32 to vector<16xf32>
      %mul3A_543 = arith.mulf %mul3A_542, %max3A_532 : vector<16xf32>
      %mul3A_544 = arith.mulf %mul3A_543, %bitcast3A_540 : vector<16xf32>
      %mul3A_545 = arith.mulf %mul3A_544, %bitcast3A_540 : vector<16xf32>
      %sub3A_546 = arith.constant 1.500000e+00 : f32
      %sub3A_547 = vector.broadcast %sub3A_546 : f32 to vector<16xf32>
      %sub3A_548 = arith.subf %sub3A_547, %mul3A_545 : vector<16xf32>
      %mul3A_549 = arith.mulf %bitcast3A_540, %sub3A_548 : vector<16xf32>
      %mul3A_550 = arith.mulf %mul3A_543, %mul3A_549 : vector<16xf32>
      %mul3A_551 = arith.mulf %mul3A_550, %mul3A_549 : vector<16xf32>
      %sub3A_552 = arith.constant 1.500000e+00 : f32
      %sub3A_553 = vector.broadcast %sub3A_552 : f32 to vector<16xf32>
      %sub3A_554 = arith.subf %sub3A_553, %mul3A_551 : vector<16xf32>
      %mul3A_555 = arith.mulf %mul3A_549, %sub3A_554 : vector<16xf32>
      %mul3A_556 = arith.mulf %max3A_532, %mul3A_555 : vector<16xf32>
      %add3A_557 = arith.addf %scan3A_385, %mul3A_556 : vector<16xf32>
      scf.yield %add3A_557 : vector<16xf32>
    }
    %scan3A_313 = arith.constant 250 : i32
    %mul3A_314 = vector.broadcast %select_n3A_303 : f32 to vector<16xf32>
    %mul3A_315 = arith.mulf %mul3A_314, %scan3A_312 : vector<16xf32>
    %add3A_316 = arith.addf %add3A_278, %mul3A_315 : vector<16xf32>
    %dma_start3A_317 = tpu.memref_slice %arg3[%mul3A_80] : memref<3000000xf32, #tpu.memory_space<hbm>> -> memref<12000xf32, #tpu.memory_space<hbm>>
    %dma_start3A_318 = tpu.memref_slice %arg3[%mul3A_80] : memref<3000000xf32, #tpu.memory_space<hbm>> -> memref<12000xf32, #tpu.memory_space<hbm>>
    tpu.enqueue_dma source(%dma_start3A_318 : memref<12000xf32, #tpu.memory_space<hbm>>) target(%arg13 : memref<12000xf32, #tpu.memory_space<vmem>>) target_semaphore(%arg20 : memref<!tpu.dma_semaphore, #tpu.memory_space<semaphore_mem>>)
    %dma_start3A_319 = tpu.memref_slice %arg4[%mul3A_80] : memref<3000000xf32, #tpu.memory_space<hbm>> -> memref<12000xf32, #tpu.memory_space<hbm>>
    %dma_start3A_320 = tpu.memref_slice %arg4[%mul3A_80] : memref<3000000xf32, #tpu.memory_space<hbm>> -> memref<12000xf32, #tpu.memory_space<hbm>>
    tpu.enqueue_dma source(%dma_start3A_320 : memref<12000xf32, #tpu.memory_space<hbm>>) target(%arg14 : memref<12000xf32, #tpu.memory_space<vmem>>) target_semaphore(%arg20 : memref<!tpu.dma_semaphore, #tpu.memory_space<semaphore_mem>>)
    %dma_start3A_321 = tpu.memref_slice %arg5[%mul3A_80] : memref<3000000xf32, #tpu.memory_space<hbm>> -> memref<12000xf32, #tpu.memory_space<hbm>>
    %dma_start3A_322 = tpu.memref_slice %arg5[%mul3A_80] : memref<3000000xf32, #tpu.memory_space<hbm>> -> memref<12000xf32, #tpu.memory_space<hbm>>
    tpu.enqueue_dma source(%dma_start3A_322 : memref<12000xf32, #tpu.memory_space<hbm>>) target(%arg15 : memref<12000xf32, #tpu.memory_space<vmem>>) target_semaphore(%arg20 : memref<!tpu.dma_semaphore, #tpu.memory_space<semaphore_mem>>)
    %dma_start3A_323 = tpu.memref_slice %arg2[%mul3A_80] : memref<3000000xf32, #tpu.memory_space<hbm>> -> memref<12000xf32, #tpu.memory_space<hbm>>
    %dma_start3A_324 = tpu.memref_slice %arg2[%mul3A_80] : memref<3000000xf32, #tpu.memory_space<hbm>> -> memref<12000xf32, #tpu.memory_space<hbm>>
    tpu.enqueue_dma source(%dma_start3A_324 : memref<12000xf32, #tpu.memory_space<hbm>>) target(%arg16 : memref<12000xf32, #tpu.memory_space<vmem>>) target_semaphore(%arg20 : memref<!tpu.dma_semaphore, #tpu.memory_space<semaphore_mem>>)
    %dma_start3A_325 = tpu.memref_slice %arg6[%mul3A_80] : memref<3000000xf32, #tpu.memory_space<hbm>> -> memref<12000xf32, #tpu.memory_space<hbm>>
    %dma_start3A_326 = tpu.memref_slice %arg6[%mul3A_80] : memref<3000000xf32, #tpu.memory_space<hbm>> -> memref<12000xf32, #tpu.memory_space<hbm>>
    tpu.enqueue_dma source(%dma_start3A_326 : memref<12000xf32, #tpu.memory_space<hbm>>) target(%arg17 : memref<12000xf32, #tpu.memory_space<vmem>>) target_semaphore(%arg20 : memref<!tpu.dma_semaphore, #tpu.memory_space<semaphore_mem>>)
    %dma_wait3A_327 = tpu.memref_slice %arg3[%mul3A_73] : memref<3000000xf32, #tpu.memory_space<hbm>> -> memref<12000xf32, #tpu.memory_space<hbm>>
    %dma_wait3A_328 = tpu.memref_slice %arg3[%mul3A_73] : memref<3000000xf32, #tpu.memory_space<hbm>> -> memref<12000xf32, #tpu.memory_space<hbm>>
    tpu.wait_dma2 semaphore(%arg19 : memref<!tpu.dma_semaphore, #tpu.memory_space<semaphore_mem>>) src(%dma_wait3A_328 : memref<12000xf32, #tpu.memory_space<hbm>>) dst(%arg8 : memref<12000xf32, #tpu.memory_space<vmem>>)
    %dma_wait3A_329 = tpu.memref_slice %arg4[%mul3A_73] : memref<3000000xf32, #tpu.memory_space<hbm>> -> memref<12000xf32, #tpu.memory_space<hbm>>
    %dma_wait3A_330 = tpu.memref_slice %arg4[%mul3A_73] : memref<3000000xf32, #tpu.memory_space<hbm>> -> memref<12000xf32, #tpu.memory_space<hbm>>
    tpu.wait_dma2 semaphore(%arg19 : memref<!tpu.dma_semaphore, #tpu.memory_space<semaphore_mem>>) src(%dma_wait3A_330 : memref<12000xf32, #tpu.memory_space<hbm>>) dst(%arg9 : memref<12000xf32, #tpu.memory_space<vmem>>)
    %dma_wait3A_331 = tpu.memref_slice %arg5[%mul3A_73] : memref<3000000xf32, #tpu.memory_space<hbm>> -> memref<12000xf32, #tpu.memory_space<hbm>>
    %dma_wait3A_332 = tpu.memref_slice %arg5[%mul3A_73] : memref<3000000xf32, #tpu.memory_space<hbm>> -> memref<12000xf32, #tpu.memory_space<hbm>>
    tpu.wait_dma2 semaphore(%arg19 : memref<!tpu.dma_semaphore, #tpu.memory_space<semaphore_mem>>) src(%dma_wait3A_332 : memref<12000xf32, #tpu.memory_space<hbm>>) dst(%arg10 : memref<12000xf32, #tpu.memory_space<vmem>>)
    %dma_wait3A_333 = tpu.memref_slice %arg2[%mul3A_73] : memref<3000000xf32, #tpu.memory_space<hbm>> -> memref<12000xf32, #tpu.memory_space<hbm>>
    %dma_wait3A_334 = tpu.memref_slice %arg2[%mul3A_73] : memref<3000000xf32, #tpu.memory_space<hbm>> -> memref<12000xf32, #tpu.memory_space<hbm>>
    tpu.wait_dma2 semaphore(%arg19 : memref<!tpu.dma_semaphore, #tpu.memory_space<semaphore_mem>>) src(%dma_wait3A_334 : memref<12000xf32, #tpu.memory_space<hbm>>) dst(%arg11 : memref<12000xf32, #tpu.memory_space<vmem>>)
    %dma_wait3A_335 = tpu.memref_slice %arg6[%mul3A_73] : memref<3000000xf32, #tpu.memory_space<hbm>> -> memref<12000xf32, #tpu.memory_space<hbm>>
    %dma_wait3A_336 = tpu.memref_slice %arg6[%mul3A_73] : memref<3000000xf32, #tpu.memory_space<hbm>> -> memref<12000xf32, #tpu.memory_space<hbm>>
    tpu.wait_dma2 semaphore(%arg19 : memref<!tpu.dma_semaphore, #tpu.memory_space<semaphore_mem>>) src(%dma_wait3A_336 : memref<12000xf32, #tpu.memory_space<hbm>>) dst(%arg12 : memref<12000xf32, #tpu.memory_space<vmem>>)
    %gt3A_337 = arith.constant 6 : i32
    %gt3A_338 = arith.cmpi sgt, %select_n3A, %gt3A_337 : i32
    %jit3A_339 = arith.constant 1.000000e+00 : f32
    %jit3A_340 = arith.constant 0.000000e+00 : f32
    %select_n3A_341 = arith.select %gt3A_338, %jit3A_339, %jit3A_340 : f32
    %broadcast_in_dim3A_342 = arith.constant 0.000000e+00 : f32
    %broadcast_in_dim3A_343 = vector.broadcast %broadcast_in_dim3A_342 : f32 to vector<16xf32>
    %scan3A_344 = arith.constant 0.333333343 : f32
    %scan3A_345 = arith.constant 9.99999997E-7 : f32
    %scan3A_346 = arith.constant 0 : i32
    %scan3A_347 = arith.constant 250 : i32
    %scan3A_348 = arith.addi %scan3A_346, %scan3A_347 : i32
    %scan3A_349 = arith.constant 1 : i32
    %scan3A_350 = scf.for %scan3A_384 = %scan3A_346 to %scan3A_348 step %scan3A_349 iter_args(%scan3A_385 = %broadcast_in_dim3A_343) -> (vector<16xf32>)  : i32 {
      %mul3A_386 = arith.constant 48 : i32
      %mul3A_387 = arith.muli %scan3A_384, %mul3A_386 : i32
      %add3A_388 = vector.broadcast %mul3A_387 : i32 to vector<16xi32>
      %add3A_389 = arith.addi %mul3A_25, %add3A_388 : vector<16xi32>
      %add3A_390 = arith.constant 1 : i32
      %add3A_391 = vector.broadcast %add3A_390 : i32 to vector<16xi32>
      %add3A_392 = arith.addi %add3A_389, %add3A_391 : vector<16xi32>
      %add3A_393 = arith.constant 2 : i32
      %add3A_394 = vector.broadcast %add3A_393 : i32 to vector<16xi32>
      %add3A_395 = arith.addi %add3A_389, %add3A_394 : vector<16xi32>
      %gather3A = tpu.vector_load_idx %arg8[%add3A_389] : memref<12000xf32, #tpu.memory_space<vmem>>[vector<16xi32>], vector<16xf32>,
      %gather3A_396 = tpu.vector_load_idx %arg9[%add3A_389] : memref<12000xf32, #tpu.memory_space<vmem>>[vector<16xi32>], vector<16xf32>,
      %gather3A_397 = tpu.vector_load_idx %arg10[%add3A_389] : memref<12000xf32, #tpu.memory_space<vmem>>[vector<16xi32>], vector<16xf32>,
      %gather3A_398 = tpu.vector_load_idx %arg8[%add3A_392] : memref<12000xf32, #tpu.memory_space<vmem>>[vector<16xi32>], vector<16xf32>,
      %gather3A_399 = tpu.vector_load_idx %arg9[%add3A_392] : memref<12000xf32, #tpu.memory_space<vmem>>[vector<16xi32>], vector<16xf32>,
      %gather3A_400 = tpu.vector_load_idx %arg10[%add3A_392] : memref<12000xf32, #tpu.memory_space<vmem>>[vector<16xi32>], vector<16xf32>,
      %gather3A_401 = tpu.vector_load_idx %arg8[%add3A_395] : memref<12000xf32, #tpu.memory_space<vmem>>[vector<16xi32>], vector<16xf32>,
      %gather3A_402 = tpu.vector_load_idx %arg9[%add3A_395] : memref<12000xf32, #tpu.memory_space<vmem>>[vector<16xi32>], vector<16xf32>,
      %gather3A_403 = tpu.vector_load_idx %arg10[%add3A_395] : memref<12000xf32, #tpu.memory_space<vmem>>[vector<16xi32>], vector<16xf32>,
      %gather3A_404 = tpu.vector_load_idx %arg12[%add3A_389] : memref<12000xf32, #tpu.memory_space<vmem>>[vector<16xi32>], vector<16xf32>,
      %gather3A_405 = tpu.vector_load_idx %arg12[%add3A_392] : memref<12000xf32, #tpu.memory_space<vmem>>[vector<16xi32>], vector<16xf32>,
      %gather3A_406 = tpu.vector_load_idx %arg12[%add3A_395] : memref<12000xf32, #tpu.memory_space<vmem>>[vector<16xi32>], vector<16xf32>,
      %gather3A_407 = tpu.vector_load_idx %arg11[%add3A_389] : memref<12000xf32, #tpu.memory_space<vmem>>[vector<16xi32>], vector<16xf32>,
      %gather3A_408 = tpu.vector_load_idx %arg11[%add3A_392] : memref<12000xf32, #tpu.memory_space<vmem>>[vector<16xi32>], vector<16xf32>,
      %gather3A_409 = tpu.vector_load_idx %arg11[%add3A_395] : memref<12000xf32, #tpu.memory_space<vmem>>[vector<16xi32>], vector<16xf32>,
      %sub3A_410 = arith.subf %gather3A, %gather3A_398 : vector<16xf32>
      %sub3A_411 = arith.subf %gather3A_396, %gather3A_399 : vector<16xf32>
      %sub3A_412 = arith.subf %gather3A_397, %gather3A_400 : vector<16xf32>
      %sub3A_413 = arith.subf %gather3A, %gather3A_401 : vector<16xf32>
      %sub3A_414 = arith.subf %gather3A_396, %gather3A_402 : vector<16xf32>
      %sub3A_415 = arith.subf %gather3A_397, %gather3A_403 : vector<16xf32>
      %sub3A_416 = arith.subf %gather3A_398, %gather3A_401 : vector<16xf32>
      %sub3A_417 = arith.subf %gather3A_399, %gather3A_402 : vector<16xf32>
      %sub3A_418 = arith.subf %gather3A_400, %gather3A_403 : vector<16xf32>
      %mul3A_419 = arith.mulf %sub3A_410, %sub3A_410 : vector<16xf32>
      %mul3A_420 = arith.mulf %sub3A_411, %sub3A_411 : vector<16xf32>
      %add3A_421 = arith.addf %mul3A_419, %mul3A_420 : vector<16xf32>
      %mul3A_422 = arith.mulf %sub3A_412, %sub3A_412 : vector<16xf32>
      %add3A_423 = arith.addf %add3A_421, %mul3A_422 : vector<16xf32>
      %max3A = arith.constant 1.000000e-35 : f32
      %max3A_424 = vector.broadcast %max3A : f32 to vector<16xf32>
      %max3A_425 = arith.maximumf %add3A_423, %max3A_424 : vector<16xf32>
      %bitcast3A = vector.bitcast %max3A_425 : vector<16xf32> to vector<16xi32>
      %shift_right_arithmetic3A = arith.constant 1 : i32
      %shift_right_arithmetic3A_426 = vector.broadcast %shift_right_arithmetic3A : i32 to vector<16xi32>
      %shift_right_arithmetic3A_427 = arith.shrsi %bitcast3A, %shift_right_arithmetic3A_426 : vector<16xi32>
      %sub3A_428 = arith.constant 1597463007 : i32
      %sub3A_429 = vector.broadcast %sub3A_428 : i32 to vector<16xi32>
      %sub3A_430 = arith.subi %sub3A_429, %shift_right_arithmetic3A_427 : vector<16xi32>
      %bitcast3A_431 = vector.bitcast %sub3A_430 : vector<16xi32> to vector<16xf32>
      %mul3A_432 = arith.constant 5.000000e-01 : f32
      %mul3A_433 = vector.broadcast %mul3A_432 : f32 to vector<16xf32>
      %mul3A_434 = arith.mulf %mul3A_433, %max3A_425 : vector<16xf32>
      %mul3A_435 = arith.mulf %mul3A_434, %bitcast3A_431 : vector<16xf32>
      %mul3A_436 = arith.mulf %mul3A_435, %bitcast3A_431 : vector<16xf32>
      %sub3A_437 = arith.constant 1.500000e+00 : f32
      %sub3A_438 = vector.broadcast %sub3A_437 : f32 to vector<16xf32>
      %sub3A_439 = arith.subf %sub3A_438, %mul3A_436 : vector<16xf32>
      %mul3A_440 = arith.mulf %bitcast3A_431, %sub3A_439 : vector<16xf32>
      %mul3A_441 = arith.mulf %mul3A_434, %mul3A_440 : vector<16xf32>
      %mul3A_442 = arith.mulf %mul3A_441, %mul3A_440 : vector<16xf32>
      %sub3A_443 = arith.constant 1.500000e+00 : f32
      %sub3A_444 = vector.broadcast %sub3A_443 : f32 to vector<16xf32>
      %sub3A_445 = arith.subf %sub3A_444, %mul3A_442 : vector<16xf32>
      %mul3A_446 = arith.mulf %mul3A_440, %sub3A_445 : vector<16xf32>
      %mul3A_447 = arith.mulf %max3A_425, %mul3A_446 : vector<16xf32>
      %mul3A_448 = arith.mulf %sub3A_413, %sub3A_413 : vector<16xf32>
      %mul3A_449 = arith.mulf %sub3A_414, %sub3A_414 : vector<16xf32>
      %add3A_450 = arith.addf %mul3A_448, %mul3A_449 : vector<16xf32>
      %mul3A_451 = arith.mulf %sub3A_415, %sub3A_415 : vector<16xf32>
      %add3A_452 = arith.addf %add3A_450, %mul3A_451 : vector<16xf32>
      %max3A_453 = arith.constant 1.000000e-35 : f32
      %max3A_454 = vector.broadcast %max3A_453 : f32 to vector<16xf32>
      %max3A_455 = arith.maximumf %add3A_452, %max3A_454 : vector<16xf32>
      %bitcast3A_456 = vector.bitcast %max3A_455 : vector<16xf32> to vector<16xi32>
      %shift_right_arithmetic3A_457 = arith.constant 1 : i32
      %shift_right_arithmetic3A_458 = vector.broadcast %shift_right_arithmetic3A_457 : i32 to vector<16xi32>
      %shift_right_arithmetic3A_459 = arith.shrsi %bitcast3A_456, %shift_right_arithmetic3A_458 : vector<16xi32>
      %sub3A_460 = arith.constant 1597463007 : i32
      %sub3A_461 = vector.broadcast %sub3A_460 : i32 to vector<16xi32>
      %sub3A_462 = arith.subi %sub3A_461, %shift_right_arithmetic3A_459 : vector<16xi32>
      %bitcast3A_463 = vector.bitcast %sub3A_462 : vector<16xi32> to vector<16xf32>
      %mul3A_464 = arith.constant 5.000000e-01 : f32
      %mul3A_465 = vector.broadcast %mul3A_464 : f32 to vector<16xf32>
      %mul3A_466 = arith.mulf %mul3A_465, %max3A_455 : vector<16xf32>
      %mul3A_467 = arith.mulf %mul3A_466, %bitcast3A_463 : vector<16xf32>
      %mul3A_468 = arith.mulf %mul3A_467, %bitcast3A_463 : vector<16xf32>
      %sub3A_469 = arith.constant 1.500000e+00 : f32
      %sub3A_470 = vector.broadcast %sub3A_469 : f32 to vector<16xf32>
      %sub3A_471 = arith.subf %sub3A_470, %mul3A_468 : vector<16xf32>
      %mul3A_472 = arith.mulf %bitcast3A_463, %sub3A_471 : vector<16xf32>
      %mul3A_473 = arith.mulf %mul3A_466, %mul3A_472 : vector<16xf32>
      %mul3A_474 = arith.mulf %mul3A_473, %mul3A_472 : vector<16xf32>
      %sub3A_475 = arith.constant 1.500000e+00 : f32
      %sub3A_476 = vector.broadcast %sub3A_475 : f32 to vector<16xf32>
      %sub3A_477 = arith.subf %sub3A_476, %mul3A_474 : vector<16xf32>
      %mul3A_478 = arith.mulf %mul3A_472, %sub3A_477 : vector<16xf32>
      %mul3A_479 = arith.mulf %max3A_455, %mul3A_478 : vector<16xf32>
      %mul3A_480 = arith.mulf %sub3A_416, %sub3A_416 : vector<16xf32>
      %mul3A_481 = arith.mulf %sub3A_417, %sub3A_417 : vector<16xf32>
      %add3A_482 = arith.addf %mul3A_480, %mul3A_481 : vector<16xf32>
      %mul3A_483 = arith.mulf %sub3A_418, %sub3A_418 : vector<16xf32>
      %add3A_484 = arith.addf %add3A_482, %mul3A_483 : vector<16xf32>
      %max3A_485 = arith.constant 1.000000e-35 : f32
      %max3A_486 = vector.broadcast %max3A_485 : f32 to vector<16xf32>
      %max3A_487 = arith.maximumf %add3A_484, %max3A_486 : vector<16xf32>
      %bitcast3A_488 = vector.bitcast %max3A_487 : vector<16xf32> to vector<16xi32>
      %shift_right_arithmetic3A_489 = arith.constant 1 : i32
      %shift_right_arithmetic3A_490 = vector.broadcast %shift_right_arithmetic3A_489 : i32 to vector<16xi32>
      %shift_right_arithmetic3A_491 = arith.shrsi %bitcast3A_488, %shift_right_arithmetic3A_490 : vector<16xi32>
      %sub3A_492 = arith.constant 1597463007 : i32
      %sub3A_493 = vector.broadcast %sub3A_492 : i32 to vector<16xi32>
      %sub3A_494 = arith.subi %sub3A_493, %shift_right_arithmetic3A_491 : vector<16xi32>
      %bitcast3A_495 = vector.bitcast %sub3A_494 : vector<16xi32> to vector<16xf32>
      %mul3A_496 = arith.constant 5.000000e-01 : f32
      %mul3A_497 = vector.broadcast %mul3A_496 : f32 to vector<16xf32>
      %mul3A_498 = arith.mulf %mul3A_497, %max3A_487 : vector<16xf32>
      %mul3A_499 = arith.mulf %mul3A_498, %bitcast3A_495 : vector<16xf32>
      %mul3A_500 = arith.mulf %mul3A_499, %bitcast3A_495 : vector<16xf32>
      %sub3A_501 = arith.constant 1.500000e+00 : f32
      %sub3A_502 = vector.broadcast %sub3A_501 : f32 to vector<16xf32>
      %sub3A_503 = arith.subf %sub3A_502, %mul3A_500 : vector<16xf32>
      %mul3A_504 = arith.mulf %bitcast3A_495, %sub3A_503 : vector<16xf32>
      %mul3A_505 = arith.mulf %mul3A_498, %mul3A_504 : vector<16xf32>
      %mul3A_506 = arith.mulf %mul3A_505, %mul3A_504 : vector<16xf32>
      %sub3A_507 = arith.constant 1.500000e+00 : f32
      %sub3A_508 = vector.broadcast %sub3A_507 : f32 to vector<16xf32>
      %sub3A_509 = arith.subf %sub3A_508, %mul3A_506 : vector<16xf32>
      %mul3A_510 = arith.mulf %mul3A_504, %sub3A_509 : vector<16xf32>
      %mul3A_511 = arith.mulf %max3A_487, %mul3A_510 : vector<16xf32>
      %mul3A_512 = arith.mulf %gather3A_404, %gather3A_405 : vector<16xf32>
      %sub3A_513 = arith.subf %gather3A_407, %mul3A_447 : vector<16xf32>
      %mul3A_514 = arith.mulf %mul3A_512, %sub3A_513 : vector<16xf32>
      %mul3A_515 = arith.mulf %gather3A_404, %gather3A_406 : vector<16xf32>
      %sub3A_516 = arith.subf %gather3A_408, %mul3A_479 : vector<16xf32>
      %mul3A_517 = arith.mulf %mul3A_515, %sub3A_516 : vector<16xf32>
      %mul3A_518 = arith.mulf %gather3A_405, %gather3A_406 : vector<16xf32>
      %sub3A_519 = arith.subf %gather3A_409, %mul3A_511 : vector<16xf32>
      %mul3A_520 = arith.mulf %mul3A_518, %sub3A_519 : vector<16xf32>
      %mul3A_521 = arith.mulf %mul3A_514, %mul3A_514 : vector<16xf32>
      %mul3A_522 = arith.mulf %mul3A_517, %mul3A_517 : vector<16xf32>
      %add3A_523 = arith.addf %mul3A_521, %mul3A_522 : vector<16xf32>
      %mul3A_524 = arith.mulf %mul3A_520, %mul3A_520 : vector<16xf32>
      %add3A_525 = arith.addf %add3A_523, %mul3A_524 : vector<16xf32>
      %mul3A_526 = vector.broadcast %scan3A_344 : f32 to vector<16xf32>
      %mul3A_527 = arith.mulf %add3A_525, %mul3A_526 : vector<16xf32>
      %add3A_528 = vector.broadcast %scan3A_345 : f32 to vector<16xf32>
      %add3A_529 = arith.addf %mul3A_527, %add3A_528 : vector<16xf32>
      %max3A_530 = arith.constant 1.000000e-35 : f32
      %max3A_531 = vector.broadcast %max3A_530 : f32 to vector<16xf32>
      %max3A_532 = arith.maximumf %add3A_529, %max3A_531 : vector<16xf32>
      %bitcast3A_533 = vector.bitcast %max3A_532 : vector<16xf32> to vector<16xi32>
      %shift_right_arithmetic3A_534 = arith.constant 1 : i32
      %shift_right_arithmetic3A_535 = vector.broadcast %shift_right_arithmetic3A_534 : i32 to vector<16xi32>
      %shift_right_arithmetic3A_536 = arith.shrsi %bitcast3A_533, %shift_right_arithmetic3A_535 : vector<16xi32>
      %sub3A_537 = arith.constant 1597463007 : i32
      %sub3A_538 = vector.broadcast %sub3A_537 : i32 to vector<16xi32>
      %sub3A_539 = arith.subi %sub3A_538, %shift_right_arithmetic3A_536 : vector<16xi32>
      %bitcast3A_540 = vector.bitcast %sub3A_539 : vector<16xi32> to vector<16xf32>
      %mul3A_541 = arith.constant 5.000000e-01 : f32
      %mul3A_542 = vector.broadcast %mul3A_541 : f32 to vector<16xf32>
      %mul3A_543 = arith.mulf %mul3A_542, %max3A_532 : vector<16xf32>
      %mul3A_544 = arith.mulf %mul3A_543, %bitcast3A_540 : vector<16xf32>
      %mul3A_545 = arith.mulf %mul3A_544, %bitcast3A_540 : vector<16xf32>
      %sub3A_546 = arith.constant 1.500000e+00 : f32
      %sub3A_547 = vector.broadcast %sub3A_546 : f32 to vector<16xf32>
      %sub3A_548 = arith.subf %sub3A_547, %mul3A_545 : vector<16xf32>
      %mul3A_549 = arith.mulf %bitcast3A_540, %sub3A_548 : vector<16xf32>
      %mul3A_550 = arith.mulf %mul3A_543, %mul3A_549 : vector<16xf32>
      %mul3A_551 = arith.mulf %mul3A_550, %mul3A_549 : vector<16xf32>
      %sub3A_552 = arith.constant 1.500000e+00 : f32
      %sub3A_553 = vector.broadcast %sub3A_552 : f32 to vector<16xf32>
      %sub3A_554 = arith.subf %sub3A_553, %mul3A_551 : vector<16xf32>
      %mul3A_555 = arith.mulf %mul3A_549, %sub3A_554 : vector<16xf32>
      %mul3A_556 = arith.mulf %max3A_532, %mul3A_555 : vector<16xf32>
      %add3A_557 = arith.addf %scan3A_385, %mul3A_556 : vector<16xf32>
      scf.yield %add3A_557 : vector<16xf32>
    }
    %scan3A_351 = arith.constant 250 : i32
    %mul3A_352 = vector.broadcast %select_n3A_341 : f32 to vector<16xf32>
    %mul3A_353 = arith.mulf %mul3A_352, %scan3A_350 : vector<16xf32>
    %add3A_354 = arith.addf %add3A_316, %mul3A_353 : vector<16xf32>
    %dma_wait3A_355 = tpu.memref_slice %arg3[%mul3A_80] : memref<3000000xf32, #tpu.memory_space<hbm>> -> memref<12000xf32, #tpu.memory_space<hbm>>
    %dma_wait3A_356 = tpu.memref_slice %arg3[%mul3A_80] : memref<3000000xf32, #tpu.memory_space<hbm>> -> memref<12000xf32, #tpu.memory_space<hbm>>
    tpu.wait_dma2 semaphore(%arg20 : memref<!tpu.dma_semaphore, #tpu.memory_space<semaphore_mem>>) src(%dma_wait3A_356 : memref<12000xf32, #tpu.memory_space<hbm>>) dst(%arg13 : memref<12000xf32, #tpu.memory_space<vmem>>)
    %dma_wait3A_357 = tpu.memref_slice %arg4[%mul3A_80] : memref<3000000xf32, #tpu.memory_space<hbm>> -> memref<12000xf32, #tpu.memory_space<hbm>>
    %dma_wait3A_358 = tpu.memref_slice %arg4[%mul3A_80] : memref<3000000xf32, #tpu.memory_space<hbm>> -> memref<12000xf32, #tpu.memory_space<hbm>>
    tpu.wait_dma2 semaphore(%arg20 : memref<!tpu.dma_semaphore, #tpu.memory_space<semaphore_mem>>) src(%dma_wait3A_358 : memref<12000xf32, #tpu.memory_space<hbm>>) dst(%arg14 : memref<12000xf32, #tpu.memory_space<vmem>>)
    %dma_wait3A_359 = tpu.memref_slice %arg5[%mul3A_80] : memref<3000000xf32, #tpu.memory_space<hbm>> -> memref<12000xf32, #tpu.memory_space<hbm>>
    %dma_wait3A_360 = tpu.memref_slice %arg5[%mul3A_80] : memref<3000000xf32, #tpu.memory_space<hbm>> -> memref<12000xf32, #tpu.memory_space<hbm>>
    tpu.wait_dma2 semaphore(%arg20 : memref<!tpu.dma_semaphore, #tpu.memory_space<semaphore_mem>>) src(%dma_wait3A_360 : memref<12000xf32, #tpu.memory_space<hbm>>) dst(%arg15 : memref<12000xf32, #tpu.memory_space<vmem>>)
    %dma_wait3A_361 = tpu.memref_slice %arg2[%mul3A_80] : memref<3000000xf32, #tpu.memory_space<hbm>> -> memref<12000xf32, #tpu.memory_space<hbm>>
    %dma_wait3A_362 = tpu.memref_slice %arg2[%mul3A_80] : memref<3000000xf32, #tpu.memory_space<hbm>> -> memref<12000xf32, #tpu.memory_space<hbm>>
    tpu.wait_dma2 semaphore(%arg20 : memref<!tpu.dma_semaphore, #tpu.memory_space<semaphore_mem>>) src(%dma_wait3A_362 : memref<12000xf32, #tpu.memory_space<hbm>>) dst(%arg16 : memref<12000xf32, #tpu.memory_space<vmem>>)
    %dma_wait3A_363 = tpu.memref_slice %arg6[%mul3A_80] : memref<3000000xf32, #tpu.memory_space<hbm>> -> memref<12000xf32, #tpu.memory_space<hbm>>
    %dma_wait3A_364 = tpu.memref_slice %arg6[%mul3A_80] : memref<3000000xf32, #tpu.memory_space<hbm>> -> memref<12000xf32, #tpu.memory_space<hbm>>
    tpu.wait_dma2 semaphore(%arg20 : memref<!tpu.dma_semaphore, #tpu.memory_space<semaphore_mem>>) src(%dma_wait3A_364 : memref<12000xf32, #tpu.memory_space<hbm>>) dst(%arg17 : memref<12000xf32, #tpu.memory_space<vmem>>)
    %gt3A_365 = arith.constant 7 : i32
    %gt3A_366 = arith.cmpi sgt, %select_n3A, %gt3A_365 : i32
    %jit3A_367 = arith.constant 1.000000e+00 : f32
    %jit3A_368 = arith.constant 0.000000e+00 : f32
    %select_n3A_369 = arith.select %gt3A_366, %jit3A_367, %jit3A_368 : f32
    %broadcast_in_dim3A_370 = arith.constant 0.000000e+00 : f32
    %broadcast_in_dim3A_371 = vector.broadcast %broadcast_in_dim3A_370 : f32 to vector<16xf32>
    %scan3A_372 = arith.constant 0.333333343 : f32
    %scan3A_373 = arith.constant 9.99999997E-7 : f32
    %scan3A_374 = arith.constant 0 : i32
    %scan3A_375 = arith.constant 250 : i32
    %scan3A_376 = arith.addi %scan3A_374, %scan3A_375 : i32
    %scan3A_377 = arith.constant 1 : i32
    %scan3A_378 = scf.for %scan3A_384 = %scan3A_374 to %scan3A_376 step %scan3A_377 iter_args(%scan3A_385 = %broadcast_in_dim3A_371) -> (vector<16xf32>)  : i32 {
      %mul3A_386 = arith.constant 48 : i32
      %mul3A_387 = arith.muli %scan3A_384, %mul3A_386 : i32
      %add3A_388 = vector.broadcast %mul3A_387 : i32 to vector<16xi32>
      %add3A_389 = arith.addi %mul3A_25, %add3A_388 : vector<16xi32>
      %add3A_390 = arith.constant 1 : i32
      %add3A_391 = vector.broadcast %add3A_390 : i32 to vector<16xi32>
      %add3A_392 = arith.addi %add3A_389, %add3A_391 : vector<16xi32>
      %add3A_393 = arith.constant 2 : i32
      %add3A_394 = vector.broadcast %add3A_393 : i32 to vector<16xi32>
      %add3A_395 = arith.addi %add3A_389, %add3A_394 : vector<16xi32>
      %gather3A = tpu.vector_load_idx %arg13[%add3A_389] : memref<12000xf32, #tpu.memory_space<vmem>>[vector<16xi32>], vector<16xf32>,
      %gather3A_396 = tpu.vector_load_idx %arg14[%add3A_389] : memref<12000xf32, #tpu.memory_space<vmem>>[vector<16xi32>], vector<16xf32>,
      %gather3A_397 = tpu.vector_load_idx %arg15[%add3A_389] : memref<12000xf32, #tpu.memory_space<vmem>>[vector<16xi32>], vector<16xf32>,
      %gather3A_398 = tpu.vector_load_idx %arg13[%add3A_392] : memref<12000xf32, #tpu.memory_space<vmem>>[vector<16xi32>], vector<16xf32>,
      %gather3A_399 = tpu.vector_load_idx %arg14[%add3A_392] : memref<12000xf32, #tpu.memory_space<vmem>>[vector<16xi32>], vector<16xf32>,
      %gather3A_400 = tpu.vector_load_idx %arg15[%add3A_392] : memref<12000xf32, #tpu.memory_space<vmem>>[vector<16xi32>], vector<16xf32>,
      %gather3A_401 = tpu.vector_load_idx %arg13[%add3A_395] : memref<12000xf32, #tpu.memory_space<vmem>>[vector<16xi32>], vector<16xf32>,
      %gather3A_402 = tpu.vector_load_idx %arg14[%add3A_395] : memref<12000xf32, #tpu.memory_space<vmem>>[vector<16xi32>], vector<16xf32>,
      %gather3A_403 = tpu.vector_load_idx %arg15[%add3A_395] : memref<12000xf32, #tpu.memory_space<vmem>>[vector<16xi32>], vector<16xf32>,
      %gather3A_404 = tpu.vector_load_idx %arg17[%add3A_389] : memref<12000xf32, #tpu.memory_space<vmem>>[vector<16xi32>], vector<16xf32>,
      %gather3A_405 = tpu.vector_load_idx %arg17[%add3A_392] : memref<12000xf32, #tpu.memory_space<vmem>>[vector<16xi32>], vector<16xf32>,
      %gather3A_406 = tpu.vector_load_idx %arg17[%add3A_395] : memref<12000xf32, #tpu.memory_space<vmem>>[vector<16xi32>], vector<16xf32>,
      %gather3A_407 = tpu.vector_load_idx %arg16[%add3A_389] : memref<12000xf32, #tpu.memory_space<vmem>>[vector<16xi32>], vector<16xf32>,
      %gather3A_408 = tpu.vector_load_idx %arg16[%add3A_392] : memref<12000xf32, #tpu.memory_space<vmem>>[vector<16xi32>], vector<16xf32>,
      %gather3A_409 = tpu.vector_load_idx %arg16[%add3A_395] : memref<12000xf32, #tpu.memory_space<vmem>>[vector<16xi32>], vector<16xf32>,
      %sub3A_410 = arith.subf %gather3A, %gather3A_398 : vector<16xf32>
      %sub3A_411 = arith.subf %gather3A_396, %gather3A_399 : vector<16xf32>
      %sub3A_412 = arith.subf %gather3A_397, %gather3A_400 : vector<16xf32>
      %sub3A_413 = arith.subf %gather3A, %gather3A_401 : vector<16xf32>
      %sub3A_414 = arith.subf %gather3A_396, %gather3A_402 : vector<16xf32>
      %sub3A_415 = arith.subf %gather3A_397, %gather3A_403 : vector<16xf32>
      %sub3A_416 = arith.subf %gather3A_398, %gather3A_401 : vector<16xf32>
      %sub3A_417 = arith.subf %gather3A_399, %gather3A_402 : vector<16xf32>
      %sub3A_418 = arith.subf %gather3A_400, %gather3A_403 : vector<16xf32>
      %mul3A_419 = arith.mulf %sub3A_410, %sub3A_410 : vector<16xf32>
      %mul3A_420 = arith.mulf %sub3A_411, %sub3A_411 : vector<16xf32>
      %add3A_421 = arith.addf %mul3A_419, %mul3A_420 : vector<16xf32>
      %mul3A_422 = arith.mulf %sub3A_412, %sub3A_412 : vector<16xf32>
      %add3A_423 = arith.addf %add3A_421, %mul3A_422 : vector<16xf32>
      %max3A = arith.constant 1.000000e-35 : f32
      %max3A_424 = vector.broadcast %max3A : f32 to vector<16xf32>
      %max3A_425 = arith.maximumf %add3A_423, %max3A_424 : vector<16xf32>
      %bitcast3A = vector.bitcast %max3A_425 : vector<16xf32> to vector<16xi32>
      %shift_right_arithmetic3A = arith.constant 1 : i32
      %shift_right_arithmetic3A_426 = vector.broadcast %shift_right_arithmetic3A : i32 to vector<16xi32>
      %shift_right_arithmetic3A_427 = arith.shrsi %bitcast3A, %shift_right_arithmetic3A_426 : vector<16xi32>
      %sub3A_428 = arith.constant 1597463007 : i32
      %sub3A_429 = vector.broadcast %sub3A_428 : i32 to vector<16xi32>
      %sub3A_430 = arith.subi %sub3A_429, %shift_right_arithmetic3A_427 : vector<16xi32>
      %bitcast3A_431 = vector.bitcast %sub3A_430 : vector<16xi32> to vector<16xf32>
      %mul3A_432 = arith.constant 5.000000e-01 : f32
      %mul3A_433 = vector.broadcast %mul3A_432 : f32 to vector<16xf32>
      %mul3A_434 = arith.mulf %mul3A_433, %max3A_425 : vector<16xf32>
      %mul3A_435 = arith.mulf %mul3A_434, %bitcast3A_431 : vector<16xf32>
      %mul3A_436 = arith.mulf %mul3A_435, %bitcast3A_431 : vector<16xf32>
      %sub3A_437 = arith.constant 1.500000e+00 : f32
      %sub3A_438 = vector.broadcast %sub3A_437 : f32 to vector<16xf32>
      %sub3A_439 = arith.subf %sub3A_438, %mul3A_436 : vector<16xf32>
      %mul3A_440 = arith.mulf %bitcast3A_431, %sub3A_439 : vector<16xf32>
      %mul3A_441 = arith.mulf %mul3A_434, %mul3A_440 : vector<16xf32>
      %mul3A_442 = arith.mulf %mul3A_441, %mul3A_440 : vector<16xf32>
      %sub3A_443 = arith.constant 1.500000e+00 : f32
      %sub3A_444 = vector.broadcast %sub3A_443 : f32 to vector<16xf32>
      %sub3A_445 = arith.subf %sub3A_444, %mul3A_442 : vector<16xf32>
      %mul3A_446 = arith.mulf %mul3A_440, %sub3A_445 : vector<16xf32>
      %mul3A_447 = arith.mulf %max3A_425, %mul3A_446 : vector<16xf32>
      %mul3A_448 = arith.mulf %sub3A_413, %sub3A_413 : vector<16xf32>
      %mul3A_449 = arith.mulf %sub3A_414, %sub3A_414 : vector<16xf32>
      %add3A_450 = arith.addf %mul3A_448, %mul3A_449 : vector<16xf32>
      %mul3A_451 = arith.mulf %sub3A_415, %sub3A_415 : vector<16xf32>
      %add3A_452 = arith.addf %add3A_450, %mul3A_451 : vector<16xf32>
      %max3A_453 = arith.constant 1.000000e-35 : f32
      %max3A_454 = vector.broadcast %max3A_453 : f32 to vector<16xf32>
      %max3A_455 = arith.maximumf %add3A_452, %max3A_454 : vector<16xf32>
      %bitcast3A_456 = vector.bitcast %max3A_455 : vector<16xf32> to vector<16xi32>
      %shift_right_arithmetic3A_457 = arith.constant 1 : i32
      %shift_right_arithmetic3A_458 = vector.broadcast %shift_right_arithmetic3A_457 : i32 to vector<16xi32>
      %shift_right_arithmetic3A_459 = arith.shrsi %bitcast3A_456, %shift_right_arithmetic3A_458 : vector<16xi32>
      %sub3A_460 = arith.constant 1597463007 : i32
      %sub3A_461 = vector.broadcast %sub3A_460 : i32 to vector<16xi32>
      %sub3A_462 = arith.subi %sub3A_461, %shift_right_arithmetic3A_459 : vector<16xi32>
      %bitcast3A_463 = vector.bitcast %sub3A_462 : vector<16xi32> to vector<16xf32>
      %mul3A_464 = arith.constant 5.000000e-01 : f32
      %mul3A_465 = vector.broadcast %mul3A_464 : f32 to vector<16xf32>
      %mul3A_466 = arith.mulf %mul3A_465, %max3A_455 : vector<16xf32>
      %mul3A_467 = arith.mulf %mul3A_466, %bitcast3A_463 : vector<16xf32>
      %mul3A_468 = arith.mulf %mul3A_467, %bitcast3A_463 : vector<16xf32>
      %sub3A_469 = arith.constant 1.500000e+00 : f32
      %sub3A_470 = vector.broadcast %sub3A_469 : f32 to vector<16xf32>
      %sub3A_471 = arith.subf %sub3A_470, %mul3A_468 : vector<16xf32>
      %mul3A_472 = arith.mulf %bitcast3A_463, %sub3A_471 : vector<16xf32>
      %mul3A_473 = arith.mulf %mul3A_466, %mul3A_472 : vector<16xf32>
      %mul3A_474 = arith.mulf %mul3A_473, %mul3A_472 : vector<16xf32>
      %sub3A_475 = arith.constant 1.500000e+00 : f32
      %sub3A_476 = vector.broadcast %sub3A_475 : f32 to vector<16xf32>
      %sub3A_477 = arith.subf %sub3A_476, %mul3A_474 : vector<16xf32>
      %mul3A_478 = arith.mulf %mul3A_472, %sub3A_477 : vector<16xf32>
      %mul3A_479 = arith.mulf %max3A_455, %mul3A_478 : vector<16xf32>
      %mul3A_480 = arith.mulf %sub3A_416, %sub3A_416 : vector<16xf32>
      %mul3A_481 = arith.mulf %sub3A_417, %sub3A_417 : vector<16xf32>
      %add3A_482 = arith.addf %mul3A_480, %mul3A_481 : vector<16xf32>
      %mul3A_483 = arith.mulf %sub3A_418, %sub3A_418 : vector<16xf32>
      %add3A_484 = arith.addf %add3A_482, %mul3A_483 : vector<16xf32>
      %max3A_485 = arith.constant 1.000000e-35 : f32
      %max3A_486 = vector.broadcast %max3A_485 : f32 to vector<16xf32>
      %max3A_487 = arith.maximumf %add3A_484, %max3A_486 : vector<16xf32>
      %bitcast3A_488 = vector.bitcast %max3A_487 : vector<16xf32> to vector<16xi32>
      %shift_right_arithmetic3A_489 = arith.constant 1 : i32
      %shift_right_arithmetic3A_490 = vector.broadcast %shift_right_arithmetic3A_489 : i32 to vector<16xi32>
      %shift_right_arithmetic3A_491 = arith.shrsi %bitcast3A_488, %shift_right_arithmetic3A_490 : vector<16xi32>
      %sub3A_492 = arith.constant 1597463007 : i32
      %sub3A_493 = vector.broadcast %sub3A_492 : i32 to vector<16xi32>
      %sub3A_494 = arith.subi %sub3A_493, %shift_right_arithmetic3A_491 : vector<16xi32>
      %bitcast3A_495 = vector.bitcast %sub3A_494 : vector<16xi32> to vector<16xf32>
      %mul3A_496 = arith.constant 5.000000e-01 : f32
      %mul3A_497 = vector.broadcast %mul3A_496 : f32 to vector<16xf32>
      %mul3A_498 = arith.mulf %mul3A_497, %max3A_487 : vector<16xf32>
      %mul3A_499 = arith.mulf %mul3A_498, %bitcast3A_495 : vector<16xf32>
      %mul3A_500 = arith.mulf %mul3A_499, %bitcast3A_495 : vector<16xf32>
      %sub3A_501 = arith.constant 1.500000e+00 : f32
      %sub3A_502 = vector.broadcast %sub3A_501 : f32 to vector<16xf32>
      %sub3A_503 = arith.subf %sub3A_502, %mul3A_500 : vector<16xf32>
      %mul3A_504 = arith.mulf %bitcast3A_495, %sub3A_503 : vector<16xf32>
      %mul3A_505 = arith.mulf %mul3A_498, %mul3A_504 : vector<16xf32>
      %mul3A_506 = arith.mulf %mul3A_505, %mul3A_504 : vector<16xf32>
      %sub3A_507 = arith.constant 1.500000e+00 : f32
      %sub3A_508 = vector.broadcast %sub3A_507 : f32 to vector<16xf32>
      %sub3A_509 = arith.subf %sub3A_508, %mul3A_506 : vector<16xf32>
      %mul3A_510 = arith.mulf %mul3A_504, %sub3A_509 : vector<16xf32>
      %mul3A_511 = arith.mulf %max3A_487, %mul3A_510 : vector<16xf32>
      %mul3A_512 = arith.mulf %gather3A_404, %gather3A_405 : vector<16xf32>
      %sub3A_513 = arith.subf %gather3A_407, %mul3A_447 : vector<16xf32>
      %mul3A_514 = arith.mulf %mul3A_512, %sub3A_513 : vector<16xf32>
      %mul3A_515 = arith.mulf %gather3A_404, %gather3A_406 : vector<16xf32>
      %sub3A_516 = arith.subf %gather3A_408, %mul3A_479 : vector<16xf32>
      %mul3A_517 = arith.mulf %mul3A_515, %sub3A_516 : vector<16xf32>
      %mul3A_518 = arith.mulf %gather3A_405, %gather3A_406 : vector<16xf32>
      %sub3A_519 = arith.subf %gather3A_409, %mul3A_511 : vector<16xf32>
      %mul3A_520 = arith.mulf %mul3A_518, %sub3A_519 : vector<16xf32>
      %mul3A_521 = arith.mulf %mul3A_514, %mul3A_514 : vector<16xf32>
      %mul3A_522 = arith.mulf %mul3A_517, %mul3A_517 : vector<16xf32>
      %add3A_523 = arith.addf %mul3A_521, %mul3A_522 : vector<16xf32>
      %mul3A_524 = arith.mulf %mul3A_520, %mul3A_520 : vector<16xf32>
      %add3A_525 = arith.addf %add3A_523, %mul3A_524 : vector<16xf32>
      %mul3A_526 = vector.broadcast %scan3A_372 : f32 to vector<16xf32>
      %mul3A_527 = arith.mulf %add3A_525, %mul3A_526 : vector<16xf32>
      %add3A_528 = vector.broadcast %scan3A_373 : f32 to vector<16xf32>
      %add3A_529 = arith.addf %mul3A_527, %add3A_528 : vector<16xf32>
      %max3A_530 = arith.constant 1.000000e-35 : f32
      %max3A_531 = vector.broadcast %max3A_530 : f32 to vector<16xf32>
      %max3A_532 = arith.maximumf %add3A_529, %max3A_531 : vector<16xf32>
      %bitcast3A_533 = vector.bitcast %max3A_532 : vector<16xf32> to vector<16xi32>
      %shift_right_arithmetic3A_534 = arith.constant 1 : i32
      %shift_right_arithmetic3A_535 = vector.broadcast %shift_right_arithmetic3A_534 : i32 to vector<16xi32>
      %shift_right_arithmetic3A_536 = arith.shrsi %bitcast3A_533, %shift_right_arithmetic3A_535 : vector<16xi32>
      %sub3A_537 = arith.constant 1597463007 : i32
      %sub3A_538 = vector.broadcast %sub3A_537 : i32 to vector<16xi32>
      %sub3A_539 = arith.subi %sub3A_538, %shift_right_arithmetic3A_536 : vector<16xi32>
      %bitcast3A_540 = vector.bitcast %sub3A_539 : vector<16xi32> to vector<16xf32>
      %mul3A_541 = arith.constant 5.000000e-01 : f32
      %mul3A_542 = vector.broadcast %mul3A_541 : f32 to vector<16xf32>
      %mul3A_543 = arith.mulf %mul3A_542, %max3A_532 : vector<16xf32>
      %mul3A_544 = arith.mulf %mul3A_543, %bitcast3A_540 : vector<16xf32>
      %mul3A_545 = arith.mulf %mul3A_544, %bitcast3A_540 : vector<16xf32>
      %sub3A_546 = arith.constant 1.500000e+00 : f32
      %sub3A_547 = vector.broadcast %sub3A_546 : f32 to vector<16xf32>
      %sub3A_548 = arith.subf %sub3A_547, %mul3A_545 : vector<16xf32>
      %mul3A_549 = arith.mulf %bitcast3A_540, %sub3A_548 : vector<16xf32>
      %mul3A_550 = arith.mulf %mul3A_543, %mul3A_549 : vector<16xf32>
      %mul3A_551 = arith.mulf %mul3A_550, %mul3A_549 : vector<16xf32>
      %sub3A_552 = arith.constant 1.500000e+00 : f32
      %sub3A_553 = vector.broadcast %sub3A_552 : f32 to vector<16xf32>
      %sub3A_554 = arith.subf %sub3A_553, %mul3A_551 : vector<16xf32>
      %mul3A_555 = arith.mulf %mul3A_549, %sub3A_554 : vector<16xf32>
      %mul3A_556 = arith.mulf %max3A_532, %mul3A_555 : vector<16xf32>
      %add3A_557 = arith.addf %scan3A_385, %mul3A_556 : vector<16xf32>
      scf.yield %add3A_557 : vector<16xf32>
    }
    %scan3A_379 = arith.constant 250 : i32
    %mul3A_380 = vector.broadcast %select_n3A_369 : f32 to vector<16xf32>
    %mul3A_381 = arith.mulf %mul3A_380, %scan3A_378 : vector<16xf32>
    %add3A_382 = arith.addf %add3A_354, %mul3A_381 : vector<16xf32>
    %swap3A = arith.constant 0 : index
    %swap3A_383 = tpu.vector_load %arg18[%swap3A] {strides = array<i32>} : memref<16xf32, #tpu.memory_space<vmem>>, vector<16xf32>,
    tpu.vector_store %arg18[%swap3A], %add3A_382 {strides = array<i32>} : memref<16xf32, #tpu.memory_space<vmem>>, vector<16xf32>,
    "tpu.region"() ({
      %run_scoped3A = tpu.sem_alloc : memref<!tpu.dma_semaphore, #tpu.memory_space<semaphore_mem>>
      %dma_start3A_384 = arith.constant 0 : i32
      %dma_start3A_385 = tpu.memref_slice %arg7[%add3A, %dma_start3A_384] : memref<32x16xf32, #tpu.memory_space<hbm>> -> memref<1x16xf32, #tpu.memory_space<hbm>>
      %dma_start3A_386 = tpu.memref_squeeze %dma_start3A_385 : memref<1x16xf32, #tpu.memory_space<hbm>> -> memref<16xf32, #tpu.memory_space<hbm>>
      %dma_start3A_387 = arith.constant 0 : i32
      %dma_start3A_388 = tpu.memref_slice %arg7[%add3A, %dma_start3A_387] : memref<32x16xf32, #tpu.memory_space<hbm>> -> memref<1x16xf32, #tpu.memory_space<hbm>>
      %dma_start3A_389 = tpu.memref_squeeze %dma_start3A_388 : memref<1x16xf32, #tpu.memory_space<hbm>> -> memref<16xf32, #tpu.memory_space<hbm>>
      tpu.enqueue_dma source(%arg18 : memref<16xf32, #tpu.memory_space<vmem>>) target(%dma_start3A_389 : memref<16xf32, #tpu.memory_space<hbm>>) target_semaphore(%run_scoped3A : memref<!tpu.dma_semaphore, #tpu.memory_space<semaphore_mem>>)
      %dma_wait3A_390 = arith.constant 0 : i32
      %dma_wait3A_391 = tpu.memref_slice %arg7[%add3A, %dma_wait3A_390] : memref<32x16xf32, #tpu.memory_space<hbm>> -> memref<1x16xf32, #tpu.memory_space<hbm>>
      %dma_wait3A_392 = tpu.memref_squeeze %dma_wait3A_391 : memref<1x16xf32, #tpu.memory_space<hbm>> -> memref<16xf32, #tpu.memory_space<hbm>>
      %dma_wait3A_393 = arith.constant 0 : i32
      %dma_wait3A_394 = tpu.memref_slice %arg7[%add3A, %dma_wait3A_393] : memref<32x16xf32, #tpu.memory_space<hbm>> -> memref<1x16xf32, #tpu.memory_space<hbm>>
      %dma_wait3A_395 = tpu.memref_squeeze %dma_wait3A_394 : memref<1x16xf32, #tpu.memory_space<hbm>> -> memref<16xf32, #tpu.memory_space<hbm>>
      tpu.wait_dma2 semaphore(%run_scoped3A : memref<!tpu.dma_semaphore, #tpu.memory_space<semaphore_mem>>) src(%arg18 : memref<16xf32, #tpu.memory_space<vmem>>) dst(%dma_wait3A_395 : memref<16xf32, #tpu.memory_space<hbm>>)
      tpu.yield
    }) : () -> ()
    return
  }
}

</mosaic_0001>

<sc_bundles>
// kernel: kernel.3.cloned.1.call-start
scs
__scs_entry_jumppad:
0x0: {  	(pc) =	sbr.rel $0x88, $3  }
0x1: {  	(tag) =	ssettag $0x0;
	lr =	simm.s32 $0x1  }
0x2: {  	[smem:$0x3F9E] =	sst lr;
	_ =	strace $0xD0000000  }
0x3: {  	_ = 	snop  }
0x4: {  	_ = 	snop  }
0x5: {  	_ = 	snop  }
0x6: {  	_ = 	snop  }
0x7: {  	_ = 	snop  }
__scs_overlays_trampoline_lowered:
0x8: {  	[smem:$0x3FAD] =	sst s0  }
0x9: {  	[smem:$0x3FAE] =	sst s1  }
0xa: {  	[smem:$0x3FAF] =	sst s2  }
0xb: {  	[smem:$0x3FB0] =	sst s3  }
0xc: {  	[smem:$0x3FB1] =	sst s4  }
0xd: {  	[smem:$0x3FB2] =	sst s5  }
0xe: {  	[smem:$0x3FB3] =	sst s6  }
0xf: {  	[smem:$0x3FB4] =	sst s7  }
0x10: {  	[smem:$0x3FB5] =	sst s8  }
0x11: {  	[smem:$0x3FB6] =	sst s9;
	s0 =	simm.s32 @!p0 $0x0  }
0x12: {  	s1 =	sld [smem:$0x3F9C];
	s0 =	simm.s32 @p0 $0x1  }
0x13: {  	[smem:$0x3FB7] =	sst s0;
	s0 =	simm.s32 @!p1 $0x0  }
0x14: {  	s2 =	sld [smem:$0x3F9B];
	s0 =	simm.s32 @p1 $0x1  }
0x15: {  	[smem:$0x3FB8] =	sst s0;
	s0 =	simm.s32 @!p2 $0x0  }
0x16: {  	s3 =	sld [smem:$0x3FDB];
	s0 =	simm.s32 @p2 $0x1  }
0x17: {  	s4 =	simm.s32 $0x1BF5;
	[smem:$0x3FBA] =	sst s0  }
0x18: {  	s0 =	sld [smem:$0x3F9D];
	_ =	swait.ge [sflag:s4], $0x0  }
0x19: {  	s7 =	sld [smem:$0x3F9E]  }
0x1a: {  	s8 =	sadd.s32 $0xFFFFE003, lr  }
0x1b: {  	s9 =	sadd.s32 $0xFFFFFEF7, lr;
	s5 =	simm.s32 $0xFFFFFFFF;
	p2 =	slt.u32 s8, $0xFFFFF086  }
0x1c: {  	p1 =	slt.u32 s9, $0xF7A;
	s5 =	simm.s32 @!p2 $0x0  }
0x1d: {  	s5 =	simm.s32 @p1 $0x1;
	p0 =	seq.s32 s7, s2  }
0x1e: {  	s7 =	smul.u32 @!p0 $0xF7A, s2;
	p2 =	seq.s32 @!p0 s5, $0x0  }
0x1f: {  	s9 =	smul.u32 $0xF7A, s1;
	s8 =	simm.s32 @!p0 $0x1BF5;
	p2 =	por !p2, p0  }
0x20: {  	[sflag:s8] =	ssyncset.s32 @!p0 $0xFFFFF086;
	s6 =	sadd.s32 @!p0 s3, s7;
	s7 =	simm.s32 @!p0 $0x108  }
0x21: {  	s3 =	sadd.s32 s3, s9;
	s6 =	sadd.s32 @!p0 $0x88, s6;
	s7 =	simm.s32 @p2 $0x1082  }
0x22: {  	[simem:s7], [sflag:s8] =	dma.local @!p0 [hbm:s6], $0xF7A  }
0x23: {  	s9 =	sor.u32 $0xD0000000, s2;
	s6 =	simm.s32 $0x108;
	_ =	swait.ge @!p0 [sflag:s8], $0x0  }
0x24: {  	s3 =	sadd.s32 $0x88, s3;
	s6 =	simm.s32 @!p1 $0x1082;
	[sflag:s4] =	ssyncset.s32 $0xFFFFF086  }
0x25: {  	[simem:s6], [sflag:s4] =	dma.local [hbm:s3], $0xF7A  }
0x26: {  	[smem:$0x3F9E] =	sst s1;
	(tag) =	ssettag s2;
	_ =	strace s9  }
0x27: {  	s1 =	sld [smem:$0x3FAE]  }
0x28: {  	s2 =	sld [smem:$0x3FAF]  }
0x29: {  	s4 =	sld [smem:$0x3FB1]  }
0x2a: {  	p0 =	seq.s32 s5, $0x0;
	s5 =	sld [smem:$0x3FB2]  }
0x2b: {  	s6 =	sld [smem:$0x3FB3]  }
0x2c: {  	s7 =	sld [smem:$0x3FB4]  }
0x2d: {  	s3 =	simm.s32 $0x108;
	s8 =	sld [smem:$0x3FB5]  }
0x2e: {  	s3 =	simm.s32 @!p0 $0x1082;
	s9 =	sld [smem:$0x3FB6]  }
0x2f: {  	lr =	sadd.s32 s0, s3;
	s0 =	sld [smem:$0x3FAD]  }
0x30: {  	s3 =	sld [smem:$0x3FB0]  }
0x31: {  	[smem:$0x3FB9] =	sst s10  }
0x32: {  	s10 =	sld [smem:$0x3FB7];
	_ =	sdelay $0x3  }
0x33: {  	p0 =	seq.s32 s10, $0x1;
	s10 =	sld [smem:$0x3FB9];
	_ =	sdelay $0x3  }
0x34: {  	[smem:$0x3FB9] =	sst s10  }
0x35: {  	s10 =	sld [smem:$0x3FB8];
	_ =	sdelay $0x3  }
0x36: {  	p1 =	seq.s32 s10, $0x1;
	s10 =	sld [smem:$0x3FB9];
	_ =	sdelay $0x3  }
0x37: {  	[smem:$0x3FB9] =	sst s10  }
0x38: {  	s10 =	sld [smem:$0x3FBA]  }
0x39: {  	_ = 	snop;
	(pc) =	sbr.ind lr, $3  }
0x3a: {  	_ = 	snop  }
0x3b: {  	_ = 	snop  }
0x3c: {  	p2 =	seq.s32 s10, $0x1;
	s10 =	sld [smem:$0x3FB9]  }
0x3d: {  	_ =	shalt  }
0x3e: {  	_ =	shalt  }
0x3f: {  	_ =	shalt  }
0x40: {  	_ =	shalt  }
0x41: {  	_ =	shalt  }
0x42: {  	_ =	shalt  }
0x43: {  	_ =	shalt  }
0x44: {  	_ =	shalt  }
0x45: {  	_ =	shalt  }
0x46: {  	_ =	shalt  }
0x47: {  	_ =	shalt  }
0x48: {  	_ =	shalt  }
0x49: {  	_ =	shalt  }
0x4a: {  	_ =	shalt  }
0x4b: {  	_ =	shalt  }
0x4c: {  	_ =	shalt  }
0x4d: {  	_ =	shalt  }
0x4e: {  	_ =	shalt  }
0x4f: {  	_ =	shalt  }
0x50: {  	_ =	shalt  }
0x51: {  	_ =	shalt  }
0x52: {  	_ =	shalt  }
0x53: {  	_ =	shalt  }
0x54: {  	_ =	shalt  }
0x55: {  	_ =	shalt  }
0x56: {  	_ =	shalt  }
0x57: {  	_ =	shalt  }
0x58: {  	_ =	shalt  }
0x59: {  	_ =	shalt  }
0x5a: {  	_ =	shalt  }
0x5b: {  	_ =	shalt  }
0x5c: {  	_ =	shalt  }
0x5d: {  	_ =	shalt  }
0x5e: {  	_ =	shalt  }
0x5f: {  	_ =	shalt  }
0x60: {  	_ =	shalt  }
0x61: {  	_ =	shalt  }
0x62: {  	_ =	shalt  }
0x63: {  	_ =	shalt  }
0x64: {  	_ =	shalt  }
0x65: {  	_ =	shalt  }
0x66: {  	_ =	shalt  }
0x67: {  	_ =	shalt  }
0x68: {  	_ =	shalt  }
0x69: {  	_ =	shalt  }
0x6a: {  	_ =	shalt  }
0x6b: {  	_ =	shalt  }
0x6c: {  	_ =	shalt  }
0x6d: {  	_ =	shalt  }
0x6e: {  	_ =	shalt  }
0x6f: {  	_ =	shalt  }
0x70: {  	_ =	shalt  }
0x71: {  	_ =	shalt  }
0x72: {  	_ =	shalt  }
0x73: {  	_ =	shalt  }
0x74: {  	_ =	shalt  }
0x75: {  	_ =	shalt  }
0x76: {  	_ =	shalt  }
0x77: {  	_ =	shalt  }
0x78: {  	_ =	shalt  }
0x79: {  	_ =	shalt  }
0x7a: {  	_ =	shalt  }
0x7b: {  	_ =	shalt  }
0x7c: {  	_ =	shalt  }
0x7d: {  	_ =	shalt  }
0x7e: {  	_ =	shalt  }
0x7f: {  	_ =	shalt  }
0x80: {  	_ =	shalt  }
0x81: {  	_ =	shalt  }
0x82: {  	_ =	shalt  }
0x83: {  	_ =	shalt  }
0x84: {  	_ =	shalt  }
0x85: {  	_ =	shalt  }
0x86: {  	_ =	shalt  }
0x87: {  	_ =	shalt  }
.Lfunc_end0:
.L_simem_size_0:
called_computation_lowered:
.L_overlay_start_0:
0x88: {  	s2 =	sld [smem:$0x3FD9]  }
0x89: {  	s3 =	sld [smem:$0x3FFE];
	_ =	sdelay $0x1  }
0x8a: {  	s1 =	srdreg.scid  }
0x8b: {  	s0 =	sand.u32 $0x1, s1  }
0x8c: {  	s17 =	sshll.u32 s0, $0xA;
	s2 =	sadd.s32 s3, s2  }
0x8d: {  	s2 =	sadd.s32 s2, s17  }
0x8e: {  	[smem:$0x3FC5] =	sst s2  }
0x8f: {  	_ = 	snop  }
0x90: {  	s2 =	sld [smem:$0x3FC9];
	(tm) =	ssettm $0x1  }
0x91: {  	s18 =	sld [smem:$0x3FFB];
	_ =	sdelay $0x3  }
0x92: {  	_ =	strace s18  }
0x93: {  	s3 =	sld [smem:$0x3FFC];
	_ =	sdelay $0x3  }
0x94: {  	_ =	strace s3  }
0x95: {  	s3 =	sld [smem:$0x3FFD];
	_ =	sdelay $0x3  }
0x96: {  	_ =	strace s3  }
0x97: {  	_ =	strace $0x8FFFFFFF  }
0x98: {  	s19 =	sld [smem:$0x3FDB];
	_ =	sdelay $0x1  }
0x99: {  	s4 =	simm.s32 $_scs_section_size  }
0x9a: {  	s5 =	simm.s32 $_size__tile_overlayer_lowered;
	s6 =	simm.s32 $_tile_overlayer_lowered  }
0x9b: {  	s22 =	simm.s32 $0x1BFF;
	s21 =	sshll.u32 s6, $0x1;
	s3 =	sadd.s32 s4, s19  }
0x9c: {  	s7 =	simm.s32 $0x0;
	s20 =	sshll.u32 s5, $0x1;
	s5 =	sadd.s32 s21, s3  }
0x9d: {  	[timem:s7], [sflag:s22] =	dma.local [hbm:s5], s20  }
0x9e: {  	_ =	swait.ge [sflag:s22], s20  }
0x9f: {  	s4 =	ssub.s32 $0x0, s20;
	[sflag:s22] =	ssyncset.done $0x0  }
0xa0: {  	[sflag:s22] =	ssyncadd.s32 s4;
	_ =	sdelay $0x1  }
0xa1: {  	s23 =	simm.s32 $0x1B8B  }
0xa2: {  	_ =	swait.ge [sflag:s23], $0x1  }
0xa3: {  	[sflag:s23] =	ssyncset.done $0x0  }
0xa4: {  	s25 =	simm.s32 $0x1B8E;
	s24 =	sld [smem:$0x3FFE];
	[sflag:s23] =	ssyncadd.s32 $0xFFFFFFFF  }
0xa5: {  	s26 =	simm.s32 $execute0_lowered;
	[smem:$0x3FD2] =	sst s25  }
0xa6: {  	s5 =	sshll.u32 s26, $0x1;
	_ =	strace $0x80000046;
	[dreg:$0x1] =	wrdreg $0xFFFFFFFF  }
0xa7: {  	s28 =	simm.s32 $_size_execute0_lowered;
	s3 =	sadd.s32 s3, s5;
	[dreg:$0x0] =	wrdreg $0x0  }
0xa8: {  	s5 =	sshll.u32 s28, $0x1;
	[dreg:$0x2] =	wrdreg s3  }
0xa9: {  	[dreg:$0x3] =	wrdreg s5  }
0xaa: {  	[dreg:$0x4] =	wrdreg $0xC0  }
0xab: {  	_ =	task [dreg:s7], $0x5FFFF  }
0xac: {  	[dreg:$0x1] =	wrdreg $0xFFFFFFFF  }
0xad: {  	[dreg:$0x0] =	wrdreg $0x60  }
0xae: {  	[dreg:$0x2] =	wrdreg s2  }
0xaf: {  	[dreg:$0x3] =	wrdreg s24  }
0xb0: {  	[dreg:$0x4] =	wrdreg $0x9  }
0xb1: {  	_ =	task.clear_ibuf [dreg:s7], $0x5FFFF;
	_ =	strace $0x90000046  }
0xb2: {  	s29 =	simm.s32 $0x9;
	_ =	strace $0x80000048  }
0xb3: {  	_ =	swait.ge [sflag:s29], $0x1  }
0xb4: {  	[sflag:s29] =	ssyncadd.s32 $0xFFFFFFFF  }
0xb5: {  	_ =	strace $0x90000048  }
0xb6: {  	_ =	sfence  }
0xb7: {  	s30 =	sld [smem:$0x0];
	_ =	sdelay $0x2  }
0xb8: {  	s31 =	sshll.u32 s1, $0xD;
	s1 =	sshrl.u32 s1, $0x2  }
0xb9: {  	s3 =	sand.u32 $0x4000, s31;
	s1 =	sadd.s32 s1, s30  }
0xba: {  	s0 =	sor.u32 s3, s0;
	s1 =	sshll.u32 s1, $0x11  }
0xbb: {  	s0 =	sor.u32 s1, s0  }
0xbc: {  	s0 =	sadd.s32 $0x8F2B, s0  }
0xbd: {  	[sflag:s0] =	ssyncadd.remote.s32 $0x1  }
0xbe: {  	_ =	sfence.sel $0xFFFF  }
0xbf: {  	[dreg:$0x0] =	wrdreg $0xFFFFFFFF;
	(pc) =	sbr.abs _section_cstart, $3  }
0xc0: {  	[dreg:$0x1] =	wrdreg $0xFFFFFFFF  }
0xc1: {  	_ =	task.clear_ibuf [dreg:s7], $0x2FFFF;
	_ =	strace $0x9FFFFFFF  }
0xc2: {  	(tm) =	ssettm $0x7FFFFFFF  }
0xc3: {  	_ =	shalt  }
tec
execute0_lowered:
.L_overlay_start_1:
0x0: {  	(tag) =	ssettag $0x1  }
0x1: {  	s0 =	srdreg.scid;
	s6 =	stileid.u32  }
0x2: {  	s10 =	rddreg [dreg:$0x0];
	s0 =	sand.u32 $0x1, s0;
	s2 =	sshll.u32 s6, $0x1  }
0x3: {  	s7 =	rddreg [dreg:$0x1];
	s1 =	simm.s32 $0x0;
	s2 =	sor.u32 s0, s2  }
0x4: {  	[smem:$0x7FF] =	sst s1;
	s8 =	sadd.s32 $0xB7400, s7;
	s5 =	smul.u32 $0x5DC, s2  }
0x5: {  	s9 =	sadd.s32 $0x5BA00, s7;
	s11 =	sadd.s32 $0x112E00, s7;
	p0 =	slt.u32 s6, $0xD  }
0x6: {  	s0 =	ssub.s32 $0x2, s0;
	s3 =	sshll.u32 s2, $0x1;
	s17 =	sadd.s32 s7, s5  }
0x7: {  	s4 =	smul.u32 $0x2EE0, s2;
	s18 =	sadd.s32 s8, s5;
	[dreg:$0x3] =	wrdreg s17  }
0x8: {  	s12 =	sadd.s32 s3, s7;
	s19 =	sadd.s32 s9, s5;
	[dreg:$0x4] =	wrdreg s18  }
0x9: {  	s3 =	sshrl.u32 s4, $0x3;
	s21 =	sadd.s32 s10, s5;
	[dreg:$0x5] =	wrdreg s19  }
0xa: {  	s22 =	sadd.s32 s11, s5;
	s20 =	sadd.s32 $0xBB80, s3;
	[dreg:$0x6] =	wrdreg s21  }
0xb: {  	s16 =	sshrl.u32 s0, $0x1;
	[dreg:$0x7] =	wrdreg s22;
	s23 =	sadd.s32 s7, s20  }
0xc: {  	s13 =	ssub.s32 s0, s16;
	s24 =	sadd.s32 s8, s20;
	[dreg:$0x8] =	wrdreg s23  }
0xd: {  	s0 =	sor.u32 $0xE0, s2;
	s25 =	sadd.s32 s9, s20;
	[dreg:$0x9] =	wrdreg s24  }
0xe: {  	s2 =	smov.u32 @p0 s0;
	s28 =	sadd.s32 s10, s20;
	[dreg:$0xa] =	wrdreg s25  }
0xf: {  	s26 =	sadd.s32 $0x17700, s3;
	s0 =	sadd.s32 s11, s20;
	[dreg:$0xb] =	wrdreg s28  }
0x10: {  	s29 =	sadd.s32 s7, s26;
	[dreg:$0xc] =	wrdreg s0  }
0x11: {  	s5 =	sadd.s32 s8, s26;
	[dreg:$0xd] =	wrdreg s29  }
0x12: {  	s6 =	sadd.s32 s9, s26;
	[dreg:$0xe] =	wrdreg s5  }
0x13: {  	s15 =	sadd.s32 s10, s26;
	[dreg:$0xf] =	wrdreg s6  }
0x14: {  	s14 =	sadd.s32 $0x23280, s3;
	s4 =	sadd.s32 s11, s26;
	[dreg:$0x10] =	wrdreg s15  }
0x15: {  	s16 =	sadd.s32 s7, s14;
	[dreg:$0x11] =	wrdreg s4  }
0x16: {  	s17 =	sadd.s32 s8, s14;
	[dreg:$0x12] =	wrdreg s16  }
0x17: {  	s18 =	sadd.s32 s9, s14;
	[dreg:$0x13] =	wrdreg s17  }
0x18: {  	s19 =	sadd.s32 $0x2EE00, s3;
	s20 =	sadd.s32 s10, s14;
	[dreg:$0x14] =	wrdreg s18  }
0x19: {  	s12 =	sadd.s32 $0x16E800, s12;
	s21 =	sadd.s32 s7, s19;
	[dreg:$0x15] =	wrdreg s20  }
0x1a: {  	s13 =	smax.u32 s13, $0x1;
	s22 =	sadd.s32 s8, s19;
	[dreg:$0x17] =	wrdreg s21  }
0x1b: {  	s0 =	sadd.s32 s11, s14;
	[dreg:$0x18] =	wrdreg s22;
	s23 =	sadd.s32 s9, s19  }
0x1c: {  	s24 =	sadd.s32 $0x3A980, s3;
	s25 =	sadd.s32 s10, s19;
	s4 =	sadd.s32 s11, s19  }
0x1d: {  	s29 =	sadd.s32 $0x46500, s3;
	s14 =	smul.u32 $0x5DC, s2;
	s22 =	simm.f32 $1.000000000e+00  }
0x1e: {  	s15 =	simm.s32 $0x5DC0;
	s16 =	simm.s32 $0x8CA0;
	[dreg:$0x16] =	wrdreg s0  }
0x1f: {  	s17 =	simm.s32 $0xBB80;
	s18 =	simm.s32 $0xEA60;
	[dreg:$0x19] =	wrdreg s23  }
0x20: {  	s19 =	simm.s32 $0x11940;
	s20 =	simm.s32 $0x14820;
	[dreg:$0x1a] =	wrdreg s25  }
0x21: {  	s21 =	simm.s32 $0x17700;
	[dreg:$0x1b] =	wrdreg s4;
	s26 =	sadd.s32 s7, s24  }
0x22: {  	s28 =	sadd.s32 s8, s24;
	s30 =	sadd.s32 s9, s24;
	s31 =	sadd.s32 s10, s24  }
0x23: {  	s0 =	sadd.s32 s11, s24;
	s2 =	sadd.s32 s7, s29;
	s3 =	sadd.s32 s8, s29  }
0x24: {  	s4 =	sadd.s32 s9, s29;
	s5 =	sadd.s32 s10, s29;
	s6 =	sadd.s32 s11, s29  }
0x25: {  	v0 =	vlaneseq.u32;
	v1 =	vimm.s32 $0x52741630;
	v2 =	vimm.s32 $0x63052741;
	s22 =	simm.s32 @!p0 $0x0;
	s23 =	simm.s32 $0x1;
	[dreg:$0x1c] =	wrdreg s26  }
0x26: {  	v3 =	vimm.s32 $0x74163052;
	v0 =	vmul.u32 $0x3, v0;
	v4 =	vunpack.c.l.s4.s8 v1;
	s24 =	simm.s32 $0x2;
	s25 =	simm.s32 $0x3;
	[dreg:$0x1d] =	wrdreg s28  }
0x27: {  	v5 =	vunpack.c.l.s4.s8 v2;
	v6 =	vunpack.c.l.s4.s8 v3;
	s7 =	sadd.s32 s7, s14;
	s8 =	sadd.s32 s8, s14;
	s9 =	sadd.s32 s9, s14  }
0x28: {  	v2 =	vadd.s32 $0x1, v0;
	v3 =	vadd.s32 $0x2, v0;
	v4 =	vunpack.c.0.s8.s32 v4;
	s10 =	sadd.s32 s10, s14;
	s11 =	sadd.s32 s11, s14;
	s14 =	simm.s32 $0x2EE0  }
0x29: {  	v5 =	vunpack.c.0.s8.s32 v5;
	v6 =	vunpack.c.0.s8.s32 v6;
	v1 =	vmov s22;
	s22 =	simm.s32 $0x1A5E0;
	s26 =	simm.s32 $0x0;
	_ =	strace $0x80000047  }
.LBB2_1:
0x2a: {  	s28 =	rddreg [dreg:$0x3]  }
0x2b: {  	[tilespmem:s1], [sflag:$0x1] =	stream.linear.gather [hbm4b:s28+s1], $0x2EE0, $0x38;
	[tilespmem:$0x1D4D0] =	vst v63  }
0x2c: {  	s28 =	rddreg [dreg:$0x4]  }
0x2d: {  	[tilespmem:s14], [sflag:$0x1] =	stream.linear.gather [hbm4b:s28+s1], $0x2EE0, $0x38;
	[tilespmem:$0x1D4D0] =	vst v63  }
0x2e: {  	s28 =	rddreg [dreg:$0x5]  }
0x2f: {  	[tilespmem:s15], [sflag:$0x1] =	stream.linear.gather [hbm4b:s28+s1], $0x2EE0, $0x38;
	[tilespmem:$0x1D4D0] =	vst v63  }
0x30: {  	s28 =	rddreg [dreg:$0x6]  }
0x31: {  	[tilespmem:s16], [sflag:$0x1] =	stream.linear.gather [hbm4b:s28+s1], $0x2EE0, $0x38;
	[tilespmem:$0x1D4D0] =	vst v63  }
0x32: {  	s28 =	rddreg [dreg:$0x7]  }
0x33: {  	[tilespmem:s17], [sflag:$0x1] =	stream.linear.gather [hbm4b:s28+s1], $0x2EE0, $0x38;
	[tilespmem:$0x1D4D0] =	vst v63  }
0x34: {  	s28 =	rddreg [dreg:$0x8]  }
0x35: {  	[tilespmem:s18], [sflag:$0x2] =	stream.linear.gather [hbm4b:s28+s1], $0x2EE0, $0x38;
	[tilespmem:$0x1D4D0] =	vst v63  }
0x36: {  	s28 =	rddreg [dreg:$0x9]  }
0x37: {  	[tilespmem:s19], [sflag:$0x2] =	stream.linear.gather [hbm4b:s28+s1], $0x2EE0, $0x38;
	[tilespmem:$0x1D4D0] =	vst v63  }
0x38: {  	s28 =	rddreg [dreg:$0xa]  }
0x39: {  	[tilespmem:s20], [sflag:$0x2] =	stream.linear.gather [hbm4b:s28+s1], $0x2EE0, $0x38;
	[tilespmem:$0x1D4D0] =	vst v63  }
0x3a: {  	s28 =	rddreg [dreg:$0xb]  }
0x3b: {  	[tilespmem:s21], [sflag:$0x2] =	stream.linear.gather [hbm4b:s28+s1], $0x2EE0, $0x38;
	[tilespmem:$0x1D4D0] =	vst v63  }
0x3c: {  	s28 =	rddreg [dreg:$0xc]  }
0x3d: {  	[tilespmem:s22], [sflag:$0x2] =	stream.linear.gather [hbm4b:s28+s1], $0x2EE0, $0x38;
	[tilespmem:$0x1D4D0] =	vst v63  }
0x3e: {  	_ =	swait.ge [sflag:s23], $0x2EE0  }
0x3f: {  	[sflag:s23] =	ssyncset.done $0x0  }
0x40: {  	[sflag:s23] =	ssyncadd.s32 $0xFFFFD120  }
0x41: {  	_ =	swait.ge [sflag:s23], $0x2EE0  }
0x42: {  	[sflag:s23] =	ssyncset.done $0x0  }
0x43: {  	[sflag:s23] =	ssyncadd.s32 $0xFFFFD120  }
0x44: {  	_ =	swait.ge [sflag:s23], $0x2EE0  }
0x45: {  	[sflag:s23] =	ssyncset.done $0x0  }
0x46: {  	v7 =	vadd.s32 s1, v0;
	[sflag:s23] =	ssyncadd.s32 $0xFFFFD120  }
0x47: {  	v7 =	vand.u32 $0x7FF8, v7;
	_ =	swait.ge [sflag:s23], $0x2EE0  }
0x48: {  	v7 =	vor.u32 v4, v7;
	[sflag:s23] =	ssyncset.done $0x0  }
0x49: {  	v8 =	vadd.s32 s1, v2;
	[sflag:s23] =	ssyncadd.s32 $0xFFFFD120  }
0x4a: {  	v8 =	vand.u32 $0x7FF8, v8;
	_ =	swait.ge [sflag:s23], $0x2EE0  }
0x4b: {  	v16 =	vor.u32 v5, v8;
	[sflag:s23] =	ssyncset.done $0x0  }
0x4c: {  	v8 =	vadd.s32 s1, v3;
	[sflag:s23] =	ssyncadd.s32 $0xFFFFD120  }
0x4d: {  	v8 =	vand.u32 $0x7FF8, v8;
	v9 =	vld.idx.msk [tilespmem:v7+s15+$0x0], $0xffff  }
0x4e: {  	v10 =	vor.u32 v6, v8;
	v8 =	vld.idx.msk [tilespmem:v7+s1+$0x0], $0xffff  }
0x4f: {  	v11 =	vld.idx.msk [tilespmem:v7+s14+$0x0], $0xffff  }
0x50: {  	v12 =	vld.idx.msk [tilespmem:v16+s14+$0x0], $0xffff  }
0x51: {  	v13 =	vld.idx.msk [tilespmem:v16+s1+$0x0], $0xffff  }
0x52: {  	v14 =	vld.idx.msk [tilespmem:v16+s15+$0x0], $0xffff  }
0x53: {  	v15 =	vld.idx.msk [tilespmem:v10+s15+$0x0], $0xffff  }
0x54: {  	v17 =	vld.idx.msk [tilespmem:v10+s1+$0x0], $0xffff  }
0x55: {  	v18 =	vld.idx.msk [tilespmem:v10+s14+$0x0], $0xffff;
	_ =	sdelay $0x1  }
0x56: {  	v19 =	vsub.f32 v11, v12;
	v20 =	vsub.f32 v8, v13  }
0x57: {  	v21 =	vsub.f32 v9, v14;
	v14 =	vsub.f32 v14, v15  }
0x58: {  	v9 =	vsub.f32 v9, v15;
	v8 =	vsub.f32 v8, v17  }
0x59: {  	v11 =	vsub.f32 v11, v18;
	v12 =	vsub.f32 v12, v18;
	v19 =	vmul.f32 v19, v19  }
0x5a: {  	s28 =	simm.s32 $0x30;
	v13 =	vsub.f32 v13, v17;
	v20 =	vmul.f32 v20, v20;
	v8 =	vmul.f32 v8, v8  }
0x5b: {  	v17 =	vadd.s32 s28, v0;
	v11 =	vmul.f32 v11, v11;
	v12 =	vmul.f32 v12, v12  }
0x5c: {  	v17 =	vand.u32 $0x7FF8, v17;
	v13 =	vmul.f32 v13, v13;
	v9 =	vmul.f32 v9, v9  }
0x5d: {  	v15 =	vadd.f32 v19, v20;
	v19 =	vmul.f32 v21, v21;
	v11 =	vadd.f32 v11, v8  }
0x5e: {  	v8 =	vadd.f32 v12, v13;
	v12 =	vmul.f32 v14, v14;
	v13 =	vadd.s32 s28, v3  }
0x5f: {  	v18 =	vor.u32 v4, v17;
	v13 =	vand.u32 $0x7FF8, v13;
	v15 =	vadd.f32 v19, v15  }
0x60: {  	v12 =	vadd.f32 v12, v8;
	v8 =	vadd.s32 s28, v2;
	v9 =	vadd.f32 v9, v11  }
0x61: {  	v25 =	vld.idx.msk [tilespmem:v7+s17+$0x0], $0xffff;
	v17 =	vor.u32 v6, v13;
	v8 =	vand.u32 $0x7FF8, v8;
	v23 =	vmax.f32 v15, $1.000000020e-35  }
0x62: {  	v37 =	vld.idx.msk [tilespmem:v16+s17+$0x0], $0xffff;
	v8 =	vor.u32 v5, v8;
	v12 =	vmax.f32 v12, $1.000000020e-35;
	v26 =	vmax.f32 v9, $1.000000020e-35  }
0x63: {  	v13 =	vld.idx.msk [tilespmem:v10+s17+$0x0], $0xffff;
	v14 =	vshra.s32 v23, $0x1;
	v15 =	vmul.f32 $5.000000000e-01, v23;
	v21 =	vshra.s32 v12, $0x1  }
0x64: {  	v20 =	vld.idx.msk [tilespmem:v18+s15+$0x0], $0xffff;
	v24 =	vmul.f32 $5.000000000e-01, v12;
	v29 =	vshra.s32 v26, $0x1;
	v14 =	vsub.s32 $0x5F3759DF, v14  }
0x65: {  	v22 =	vld.idx.msk [tilespmem:v18+s1+$0x0], $0xffff;
	v30 =	vmul.f32 $5.000000000e-01, v26;
	v27 =	vsub.s32 $0x5F3759DF, v21;
	v19 =	vmul.f32 v14, v15  }
0x66: {  	v29 =	vsub.s32 $0x5F3759DF, v29;
	v21 =	vmul.f32 v27, v24;
	v28 =	vld.idx.msk [tilespmem:v17+s14+$0x0], $0xffff  }
0x67: {  	v32 =	vmul.f32 v29, v30;
	v11 =	vmul.f32 v14, v19;
	v19 =	vld.idx.msk [tilespmem:v18+s14+$0x0], $0xffff  }
0x68: {  	v31 =	vld.idx.msk [tilespmem:v8+s14+$0x0], $0xffff  }
0x69: {  	v21 =	vmul.f32 v27, v21;
	v33 =	vld.idx.msk [tilespmem:v8+s15+$0x0], $0xffff;
	v32 =	vmul.f32 v29, v32  }
0x6a: {  	v47 =	vmul.f32 v37, v25;
	v35 =	vld.idx.msk [tilespmem:v17+s15+$0x0], $0xffff;
	v9 =	vsub.f32 $1.500000000e+00, v11  }
0x6b: {  	v55 =	vmul.f32 v13, v37;
	v11 =	vld.idx.msk [tilespmem:v17+s1+$0x0], $0xffff;
	v34 =	vsub.f32 $1.500000000e+00, v21;
	v32 =	vsub.f32 $1.500000000e+00, v32  }
0x6c: {  	v21 =	vmul.f32 v13, v25;
	v9 =	vmul.f32 v14, v9;
	v14 =	vld.idx.msk [tilespmem:v8+s1+$0x0], $0xffff  }
0x6d: {  	v27 =	vmul.f32 v27, v34;
	v29 =	vmul.f32 v29, v32;
	v36 =	vsub.f32 v19, v28  }
0x6e: {  	v19 =	vsub.f32 v19, v31;
	v38 =	vsub.f32 v20, v33;
	v15 =	vmul.f32 v9, v15  }
0x6f: {  	v20 =	vsub.f32 v20, v35;
	v24 =	vmul.f32 v27, v24;
	v30 =	vmul.f32 v29, v30  }
0x70: {  	v54 =	vsub.f32 v22, v11;
	v36 =	vmul.f32 v36, v36;
	v19 =	vmul.f32 v19, v19  }
0x71: {  	v15 =	vmul.f32 v15, v9;
	v24 =	vmul.f32 v24, v27;
	v22 =	vsub.f32 v22, v14  }
0x72: {  	v33 =	vsub.f32 v33, v35;
	v30 =	vmul.f32 v30, v29;
	v34 =	vmul.f32 v54, v54  }
0x73: {  	v15 =	vsub.f32 $1.500000000e+00, v15;
	v13 =	vsub.f32 $1.500000000e+00, v24;
	v22 =	vmul.f32 v22, v22  }
0x74: {  	v20 =	vmul.f32 v20, v20;
	v30 =	vsub.f32 $1.500000000e+00, v30;
	v34 =	vadd.f32 v36, v34  }
0x75: {  	v24 =	vmul.f32 v15, v9;
	v19 =	vadd.f32 v19, v22;
	v22 =	vmul.f32 v38, v38  }
0x76: {  	v11 =	vsub.f32 v14, v11;
	v29 =	vmul.f32 v30, v29;
	v9 =	vadd.f32 v20, v34  }
0x77: {  	s28 =	simm.s32 $0x60;
	v20 =	vmul.f32 v13, v27;
	v61 =	vmul.f32 v24, v23;
	v15 =	vadd.f32 v22, v19  }
0x78: {  	v19 =	vsub.f32 v31, v28;
	v13 =	vmax.f32 v9, $1.000000020e-35;
	v9 =	vadd.s32 s28, v0  }
0x79: {  	v7 =	vld.idx.msk [tilespmem:v7+s16+$0x0], $0xffff;
	v26 =	vmul.f32 v29, v26;
	v22 =	vmul.f32 v11, v11;
	v9 =	vand.u32 $0x7FF8, v9  }
0x7a: {  	v10 =	vld.idx.msk [tilespmem:v10+s16+$0x0], $0xffff;
	v56 =	vshra.s32 v13, $0x1;
	v27 =	vmax.f32 v15, $1.000000020e-35;
	v14 =	vmul.f32 v19, v19  }
0x7b: {  	v16 =	vld.idx.msk [tilespmem:v16+s16+$0x0], $0xffff;
	v11 =	vor.u32 v4, v9;
	v15 =	vshra.s32 v27, $0x1;
	v28 =	vmul.f32 $5.000000000e-01, v27  }
0x7c: {  	v57 =	vsub.s32 $0x5F3759DF, v15;
	v15 =	vadd.f32 v14, v22;
	v14 =	vadd.s32 s28, v3  }
0x7d: {  	v31 =	vld.idx.msk [tilespmem:v17+s17+$0x0], $0xffff;
	v9 =	vmul.f32 v20, v12;
	v20 =	vadd.s32 s28, v2;
	v14 =	vand.u32 $0x7FF8, v14  }
0x7e: {  	v19 =	vld.idx.msk [tilespmem:v18+s17+$0x0], $0xffff;
	v22 =	vmul.f32 v33, v33;
	v12 =	vmul.f32 v57, v28;
	v14 =	vor.u32 v6, v14  }
0x7f: {  	v7 =	vsub.f32 v7, v61;
	v9 =	vsub.f32 v10, v9;
	v10 =	vand.u32 $0x7FF8, v20;
	v20 =	vld.idx.msk [tilespmem:v8+s17+$0x0], $0xffff  }
0x80: {  	v26 =	vsub.f32 v16, v26;
	v59 =	vadd.f32 v22, v15;
	v58 =	vmul.f32 v57, v12;
	v39 =	vld.idx.msk [tilespmem:v11+s15+$0x0], $0xffff  }
0x81: {  	v23 =	vmul.f32 $5.000000000e-01, v13;
	v32 =	vmul.f32 v7, v47;
	v12 =	vor.u32 v5, v10;
	v63 =	vld.idx.msk [tilespmem:v11+s1+$0x0], $0xffff  }
0x82: {  	v21 =	vmul.f32 v26, v21;
	v41 =	vld.idx.msk [tilespmem:v11+s14+$0x0], $0xffff;
	v62 =	vmax.f32 v59, $1.000000020e-35;
	v10 =	vsub.f32 $1.500000000e+00, v58  }
0x83: {  	v32 =	vmul.f32 v32, v32;
	v24 =	vshra.s32 v62, $0x1;
	v40 =	vmul.f32 $5.000000000e-01, v62;
	v45 =	vld.idx.msk [tilespmem:v14+s15+$0x0], $0xffff  }
0x84: {  	v60 =	vmul.f32 v9, v55;
	v35 =	vmul.f32 v57, v10;
	v10 =	vsub.s32 $0x5F3759DF, v24;
	v49 =	vld.idx.msk [tilespmem:v14+s14+$0x0], $0xffff  }
0x85: {  	v21 =	vmul.f32 v21, v21;
	v22 =	vsub.s32 $0x5F3759DF, v56;
	v50 =	vld.idx.msk [tilespmem:v14+s1+$0x0], $0xffff;
	v43 =	vmul.f32 v10, v40  }
0x86: {  	v42 =	vmul.f32 v22, v23;
	v34 =	vmul.f32 v60, v60;
	v44 =	vld.idx.msk [tilespmem:v12+s15+$0x0], $0xffff  }
0x87: {  	v21 =	vadd.f32 v21, v32;
	v51 =	vld.idx.msk [tilespmem:v12+s14+$0x0], $0xffff;
	v28 =	vmul.f32 v35, v28;
	v48 =	vmul.f32 v10, v43  }
0x88: {  	v7 =	vimm.f32 $0.0e+00;
	v15 =	vmul.f32 v31, v19;
	v25 =	vmul.f32 v22, v42;
	v46 =	vld.idx.msk [tilespmem:v12+s1+$0x0], $0xffff  }
0x89: {  	v34 =	vadd.f32 v21, v34;
	v28 =	vmul.f32 v28, v35;
	v33 =	vsub.f32 $1.500000000e+00, v48  }
0x8a: {  	v31 =	vmul.f32 v31, v20;
	v52 =	vsub.f32 v63, v50;
	v30 =	vsub.f32 v41, v49  }
0x8b: {  	v28 =	vsub.f32 $1.500000000e+00, v28;
	v47 =	vsub.f32 v39, v44;
	v33 =	vmul.f32 v10, v33  }
0x8c: {  	v44 =	vsub.f32 v44, v45;
	v41 =	vsub.f32 v41, v51;
	v30 =	vmul.f32 v30, v30  }
0x8d: {  	v9 =	vld.idx.msk [tilespmem:v11+s17+$0x0], $0xffff;
	v38 =	vsub.f32 v63, v46;
	v35 =	vmul.f32 v28, v35;
	v28 =	vmul.f32 v33, v40  }
0x8e: {  	v24 =	vld.idx.msk [tilespmem:v14+s17+$0x0], $0xffff;
	v39 =	vsub.f32 v39, v45;
	v41 =	vmul.f32 v41, v41;
	v40 =	vmul.f32 v52, v52  }
0x8f: {  	v37 =	vsub.f32 v51, v49;
	v38 =	vmul.f32 v38, v38;
	v28 =	vmul.f32 v28, v33  }
0x90: {  	v54 =	vsub.f32 v46, v50;
	v29 =	vadd.f32 v30, v40;
	v30 =	vmul.f32 v39, v39  }
0x91: {  	v53 =	vmul.f32 v47, v47;
	v38 =	vadd.f32 v41, v38;
	v28 =	vsub.f32 $1.500000000e+00, v28  }
0x92: {  	v41 =	vmul.f32 v35, v27;
	v27 =	vmul.f32 $3.333333430e-01, v34;
	v16 =	vadd.f32 v30, v29;
	v30 =	vld.idx.msk [tilespmem:v17+s16+$0x0], $0xffff  }
0x93: {  	v10 =	vmul.f32 v24, v9;
	v17 =	vadd.f32 v53, v38;
	v28 =	vmul.f32 v28, v33  }
0x94: {  	v55 =	vmul.f32 v37, v37;
	v59 =	vmul.f32 v44, v44;
	v44 =	vld.idx.msk [tilespmem:v18+s16+$0x0], $0xffff;
	v18 =	vadd.f32 $9.999999970e-07, v27  }
0x95: {  	v16 =	vmax.f32 v16, $1.000000020e-35;
	v17 =	vmax.f32 v17, $1.000000020e-35;
	v28 =	vmul.f32 v28, v62  }
0x96: {  	s28 =	simm.s32 $0x90;
	v26 =	vshra.s32 v16, $0x1;
	v29 =	vshra.s32 v17, $0x1;
	v56 =	vmul.f32 $5.000000000e-01, v17  }
0x97: {  	v57 =	vsub.s32 $0x5F3759DF, v29;
	v28 =	vsub.f32 v30, v28;
	v30 =	vadd.s32 s28, v0  }
0x98: {  	v29 =	vsub.s32 $0x5F3759DF, v26;
	v26 =	vmul.f32 v54, v54;
	v30 =	vand.u32 $0x7FF8, v30  }
0x99: {  	v18 =	vmax.f32 v18, $1.000000020e-35;
	v58 =	vmul.f32 v57, v56;
	v21 =	vor.u32 v4, v30  }
0x9a: {  	v63 =	vshra.s32 v18, $0x1;
	v32 =	vmul.f32 $5.000000000e-01, v16;
	v26 =	vadd.f32 v55, v26  }
0x9b: {  	v33 =	vmul.f32 v57, v58;
	v28 =	vmul.f32 v28, v31;
	v31 =	vadd.s32 s28, v3  }
0x9c: {  	v26 =	vadd.f32 v59, v26;
	v30 =	vadd.s32 s28, v2;
	v31 =	vand.u32 $0x7FF8, v31  }
0x9d: {  	v34 =	vld.idx.msk [tilespmem:v12+s17+$0x0], $0xffff;
	v60 =	vsub.f32 $1.500000000e+00, v33;
	v30 =	vand.u32 $0x7FF8, v30;
	v27 =	vor.u32 v6, v31  }
0x9e: {  	v42 =	vsub.s32 $0x5F3759DF, v63;
	v61 =	vmul.f32 v29, v32;
	v30 =	vor.u32 v5, v30;
	v35 =	vld.idx.msk [tilespmem:v21+s15+$0x0], $0xffff  }
0x9f: {  	v31 =	vmax.f32 v26, $1.000000020e-35;
	v26 =	vmul.f32 $5.000000000e-01, v18;
	v36 =	vmul.f32 v57, v60;
	v33 =	vld.idx.msk [tilespmem:v21+s17+$0x0], $0xffff  }
0xa0: {  	v37 =	vmul.f32 v29, v61;
	v62 =	vshra.s32 v31, $0x1;
	v40 =	vmul.f32 $5.000000000e-01, v31;
	v38 =	vld.idx.msk [tilespmem:v21+s1+$0x0], $0xffff  }
0xa1: {  	s28 =	simm.s32 $0xC0;
	v43 =	vsub.s32 $0x5F3759DF, v62;
	v46 =	vmul.f32 v42, v26;
	v39 =	vld.idx.msk [tilespmem:v21+s14+$0x0], $0xffff;
	v45 =	vmul.f32 v36, v56  }
.LBB2_2:
0xa2: {  	p0 =	sne.s32 s28, $0x2EB0;
	v47 =	vld.idx.msk [tilespmem:v27+s17+$0x0], $0xffff;
	v48 =	vmul.f32 v43, v40;
	v50 =	vmul.f32 v20, v19;
	v41 =	vsub.f32 v44, v41;
	s29 =	smov.u32 s28;
	s28 =	sadd.s32 $0x30, s28  }
0xa3: {  	v49 =	vsub.f32 $1.500000000e+00, v25;
	v20 =	vmovc v34;
	v44 =	vld.idx.msk [tilespmem:v30+s15+$0x0], $0xffff;
	v45 =	vmul.f32 v45, v36;
	v46 =	vmul.f32 v42, v46  }
0xa4: {  	v19 =	vmovc v9;
	v25 =	vmov v37;
	v34 =	vld.idx.msk [tilespmem:v27+s15+$0x0], $0xffff;
	v48 =	vmul.f32 v43, v48;
	v41 =	vmul.f32 v41, v50  }
0xa5: {  	v49 =	vmul.f32 v22, v49;
	v22 =	vmovc v29;
	v9 =	vmovc v33;
	v37 =	vld.idx.msk [tilespmem:v27+s14+$0x0], $0xffff;
	v45 =	vsub.f32 $1.500000000e+00, v45;
	v46 =	vsub.f32 $1.500000000e+00, v46  }
0xa6: {  	v29 =	vld.idx.msk [tilespmem:v27+s1+$0x0], $0xffff;
	v33 =	vsub.f32 $1.500000000e+00, v48;
	v48 =	vmul.f32 v24, v20;
	v41 =	vmul.f32 v41, v41  }
0xa7: {  	v51 =	vmul.f32 v49, v23;
	v23 =	vmov v32;
	v50 =	vld.idx.msk [tilespmem:v30+s14+$0x0], $0xffff;
	v42 =	vmul.f32 v42, v46  }
0xa8: {  	v46 =	vmul.f32 v47, v9;
	v24 =	vmov v47;
	v32 =	vld.idx.msk [tilespmem:v30+s1+$0x0], $0xffff;
	v33 =	vmul.f32 v43, v33  }
0xa9: {  	v43 =	vsub.f32 v35, v44;
	v47 =	vmul.f32 v51, v49;
	v26 =	vmul.f32 v42, v26  }
0xaa: {  	v36 =	vmul.f32 v45, v36;
	v44 =	vsub.f32 v44, v34;
	v40 =	vmul.f32 v33, v40  }
0xab: {  	v34 =	vsub.f32 v35, v34;
	v35 =	vsub.f32 $1.500000000e+00, v47;
	v26 =	vmul.f32 v26, v42  }
0xac: {  	v47 =	vsub.f32 v39, v37;
	v45 =	vsub.f32 v38, v29;
	v40 =	vmul.f32 v40, v33;
	v51 =	vld.idx.msk [tilespmem:v8+s16+$0x0], $0xffff  }
0xad: {  	v39 =	vsub.f32 v39, v50;
	v35 =	vmul.f32 v35, v49;
	v8 =	vmovc v12;
	v12 =	vmovc v30;
	v26 =	vsub.f32 $1.500000000e+00, v26  }
0xae: {  	v30 =	vsub.f32 v38, v32;
	v38 =	vmul.f32 v45, v45;
	v45 =	vmul.f32 v47, v47  }
0xaf: {  	v39 =	vmul.f32 v39, v39;
	v40 =	vsub.f32 $1.500000000e+00, v40;
	v26 =	vmul.f32 v26, v42  }
0xb0: {  	v37 =	vsub.f32 v50, v37;
	v35 =	vmul.f32 v35, v13;
	v13 =	vmovc v16;
	v30 =	vmul.f32 v30, v30  }
0xb1: {  	v34 =	vmul.f32 v34, v34;
	v16 =	vadd.f32 v45, v38;
	v18 =	vmul.f32 v26, v18  }
0xb2: {  	v26 =	vadd.f32 v39, v30;
	v30 =	vmul.f32 v43, v43;
	v35 =	vsub.f32 v51, v35  }
0xb3: {  	v33 =	vmul.f32 v40, v33;
	v16 =	vadd.f32 v34, v16;
	v34 =	vld.idx.msk [tilespmem:v14+s16+$0x0], $0xffff;
	v7 =	vadd.f32 v18, v7  }
0xb4: {  	v28 =	vmul.f32 v28, v28;
	v18 =	vsub.f32 v32, v29;
	v26 =	vadd.f32 v30, v26;
	v14 =	vmovc v27  }
0xb5: {  	v16 =	vmax.f32 v16, $1.000000020e-35;
	v27 =	vmul.f32 v33, v31;
	v29 =	vmul.f32 v35, v15;
	v15 =	vmovc v10;
	v10 =	vmovc v46  }
0xb6: {  	v31 =	vmul.f32 v37, v37;
	v30 =	vshra.s32 v16, $0x1;
	v26 =	vmax.f32 v26, $1.000000020e-35  }
0xb7: {  	v33 =	vmul.f32 v29, v29;
	v32 =	vshra.s32 v26, $0x1;
	v43 =	vmul.f32 $5.000000000e-01, v26  }
0xb8: {  	v29 =	vsub.s32 $0x5F3759DF, v30;
	v18 =	vmul.f32 v18, v18;
	v37 =	vsub.s32 $0x5F3759DF, v32  }
0xb9: {  	v32 =	vadd.f32 v33, v41;
	v30 =	vmul.f32 v37, v43;
	v27 =	vsub.f32 v34, v27  }
0xba: {  	v33 =	vadd.s32 s29, v0;
	v18 =	vadd.f32 v31, v18;
	v31 =	vmul.f32 v44, v44  }
0xbb: {  	v33 =	vand.u32 $0x7FF8, v33;
	v32 =	vadd.f32 v32, v28;
	v30 =	vmul.f32 v37, v30  }
0xbc: {  	v38 =	vor.u32 v4, v33;
	v18 =	vadd.f32 v31, v18;
	v28 =	vmul.f32 v27, v48  }
0xbd: {  	v41 =	vmul.f32 v36, v17;
	v17 =	vmovc v26;
	v27 =	vmul.f32 $3.333333430e-01, v32;
	v39 =	vsub.f32 $1.500000000e+00, v30  }
0xbe: {  	v26 =	vadd.s32 s29, v2;
	v32 =	vmul.f32 $5.000000000e-01, v16;
	v30 =	vadd.s32 s29, v3  }
0xbf: {  	v26 =	vand.u32 $0x7FF8, v26;
	v31 =	vand.u32 $0x7FF8, v30;
	v33 =	vadd.f32 $9.999999970e-07, v27;
	v44 =	vld.idx.msk [tilespmem:v11+s16+$0x0], $0xffff;
	v11 =	vmovc v21;
	v21 =	vmovc v38  }
.Ltmp0:
0xc0: {  	v30 =	vor.u32 v5, v26;
	v27 =	vor.u32 v6, v31;
	v31 =	vmax.f32 v18, $1.000000020e-35;
	v34 =	vld.idx.msk [tilespmem:v12+s17+$0x0], $0xffff;
	(pc) =	sbr.rel @p0 .LBB2_2-.Ltmp0, $4  }
0xc1: {  	v40 =	vmul.f32 v29, v32;
	v46 =	vshra.s32 v31, $0x1;
	v18 =	vmax.f32 v33, $1.000000020e-35;
	v35 =	vld.idx.msk [tilespmem:v38+s15+$0x0], $0xffff  }
0xc2: {  	v36 =	vmul.f32 v37, v39;
	v39 =	vshra.s32 v18, $0x1;
	v26 =	vmul.f32 $5.000000000e-01, v18;
	v33 =	vld.idx.msk [tilespmem:v38+s17+$0x0], $0xffff  }
0xc3: {  	v37 =	vmul.f32 v29, v40;
	v40 =	vmul.f32 $5.000000000e-01, v31;
	v42 =	vsub.s32 $0x5F3759DF, v39;
	v38 =	vld.idx.msk [tilespmem:v38+s1+$0x0], $0xffff  }
0xc4: {  	v45 =	vmul.f32 v36, v43;
	v43 =	vsub.s32 $0x5F3759DF, v46;
	v46 =	vmul.f32 v42, v26;
	v39 =	vld.idx.msk [tilespmem:v21+s14+$0x0], $0xffff  }
0xc5: {  	_ =	sdelay $0x2  }
0xc6: {  	v25 =	vsub.f32 $1.500000000e+00, v25  }
0xc7: {  	v47 =	vmul.f32 v43, v40;
	v48 =	vld.idx.msk [tilespmem:v30+s15+$0x0], $0xffff;
	v19 =	vmul.f32 v20, v19  }
0xc8: {  	v55 =	vld.idx.msk [tilespmem:v27+s1+$0x0], $0xffff;
	v24 =	vmul.f32 v24, v34;
	v25 =	vmul.f32 v22, v25  }
0xc9: {  	v20 =	vsub.f32 v44, v41;
	v56 =	vld.idx.msk [tilespmem:v30+s14+$0x0], $0xffff;
	v46 =	vmul.f32 v42, v46;
	v53 =	vmul.f32 v43, v47  }
0xca: {  	v49 =	vld.idx.msk [tilespmem:v30+s1+$0x0], $0xffff;
	v45 =	vmul.f32 v45, v36;
	v23 =	vmul.f32 v25, v23  }
0xcb: {  	v50 =	vld.idx.msk [tilespmem:v27+s15+$0x0], $0xffff;
	v28 =	vmul.f32 v28, v28;
	v19 =	vmul.f32 v20, v19;
	v20 =	vsub.f32 $1.500000000e+00, v53  }
0xcc: {  	v54 =	vld.idx.msk [tilespmem:v27+s14+$0x0], $0xffff;
	v46 =	vsub.f32 $1.500000000e+00, v46;
	v57 =	vsub.f32 $1.500000000e+00, v45;
	v23 =	vmul.f32 v23, v25  }
0xcd: {  	v51 =	vmul.f32 v19, v19;
	v58 =	vsub.f32 v35, v48;
	v20 =	vmul.f32 v43, v20  }
0xce: {  	v19 =	vmul.f32 v42, v46;
	v60 =	vsub.f32 v38, v55;
	v23 =	vsub.f32 $1.500000000e+00, v23  }
0xcf: {  	v8 =	vld.idx.msk [tilespmem:v8+s16+$0x0], $0xffff;
	v61 =	vsub.f32 v39, v56;
	v62 =	vsub.f32 v38, v49;
	v59 =	vmul.f32 v20, v40  }
0xd0: {  	v63 =	vsub.f32 v35, v50;
	v45 =	vmul.f32 v60, v60;
	v23 =	vmul.f32 v23, v25  }
0xd1: {  	v41 =	vsub.f32 v56, v54;
	v38 =	vmul.f32 v62, v62;
	v40 =	vmul.f32 v59, v20  }
0xd2: {  	v35 =	vmul.f32 v63, v63;
	v13 =	vmul.f32 v23, v13;
	v23 =	vsub.f32 v39, v54  }
0xd3: {  	v44 =	vmul.f32 v58, v58;
	v39 =	vmul.f32 v61, v61;
	v40 =	vsub.f32 $1.500000000e+00, v40  }
0xd4: {  	v14 =	vld.idx.msk [tilespmem:v14+s16+$0x0], $0xffff;
	v47 =	vmul.f32 v41, v41;
	v23 =	vmul.f32 v23, v23;
	v8 =	vsub.f32 v8, v13  }
0xd5: {  	v38 =	vadd.f32 v39, v38;
	v13 =	vmul.f32 v57, v36;
	v20 =	vmul.f32 v40, v20  }
0xd6: {  	v23 =	vadd.f32 v23, v45;
	v45 =	vsub.f32 v49, v55;
	v8 =	vmul.f32 v8, v15  }
0xd7: {  	v46 =	vadd.f32 v44, v38;
	v15 =	vsub.f32 v48, v50;
	v20 =	vmul.f32 v20, v31  }
0xd8: {  	v23 =	vadd.f32 v35, v23;
	v35 =	vmul.f32 v45, v45;
	v8 =	vmul.f32 v8, v8  }
0xd9: {  	v36 =	vmax.f32 v46, $1.000000020e-35;
	v15 =	vmul.f32 v15, v15;
	v14 =	vsub.f32 v14, v20  }
0xda: {  	v23 =	vmax.f32 v23, $1.000000020e-35;
	v35 =	vadd.f32 v47, v35;
	v8 =	vadd.f32 v8, v51  }
0xdb: {  	v49 =	vshra.s32 v36, $0x1;
	v50 =	vmul.f32 $5.000000000e-01, v36;
	v48 =	vshra.s32 v23, $0x1  }
0xdc: {  	v15 =	vadd.f32 v15, v35;
	v8 =	vadd.f32 v8, v28;
	v28 =	vmul.f32 $5.000000000e-01, v23  }
0xdd: {  	v39 =	vsub.s32 $0x5F3759DF, v49;
	v14 =	vmul.f32 v14, v24;
	v31 =	vsub.s32 $0x5F3759DF, v48  }
0xde: {  	v15 =	vmax.f32 v15, $1.000000020e-35;
	v8 =	vmul.f32 $3.333333430e-01, v8;
	v55 =	vmul.f32 v31, v28  }
0xdf: {  	v11 =	vld.idx.msk [tilespmem:v11+s16+$0x0], $0xffff;
	v52 =	vmul.f32 v39, v50;
	v20 =	vshra.s32 v15, $0x1;
	v53 =	vmul.f32 $5.000000000e-01, v15  }
0xe0: {  	v12 =	vld.idx.msk [tilespmem:v12+s16+$0x0], $0xffff;
	v20 =	vsub.s32 $0x5F3759DF, v20;
	v8 =	vadd.f32 $9.999999970e-07, v8;
	v24 =	vmul.f32 v31, v55  }
0xe1: {  	v37 =	vsub.f32 $1.500000000e+00, v37;
	v21 =	vld.idx.msk [tilespmem:v21+s16+$0x0], $0xffff;
	v56 =	vmul.f32 v20, v53  }
0xe2: {  	v22 =	vld.idx.msk [tilespmem:v27+s17+$0x0], $0xffff;
	v35 =	vmul.f32 v39, v52;
	v58 =	vmax.f32 v8, $1.000000020e-35;
	v8 =	vsub.f32 $1.500000000e+00, v24  }
0xe3: {  	v27 =	vld.idx.msk [tilespmem:v27+s16+$0x0], $0xffff;
	v29 =	vmul.f32 v29, v37;
	v57 =	vmul.f32 v20, v56  }
0xe4: {  	s28 =	simm.s32 $0x0;
	s29 =	rddreg [dreg:$0xd];
	v54 =	vld.idx.msk [tilespmem:v30+s17+$0x0], $0xffff;
	v35 =	vsub.f32 $1.500000000e+00, v35;
	v8 =	vmul.f32 v31, v8  }
0xe5: {  	v32 =	vmul.f32 v29, v32;
	v13 =	vmul.f32 v13, v17;
	v17 =	vld.idx.msk [tilespmem:v30+s16+$0x0], $0xffff;
	[tilespmem:s28], [sflag:$0x1] =	stream.linear.gather [hbm4b:s29+s28], $0x2EE0, $0x38;
	v30 =	vsub.f32 $1.500000000e+00, v57  }
0xe6: {  	s29 =	rddreg [dreg:$0xe];
	v24 =	vmul.f32 v39, v35;
	v28 =	vmul.f32 v8, v28  }
0xe7: {  	[tilespmem:s14], [sflag:$0x1] =	stream.linear.gather [hbm4b:s29+s28], $0x2EE0, $0x38;
	v20 =	vmul.f32 v20, v30;
	v30 =	vmul.f32 v32, v29;
	[tilespmem:$0x1D4D0] =	vst v63  }
0xe8: {  	v9 =	vmul.f32 v34, v9;
	s29 =	rddreg [dreg:$0xf];
	v60 =	vmul.f32 v24, v50  }
0xe9: {  	[tilespmem:s15], [sflag:$0x1] =	stream.linear.gather [hbm4b:s29+s28], $0x2EE0, $0x38;
	v28 =	vmul.f32 v28, v8;
	v61 =	vmul.f32 v20, v53;
	v30 =	vsub.f32 $1.500000000e+00, v30;
	[tilespmem:$0x1D4D0] =	vst v63  }
0xea: {  	v25 =	vmul.f32 v22, v33;
	v11 =	vsub.f32 v11, v13;
	s29 =	rddreg [dreg:$0x10];
	v32 =	vmul.f32 v60, v24  }
0xeb: {  	[tilespmem:s16], [sflag:$0x1] =	stream.linear.gather [hbm4b:s29+s28], $0x2EE0, $0x38;
	v28 =	vsub.f32 $1.500000000e+00, v28;
	v13 =	vmul.f32 v61, v20;
	v29 =	vmul.f32 v30, v29;
	[tilespmem:$0x1D4D0] =	vst v63  }
0xec: {  	v22 =	vmul.f32 v22, v54;
	v9 =	vmul.f32 v11, v9;
	s29 =	rddreg [dreg:$0x11];
	v32 =	vsub.f32 $1.500000000e+00, v32  }
0xed: {  	[tilespmem:s17], [sflag:$0x1] =	stream.linear.gather [hbm4b:s29+s28], $0x2EE0, $0x38;
	v8 =	vmul.f32 v28, v8;
	v11 =	vsub.f32 $1.500000000e+00, v13;
	v13 =	vmul.f32 v29, v16;
	[tilespmem:$0x1D4D0] =	vst v63  }
0xee: {  	v9 =	vmul.f32 v9, v9;
	_ =	swait.ge [sflag:s24], $0x2EE0;
	v31 =	vshra.s32 v58, $0x1;
	v16 =	vmul.f32 v32, v24  }
0xef: {  	[sflag:s24] =	ssyncset.done $0x0;
	v8 =	vmul.f32 v8, v23;
	v12 =	vsub.f32 v12, v13;
	v11 =	vmul.f32 v11, v20  }
0xf0: {  	[sflag:s24] =	ssyncadd.s32 $0xFFFFD120;
	v59 =	vmul.f32 $5.000000000e-01, v58;
	v31 =	vsub.s32 $0x5F3759DF, v31;
	v13 =	vmul.f32 v16, v36  }
0xf1: {  	_ =	swait.ge [sflag:s24], $0x2EE0;
	v8 =	vsub.f32 v17, v8;
	v11 =	vmul.f32 v11, v15;
	v10 =	vmul.f32 v12, v10  }
0xf2: {  	[sflag:s24] =	ssyncset.done $0x0;
	v30 =	vmul.f32 v31, v59;
	v12 =	vmul.f32 v54, v33;
	v13 =	vsub.f32 v21, v13  }
0xf3: {  	[sflag:s24] =	ssyncadd.s32 $0xFFFFD120;
	v8 =	vmul.f32 v8, v25;
	v10 =	vmul.f32 v10, v10;
	v11 =	vsub.f32 v27, v11  }
0xf4: {  	_ =	swait.ge [sflag:s24], $0x2EE0;
	v12 =	vmul.f32 v13, v12;
	v13 =	vmul.f32 v14, v14  }
0xf5: {  	[sflag:s24] =	ssyncset.done $0x0;
	v14 =	vmul.f32 v31, v30;
	v9 =	vadd.f32 v10, v9;
	v10 =	vmul.f32 v11, v22  }
0xf6: {  	[sflag:s24] =	ssyncadd.s32 $0xFFFFD120;
	v8 =	vmul.f32 v8, v8;
	v11 =	vmul.f32 v12, v12;
	v12 =	vadd.s32 s28, v0  }
0xf7: {  	_ =	swait.ge [sflag:s24], $0x2EE0;
	v12 =	vand.u32 $0x7FF8, v12;
	v9 =	vadd.f32 v9, v13;
	v10 =	vmul.f32 v10, v10  }
0xf8: {  	[sflag:s24] =	ssyncset.done $0x0;
	v11 =	vadd.f32 v8, v11;
	v8 =	vor.u32 v4, v12;
	v12 =	vmul.f32 v19, v26  }
0xf9: {  	[sflag:s24] =	ssyncadd.s32 $0xFFFFD120;
	v13 =	vsub.f32 $1.500000000e+00, v14;
	v14 =	vadd.s32 s28, v2;
	v9 =	vmul.f32 $3.333333430e-01, v9  }
0xfa: {  	_ =	swait.ge [sflag:s24], $0x2EE0;
	v10 =	vadd.f32 v11, v10;
	v11 =	vand.u32 $0x7FF8, v14;
	v12 =	vmul.f32 v12, v19  }
0xfb: {  	[sflag:s24] =	ssyncset.done $0x0;
	v13 =	vmul.f32 v31, v13;
	v17 =	vor.u32 v5, v11;
	v9 =	vadd.f32 $9.999999970e-07, v9  }
0xfc: {  	[sflag:s24] =	ssyncadd.s32 $0xFFFFD120;
	v11 =	vadd.s32 s28, v3;
	v10 =	vmul.f32 $3.333333430e-01, v10;
	v12 =	vsub.f32 $1.500000000e+00, v12  }
0xfd: {  	v14 =	vmul.f32 v13, v59;
	v11 =	vand.u32 $0x7FF8, v11;
	v15 =	vld.idx.msk [tilespmem:v8+s20+$0x0], $0xffff;
	v16 =	vmax.f32 v9, $1.000000020e-35  }
0xfe: {  	v21 =	vld.idx.msk [tilespmem:v8+s19+$0x0], $0xffff;
	v9 =	vadd.f32 $9.999999970e-07, v10;
	v10 =	vor.u32 v6, v11;
	v12 =	vmul.f32 v12, v19  }
0xff: {  	v11 =	vld.idx.msk [tilespmem:v8+s18+$0x0], $0xffff;
	v14 =	vmul.f32 v14, v13;
	v19 =	vshra.s32 v16, $0x1;
	v20 =	vmul.f32 $5.000000000e-01, v16  }
0x100: {  	v19 =	vsub.s32 $0x5F3759DF, v19;
	v23 =	vmax.f32 v9, $1.000000020e-35;
	v9 =	vld.idx.msk [tilespmem:v17+s19+$0x0], $0xffff;
	v12 =	vmul.f32 v12, v18  }
0x101: {  	v26 =	vld.idx.msk [tilespmem:v17+s18+$0x0], $0xffff;
	v22 =	vmul.f32 v19, v20;
	v24 =	vshra.s32 v23, $0x1;
	v25 =	vmul.f32 $5.000000000e-01, v23  }
0x102: {  	v14 =	vsub.f32 $1.500000000e+00, v14;
	v18 =	vsub.s32 $0x5F3759DF, v24;
	v24 =	vld.idx.msk [tilespmem:v17+s20+$0x0], $0xffff  }
0x103: {  	v12 =	vadd.f32 v12, v7;
	v22 =	vmul.f32 v19, v22;
	v27 =	vmul.f32 v18, v25;
	v7 =	vld.idx.msk [tilespmem:v10+s18+$0x0], $0xffff  }
0x104: {  	v28 =	vld.idx.msk [tilespmem:v10+s19+$0x0], $0xffff  }
0x105: {  	v13 =	vmul.f32 v14, v13;
	v14 =	vsub.f32 $1.500000000e+00, v22;
	v22 =	vmul.f32 v18, v27  }
0x106: {  	v27 =	vld.idx.msk [tilespmem:v10+s20+$0x0], $0xffff;
	v29 =	vsub.f32 v21, v9;
	v30 =	vsub.f32 v11, v26  }
0x107: {  	v14 =	vmul.f32 v19, v14;
	v19 =	vsub.f32 $1.500000000e+00, v22;
	v22 =	vsub.f32 v15, v24  }
0x108: {  	v29 =	vmul.f32 v29, v29;
	v30 =	vmul.f32 v30, v30;
	v11 =	vsub.f32 v11, v7  }
0x109: {  	v13 =	vmul.f32 v13, v58;
	v21 =	vsub.f32 v21, v28;
	v9 =	vsub.f32 v9, v28  }
0x10a: {  	s28 =	simm.s32 $0x30;
	v20 =	vmul.f32 v14, v20;
	v29 =	vadd.f32 v29, v30;
	v22 =	vmul.f32 v22, v22  }
0x10b: {  	v18 =	vmul.f32 v18, v19;
	v19 =	vadd.s32 s28, v0;
	v24 =	vsub.f32 v24, v27  }
0x10c: {  	v15 =	vsub.f32 v15, v27;
	v11 =	vmul.f32 v11, v11;
	v21 =	vmul.f32 v21, v21  }
0x10d: {  	v9 =	vmul.f32 v9, v9;
	v27 =	vmul.f32 v20, v14;
	v20 =	vadd.f32 v22, v29  }
0x10e: {  	v19 =	vand.u32 $0x7FF8, v19;
	v21 =	vadd.f32 v21, v11;
	v11 =	vsub.f32 v26, v7  }
0x10f: {  	v22 =	vadd.s32 s28, v3;
	v15 =	vmul.f32 v15, v15;
	v7 =	vmax.f32 v20, $1.000000020e-35  }
0x110: {  	v22 =	vand.u32 $0x7FF8, v22;
	v20 =	vshra.s32 v7, $0x1;
	v11 =	vmul.f32 v11, v11  }
0x111: {  	v27 =	vsub.f32 $1.500000000e+00, v27;
	v26 =	vmul.f32 $5.000000000e-01, v7;
	v28 =	vsub.s32 $0x5F3759DF, v20  }
0x112: {  	v20 =	vor.u32 v4, v19;
	v19 =	vmul.f32 v24, v24;
	v9 =	vadd.f32 v9, v11  }
0x113: {  	v15 =	vadd.f32 v15, v21;
	v14 =	vmul.f32 v27, v14;
	v24 =	vmul.f32 v28, v26  }
0x114: {  	v31 =	vld.idx.msk [tilespmem:v17+s22+$0x0], $0xffff;
	v30 =	vadd.f32 v19, v9;
	v9 =	vadd.s32 s28, v2;
	v19 =	vor.u32 v6, v22  }
0x115: {  	v29 =	vld.idx.msk [tilespmem:v10+s22+$0x0], $0xffff;
	v22 =	vmul.f32 v18, v25;
	v24 =	vmul.f32 v28, v24;
	v9 =	vand.u32 $0x7FF8, v9  }
0x116: {  	v11 =	vld.idx.msk [tilespmem:v8+s22+$0x0], $0xffff;
	v50 =	vmul.f32 v14, v16;
	v9 =	vor.u32 v5, v9;
	v21 =	vmax.f32 v30, $1.000000020e-35  }
0x117: {  	v24 =	vsub.f32 $1.500000000e+00, v24;
	v62 =	vld.idx.msk [tilespmem:v20+s18+$0x0], $0xffff;
	v45 =	vmul.f32 v22, v18;
	v22 =	vmax.f32 v15, $1.000000020e-35  }
0x118: {  	v46 =	vld.idx.msk [tilespmem:v20+s19+$0x0], $0xffff;
	v30 =	vshra.s32 v21, $0x1;
	v63 =	vmul.f32 $5.000000000e-01, v21;
	v34 =	vmul.f32 $5.000000000e-01, v22  }
0x119: {  	v48 =	vshra.s32 v22, $0x1;
	v30 =	vsub.s32 $0x5F3759DF, v30;
	v15 =	vmul.f32 v28, v24;
	v28 =	vld.idx.msk [tilespmem:v19+s19+$0x0], $0xffff  }
0x11a: {  	v27 =	vsub.f32 $1.500000000e+00, v45;
	v37 =	vsub.s32 $0x5F3759DF, v48;
	v24 =	vmul.f32 v30, v63;
	v47 =	vld.idx.msk [tilespmem:v19+s18+$0x0], $0xffff  }
0x11b: {  	v16 =	vmul.f32 v37, v34;
	v26 =	vmul.f32 v15, v26;
	v49 =	vld.idx.msk [tilespmem:v9+s19+$0x0], $0xffff  }
0x11c: {  	v14 =	vmul.f32 v27, v18;
	v24 =	vmul.f32 v30, v24;
	v18 =	vld.idx.msk [tilespmem:v9+s18+$0x0], $0xffff  }
0x11d: {  	v52 =	vadd.f32 v13, v12;
	v25 =	vld.idx.msk [tilespmem:v20+s20+$0x0], $0xffff;
	v26 =	vmul.f32 v26, v15  }
0x11e: {  	v27 =	vmul.f32 v29, v11;
	v51 =	vld.idx.msk [tilespmem:v9+s20+$0x0], $0xffff;
	v53 =	vmul.f32 v37, v16;
	v24 =	vsub.f32 $1.500000000e+00, v24  }
0x11f: {  	v12 =	vld.idx.msk [tilespmem:v19+s20+$0x0], $0xffff;
	v42 =	vmul.f32 v14, v23;
	v13 =	vsub.f32 $1.500000000e+00, v26;
	v14 =	vsub.f32 v62, v47  }
0x120: {  	v26 =	vsub.f32 v46, v28;
	v23 =	vmul.f32 v30, v24;
	v24 =	vmul.f32 v29, v31  }
0x121: {  	v54 =	vsub.f32 v46, v49;
	v32 =	vsub.f32 v62, v18;
	v14 =	vmul.f32 v14, v14  }
0x122: {  	v43 =	vsub.f32 $1.500000000e+00, v53;
	v26 =	vmul.f32 v26, v26;
	v30 =	vmul.f32 v23, v63  }
0x123: {  	v55 =	vsub.f32 v25, v51;
	v33 =	vmul.f32 v54, v54;
	v32 =	vmul.f32 v32, v32  }
0x124: {  	v25 =	vsub.f32 v25, v12;
	v40 =	vsub.f32 v51, v12;
	v12 =	vmul.f32 v30, v23  }
0x125: {  	v57 =	vmul.f32 v13, v15;
	v56 =	vmul.f32 v55, v55;
	v30 =	vadd.f32 v33, v32  }
0x126: {  	v26 =	vadd.f32 v26, v14;
	v25 =	vmul.f32 v25, v25;
	v12 =	vsub.f32 $1.500000000e+00, v12  }
0x127: {  	v37 =	vmul.f32 v37, v43;
	v28 =	vsub.f32 v49, v28;
	v15 =	vadd.f32 v56, v30  }
0x128: {  	s28 =	simm.s32 $0x60;
	v7 =	vmul.f32 v57, v7;
	v13 =	vadd.f32 v25, v26;
	v23 =	vmul.f32 v12, v23  }
0x129: {  	v12 =	vsub.f32 v18, v47;
	v18 =	vadd.s32 s28, v0;
	v32 =	vmax.f32 v15, $1.000000020e-35  }
0x12a: {  	v15 =	vmul.f32 v28, v28;
	v18 =	vand.u32 $0x7FF8, v18;
	v25 =	vshra.s32 v32, $0x1  }
0x12b: {  	v26 =	vmul.f32 v12, v12;
	v12 =	vor.u32 v4, v18;
	v23 =	vmul.f32 v23, v21  }
0x12c: {  	v8 =	vld.idx.msk [tilespmem:v8+s21+$0x0], $0xffff;
	v28 =	vmul.f32 $5.000000000e-01, v32;
	v18 =	vmul.f32 v40, v40;
	v21 =	vadd.s32 s28, v3  }
0x12d: {  	v16 =	vld.idx.msk [tilespmem:v20+s22+$0x0], $0xffff;
	v30 =	vsub.s32 $0x5F3759DF, v25;
	v15 =	vadd.f32 v15, v26;
	v26 =	vadd.s32 s28, v2  }
0x12e: {  	v29 =	vld.idx.msk [tilespmem:v19+s22+$0x0], $0xffff;
	v21 =	vand.u32 $0x7FF8, v21;
	v25 =	vmul.f32 v30, v28;
	v26 =	vand.u32 $0x7FF8, v26  }
0x12f: {  	v10 =	vld.idx.msk [tilespmem:v10+s21+$0x0], $0xffff;
	v58 =	vadd.f32 v18, v15;
	v18 =	vmax.f32 v13, $1.000000020e-35;
	v13 =	vor.u32 v5, v26  }
0x130: {  	v34 =	vmul.f32 v37, v34;
	v15 =	vor.u32 v6, v21;
	v21 =	vld.idx.msk [tilespmem:v9+s22+$0x0], $0xffff;
	v25 =	vmul.f32 v30, v25  }
0x131: {  	v11 =	vmul.f32 v31, v11;
	v8 =	vsub.f32 v8, v7;
	v36 =	vld.idx.msk [tilespmem:v12+s20+$0x0], $0xffff  }
0x132: {  	v39 =	vadd.f32 v50, v52;
	v34 =	vmul.f32 v34, v37;
	v40 =	vld.idx.msk [tilespmem:v12+s18+$0x0], $0xffff;
	v59 =	vsub.f32 $1.500000000e+00, v25  }
0x133: {  	v14 =	vmul.f32 v29, v16;
	v11 =	vmul.f32 v8, v11;
	v46 =	vld.idx.msk [tilespmem:v12+s19+$0x0], $0xffff;
	v35 =	vmax.f32 v58, $1.000000020e-35  }
0x134: {  	v25 =	vshra.s32 v35, $0x1;
	v60 =	vmul.f32 $5.000000000e-01, v35;
	v30 =	vmul.f32 v30, v59;
	v63 =	vld.idx.msk [tilespmem:v13+s20+$0x0], $0xffff  }
0x135: {  	v23 =	vsub.f32 v10, v23;
	v26 =	vshra.s32 v18, $0x1;
	v61 =	vsub.s32 $0x5F3759DF, v25;
	v52 =	vld.idx.msk [tilespmem:v15+s20+$0x0], $0xffff  }
0x136: {  	v25 =	vsub.s32 $0x5F3759DF, v26;
	v26 =	vmul.f32 v61, v60;
	v31 =	vld.idx.msk [tilespmem:v15+s19+$0x0], $0xffff;
	v28 =	vmul.f32 v30, v28  }
0x137: {  	v45 =	vmul.f32 v23, v24;
	v23 =	vmul.f32 $5.000000000e-01, v18;
	v57 =	vld.idx.msk [tilespmem:v13+s18+$0x0], $0xffff  }
0x138: {  	v56 =	vld.idx.msk [tilespmem:v13+s19+$0x0], $0xffff;
	v53 =	vmul.f32 v61, v26;
	v28 =	vmul.f32 v28, v30  }
0x139: {  	v7 =	vadd.f32 v42, v39;
	v8 =	vimm.f32 $0.0e+00;
	v62 =	vmul.f32 v25, v23  }
0x13a: {  	v58 =	vmul.f32 v11, v11;
	v54 =	vld.idx.msk [tilespmem:v15+s18+$0x0], $0xffff;
	v55 =	vsub.f32 $1.500000000e+00, v53;
	v28 =	vsub.f32 $1.500000000e+00, v28  }
0x13b: {  	v26 =	vmul.f32 v25, v62;
	v59 =	vsub.f32 v36, v63;
	v38 =	vsub.f32 v63, v52  }
0x13c: {  	v62 =	vsub.f32 v40, v57;
	v36 =	vsub.f32 v36, v52;
	v43 =	vmul.f32 v61, v55  }
0x13d: {  	v17 =	vld.idx.msk [tilespmem:v17+s21+$0x0], $0xffff;
	v29 =	vmul.f32 v29, v21;
	v61 =	vsub.f32 v46, v31;
	v46 =	vsub.f32 v46, v56  }
0x13e: {  	v10 =	vld.idx.msk [tilespmem:v12+s22+$0x0], $0xffff;
	v28 =	vmul.f32 v28, v30;
	v30 =	vsub.f32 $1.500000000e+00, v34;
	v44 =	vmul.f32 v43, v60  }
0x13f: {  	v24 =	vld.idx.msk [tilespmem:v15+s22+$0x0], $0xffff;
	v60 =	vsub.f32 v40, v54;
	v63 =	vmul.f32 v61, v61;
	v49 =	vmul.f32 v46, v46  }
0x140: {  	v33 =	vsub.f32 v57, v54;
	v30 =	vmul.f32 v30, v37;
	v37 =	vmul.f32 v62, v62  }
0x141: {  	v31 =	vsub.f32 v56, v31;
	v44 =	vmul.f32 v44, v43;
	v34 =	vmul.f32 v60, v60  }
0x142: {  	v52 =	vmul.f32 v59, v59;
	v22 =	vmul.f32 v30, v22;
	v51 =	vadd.f32 v49, v37  }
0x143: {  	v50 =	vmul.f32 v36, v36;
	v44 =	vsub.f32 $1.500000000e+00, v44;
	v30 =	vadd.f32 v63, v34  }
0x144: {  	v53 =	vld.idx.msk [tilespmem:v19+s21+$0x0], $0xffff;
	v11 =	vmul.f32 v24, v10;
	v22 =	vsub.f32 v17, v22;
	v19 =	vadd.f32 v52, v51  }
0x145: {  	v54 =	vmul.f32 v45, v45;
	v17 =	vadd.f32 v50, v30;
	v30 =	vmul.f32 v44, v43  }
0x146: {  	v31 =	vmul.f32 v31, v31;
	v22 =	vmul.f32 v22, v27;
	v19 =	vmax.f32 v19, $1.000000020e-35  }
0x147: {  	v17 =	vmax.f32 v17, $1.000000020e-35;
	v35 =	vmul.f32 v30, v35;
	v30 =	vshra.s32 v19, $0x1  }
0x148: {  	v55 =	vmul.f32 $5.000000000e-01, v19;
	v27 =	vshra.s32 v17, $0x1;
	v22 =	vmul.f32 v22, v22  }
0x149: {  	v56 =	vsub.s32 $0x5F3759DF, v30;
	v30 =	vsub.s32 $0x5F3759DF, v27;
	v27 =	vmul.f32 v33, v33  }
0x14a: {  	s28 =	simm.s32 $0x90;
	v42 =	vmul.f32 v28, v32;
	v57 =	vmul.f32 v56, v55;
	v22 =	vadd.f32 v22, v58  }
0x14b: {  	v34 =	vsub.f32 v53, v35;
	v58 =	vadd.s32 s28, v0;
	v27 =	vadd.f32 v31, v27  }
0x14c: {  	v31 =	vmul.f32 v38, v38;
	v35 =	vand.u32 $0x7FF8, v58;
	v36 =	vadd.f32 v22, v54  }
0x14d: {  	v60 =	vadd.s32 s28, v3;
	v33 =	vmul.f32 v56, v57;
	v22 =	vor.u32 v4, v35  }
0x14e: {  	v32 =	vand.u32 $0x7FF8, v60;
	v27 =	vadd.f32 v31, v27;
	v28 =	vmul.f32 $3.333333430e-01, v36  }
0x14f: {  	v59 =	vsub.f32 $1.500000000e+00, v33;
	v31 =	vadd.s32 s28, v2;
	v33 =	vmul.f32 $5.000000000e-01, v17  }
0x150: {  	v45 =	vld.idx.msk [tilespmem:v20+s21+$0x0], $0xffff;
	v29 =	vmul.f32 v34, v29;
	v31 =	vand.u32 $0x7FF8, v31;
	v20 =	vadd.f32 $9.999999970e-07, v28  }
0x151: {  	v35 =	vld.idx.msk [tilespmem:v13+s22+$0x0], $0xffff;
	v31 =	vor.u32 v5, v31;
	v61 =	vmul.f32 v30, v33;
	v28 =	vor.u32 v6, v32  }
0x152: {  	v37 =	vmul.f32 v56, v59;
	v32 =	vmax.f32 v27, $1.000000020e-35;
	v36 =	vld.idx.msk [tilespmem:v22+s20+$0x0], $0xffff;
	v20 =	vmax.f32 v20, $1.000000020e-35  }
0x153: {  	v62 =	vshra.s32 v32, $0x1;
	v34 =	vld.idx.msk [tilespmem:v22+s22+$0x0], $0xffff;
	v63 =	vshra.s32 v20, $0x1;
	v27 =	vmul.f32 $5.000000000e-01, v20  }
0x154: {  	v39 =	vld.idx.msk [tilespmem:v22+s18+$0x0], $0xffff;
	v38 =	vmul.f32 v30, v61;
	v41 =	vmul.f32 $5.000000000e-01, v32;
	v43 =	vsub.s32 $0x5F3759DF, v63  }
0x155: {  	s28 =	simm.s32 $0xC0;
	v40 =	vld.idx.msk [tilespmem:v22+s19+$0x0], $0xffff;
	v46 =	vmul.f32 v37, v55;
	v44 =	vsub.s32 $0x5F3759DF, v62;
	v47 =	vmul.f32 v43, v27  }
.LBB2_4:
0x156: {  	p0 =	sne.s32 s28, $0x2EB0;
	v48 =	vld.idx.msk [tilespmem:v28+s22+$0x0], $0xffff;
	v49 =	vmul.f32 v44, v41;
	v51 =	vmul.f32 v21, v16;
	v42 =	vsub.f32 v45, v42;
	s29 =	smov.u32 s28;
	s28 =	sadd.s32 $0x30, s28  }
0x157: {  	v50 =	vsub.f32 $1.500000000e+00, v26;
	v21 =	vmovc v35;
	v45 =	vld.idx.msk [tilespmem:v31+s20+$0x0], $0xffff;
	v46 =	vmul.f32 v46, v37;
	v47 =	vmul.f32 v43, v47  }
0x158: {  	v16 =	vmovc v10;
	v26 =	vmov v38;
	v35 =	vld.idx.msk [tilespmem:v28+s20+$0x0], $0xffff;
	v49 =	vmul.f32 v44, v49;
	v42 =	vmul.f32 v42, v51  }
0x159: {  	v50 =	vmul.f32 v25, v50;
	v25 =	vmovc v30;
	v10 =	vmovc v34;
	v38 =	vld.idx.msk [tilespmem:v28+s19+$0x0], $0xffff;
	v46 =	vsub.f32 $1.500000000e+00, v46;
	v47 =	vsub.f32 $1.500000000e+00, v47  }
0x15a: {  	v30 =	vld.idx.msk [tilespmem:v28+s18+$0x0], $0xffff;
	v34 =	vsub.f32 $1.500000000e+00, v49;
	v49 =	vmul.f32 v24, v21;
	v42 =	vmul.f32 v42, v42  }
0x15b: {  	v52 =	vmul.f32 v50, v23;
	v23 =	vmov v33;
	v51 =	vld.idx.msk [tilespmem:v31+s19+$0x0], $0xffff;
	v43 =	vmul.f32 v43, v47  }
0x15c: {  	v47 =	vmul.f32 v48, v10;
	v24 =	vmov v48;
	v33 =	vld.idx.msk [tilespmem:v31+s18+$0x0], $0xffff;
	v34 =	vmul.f32 v44, v34  }
0x15d: {  	v44 =	vsub.f32 v36, v45;
	v48 =	vmul.f32 v52, v50;
	v27 =	vmul.f32 v43, v27  }
0x15e: {  	v37 =	vmul.f32 v46, v37;
	v45 =	vsub.f32 v45, v35;
	v41 =	vmul.f32 v34, v41  }
0x15f: {  	v35 =	vsub.f32 v36, v35;
	v36 =	vsub.f32 $1.500000000e+00, v48;
	v27 =	vmul.f32 v27, v43  }
0x160: {  	v48 =	vsub.f32 v40, v38;
	v46 =	vsub.f32 v39, v30;
	v41 =	vmul.f32 v41, v34;
	v52 =	vld.idx.msk [tilespmem:v9+s21+$0x0], $0xffff  }
0x161: {  	v40 =	vsub.f32 v40, v51;
	v36 =	vmul.f32 v36, v50;
	v9 =	vmovc v13;
	v13 =	vmovc v31;
	v27 =	vsub.f32 $1.500000000e+00, v27  }
0x162: {  	v31 =	vsub.f32 v39, v33;
	v39 =	vmul.f32 v46, v46;
	v46 =	vmul.f32 v48, v48  }
0x163: {  	v40 =	vmul.f32 v40, v40;
	v41 =	vsub.f32 $1.500000000e+00, v41;
	v27 =	vmul.f32 v27, v43  }
0x164: {  	v38 =	vsub.f32 v51, v38;
	v36 =	vmul.f32 v36, v18;
	v18 =	vmovc v17;
	v31 =	vmul.f32 v31, v31  }
0x165: {  	v35 =	vmul.f32 v35, v35;
	v17 =	vadd.f32 v46, v39;
	v20 =	vmul.f32 v27, v20  }
0x166: {  	v27 =	vadd.f32 v40, v31;
	v31 =	vmul.f32 v44, v44;
	v36 =	vsub.f32 v52, v36  }
0x167: {  	v34 =	vmul.f32 v41, v34;
	v17 =	vadd.f32 v35, v17;
	v35 =	vld.idx.msk [tilespmem:v15+s21+$0x0], $0xffff;
	v8 =	vadd.f32 v20, v8  }
0x168: {  	v29 =	vmul.f32 v29, v29;
	v20 =	vsub.f32 v33, v30;
	v27 =	vadd.f32 v31, v27;
	v15 =	vmovc v28  }
0x169: {  	v17 =	vmax.f32 v17, $1.000000020e-35;
	v28 =	vmul.f32 v34, v32;
	v30 =	vmul.f32 v36, v14;
	v14 =	vmovc v11;
	v11 =	vmovc v47  }
0x16a: {  	v32 =	vmul.f32 v38, v38;
	v31 =	vshra.s32 v17, $0x1;
	v27 =	vmax.f32 v27, $1.000000020e-35  }
0x16b: {  	v34 =	vmul.f32 v30, v30;
	v33 =	vshra.s32 v27, $0x1;
	v44 =	vmul.f32 $5.000000000e-01, v27  }
0x16c: {  	v30 =	vsub.s32 $0x5F3759DF, v31;
	v20 =	vmul.f32 v20, v20;
	v38 =	vsub.s32 $0x5F3759DF, v33  }
0x16d: {  	v33 =	vadd.f32 v34, v42;
	v31 =	vmul.f32 v38, v44;
	v28 =	vsub.f32 v35, v28  }
0x16e: {  	v34 =	vadd.s32 s29, v0;
	v20 =	vadd.f32 v32, v20;
	v32 =	vmul.f32 v45, v45  }
0x16f: {  	v34 =	vand.u32 $0x7FF8, v34;
	v33 =	vadd.f32 v33, v29;
	v31 =	vmul.f32 v38, v31  }
0x170: {  	v39 =	vor.u32 v4, v34;
	v20 =	vadd.f32 v32, v20;
	v29 =	vmul.f32 v28, v49  }
0x171: {  	v42 =	vmul.f32 v37, v19;
	v19 =	vmovc v27;
	v28 =	vmul.f32 $3.333333430e-01, v33;
	v40 =	vsub.f32 $1.500000000e+00, v31  }
0x172: {  	v27 =	vadd.s32 s29, v2;
	v33 =	vmul.f32 $5.000000000e-01, v17;
	v31 =	vadd.s32 s29, v3  }
0x173: {  	v27 =	vand.u32 $0x7FF8, v27;
	v32 =	vand.u32 $0x7FF8, v31;
	v34 =	vadd.f32 $9.999999970e-07, v28;
	v45 =	vld.idx.msk [tilespmem:v12+s21+$0x0], $0xffff;
	v12 =	vmovc v22;
	v22 =	vmovc v39  }
.Ltmp1:
0x174: {  	v31 =	vor.u32 v5, v27;
	v28 =	vor.u32 v6, v32;
	v32 =	vmax.f32 v20, $1.000000020e-35;
	v35 =	vld.idx.msk [tilespmem:v13+s22+$0x0], $0xffff;
	(pc) =	sbr.rel @p0 .LBB2_4-.Ltmp1, $4  }
0x175: {  	v41 =	vmul.f32 v30, v33;
	v47 =	vshra.s32 v32, $0x1;
	v20 =	vmax.f32 v34, $1.000000020e-35;
	v36 =	vld.idx.msk [tilespmem:v39+s20+$0x0], $0xffff  }
0x176: {  	v37 =	vmul.f32 v38, v40;
	v40 =	vshra.s32 v20, $0x1;
	v27 =	vmul.f32 $5.000000000e-01, v20;
	v34 =	vld.idx.msk [tilespmem:v39+s22+$0x0], $0xffff  }
0x177: {  	v38 =	vmul.f32 v30, v41;
	v41 =	vmul.f32 $5.000000000e-01, v32;
	v43 =	vsub.s32 $0x5F3759DF, v40;
	v39 =	vld.idx.msk [tilespmem:v39+s18+$0x0], $0xffff  }
0x178: {  	v46 =	vmul.f32 v37, v44;
	v44 =	vsub.s32 $0x5F3759DF, v47;
	v47 =	vmul.f32 v43, v27;
	v40 =	vld.idx.msk [tilespmem:v22+s19+$0x0], $0xffff  }
0x179: {  	_ =	sdelay $0x2  }
0x17a: {  	v26 =	vsub.f32 $1.500000000e+00, v26;
	v48 =	vmul.f32 v44, v41;
	v16 =	vmul.f32 v21, v16  }
0x17b: {  	v49 =	vld.idx.msk [tilespmem:v31+s20+$0x0], $0xffff;
	v24 =	vmul.f32 v24, v35;
	v29 =	vmul.f32 v29, v29  }
0x17c: {  	v21 =	vsub.f32 v45, v42;
	v56 =	vld.idx.msk [tilespmem:v31+s19+$0x0], $0xffff;
	v47 =	vmul.f32 v43, v47;
	v26 =	vmul.f32 v25, v26  }
0x17d: {  	v50 =	vld.idx.msk [tilespmem:v31+s18+$0x0], $0xffff;
	v38 =	vsub.f32 $1.500000000e+00, v38;
	v46 =	vmul.f32 v46, v37;
	v55 =	vmul.f32 v44, v48  }
0x17e: {  	v51 =	vld.idx.msk [tilespmem:v28+s20+$0x0], $0xffff;
	v16 =	vmul.f32 v21, v16;
	v23 =	vmul.f32 v26, v23  }
0x17f: {  	v48 =	vld.idx.msk [tilespmem:v28+s18+$0x0], $0xffff;
	v30 =	vmul.f32 v30, v38;
	v47 =	vsub.f32 $1.500000000e+00, v47;
	v21 =	vsub.f32 $1.500000000e+00, v55  }
0x180: {  	v45 =	vld.idx.msk [tilespmem:v28+s19+$0x0], $0xffff;
	v57 =	vsub.f32 $1.500000000e+00, v46;
	v52 =	vmul.f32 v16, v16;
	v23 =	vmul.f32 v23, v26  }
0x181: {  	v33 =	vmul.f32 v30, v33;
	v58 =	vsub.f32 v36, v49;
	v21 =	vmul.f32 v44, v21  }
0x182: {  	v16 =	vmul.f32 v43, v47;
	v62 =	vsub.f32 v39, v50;
	v23 =	vsub.f32 $1.500000000e+00, v23  }
0x183: {  	v9 =	vld.idx.msk [tilespmem:v9+s21+$0x0], $0xffff;
	v61 =	vsub.f32 v40, v56;
	v63 =	vsub.f32 v36, v51;
	v59 =	vmul.f32 v21, v41  }
0x184: {  	v60 =	vsub.f32 v39, v48;
	v39 =	vmul.f32 v62, v62;
	v23 =	vmul.f32 v23, v26  }
0x185: {  	v42 =	vsub.f32 v56, v45;
	v36 =	vmul.f32 v63, v63;
	v41 =	vmul.f32 v59, v21  }
0x186: {  	v47 =	vmul.f32 v58, v58;
	v18 =	vmul.f32 v23, v18;
	v23 =	vsub.f32 v40, v45  }
0x187: {  	v50 =	vsub.f32 v50, v48;
	v40 =	vmul.f32 v61, v61;
	v41 =	vsub.f32 $1.500000000e+00, v41  }
0x188: {  	v15 =	vld.idx.msk [tilespmem:v15+s21+$0x0], $0xffff;
	v46 =	vmul.f32 v60, v60;
	v23 =	vmul.f32 v23, v23;
	v9 =	vsub.f32 v9, v18  }
0x189: {  	v54 =	vmul.f32 v42, v42;
	v39 =	vadd.f32 v40, v39;
	v21 =	vmul.f32 v41, v21  }
0x18a: {  	v18 =	vmul.f32 v57, v37;
	v23 =	vadd.f32 v23, v46;
	v9 =	vmul.f32 v9, v14  }
0x18b: {  	v53 =	vadd.f32 v47, v39;
	v14 =	vsub.f32 v49, v51;
	v21 =	vmul.f32 v21, v32  }
0x18c: {  	v23 =	vadd.f32 v36, v23;
	v36 =	vmul.f32 v50, v50;
	v9 =	vmul.f32 v9, v9  }
0x18d: {  	v37 =	vmax.f32 v53, $1.000000020e-35;
	v14 =	vmul.f32 v14, v14;
	v15 =	vsub.f32 v15, v21  }
0x18e: {  	v23 =	vmax.f32 v23, $1.000000020e-35;
	v36 =	vadd.f32 v54, v36;
	v9 =	vadd.f32 v9, v52  }
0x18f: {  	v56 =	vshra.s32 v37, $0x1;
	v57 =	vmul.f32 $5.000000000e-01, v37;
	v55 =	vshra.s32 v23, $0x1  }
0x190: {  	v14 =	vadd.f32 v14, v36;
	v9 =	vadd.f32 v9, v29;
	v29 =	vmul.f32 $5.000000000e-01, v23  }
0x191: {  	v40 =	vsub.s32 $0x5F3759DF, v56;
	v15 =	vmul.f32 v15, v24;
	v58 =	vsub.s32 $0x5F3759DF, v55  }
0x192: {  	v12 =	vld.idx.msk [tilespmem:v12+s21+$0x0], $0xffff;
	v14 =	vmax.f32 v14, $1.000000020e-35;
	v9 =	vmul.f32 $3.333333430e-01, v9;
	v62 =	vmul.f32 v58, v29  }
0x193: {  	v13 =	vld.idx.msk [tilespmem:v13+s21+$0x0], $0xffff;
	v59 =	vmul.f32 v40, v57;
	v21 =	vshra.s32 v14, $0x1;
	v60 =	vmul.f32 $5.000000000e-01, v14  }
0x194: {  	v22 =	vld.idx.msk [tilespmem:v22+s21+$0x0], $0xffff;
	v21 =	vsub.s32 $0x5F3759DF, v21;
	v9 =	vadd.f32 $9.999999970e-07, v9;
	v24 =	vmul.f32 v58, v62  }
0x195: {  	v25 =	vld.idx.msk [tilespmem:v28+s22+$0x0], $0xffff;
	v36 =	vmul.f32 v40, v59;
	v63 =	vmul.f32 v21, v60  }
0x196: {  	v28 =	vld.idx.msk [tilespmem:v28+s21+$0x0], $0xffff;
	v18 =	vmul.f32 v18, v19;
	v19 =	vmax.f32 v9, $1.000000020e-35;
	v9 =	vsub.f32 $1.500000000e+00, v24  }
0x197: {  	s28 =	simm.s32 $0x0;
	s29 =	rddreg [dreg:$0x12];
	v61 =	vld.idx.msk [tilespmem:v31+s22+$0x0], $0xffff;
	v36 =	vsub.f32 $1.500000000e+00, v36;
	v48 =	vmul.f32 v21, v63  }
0x198: {  	v51 =	vmul.f32 v33, v30;
	v24 =	vld.idx.msk [tilespmem:v31+s21+$0x0], $0xffff;
	[tilespmem:s18], [sflag:$0x2] =	stream.linear.gather [hbm4b:s29+s28], $0x2EE0, $0x38;
	v9 =	vmul.f32 v58, v9  }
0x199: {  	v31 =	vmul.f32 v40, v36;
	s29 =	rddreg [dreg:$0x13];
	v49 =	vsub.f32 $1.500000000e+00, v48  }
0x19a: {  	v10 =	vmul.f32 v35, v10;
	v32 =	vsub.f32 $1.500000000e+00, v51;
	[tilespmem:s19], [sflag:$0x2] =	stream.linear.gather [hbm4b:s29+s28], $0x2EE0, $0x38;
	v29 =	vmul.f32 v9, v29;
	[tilespmem:$0x1D4D0] =	vst v63  }
0x19b: {  	v53 =	vmul.f32 v31, v57;
	s29 =	rddreg [dreg:$0x14];
	v21 =	vmul.f32 v21, v49  }
0x19c: {  	v30 =	vmul.f32 v32, v30;
	[tilespmem:s20], [sflag:$0x2] =	stream.linear.gather [hbm4b:s29+s28], $0x2EE0, $0x38;
	v29 =	vmul.f32 v29, v9;
	[tilespmem:$0x1D4D0] =	vst v63  }
0x19d: {  	v12 =	vsub.f32 v12, v18;
	v36 =	vmul.f32 v53, v31;
	s29 =	rddreg [dreg:$0x15];
	v54 =	vmul.f32 v21, v60  }
0x19e: {  	v26 =	vmul.f32 v25, v34;
	v17 =	vmul.f32 v30, v17;
	[tilespmem:s21], [sflag:$0x2] =	stream.linear.gather [hbm4b:s29+s28], $0x2EE0, $0x38;
	v29 =	vsub.f32 $1.500000000e+00, v29;
	[tilespmem:$0x1D4D0] =	vst v63  }
0x19f: {  	v10 =	vmul.f32 v12, v10;
	v56 =	vsub.f32 $1.500000000e+00, v36;
	s29 =	rddreg [dreg:$0x16];
	v18 =	vmul.f32 v54, v21  }
0x1a0: {  	v25 =	vmul.f32 v25, v61;
	v13 =	vsub.f32 v13, v17;
	[tilespmem:s22], [sflag:$0x2] =	stream.linear.gather [hbm4b:s29+s28], $0x2EE0, $0x38;
	v9 =	vmul.f32 v29, v9;
	[tilespmem:$0x1D4D0] =	vst v63  }
0x1a1: {  	v10 =	vmul.f32 v10, v10;
	_ =	swait.ge [sflag:s23], $0x2EE0;
	v12 =	vsub.f32 $1.500000000e+00, v18;
	v18 =	vmul.f32 v56, v31  }
0x1a2: {  	v11 =	vmul.f32 v13, v11;
	[sflag:s23] =	ssyncset.done $0x0;
	v9 =	vmul.f32 v9, v23  }
0x1a3: {  	[sflag:s23] =	ssyncadd.s32 $0xFFFFD120;
	v12 =	vmul.f32 v12, v21;
	v17 =	vmul.f32 v18, v37  }
0x1a4: {  	v13 =	vmul.f32 v61, v34;
	v50 =	vmul.f32 $5.000000000e-01, v19;
	_ =	swait.ge [sflag:s23], $0x2EE0;
	v9 =	vsub.f32 v24, v9  }
0x1a5: {  	v52 =	vshra.s32 v19, $0x1;
	[sflag:s23] =	ssyncset.done $0x0;
	v12 =	vmul.f32 v12, v14;
	v14 =	vsub.f32 v22, v17  }
0x1a6: {  	v11 =	vmul.f32 v11, v11;
	v33 =	vsub.s32 $0x5F3759DF, v52;
	[sflag:s23] =	ssyncadd.s32 $0xFFFFD120;
	v9 =	vmul.f32 v9, v26  }
0x1a7: {  	v55 =	vmul.f32 v33, v50;
	_ =	swait.ge [sflag:s23], $0x2EE0;
	v12 =	vsub.f32 v28, v12;
	v13 =	vmul.f32 v14, v13  }
0x1a8: {  	v10 =	vadd.f32 v11, v10;
	[sflag:s23] =	ssyncset.done $0x0;
	v14 =	vmul.f32 v15, v15;
	v9 =	vmul.f32 v9, v9  }
0x1a9: {  	[sflag:s23] =	ssyncadd.s32 $0xFFFFD120;
	v11 =	vmul.f32 v12, v25;
	v12 =	vmul.f32 v13, v13;
	v13 =	vadd.s32 s28, v0  }
0x1aa: {  	v15 =	vmul.f32 v33, v55;
	_ =	swait.ge [sflag:s23], $0x2EE0;
	v10 =	vadd.f32 v10, v14;
	v13 =	vand.u32 $0x7FF8, v13  }
0x1ab: {  	[sflag:s23] =	ssyncset.done $0x0;
	v11 =	vmul.f32 v11, v11;
	v12 =	vadd.f32 v9, v12;
	v9 =	vor.u32 v4, v13  }
0x1ac: {  	v14 =	vsub.f32 $1.500000000e+00, v15;
	v15 =	vadd.s32 s28, v2;
	[sflag:s23] =	ssyncadd.s32 $0xFFFFD120;
	v13 =	vmul.f32 v16, v27  }
0x1ad: {  	v10 =	vmul.f32 $3.333333430e-01, v10;
	_ =	swait.ge [sflag:s23], $0x2EE0;
	v11 =	vadd.f32 v12, v11;
	v12 =	vand.u32 $0x7FF8, v15  }
0x1ae: {  	v14 =	vmul.f32 v33, v14;
	[sflag:s23] =	ssyncset.done $0x0;
	v13 =	vmul.f32 v13, v16;
	v18 =	vor.u32 v5, v12  }
0x1af: {  	v10 =	vadd.f32 $9.999999970e-07, v10;
	[sflag:s23] =	ssyncadd.s32 $0xFFFFD120;
	v12 =	vadd.s32 s28, v3;
	v11 =	vmul.f32 $3.333333430e-01, v11  }
0x1b0: {  	v15 =	vmul.f32 v14, v50;
	v13 =	vsub.f32 $1.500000000e+00, v13;
	v12 =	vand.u32 $0x7FF8, v12;
	v17 =	vld.idx.msk [tilespmem:v9+s15+$0x0], $0xffff  }
0x1b1: {  	v22 =	vmax.f32 v10, $1.000000020e-35;
	v23 =	vld.idx.msk [tilespmem:v9+s14+$0x0], $0xffff;
	v10 =	vadd.f32 $9.999999970e-07, v11;
	v11 =	vor.u32 v6, v12  }
0x1b2: {  	v21 =	vmul.f32 $5.000000000e-01, v22;
	v12 =	vld.idx.msk [tilespmem:v9+s1+$0x0], $0xffff;
	v13 =	vmul.f32 v13, v16;
	v16 =	vshra.s32 v22, $0x1  }
0x1b3: {  	v15 =	vmul.f32 v15, v14;
	v16 =	vsub.s32 $0x5F3759DF, v16;
	v24 =	vmax.f32 v10, $1.000000020e-35;
	v10 =	vld.idx.msk [tilespmem:v18+s14+$0x0], $0xffff  }
0x1b4: {  	v25 =	vmul.f32 v16, v21;
	v28 =	vld.idx.msk [tilespmem:v18+s1+$0x0], $0xffff;
	v26 =	vshra.s32 v24, $0x1;
	v27 =	vmul.f32 $5.000000000e-01, v24  }
0x1b5: {  	v13 =	vmul.f32 v13, v20;
	v20 =	vsub.s32 $0x5F3759DF, v26;
	v26 =	vld.idx.msk [tilespmem:v18+s15+$0x0], $0xffff  }
0x1b6: {  	v15 =	vsub.f32 $1.500000000e+00, v15;
	v25 =	vmul.f32 v16, v25;
	v29 =	vmul.f32 v20, v27;
	v30 =	vld.idx.msk [tilespmem:v11+s14+$0x0], $0xffff  }
0x1b7: {  	v13 =	vadd.f32 v13, v8;
	v8 =	vld.idx.msk [tilespmem:v11+s1+$0x0], $0xffff  }
0x1b8: {  	v14 =	vmul.f32 v15, v14;
	v15 =	vsub.f32 $1.500000000e+00, v25;
	v25 =	vmul.f32 v20, v29  }
0x1b9: {  	v29 =	vld.idx.msk [tilespmem:v11+s15+$0x0], $0xffff;
	v31 =	vsub.f32 v23, v10;
	v57 =	vsub.f32 v12, v28  }
0x1ba: {  	v14 =	vmul.f32 v14, v19;
	v15 =	vmul.f32 v16, v15;
	v16 =	vsub.f32 $1.500000000e+00, v25  }
0x1bb: {  	v19 =	vsub.f32 v17, v26;
	v25 =	vmul.f32 v31, v31;
	v31 =	vmul.f32 v57, v57  }
0x1bc: {  	v21 =	vmul.f32 v15, v21;
	v12 =	vsub.f32 v12, v8;
	v23 =	vsub.f32 v23, v30  }
0x1bd: {  	v10 =	vsub.f32 v10, v30;
	v25 =	vadd.f32 v25, v31;
	v19 =	vmul.f32 v19, v19  }
0x1be: {  	v16 =	vmul.f32 v20, v16;
	v26 =	vsub.f32 v26, v29;
	v12 =	vmul.f32 v12, v12  }
0x1bf: {  	v17 =	vsub.f32 v17, v29;
	v23 =	vmul.f32 v23, v23;
	v29 =	vmul.f32 v21, v15  }
0x1c0: {  	v10 =	vmul.f32 v10, v10;
	v19 =	vadd.f32 v19, v25;
	v27 =	vmul.f32 v16, v27  }
0x1c1: {  	s28 =	simm.s32 $0x30;
	v23 =	vadd.f32 v23, v12;
	v12 =	vsub.f32 v28, v8;
	v17 =	vmul.f32 v17, v17  }
0x1c2: {  	v29 =	vsub.f32 $1.500000000e+00, v29;
	v8 =	vmax.f32 v19, $1.000000020e-35;
	v19 =	vadd.s32 s28, v0  }
0x1c3: {  	v27 =	vmul.f32 v27, v16;
	v20 =	vshra.s32 v8, $0x1;
	v19 =	vand.u32 $0x7FF8, v19  }
0x1c4: {  	v12 =	vmul.f32 v12, v12;
	v25 =	vmul.f32 $5.000000000e-01, v8;
	v21 =	vor.u32 v4, v19  }
0x1c5: {  	v17 =	vadd.f32 v17, v23;
	v28 =	vsub.s32 $0x5F3759DF, v20;
	v20 =	vadd.s32 s28, v3  }
0x1c6: {  	v30 =	vld.idx.msk [tilespmem:v11+s17+$0x0], $0xffff;
	v19 =	vmul.f32 v26, v26;
	v10 =	vadd.f32 v10, v12;
	v20 =	vand.u32 $0x7FF8, v20  }
0x1c7: {  	v31 =	vld.idx.msk [tilespmem:v18+s17+$0x0], $0xffff;
	v15 =	vmul.f32 v29, v15;
	v26 =	vmul.f32 v28, v25;
	v20 =	vor.u32 v6, v20  }
0x1c8: {  	v27 =	vsub.f32 $1.500000000e+00, v27;
	v12 =	vld.idx.msk [tilespmem:v9+s17+$0x0], $0xffff;
	v19 =	vadd.f32 v19, v10;
	v10 =	vadd.s32 s28, v2  }
0x1c9: {  	v40 =	vmul.f32 v15, v22;
	v26 =	vmul.f32 v28, v26;
	v10 =	vand.u32 $0x7FF8, v10;
	v58 =	vld.idx.msk [tilespmem:v21+s15+$0x0], $0xffff  }
0x1ca: {  	v15 =	vmul.f32 v27, v16;
	v10 =	vor.u32 v5, v10;
	v19 =	vmax.f32 v19, $1.000000020e-35;
	v59 =	vld.idx.msk [tilespmem:v21+s1+$0x0], $0xffff  }
0x1cb: {  	v26 =	vsub.f32 $1.500000000e+00, v26;
	v61 =	vld.idx.msk [tilespmem:v21+s14+$0x0], $0xffff;
	v23 =	vshra.s32 v19, $0x1;
	v60 =	vmul.f32 $5.000000000e-01, v19  }
0x1cc: {  	v42 =	vadd.f32 v14, v13;
	v43 =	vmul.f32 v15, v24;
	v62 =	vsub.s32 $0x5F3759DF, v23;
	v48 =	vld.idx.msk [tilespmem:v20+s1+$0x0], $0xffff  }
0x1cd: {  	v23 =	vmax.f32 v17, $1.000000020e-35;
	v26 =	vmul.f32 v28, v26;
	v13 =	vld.idx.msk [tilespmem:v20+s15+$0x0], $0xffff;
	v17 =	vmul.f32 v62, v60  }
0x1ce: {  	v24 =	vmul.f32 v30, v31;
	v63 =	vld.idx.msk [tilespmem:v20+s14+$0x0], $0xffff;
	v29 =	vmul.f32 $5.000000000e-01, v23;
	v28 =	vshra.s32 v23, $0x1  }
0x1cf: {  	v25 =	vmul.f32 v26, v25;
	v27 =	vsub.s32 $0x5F3759DF, v28;
	v17 =	vmul.f32 v62, v17;
	v49 =	vld.idx.msk [tilespmem:v10+s14+$0x0], $0xffff  }
0x1d0: {  	v28 =	vmul.f32 v30, v12;
	v16 =	vld.idx.msk [tilespmem:v10+s1+$0x0], $0xffff;
	v22 =	vmul.f32 v27, v29  }
0x1d1: {  	v12 =	vmul.f32 v31, v12;
	v50 =	vld.idx.msk [tilespmem:v10+s15+$0x0], $0xffff;
	v25 =	vmul.f32 v25, v26;
	v17 =	vsub.f32 $1.500000000e+00, v17  }
0x1d2: {  	v44 =	vmul.f32 v27, v22;
	v15 =	vsub.f32 v59, v48;
	v32 =	vsub.f32 v58, v13  }
0x1d3: {  	v14 =	vsub.f32 $1.500000000e+00, v25;
	v25 =	vsub.f32 v61, v63;
	v22 =	vmul.f32 v62, v17  }
0x1d4: {  	v15 =	vmul.f32 v15, v15;
	v32 =	vmul.f32 v32, v32;
	v44 =	vsub.f32 $1.500000000e+00, v44  }
0x1d5: {  	v35 =	vsub.f32 v61, v49;
	v33 =	vsub.f32 v59, v16;
	v25 =	vmul.f32 v25, v25  }
0x1d6: {  	v51 =	vsub.f32 v58, v50;
	v34 =	vmul.f32 v22, v60;
	v44 =	vmul.f32 v27, v44  }
0x1d7: {  	v9 =	vld.idx.msk [tilespmem:v9+s16+$0x0], $0xffff;
	v41 =	vsub.f32 v50, v13;
	v35 =	vmul.f32 v35, v35;
	v33 =	vmul.f32 v33, v33  }
0x1d8: {  	v54 =	vmul.f32 v14, v26;
	v25 =	vadd.f32 v25, v15;
	v13 =	vmul.f32 v34, v22  }
0x1d9: {  	v52 =	vmul.f32 v51, v51;
	v29 =	vmul.f32 v44, v29;
	v33 =	vadd.f32 v35, v33  }
0x1da: {  	v53 =	vsub.f32 v49, v63;
	v8 =	vmul.f32 v54, v8;
	v13 =	vsub.f32 $1.500000000e+00, v13  }
0x1db: {  	v14 =	vadd.f32 v32, v25;
	v29 =	vmul.f32 v29, v44;
	v25 =	vadd.f32 v52, v33  }
0x1dc: {  	s28 =	simm.s32 $0x60;
	v9 =	vsub.f32 v9, v8;
	v22 =	vmul.f32 v13, v22;
	v13 =	vsub.f32 v16, v48  }
0x1dd: {  	v16 =	vadd.s32 s28, v0;
	v29 =	vsub.f32 $1.500000000e+00, v29;
	v32 =	vmax.f32 v25, $1.000000020e-35  }
0x1de: {  	v25 =	vmul.f32 v53, v53;
	v16 =	vand.u32 $0x7FF8, v16;
	v26 =	vshra.s32 v32, $0x1  }
0x1df: {  	v11 =	vld.idx.msk [tilespmem:v11+s16+$0x0], $0xffff;
	v55 =	vmul.f32 v13, v13;
	v13 =	vor.u32 v4, v16;
	v56 =	vmul.f32 v22, v19  }
0x1e0: {  	v30 =	vld.idx.msk [tilespmem:v20+s17+$0x0], $0xffff;
	v57 =	vmul.f32 $5.000000000e-01, v32;
	v19 =	vmul.f32 v41, v41;
	v22 =	vadd.s32 s28, v3  }
0x1e1: {  	v17 =	vld.idx.msk [tilespmem:v21+s17+$0x0], $0xffff;
	v29 =	vmul.f32 v29, v44;
	v58 =	vsub.s32 $0x5F3759DF, v26;
	v16 =	vadd.f32 v25, v55  }
0x1e2: {  	v18 =	vld.idx.msk [tilespmem:v18+s16+$0x0], $0xffff;
	v26 =	vadd.s32 s28, v2;
	v22 =	vand.u32 $0x7FF8, v22;
	v25 =	vmul.f32 v58, v57  }
0x1e3: {  	v26 =	vand.u32 $0x7FF8, v26;
	v33 =	vadd.f32 v19, v16;
	v16 =	vor.u32 v6, v22;
	v22 =	vld.idx.msk [tilespmem:v10+s17+$0x0], $0xffff  }
0x1e4: {  	v19 =	vmax.f32 v14, $1.000000020e-35;
	v25 =	vmul.f32 v58, v25;
	v14 =	vor.u32 v5, v26;
	v38 =	vld.idx.msk [tilespmem:v13+s15+$0x0], $0xffff  }
0x1e5: {  	v34 =	vsub.f32 v11, v56;
	v23 =	vmul.f32 v29, v23;
	v11 =	vld.idx.msk [tilespmem:v13+s17+$0x0], $0xffff  }
0x1e6: {  	v15 =	vmul.f32 v30, v17;
	v12 =	vmul.f32 v9, v12;
	v41 =	vld.idx.msk [tilespmem:v13+s1+$0x0], $0xffff;
	v25 =	vsub.f32 $1.500000000e+00, v25  }
0x1e7: {  	v34 =	vmul.f32 v34, v24;
	v23 =	vsub.f32 v18, v23;
	v26 =	vshra.s32 v19, $0x1;
	v61 =	vld.idx.msk [tilespmem:v13+s14+$0x0], $0xffff  }
0x1e8: {  	v24 =	vmul.f32 $5.000000000e-01, v19;
	v33 =	vmax.f32 v33, $1.000000020e-35;
	v37 =	vmul.f32 v58, v25;
	v25 =	vld.idx.msk [tilespmem:v16+s17+$0x0], $0xffff  }
0x1e9: {  	v26 =	vsub.s32 $0x5F3759DF, v26;
	v59 =	vshra.s32 v33, $0x1;
	v60 =	vmul.f32 $5.000000000e-01, v33;
	v52 =	vld.idx.msk [tilespmem:v14+s15+$0x0], $0xffff  }
0x1ea: {  	v23 =	vmul.f32 v23, v28;
	v63 =	vmul.f32 v26, v24;
	v39 =	vsub.s32 $0x5F3759DF, v59;
	v54 =	vld.idx.msk [tilespmem:v16+s1+$0x0], $0xffff  }
0x1eb: {  	v40 =	vadd.f32 v40, v42;
	v62 =	vmul.f32 v39, v60;
	v55 =	vld.idx.msk [tilespmem:v14+s14+$0x0], $0xffff;
	v35 =	vmul.f32 v37, v57  }
0x1ec: {  	v23 =	vmul.f32 v23, v23;
	v56 =	vld.idx.msk [tilespmem:v14+s1+$0x0], $0xffff;
	v57 =	vmul.f32 v12, v12  }
0x1ed: {  	v8 =	vadd.f32 v43, v40;
	v53 =	vld.idx.msk [tilespmem:v16+s15+$0x0], $0xffff;
	v47 =	vmul.f32 v39, v62;
	v35 =	vmul.f32 v35, v37  }
0x1ee: {  	v9 =	vimm.f32 $0.0e+00;
	v34 =	vmul.f32 v34, v34;
	v23 =	vadd.f32 v23, v57  }
0x1ef: {  	v31 =	vld.idx.msk [tilespmem:v16+s14+$0x0], $0xffff;
	v27 =	vmul.f32 v26, v63;
	v47 =	vsub.f32 $1.500000000e+00, v47;
	v35 =	vsub.f32 $1.500000000e+00, v35  }
0x1f0: {  	v30 =	vmul.f32 v30, v22;
	v58 =	vsub.f32 v38, v52;
	v59 =	vsub.f32 v41, v54  }
0x1f1: {  	v12 =	vmul.f32 v25, v11;
	v46 =	vsub.f32 v61, v55;
	v41 =	vsub.f32 v41, v56  }
0x1f2: {  	v48 =	vsub.f32 v52, v53;
	v38 =	vsub.f32 v38, v53;
	v39 =	vmul.f32 v39, v47  }
0x1f3: {  	v36 =	vsub.f32 v56, v54;
	v62 =	vmul.f32 v46, v46;
	v41 =	vmul.f32 v41, v41  }
0x1f4: {  	v35 =	vmul.f32 v35, v37;
	v45 =	vmul.f32 v39, v60;
	v60 =	vsub.f32 v61, v31  }
0x1f5: {  	v37 =	vmul.f32 v59, v59;
	v50 =	vmul.f32 v58, v58;
	v46 =	vadd.f32 v62, v41  }
0x1f6: {  	s28 =	simm.s32 $0x90;
	v34 =	vadd.f32 v23, v34;
	v45 =	vmul.f32 v45, v39;
	v61 =	vmul.f32 v60, v60  }
0x1f7: {  	v51 =	vld.idx.msk [tilespmem:v20+s16+$0x0], $0xffff;
	v56 =	vadd.s32 s28, v0;
	v31 =	vsub.f32 v55, v31;
	v20 =	vadd.f32 v50, v46  }
0x1f8: {  	v63 =	vmul.f32 v38, v38;
	v45 =	vsub.f32 $1.500000000e+00, v45;
	v29 =	vadd.f32 v61, v37  }
0x1f9: {  	v57 =	vmul.f32 v48, v48;
	v59 =	vadd.s32 s28, v2;
	v52 =	vmul.f32 v31, v31  }
0x1fa: {  	v20 =	vmax.f32 v20, $1.000000020e-35;
	v18 =	vadd.f32 v63, v29;
	v29 =	vmul.f32 v45, v39  }
0x1fb: {  	v37 =	vand.u32 $0x7FF8, v56;
	v31 =	vshra.s32 v20, $0x1;
	v53 =	vmul.f32 $5.000000000e-01, v20  }
0x1fc: {  	v54 =	vsub.s32 $0x5F3759DF, v31;
	v18 =	vmax.f32 v18, $1.000000020e-35;
	v29 =	vmul.f32 v29, v33  }
0x1fd: {  	v23 =	vor.u32 v4, v37;
	v55 =	vmul.f32 v54, v53;
	v28 =	vshra.s32 v18, $0x1  }
0x1fe: {  	v31 =	vsub.s32 $0x5F3759DF, v28;
	v28 =	vmul.f32 v36, v36;
	v29 =	vsub.f32 v51, v29  }
0x1ff: {  	v43 =	vmul.f32 v35, v32;
	v32 =	vand.u32 $0x7FF8, v59;
	v36 =	vmul.f32 v54, v55  }
0x200: {  	v28 =	vadd.f32 v52, v28;
	v30 =	vmul.f32 v29, v30;
	v29 =	vmul.f32 $3.333333430e-01, v34  }
0x201: {  	v60 =	vadd.s32 s28, v3;
	v58 =	vsub.f32 $1.500000000e+00, v36;
	v34 =	vmul.f32 $5.000000000e-01, v18  }
0x202: {  	v46 =	vld.idx.msk [tilespmem:v21+s16+$0x0], $0xffff;
	v33 =	vand.u32 $0x7FF8, v60;
	v28 =	vadd.f32 v57, v28;
	v21 =	vadd.f32 $9.999999970e-07, v29  }
0x203: {  	v32 =	vor.u32 v5, v32;
	v37 =	vld.idx.msk [tilespmem:v23+s15+$0x0], $0xffff;
	v29 =	vor.u32 v6, v33;
	v61 =	vmul.f32 v31, v34  }
0x204: {  	v36 =	vld.idx.msk [tilespmem:v14+s17+$0x0], $0xffff;
	v38 =	vmul.f32 v54, v58;
	v33 =	vmax.f32 v28, $1.000000020e-35;
	v21 =	vmax.f32 v21, $1.000000020e-35  }
0x205: {  	v35 =	vld.idx.msk [tilespmem:v23+s17+$0x0], $0xffff;
	v39 =	vmul.f32 v31, v61;
	v63 =	vshra.s32 v21, $0x1;
	v28 =	vmul.f32 $5.000000000e-01, v21  }
0x206: {  	v40 =	vld.idx.msk [tilespmem:v23+s1+$0x0], $0xffff;
	v62 =	vshra.s32 v33, $0x1;
	v42 =	vmul.f32 $5.000000000e-01, v33;
	v44 =	vsub.s32 $0x5F3759DF, v63  }
0x207: {  	s28 =	simm.s32 $0xC0;
	v41 =	vld.idx.msk [tilespmem:v23+s14+$0x0], $0xffff;
	v47 =	vmul.f32 v38, v53;
	v45 =	vsub.s32 $0x5F3759DF, v62;
	v48 =	vmul.f32 v44, v28  }
.LBB2_6:
0x208: {  	p0 =	sne.s32 s28, $0x2EB0;
	v49 =	vld.idx.msk [tilespmem:v29+s17+$0x0], $0xffff;
	v50 =	vmul.f32 v45, v42;
	v52 =	vmul.f32 v22, v17;
	v43 =	vsub.f32 v46, v43;
	s29 =	smov.u32 s28;
	s28 =	sadd.s32 $0x30, s28  }
0x209: {  	v51 =	vsub.f32 $1.500000000e+00, v27;
	v22 =	vmovc v36;
	v46 =	vld.idx.msk [tilespmem:v32+s15+$0x0], $0xffff;
	v47 =	vmul.f32 v47, v38;
	v48 =	vmul.f32 v44, v48  }
0x20a: {  	v17 =	vmovc v11;
	v27 =	vmov v39;
	v36 =	vld.idx.msk [tilespmem:v29+s15+$0x0], $0xffff;
	v50 =	vmul.f32 v45, v50;
	v43 =	vmul.f32 v43, v52  }
0x20b: {  	v51 =	vmul.f32 v26, v51;
	v26 =	vmovc v31;
	v11 =	vmovc v35;
	v39 =	vld.idx.msk [tilespmem:v29+s14+$0x0], $0xffff;
	v47 =	vsub.f32 $1.500000000e+00, v47;
	v48 =	vsub.f32 $1.500000000e+00, v48  }
0x20c: {  	v31 =	vld.idx.msk [tilespmem:v29+s1+$0x0], $0xffff;
	v35 =	vsub.f32 $1.500000000e+00, v50;
	v50 =	vmul.f32 v25, v22;
	v43 =	vmul.f32 v43, v43  }
0x20d: {  	v53 =	vmul.f32 v51, v24;
	v24 =	vmov v34;
	v52 =	vld.idx.msk [tilespmem:v32+s14+$0x0], $0xffff;
	v44 =	vmul.f32 v44, v48  }
0x20e: {  	v48 =	vmul.f32 v49, v11;
	v25 =	vmov v49;
	v34 =	vld.idx.msk [tilespmem:v32+s1+$0x0], $0xffff;
	v35 =	vmul.f32 v45, v35  }
0x20f: {  	v45 =	vsub.f32 v37, v46;
	v49 =	vmul.f32 v53, v51;
	v28 =	vmul.f32 v44, v28  }
0x210: {  	v38 =	vmul.f32 v47, v38;
	v46 =	vsub.f32 v46, v36;
	v42 =	vmul.f32 v35, v42  }
0x211: {  	v36 =	vsub.f32 v37, v36;
	v37 =	vsub.f32 $1.500000000e+00, v49;
	v28 =	vmul.f32 v28, v44  }
0x212: {  	v49 =	vsub.f32 v41, v39;
	v47 =	vsub.f32 v40, v31;
	v42 =	vmul.f32 v42, v35;
	v53 =	vld.idx.msk [tilespmem:v10+s16+$0x0], $0xffff  }
0x213: {  	v41 =	vsub.f32 v41, v52;
	v37 =	vmul.f32 v37, v51;
	v10 =	vmovc v14;
	v14 =	vmovc v32;
	v28 =	vsub.f32 $1.500000000e+00, v28  }
0x214: {  	v32 =	vsub.f32 v40, v34;
	v40 =	vmul.f32 v47, v47;
	v47 =	vmul.f32 v49, v49  }
0x215: {  	v41 =	vmul.f32 v41, v41;
	v42 =	vsub.f32 $1.500000000e+00, v42;
	v28 =	vmul.f32 v28, v44  }
0x216: {  	v39 =	vsub.f32 v52, v39;
	v37 =	vmul.f32 v37, v19;
	v19 =	vmovc v18;
	v32 =	vmul.f32 v32, v32  }
0x217: {  	v36 =	vmul.f32 v36, v36;
	v18 =	vadd.f32 v47, v40;
	v21 =	vmul.f32 v28, v21  }
0x218: {  	v28 =	vadd.f32 v41, v32;
	v32 =	vmul.f32 v45, v45;
	v37 =	vsub.f32 v53, v37  }
0x219: {  	v35 =	vmul.f32 v42, v35;
	v18 =	vadd.f32 v36, v18;
	v36 =	vld.idx.msk [tilespmem:v16+s16+$0x0], $0xffff;
	v9 =	vadd.f32 v21, v9  }
0x21a: {  	v30 =	vmul.f32 v30, v30;
	v21 =	vsub.f32 v34, v31;
	v28 =	vadd.f32 v32, v28;
	v16 =	vmovc v29  }
0x21b: {  	v18 =	vmax.f32 v18, $1.000000020e-35;
	v29 =	vmul.f32 v35, v33;
	v31 =	vmul.f32 v37, v15;
	v15 =	vmovc v12;
	v12 =	vmovc v48  }
0x21c: {  	v33 =	vmul.f32 v39, v39;
	v32 =	vshra.s32 v18, $0x1;
	v28 =	vmax.f32 v28, $1.000000020e-35  }
0x21d: {  	v35 =	vmul.f32 v31, v31;
	v34 =	vshra.s32 v28, $0x1;
	v45 =	vmul.f32 $5.000000000e-01, v28  }
0x21e: {  	v31 =	vsub.s32 $0x5F3759DF, v32;
	v21 =	vmul.f32 v21, v21;
	v39 =	vsub.s32 $0x5F3759DF, v34  }
0x21f: {  	v34 =	vadd.f32 v35, v43;
	v32 =	vmul.f32 v39, v45;
	v29 =	vsub.f32 v36, v29  }
0x220: {  	v35 =	vadd.s32 s29, v0;
	v21 =	vadd.f32 v33, v21;
	v33 =	vmul.f32 v46, v46  }
0x221: {  	v35 =	vand.u32 $0x7FF8, v35;
	v34 =	vadd.f32 v34, v30;
	v32 =	vmul.f32 v39, v32  }
0x222: {  	v40 =	vor.u32 v4, v35;
	v21 =	vadd.f32 v33, v21;
	v30 =	vmul.f32 v29, v50  }
0x223: {  	v43 =	vmul.f32 v38, v20;
	v20 =	vmovc v28;
	v29 =	vmul.f32 $3.333333430e-01, v34;
	v41 =	vsub.f32 $1.500000000e+00, v32  }
0x224: {  	v28 =	vadd.s32 s29, v2;
	v34 =	vmul.f32 $5.000000000e-01, v18;
	v32 =	vadd.s32 s29, v3  }
0x225: {  	v28 =	vand.u32 $0x7FF8, v28;
	v33 =	vand.u32 $0x7FF8, v32;
	v35 =	vadd.f32 $9.999999970e-07, v29;
	v46 =	vld.idx.msk [tilespmem:v13+s16+$0x0], $0xffff;
	v13 =	vmovc v23;
	v23 =	vmovc v40  }
.Ltmp2:
0x226: {  	v32 =	vor.u32 v5, v28;
	v29 =	vor.u32 v6, v33;
	v33 =	vmax.f32 v21, $1.000000020e-35;
	v36 =	vld.idx.msk [tilespmem:v14+s17+$0x0], $0xffff;
	(pc) =	sbr.rel @p0 .LBB2_6-.Ltmp2, $4  }
0x227: {  	v42 =	vmul.f32 v31, v34;
	v48 =	vshra.s32 v33, $0x1;
	v21 =	vmax.f32 v35, $1.000000020e-35;
	v37 =	vld.idx.msk [tilespmem:v40+s15+$0x0], $0xffff  }
0x228: {  	v38 =	vmul.f32 v39, v41;
	v41 =	vshra.s32 v21, $0x1;
	v28 =	vmul.f32 $5.000000000e-01, v21;
	v35 =	vld.idx.msk [tilespmem:v40+s17+$0x0], $0xffff  }
0x229: {  	v39 =	vmul.f32 v31, v42;
	v42 =	vmul.f32 $5.000000000e-01, v33;
	v44 =	vsub.s32 $0x5F3759DF, v41;
	v40 =	vld.idx.msk [tilespmem:v40+s1+$0x0], $0xffff  }
0x22a: {  	v47 =	vmul.f32 v38, v45;
	v45 =	vsub.s32 $0x5F3759DF, v48;
	v48 =	vmul.f32 v44, v28;
	v41 =	vld.idx.msk [tilespmem:v23+s14+$0x0], $0xffff  }
0x22b: {  	_ =	sdelay $0x2  }
0x22c: {  	v27 =	vsub.f32 $1.500000000e+00, v27;
	v49 =	vmul.f32 v45, v42;
	v17 =	vmul.f32 v22, v17  }
0x22d: {  	v50 =	vld.idx.msk [tilespmem:v32+s15+$0x0], $0xffff;
	v25 =	vmul.f32 v25, v36;
	v30 =	vmul.f32 v30, v30  }
0x22e: {  	v22 =	vsub.f32 v46, v43;
	v46 =	vld.idx.msk [tilespmem:v29+s14+$0x0], $0xffff;
	v11 =	vmul.f32 v36, v11;
	v27 =	vmul.f32 v26, v27  }
0x22f: {  	v56 =	vld.idx.msk [tilespmem:v32+s14+$0x0], $0xffff;
	v39 =	vsub.f32 $1.500000000e+00, v39;
	v48 =	vmul.f32 v44, v48;
	v47 =	vmul.f32 v47, v38  }
0x230: {  	v51 =	vld.idx.msk [tilespmem:v32+s1+$0x0], $0xffff;
	v55 =	vmul.f32 v45, v49;
	v24 =	vmul.f32 v27, v24  }
0x231: {  	v52 =	vld.idx.msk [tilespmem:v29+s15+$0x0], $0xffff;
	v17 =	vmul.f32 v22, v17;
	v31 =	vmul.f32 v31, v39  }
0x232: {  	v49 =	vld.idx.msk [tilespmem:v29+s1+$0x0], $0xffff;
	v48 =	vsub.f32 $1.500000000e+00, v48;
	v22 =	vsub.f32 $1.500000000e+00, v55;
	v24 =	vmul.f32 v24, v27  }
0x233: {  	v57 =	vsub.f32 $1.500000000e+00, v47;
	v53 =	vmul.f32 v17, v17;
	v34 =	vmul.f32 v31, v34  }
0x234: {  	v58 =	vsub.f32 v37, v50;
	v22 =	vmul.f32 v45, v22;
	v24 =	vsub.f32 $1.500000000e+00, v24  }
0x235: {  	v17 =	vmul.f32 v44, v48;
	v61 =	vsub.f32 v41, v56;
	v62 =	vsub.f32 v40, v51  }
0x236: {  	v10 =	vld.idx.msk [tilespmem:v10+s16+$0x0], $0xffff;
	v63 =	vsub.f32 v37, v52;
	v59 =	vmul.f32 v22, v42;
	v24 =	vmul.f32 v24, v27  }
0x237: {  	v43 =	vsub.f32 v56, v46;
	v45 =	vmul.f32 v34, v31;
	v60 =	vsub.f32 v40, v49  }
0x238: {  	v42 =	vmul.f32 v59, v22;
	v19 =	vmul.f32 v24, v19;
	v24 =	vsub.f32 v41, v46  }
0x239: {  	v40 =	vmul.f32 v62, v62;
	v48 =	vsub.f32 v51, v49;
	v41 =	vmul.f32 v61, v61  }
0x23a: {  	v47 =	vmul.f32 v60, v60;
	v42 =	vsub.f32 $1.500000000e+00, v42;
	v24 =	vmul.f32 v24, v24  }
0x23b: {  	v16 =	vld.idx.msk [tilespmem:v16+s16+$0x0], $0xffff;
	v37 =	vmul.f32 v63, v63;
	v40 =	vadd.f32 v41, v40;
	v10 =	vsub.f32 v10, v19  }
0x23c: {  	v19 =	vmul.f32 v57, v38;
	v22 =	vmul.f32 v42, v22;
	v24 =	vadd.f32 v24, v47  }
0x23d: {  	v47 =	vmul.f32 v58, v58;
	v10 =	vmul.f32 v10, v15;
	v15 =	vsub.f32 v50, v52  }
0x23e: {  	v50 =	vmul.f32 v43, v43;
	v22 =	vmul.f32 v22, v33;
	v24 =	vadd.f32 v37, v24  }
0x23f: {  	v49 =	vadd.f32 v47, v40;
	v37 =	vmul.f32 v48, v48;
	v10 =	vmul.f32 v10, v10  }
0x240: {  	v15 =	vmul.f32 v15, v15;
	v16 =	vsub.f32 v16, v22;
	v24 =	vmax.f32 v24, $1.000000020e-35  }
0x241: {  	v38 =	vmax.f32 v49, $1.000000020e-35;
	v37 =	vadd.f32 v50, v37;
	v10 =	vadd.f32 v10, v53  }
0x242: {  	v16 =	vmul.f32 v16, v25;
	v51 =	vshra.s32 v24, $0x1;
	v52 =	vshra.s32 v38, $0x1  }
0x243: {  	v15 =	vadd.f32 v15, v37;
	v10 =	vadd.f32 v10, v30;
	v30 =	vmul.f32 $5.000000000e-01, v24  }
0x244: {  	v54 =	vmul.f32 $5.000000000e-01, v38;
	v41 =	vsub.s32 $0x5F3759DF, v52;
	v55 =	vsub.s32 $0x5F3759DF, v51  }
0x245: {  	v13 =	vld.idx.msk [tilespmem:v13+s16+$0x0], $0xffff;
	v15 =	vmax.f32 v15, $1.000000020e-35;
	v10 =	vmul.f32 $3.333333430e-01, v10;
	v59 =	vmul.f32 v55, v30  }
0x246: {  	v26 =	vld.idx.msk [tilespmem:v29+s17+$0x0], $0xffff;
	v56 =	vmul.f32 v41, v54;
	v22 =	vshra.s32 v15, $0x1;
	v57 =	vmul.f32 $5.000000000e-01, v15  }
0x247: {  	v14 =	vld.idx.msk [tilespmem:v14+s16+$0x0], $0xffff;
	v22 =	vsub.s32 $0x5F3759DF, v22;
	v10 =	vadd.f32 $9.999999970e-07, v10;
	v25 =	vmul.f32 v55, v59  }
0x248: {  	v23 =	vld.idx.msk [tilespmem:v23+s16+$0x0], $0xffff;
	v37 =	vmul.f32 v41, v56;
	v60 =	vmul.f32 v22, v57  }
0x249: {  	v29 =	vld.idx.msk [tilespmem:v29+s16+$0x0], $0xffff;
	v19 =	vmul.f32 v19, v20;
	v20 =	vmax.f32 v10, $1.000000020e-35;
	v10 =	vsub.f32 $1.500000000e+00, v25  }
0x24a: {  	s28 =	simm.s32 $0x0;
	s29 =	rddreg [dreg:$0x17];
	v58 =	vld.idx.msk [tilespmem:v32+s17+$0x0], $0xffff;
	v33 =	vsub.f32 $1.500000000e+00, v45;
	v37 =	vsub.f32 $1.500000000e+00, v37;
	v61 =	vmul.f32 v22, v60  }
0x24b: {  	v27 =	vmul.f32 v26, v35;
	v13 =	vsub.f32 v13, v19;
	v25 =	vld.idx.msk [tilespmem:v32+s16+$0x0], $0xffff;
	[tilespmem:s28], [sflag:$0x1] =	stream.linear.gather [hbm4b:s29+s28], $0x2EE0, $0x38;
	v10 =	vmul.f32 v55, v10  }
0x24c: {  	v31 =	vmul.f32 v33, v31;
	s29 =	rddreg [dreg:$0x18];
	v62 =	vmul.f32 v41, v37;
	v63 =	vsub.f32 $1.500000000e+00, v61  }
0x24d: {  	v11 =	vmul.f32 v13, v11;
	[tilespmem:s14], [sflag:$0x1] =	stream.linear.gather [hbm4b:s29+s28], $0x2EE0, $0x38;
	v30 =	vmul.f32 v10, v30;
	[tilespmem:$0x1D4D0] =	vst v63  }
0x24e: {  	s29 =	rddreg [dreg:$0x19];
	v47 =	vmul.f32 v62, v54;
	v22 =	vmul.f32 v22, v63  }
0x24f: {  	v18 =	vmul.f32 v31, v18;
	[tilespmem:s15], [sflag:$0x1] =	stream.linear.gather [hbm4b:s29+s28], $0x2EE0, $0x38;
	v30 =	vmul.f32 v30, v10;
	[tilespmem:$0x1D4D0] =	vst v63  }
0x250: {  	s29 =	rddreg [dreg:$0x1a];
	v37 =	vmul.f32 v47, v62;
	v48 =	vmul.f32 v22, v57  }
0x251: {  	v26 =	vmul.f32 v26, v58;
	v14 =	vsub.f32 v14, v18;
	[tilespmem:s16], [sflag:$0x1] =	stream.linear.gather [hbm4b:s29+s28], $0x2EE0, $0x38;
	v30 =	vsub.f32 $1.500000000e+00, v30;
	[tilespmem:$0x1D4D0] =	vst v63  }
0x252: {  	v11 =	vmul.f32 v11, v11;
	s29 =	rddreg [dreg:$0x1b];
	v50 =	vsub.f32 $1.500000000e+00, v37;
	v19 =	vmul.f32 v48, v22  }
0x253: {  	v12 =	vmul.f32 v14, v12;
	[tilespmem:s17], [sflag:$0x1] =	stream.linear.gather [hbm4b:s29+s28], $0x2EE0, $0x38;
	v10 =	vmul.f32 v30, v10;
	[tilespmem:$0x1D4D0] =	vst v63  }
0x254: {  	v14 =	vmul.f32 v58, v35;
	_ =	swait.ge [sflag:s24], $0x2EE0;
	v13 =	vsub.f32 $1.500000000e+00, v19;
	v19 =	vmul.f32 v50, v62  }
0x255: {  	v12 =	vmul.f32 v12, v12;
	[sflag:s24] =	ssyncset.done $0x0;
	v10 =	vmul.f32 v10, v24  }
0x256: {  	[sflag:s24] =	ssyncadd.s32 $0xFFFFD120;
	v13 =	vmul.f32 v13, v22;
	v18 =	vmul.f32 v19, v38  }
0x257: {  	v44 =	vmul.f32 $5.000000000e-01, v20;
	v46 =	vshra.s32 v20, $0x1;
	_ =	swait.ge [sflag:s24], $0x2EE0;
	v10 =	vsub.f32 v25, v10  }
0x258: {  	v34 =	vsub.s32 $0x5F3759DF, v46;
	[sflag:s24] =	ssyncset.done $0x0;
	v13 =	vmul.f32 v13, v15;
	v15 =	vsub.f32 v23, v18  }
0x259: {  	v49 =	vmul.f32 v34, v44;
	[sflag:s24] =	ssyncadd.s32 $0xFFFFD120;
	v10 =	vmul.f32 v10, v27  }
0x25a: {  	_ =	swait.ge [sflag:s24], $0x2EE0;
	v13 =	vsub.f32 v29, v13;
	v14 =	vmul.f32 v15, v14;
	v15 =	vmul.f32 v16, v16  }
0x25b: {  	v11 =	vadd.f32 v12, v11;
	[sflag:s24] =	ssyncset.done $0x0;
	v16 =	vmul.f32 v34, v49;
	v10 =	vmul.f32 v10, v10  }
0x25c: {  	[sflag:s24] =	ssyncadd.s32 $0xFFFFD120;
	v12 =	vmul.f32 v13, v26;
	v13 =	vmul.f32 v14, v14;
	v14 =	vadd.s32 s28, v0  }
0x25d: {  	_ =	swait.ge [sflag:s24], $0x2EE0;
	v11 =	vadd.f32 v11, v15;
	v15 =	vsub.f32 $1.500000000e+00, v16;
	v14 =	vand.u32 $0x7FF8, v14  }
0x25e: {  	[sflag:s24] =	ssyncset.done $0x0;
	v12 =	vmul.f32 v12, v12;
	v13 =	vadd.f32 v10, v13;
	v10 =	vor.u32 v4, v14  }
0x25f: {  	v16 =	vadd.s32 s28, v2;
	[sflag:s24] =	ssyncadd.s32 $0xFFFFD120;
	v14 =	vmul.f32 v17, v28;
	v11 =	vmul.f32 $3.333333430e-01, v11  }
0x260: {  	_ =	swait.ge [sflag:s24], $0x2EE0;
	v15 =	vmul.f32 v34, v15;
	v12 =	vadd.f32 v13, v12;
	v13 =	vand.u32 $0x7FF8, v16  }
0x261: {  	[sflag:s24] =	ssyncset.done $0x0;
	v14 =	vmul.f32 v14, v17;
	v11 =	vadd.f32 $9.999999970e-07, v11;
	v19 =	vor.u32 v5, v13  }
0x262: {  	[sflag:s24] =	ssyncadd.s32 $0xFFFFD120;
	v16 =	vmul.f32 v15, v44;
	v13 =	vadd.s32 s28, v3;
	v12 =	vmul.f32 $3.333333430e-01, v12  }
0x263: {  	v14 =	vsub.f32 $1.500000000e+00, v14;
	v13 =	vand.u32 $0x7FF8, v13;
	v23 =	vmax.f32 v11, $1.000000020e-35;
	v18 =	vld.idx.msk [tilespmem:v10+s20+$0x0], $0xffff  }
0x264: {  	v16 =	vmul.f32 v16, v15;
	v24 =	vld.idx.msk [tilespmem:v10+s19+$0x0], $0xffff;
	v11 =	vadd.f32 $9.999999970e-07, v12;
	v12 =	vor.u32 v6, v13  }
0x265: {  	v22 =	vmul.f32 $5.000000000e-01, v23;
	v13 =	vld.idx.msk [tilespmem:v10+s18+$0x0], $0xffff;
	v14 =	vmul.f32 v14, v17;
	v17 =	vshra.s32 v23, $0x1  }
0x266: {  	v16 =	vsub.f32 $1.500000000e+00, v16;
	v17 =	vsub.s32 $0x5F3759DF, v17;
	v25 =	vmax.f32 v11, $1.000000020e-35;
	v11 =	vld.idx.msk [tilespmem:v19+s19+$0x0], $0xffff  }
0x267: {  	v26 =	vmul.f32 v17, v22;
	v29 =	vld.idx.msk [tilespmem:v19+s18+$0x0], $0xffff;
	v27 =	vshra.s32 v25, $0x1;
	v28 =	vmul.f32 $5.000000000e-01, v25  }
0x268: {  	v14 =	vmul.f32 v14, v21;
	v15 =	vmul.f32 v16, v15;
	v21 =	vsub.s32 $0x5F3759DF, v27;
	v27 =	vld.idx.msk [tilespmem:v19+s20+$0x0], $0xffff  }
0x269: {  	v26 =	vmul.f32 v17, v26;
	v30 =	vmul.f32 v21, v28;
	v31 =	vld.idx.msk [tilespmem:v12+s19+$0x0], $0xffff  }
0x26a: {  	v14 =	vadd.f32 v14, v9;
	v9 =	vld.idx.msk [tilespmem:v12+s18+$0x0], $0xffff  }
0x26b: {  	v15 =	vmul.f32 v15, v20;
	v16 =	vsub.f32 $1.500000000e+00, v26;
	v26 =	vmul.f32 v21, v30  }
0x26c: {  	v30 =	vld.idx.msk [tilespmem:v12+s20+$0x0], $0xffff;
	v51 =	vsub.f32 v24, v11;
	v52 =	vsub.f32 v13, v29  }
0x26d: {  	v43 =	vadd.f32 v15, v14;
	v16 =	vmul.f32 v17, v16;
	v17 =	vsub.f32 $1.500000000e+00, v26  }
0x26e: {  	v20 =	vsub.f32 v18, v27;
	v26 =	vmul.f32 v51, v51;
	v53 =	vmul.f32 v52, v52  }
0x26f: {  	v22 =	vmul.f32 v16, v22;
	v13 =	vsub.f32 v13, v9;
	v24 =	vsub.f32 v24, v31  }
0x270: {  	v11 =	vsub.f32 v11, v31;
	v26 =	vadd.f32 v26, v53;
	v20 =	vmul.f32 v20, v20  }
0x271: {  	v27 =	vsub.f32 v27, v30;
	v13 =	vmul.f32 v13, v13;
	v24 =	vmul.f32 v24, v24  }
0x272: {  	v17 =	vmul.f32 v21, v17;
	v18 =	vsub.f32 v18, v30;
	v20 =	vadd.f32 v20, v26  }
0x273: {  	s28 =	simm.s32 $0x30;
	v30 =	vmul.f32 v22, v16;
	v11 =	vmul.f32 v11, v11;
	v24 =	vadd.f32 v24, v13  }
0x274: {  	v13 =	vsub.f32 v29, v9;
	v9 =	vmax.f32 v20, $1.000000020e-35;
	v20 =	vadd.s32 s28, v0  }
0x275: {  	v28 =	vmul.f32 v17, v28;
	v18 =	vmul.f32 v18, v18;
	v20 =	vand.u32 $0x7FF8, v20  }
0x276: {  	v21 =	vshra.s32 v9, $0x1;
	v13 =	vmul.f32 v13, v13;
	v22 =	vor.u32 v4, v20  }
0x277: {  	v26 =	vmul.f32 $5.000000000e-01, v9;
	v29 =	vsub.s32 $0x5F3759DF, v21;
	v21 =	vadd.s32 s28, v3  }
0x278: {  	v32 =	vld.idx.msk [tilespmem:v19+s22+$0x0], $0xffff;
	v20 =	vmul.f32 v27, v27;
	v11 =	vadd.f32 v11, v13;
	v21 =	vand.u32 $0x7FF8, v21  }
0x279: {  	v31 =	vld.idx.msk [tilespmem:v12+s22+$0x0], $0xffff;
	v30 =	vsub.f32 $1.500000000e+00, v30;
	v27 =	vmul.f32 v29, v26;
	v21 =	vor.u32 v6, v21  }
0x27a: {  	v28 =	vmul.f32 v28, v17;
	v13 =	vld.idx.msk [tilespmem:v10+s22+$0x0], $0xffff;
	v20 =	vadd.f32 v20, v11;
	v11 =	vadd.s32 s28, v2  }
0x27b: {  	v18 =	vadd.f32 v18, v24;
	v27 =	vmul.f32 v29, v27;
	v11 =	vand.u32 $0x7FF8, v11;
	v54 =	vld.idx.msk [tilespmem:v22+s20+$0x0], $0xffff  }
0x27c: {  	v16 =	vmul.f32 v30, v16;
	v11 =	vor.u32 v5, v11;
	v20 =	vmax.f32 v20, $1.000000020e-35;
	v55 =	vld.idx.msk [tilespmem:v22+s18+$0x0], $0xffff  }
0x27d: {  	v27 =	vsub.f32 $1.500000000e+00, v27;
	v57 =	vld.idx.msk [tilespmem:v22+s19+$0x0], $0xffff;
	v24 =	vshra.s32 v20, $0x1;
	v56 =	vmul.f32 $5.000000000e-01, v20  }
0x27e: {  	v28 =	vsub.f32 $1.500000000e+00, v28;
	v41 =	vmul.f32 v16, v23;
	v58 =	vsub.s32 $0x5F3759DF, v24;
	v60 =	vld.idx.msk [tilespmem:v21+s18+$0x0], $0xffff  }
0x27f: {  	v24 =	vmax.f32 v18, $1.000000020e-35;
	v27 =	vmul.f32 v29, v27;
	v14 =	vld.idx.msk [tilespmem:v21+s20+$0x0], $0xffff;
	v18 =	vmul.f32 v58, v56  }
0x280: {  	v16 =	vmul.f32 v28, v17;
	v59 =	vld.idx.msk [tilespmem:v21+s19+$0x0], $0xffff;
	v30 =	vmul.f32 $5.000000000e-01, v24;
	v29 =	vshra.s32 v24, $0x1  }
0x281: {  	v26 =	vmul.f32 v27, v26;
	v28 =	vsub.s32 $0x5F3759DF, v29;
	v18 =	vmul.f32 v58, v18;
	v61 =	vld.idx.msk [tilespmem:v11+s19+$0x0], $0xffff  }
0x282: {  	v41 =	vadd.f32 v41, v43;
	v44 =	vmul.f32 v16, v25;
	v17 =	vld.idx.msk [tilespmem:v11+s18+$0x0], $0xffff;
	v23 =	vmul.f32 v28, v30  }
0x283: {  	v25 =	vmul.f32 v31, v32;
	v62 =	vld.idx.msk [tilespmem:v11+s20+$0x0], $0xffff;
	v26 =	vmul.f32 v26, v27;
	v18 =	vsub.f32 $1.500000000e+00, v18  }
0x284: {  	v63 =	vmul.f32 v28, v23;
	v16 =	vsub.f32 v55, v60;
	v33 =	vsub.f32 v54, v14  }
0x285: {  	v29 =	vmul.f32 v31, v13;
	v15 =	vsub.f32 $1.500000000e+00, v26;
	v26 =	vsub.f32 v57, v59  }
0x286: {  	v23 =	vmul.f32 v58, v18;
	v16 =	vmul.f32 v16, v16;
	v45 =	vsub.f32 $1.500000000e+00, v63  }
0x287: {  	v33 =	vmul.f32 v33, v33;
	v36 =	vsub.f32 v57, v61;
	v34 =	vsub.f32 v55, v17  }
0x288: {  	v50 =	vsub.f32 v54, v62;
	v26 =	vmul.f32 v26, v26;
	v53 =	vmul.f32 v15, v27  }
0x289: {  	v10 =	vld.idx.msk [tilespmem:v10+s21+$0x0], $0xffff;
	v42 =	vsub.f32 v62, v14;
	v35 =	vmul.f32 v23, v56;
	v45 =	vmul.f32 v28, v45  }
0x28a: {  	v52 =	vsub.f32 v61, v59;
	v36 =	vmul.f32 v36, v36;
	v34 =	vmul.f32 v34, v34  }
0x28b: {  	v26 =	vadd.f32 v26, v16;
	v51 =	vmul.f32 v50, v50;
	v14 =	vmul.f32 v35, v23  }
0x28c: {  	v9 =	vmul.f32 v53, v9;
	v30 =	vmul.f32 v45, v30;
	v34 =	vadd.f32 v36, v34  }
0x28d: {  	v13 =	vmul.f32 v32, v13;
	v15 =	vadd.f32 v33, v26;
	v14 =	vsub.f32 $1.500000000e+00, v14  }
0x28e: {  	s28 =	simm.s32 $0x60;
	v10 =	vsub.f32 v10, v9;
	v30 =	vmul.f32 v30, v45;
	v26 =	vadd.f32 v51, v34  }
0x28f: {  	v23 =	vmul.f32 v14, v23;
	v14 =	vsub.f32 v17, v60;
	v17 =	vadd.s32 s28, v0  }
0x290: {  	v30 =	vsub.f32 $1.500000000e+00, v30;
	v33 =	vmax.f32 v26, $1.000000020e-35;
	v26 =	vmul.f32 v52, v52  }
0x291: {  	v19 =	vld.idx.msk [tilespmem:v19+s21+$0x0], $0xffff;
	v17 =	vand.u32 $0x7FF8, v17;
	v27 =	vshra.s32 v33, $0x1;
	v54 =	vmul.f32 v14, v14  }
0x292: {  	v12 =	vld.idx.msk [tilespmem:v12+s21+$0x0], $0xffff;
	v14 =	vor.u32 v4, v17;
	v55 =	vmul.f32 v23, v20;
	v56 =	vmul.f32 $5.000000000e-01, v33  }
0x293: {  	v31 =	vld.idx.msk [tilespmem:v21+s22+$0x0], $0xffff;
	v20 =	vmul.f32 v42, v42;
	v23 =	vadd.s32 s28, v3;
	v30 =	vmul.f32 v30, v45  }
0x294: {  	v18 =	vld.idx.msk [tilespmem:v22+s22+$0x0], $0xffff;
	v57 =	vsub.s32 $0x5F3759DF, v27;
	v27 =	vadd.s32 s28, v2;
	v17 =	vadd.f32 v26, v54  }
0x295: {  	v23 =	vand.u32 $0x7FF8, v23;
	v26 =	vmul.f32 v57, v56;
	v27 =	vand.u32 $0x7FF8, v27  }
0x296: {  	v24 =	vmul.f32 v30, v24;
	v34 =	vadd.f32 v20, v17;
	v17 =	vor.u32 v6, v23;
	v23 =	vld.idx.msk [tilespmem:v11+s22+$0x0], $0xffff  }
0x297: {  	v20 =	vmax.f32 v15, $1.000000020e-35;
	v26 =	vmul.f32 v57, v26;
	v15 =	vor.u32 v5, v27;
	v39 =	vld.idx.msk [tilespmem:v14+s20+$0x0], $0xffff  }
0x298: {  	v35 =	vsub.f32 v12, v55;
	v24 =	vsub.f32 v19, v24;
	v12 =	vld.idx.msk [tilespmem:v14+s22+$0x0], $0xffff  }
0x299: {  	v16 =	vmul.f32 v31, v18;
	v13 =	vmul.f32 v10, v13;
	v42 =	vld.idx.msk [tilespmem:v14+s18+$0x0], $0xffff;
	v26 =	vsub.f32 $1.500000000e+00, v26  }
0x29a: {  	v35 =	vmul.f32 v35, v25;
	v47 =	vld.idx.msk [tilespmem:v14+s19+$0x0], $0xffff;
	v34 =	vmax.f32 v34, $1.000000020e-35;
	v24 =	vmul.f32 v24, v29  }
0x29b: {  	v58 =	vshra.s32 v34, $0x1;
	v59 =	vmul.f32 $5.000000000e-01, v34;
	v38 =	vmul.f32 v57, v26;
	v26 =	vld.idx.msk [tilespmem:v17+s22+$0x0], $0xffff  }
0x29c: {  	v25 =	vmul.f32 $5.000000000e-01, v20;
	v40 =	vsub.s32 $0x5F3759DF, v58;
	v57 =	vmul.f32 v13, v13;
	v62 =	vld.idx.msk [tilespmem:v15+s20+$0x0], $0xffff  }
0x29d: {  	v27 =	vshra.s32 v20, $0x1;
	v24 =	vmul.f32 v24, v24;
	v60 =	vmul.f32 v40, v59;
	v63 =	vld.idx.msk [tilespmem:v17+s20+$0x0], $0xffff  }
0x29e: {  	v27 =	vsub.s32 $0x5F3759DF, v27;
	v35 =	vmul.f32 v35, v35;
	v32 =	vld.idx.msk [tilespmem:v17+s19+$0x0], $0xffff;
	v36 =	vmul.f32 v38, v56  }
0x29f: {  	v61 =	vmul.f32 v27, v25;
	v55 =	vld.idx.msk [tilespmem:v15+s19+$0x0], $0xffff;
	v24 =	vadd.f32 v24, v57;
	v48 =	vmul.f32 v40, v60  }
0x2a0: {  	v9 =	vadd.f32 v44, v41;
	v10 =	vimm.f32 $0.0e+00;
	v54 =	vld.idx.msk [tilespmem:v17+s18+$0x0], $0xffff;
	v36 =	vmul.f32 v36, v38  }
0x2a1: {  	v28 =	vmul.f32 v27, v61;
	v56 =	vld.idx.msk [tilespmem:v15+s18+$0x0], $0xffff;
	v35 =	vadd.f32 v24, v35;
	v48 =	vsub.f32 $1.500000000e+00, v48  }
0x2a2: {  	v31 =	vmul.f32 v31, v23;
	v36 =	vsub.f32 $1.500000000e+00, v36;
	v58 =	vsub.f32 v39, v62  }
0x2a3: {  	v49 =	vsub.f32 v62, v63;
	v60 =	vsub.f32 v47, v32;
	v40 =	vmul.f32 v40, v48  }
0x2a4: {  	v13 =	vmul.f32 v26, v12;
	v47 =	vsub.f32 v47, v55;
	v39 =	vsub.f32 v39, v63  }
0x2a5: {  	v36 =	vmul.f32 v36, v38;
	v46 =	vmul.f32 v40, v59;
	v59 =	vsub.f32 v42, v54  }
0x2a6: {  	v61 =	vmul.f32 v60, v60;
	v62 =	vmul.f32 v47, v47;
	v42 =	vsub.f32 v42, v56  }
0x2a7: {  	v32 =	vsub.f32 v55, v32;
	v46 =	vmul.f32 v46, v40;
	v38 =	vmul.f32 v59, v59  }
0x2a8: {  	v37 =	vsub.f32 v56, v54;
	v63 =	vmul.f32 v39, v39;
	v42 =	vmul.f32 v42, v42  }
0x2a9: {  	v47 =	vmul.f32 v58, v58;
	v46 =	vsub.f32 $1.500000000e+00, v46;
	v30 =	vadd.f32 v61, v38  }
0x2aa: {  	v50 =	vld.idx.msk [tilespmem:v21+s21+$0x0], $0xffff;
	s28 =	simm.s32 $0x90;
	v51 =	vmul.f32 v32, v32;
	v57 =	vmul.f32 v49, v49;
	v45 =	vadd.f32 v62, v42  }
0x2ab: {  	v60 =	vadd.s32 s28, v3;
	v19 =	vadd.f32 v63, v30;
	v30 =	vmul.f32 v46, v40  }
0x2ac: {  	v56 =	vadd.s32 s28, v0;
	v44 =	vmul.f32 v36, v33;
	v21 =	vadd.f32 v47, v45  }
0x2ad: {  	v38 =	vand.u32 $0x7FF8, v56;
	v19 =	vmax.f32 v19, $1.000000020e-35;
	v30 =	vmul.f32 v30, v34  }
0x2ae: {  	v24 =	vor.u32 v4, v38;
	v21 =	vmax.f32 v21, $1.000000020e-35;
	v29 =	vshra.s32 v19, $0x1  }
0x2af: {  	v52 =	vshra.s32 v21, $0x1;
	v53 =	vmul.f32 $5.000000000e-01, v21;
	v30 =	vsub.f32 v50, v30  }
0x2b0: {  	v54 =	vsub.s32 $0x5F3759DF, v52;
	v32 =	vsub.s32 $0x5F3759DF, v29;
	v29 =	vmul.f32 v37, v37  }
0x2b1: {  	v59 =	vadd.s32 s28, v2;
	v55 =	vmul.f32 v54, v53;
	v31 =	vmul.f32 v30, v31  }
0x2b2: {  	v29 =	vadd.f32 v51, v29;
	v30 =	vmul.f32 $3.333333430e-01, v35;
	v35 =	vmul.f32 $5.000000000e-01, v19  }
0x2b3: {  	v33 =	vand.u32 $0x7FF8, v59;
	v34 =	vand.u32 $0x7FF8, v60;
	v37 =	vmul.f32 v54, v55  }
0x2b4: {  	v47 =	vld.idx.msk [tilespmem:v22+s21+$0x0], $0xffff;
	v29 =	vadd.f32 v57, v29;
	v22 =	vadd.f32 $9.999999970e-07, v30;
	v61 =	vmul.f32 v32, v35  }
0x2b5: {  	v33 =	vor.u32 v5, v33;
	v38 =	vld.idx.msk [tilespmem:v24+s20+$0x0], $0xffff;
	v30 =	vor.u32 v6, v34;
	v58 =	vsub.f32 $1.500000000e+00, v37  }
0x2b6: {  	v37 =	vld.idx.msk [tilespmem:v15+s22+$0x0], $0xffff;
	v34 =	vmax.f32 v29, $1.000000020e-35;
	v22 =	vmax.f32 v22, $1.000000020e-35;
	v40 =	vmul.f32 v32, v61  }
0x2b7: {  	v36 =	vld.idx.msk [tilespmem:v24+s22+$0x0], $0xffff;
	v39 =	vmul.f32 v54, v58;
	v63 =	vshra.s32 v22, $0x1;
	v29 =	vmul.f32 $5.000000000e-01, v22  }
0x2b8: {  	v41 =	vld.idx.msk [tilespmem:v24+s18+$0x0], $0xffff;
	v62 =	vshra.s32 v34, $0x1;
	v43 =	vmul.f32 $5.000000000e-01, v34;
	v45 =	vsub.s32 $0x5F3759DF, v63  }
0x2b9: {  	s28 =	simm.s32 $0xC0;
	v42 =	vld.idx.msk [tilespmem:v24+s19+$0x0], $0xffff;
	v46 =	vsub.s32 $0x5F3759DF, v62;
	v48 =	vmul.f32 v39, v53;
	v49 =	vmul.f32 v45, v29  }
.LBB2_8:
0x2ba: {  	p0 =	sne.s32 s28, $0x2EB0;
	v50 =	vld.idx.msk [tilespmem:v30+s22+$0x0], $0xffff;
	v51 =	vmul.f32 v46, v43;
	v53 =	vmul.f32 v23, v18;
	v44 =	vsub.f32 v47, v44;
	s29 =	smov.u32 s28;
	s28 =	sadd.s32 $0x30, s28  }
0x2bb: {  	v52 =	vsub.f32 $1.500000000e+00, v28;
	v23 =	vmovc v37;
	v47 =	vld.idx.msk [tilespmem:v33+s20+$0x0], $0xffff;
	v48 =	vmul.f32 v48, v39;
	v49 =	vmul.f32 v45, v49  }
0x2bc: {  	v18 =	vmovc v12;
	v28 =	vmov v40;
	v37 =	vld.idx.msk [tilespmem:v30+s20+$0x0], $0xffff;
	v51 =	vmul.f32 v46, v51;
	v44 =	vmul.f32 v44, v53  }
0x2bd: {  	v52 =	vmul.f32 v27, v52;
	v27 =	vmovc v32;
	v12 =	vmovc v36;
	v40 =	vld.idx.msk [tilespmem:v30+s19+$0x0], $0xffff;
	v48 =	vsub.f32 $1.500000000e+00, v48;
	v49 =	vsub.f32 $1.500000000e+00, v49  }
0x2be: {  	v32 =	vld.idx.msk [tilespmem:v30+s18+$0x0], $0xffff;
	v36 =	vsub.f32 $1.500000000e+00, v51;
	v51 =	vmul.f32 v26, v23;
	v44 =	vmul.f32 v44, v44  }
0x2bf: {  	v54 =	vmul.f32 v52, v25;
	v25 =	vmov v35;
	v53 =	vld.idx.msk [tilespmem:v33+s19+$0x0], $0xffff;
	v45 =	vmul.f32 v45, v49  }
0x2c0: {  	v49 =	vmul.f32 v50, v12;
	v26 =	vmov v50;
	v35 =	vld.idx.msk [tilespmem:v33+s18+$0x0], $0xffff;
	v36 =	vmul.f32 v46, v36  }
0x2c1: {  	v46 =	vsub.f32 v38, v47;
	v50 =	vmul.f32 v54, v52;
	v29 =	vmul.f32 v45, v29  }
0x2c2: {  	v39 =	vmul.f32 v48, v39;
	v47 =	vsub.f32 v47, v37;
	v43 =	vmul.f32 v36, v43  }
0x2c3: {  	v37 =	vsub.f32 v38, v37;
	v38 =	vsub.f32 $1.500000000e+00, v50;
	v29 =	vmul.f32 v29, v45  }
0x2c4: {  	v50 =	vsub.f32 v42, v40;
	v48 =	vsub.f32 v41, v32;
	v43 =	vmul.f32 v43, v36;
	v54 =	vld.idx.msk [tilespmem:v11+s21+$0x0], $0xffff  }
0x2c5: {  	v42 =	vsub.f32 v42, v53;
	v38 =	vmul.f32 v38, v52;
	v11 =	vmovc v15;
	v15 =	vmovc v33;
	v29 =	vsub.f32 $1.500000000e+00, v29  }
0x2c6: {  	v33 =	vsub.f32 v41, v35;
	v41 =	vmul.f32 v48, v48;
	v48 =	vmul.f32 v50, v50  }
0x2c7: {  	v42 =	vmul.f32 v42, v42;
	v43 =	vsub.f32 $1.500000000e+00, v43;
	v29 =	vmul.f32 v29, v45  }
0x2c8: {  	v40 =	vsub.f32 v53, v40;
	v38 =	vmul.f32 v38, v20;
	v20 =	vmovc v19;
	v33 =	vmul.f32 v33, v33  }
0x2c9: {  	v37 =	vmul.f32 v37, v37;
	v19 =	vadd.f32 v48, v41;
	v22 =	vmul.f32 v29, v22  }
0x2ca: {  	v29 =	vadd.f32 v42, v33;
	v33 =	vmul.f32 v46, v46;
	v38 =	vsub.f32 v54, v38  }
0x2cb: {  	v36 =	vmul.f32 v43, v36;
	v19 =	vadd.f32 v37, v19;
	v37 =	vld.idx.msk [tilespmem:v17+s21+$0x0], $0xffff;
	v10 =	vadd.f32 v22, v10  }
0x2cc: {  	v31 =	vmul.f32 v31, v31;
	v22 =	vsub.f32 v35, v32;
	v29 =	vadd.f32 v33, v29;
	v17 =	vmovc v30  }
0x2cd: {  	v19 =	vmax.f32 v19, $1.000000020e-35;
	v30 =	vmul.f32 v36, v34;
	v32 =	vmul.f32 v38, v16;
	v16 =	vmovc v13;
	v13 =	vmovc v49  }
0x2ce: {  	v34 =	vmul.f32 v40, v40;
	v33 =	vshra.s32 v19, $0x1;
	v29 =	vmax.f32 v29, $1.000000020e-35  }
0x2cf: {  	v36 =	vmul.f32 v32, v32;
	v35 =	vshra.s32 v29, $0x1;
	v46 =	vmul.f32 $5.000000000e-01, v29  }
0x2d0: {  	v32 =	vsub.s32 $0x5F3759DF, v33;
	v22 =	vmul.f32 v22, v22;
	v40 =	vsub.s32 $0x5F3759DF, v35  }
0x2d1: {  	v35 =	vadd.f32 v36, v44;
	v33 =	vmul.f32 v40, v46;
	v30 =	vsub.f32 v37, v30  }
0x2d2: {  	v36 =	vadd.s32 s29, v0;
	v22 =	vadd.f32 v34, v22;
	v34 =	vmul.f32 v47, v47  }
0x2d3: {  	v36 =	vand.u32 $0x7FF8, v36;
	v35 =	vadd.f32 v35, v31;
	v33 =	vmul.f32 v40, v33  }
0x2d4: {  	v41 =	vor.u32 v4, v36;
	v22 =	vadd.f32 v34, v22;
	v31 =	vmul.f32 v30, v51  }
0x2d5: {  	v44 =	vmul.f32 v39, v21;
	v21 =	vmovc v29;
	v30 =	vmul.f32 $3.333333430e-01, v35;
	v42 =	vsub.f32 $1.500000000e+00, v33  }
0x2d6: {  	v29 =	vadd.s32 s29, v2;
	v35 =	vmul.f32 $5.000000000e-01, v19;
	v33 =	vadd.s32 s29, v3  }
0x2d7: {  	v29 =	vand.u32 $0x7FF8, v29;
	v34 =	vand.u32 $0x7FF8, v33;
	v36 =	vadd.f32 $9.999999970e-07, v30;
	v47 =	vld.idx.msk [tilespmem:v14+s21+$0x0], $0xffff;
	v14 =	vmovc v24;
	v24 =	vmovc v41  }
.Ltmp3:
0x2d8: {  	v33 =	vor.u32 v5, v29;
	v30 =	vor.u32 v6, v34;
	v34 =	vmax.f32 v22, $1.000000020e-35;
	v37 =	vld.idx.msk [tilespmem:v15+s22+$0x0], $0xffff;
	(pc) =	sbr.rel @p0 .LBB2_8-.Ltmp3, $4  }
0x2d9: {  	v43 =	vmul.f32 v32, v35;
	v49 =	vshra.s32 v34, $0x1;
	v22 =	vmax.f32 v36, $1.000000020e-35;
	v38 =	vld.idx.msk [tilespmem:v41+s20+$0x0], $0xffff  }
0x2da: {  	v39 =	vmul.f32 v40, v42;
	v42 =	vshra.s32 v22, $0x1;
	v29 =	vmul.f32 $5.000000000e-01, v22;
	v36 =	vld.idx.msk [tilespmem:v41+s22+$0x0], $0xffff  }
0x2db: {  	v40 =	vmul.f32 v32, v43;
	v43 =	vmul.f32 $5.000000000e-01, v34;
	v45 =	vsub.s32 $0x5F3759DF, v42;
	v41 =	vld.idx.msk [tilespmem:v41+s18+$0x0], $0xffff  }
0x2dc: {  	v48 =	vmul.f32 v39, v46;
	v46 =	vsub.s32 $0x5F3759DF, v49;
	v49 =	vmul.f32 v45, v29;
	v42 =	vld.idx.msk [tilespmem:v24+s19+$0x0], $0xffff  }
0x2dd: {  	_ =	sdelay $0x2  }
0x2de: {  	v28 =	vsub.f32 $1.500000000e+00, v28;
	v50 =	vmul.f32 v46, v43;
	v18 =	vmul.f32 v23, v18  }
0x2df: {  	v51 =	vld.idx.msk [tilespmem:v33+s20+$0x0], $0xffff;
	v26 =	vmul.f32 v26, v37;
	v31 =	vmul.f32 v31, v31  }
0x2e0: {  	v23 =	vsub.f32 v47, v44;
	v44 =	vld.idx.msk [tilespmem:v33+s19+$0x0], $0xffff;
	v49 =	vmul.f32 v45, v49;
	v28 =	vmul.f32 v27, v28  }
0x2e1: {  	v52 =	vld.idx.msk [tilespmem:v33+s18+$0x0], $0xffff;
	v40 =	vsub.f32 $1.500000000e+00, v40;
	v48 =	vmul.f32 v48, v39;
	v56 =	vmul.f32 v46, v50  }
0x2e2: {  	v53 =	vld.idx.msk [tilespmem:v30+s20+$0x0], $0xffff;
	v18 =	vmul.f32 v23, v18;
	v25 =	vmul.f32 v28, v25  }
0x2e3: {  	v50 =	vld.idx.msk [tilespmem:v30+s18+$0x0], $0xffff;
	v32 =	vmul.f32 v32, v40;
	v49 =	vsub.f32 $1.500000000e+00, v49;
	v23 =	vsub.f32 $1.500000000e+00, v56  }
0x2e4: {  	v47 =	vld.idx.msk [tilespmem:v30+s19+$0x0], $0xffff;
	v57 =	vsub.f32 $1.500000000e+00, v48;
	v54 =	vmul.f32 v18, v18;
	v25 =	vmul.f32 v25, v28  }
0x2e5: {  	v35 =	vmul.f32 v32, v35;
	v58 =	vsub.f32 v38, v51;
	v23 =	vmul.f32 v46, v23  }
0x2e6: {  	v18 =	vmul.f32 v45, v49;
	v62 =	vsub.f32 v41, v52;
	v25 =	vsub.f32 $1.500000000e+00, v25  }
0x2e7: {  	v11 =	vld.idx.msk [tilespmem:v11+s21+$0x0], $0xffff;
	v61 =	vsub.f32 v42, v44;
	v63 =	vsub.f32 v38, v53;
	v59 =	vmul.f32 v23, v43  }
0x2e8: {  	v60 =	vsub.f32 v41, v50;
	v41 =	vmul.f32 v62, v62;
	v25 =	vmul.f32 v25, v28  }
0x2e9: {  	v44 =	vsub.f32 v44, v47;
	v38 =	vmul.f32 v63, v63;
	v43 =	vmul.f32 v59, v23  }
0x2ea: {  	v45 =	vmul.f32 v58, v58;
	v20 =	vmul.f32 v25, v20;
	v25 =	vsub.f32 v42, v47  }
0x2eb: {  	v49 =	vmul.f32 v44, v44;
	v42 =	vmul.f32 v61, v61;
	v43 =	vsub.f32 $1.500000000e+00, v43  }
0x2ec: {  	v17 =	vld.idx.msk [tilespmem:v17+s21+$0x0], $0xffff;
	v48 =	vmul.f32 v60, v60;
	v25 =	vmul.f32 v25, v25;
	v11 =	vsub.f32 v11, v20  }
0x2ed: {  	v47 =	vsub.f32 v52, v50;
	v41 =	vadd.f32 v42, v41;
	v23 =	vmul.f32 v43, v23  }
0x2ee: {  	v20 =	vmul.f32 v57, v39;
	v25 =	vadd.f32 v25, v48;
	v11 =	vmul.f32 v11, v16  }
0x2ef: {  	v48 =	vadd.f32 v45, v41;
	v16 =	vsub.f32 v51, v53;
	v23 =	vmul.f32 v23, v34  }
0x2f0: {  	v25 =	vadd.f32 v38, v25;
	v38 =	vmul.f32 v47, v47;
	v11 =	vmul.f32 v11, v11  }
0x2f1: {  	v39 =	vmax.f32 v48, $1.000000020e-35;
	v16 =	vmul.f32 v16, v16;
	v17 =	vsub.f32 v17, v23  }
0x2f2: {  	v25 =	vmax.f32 v25, $1.000000020e-35;
	v38 =	vadd.f32 v49, v38;
	v11 =	vadd.f32 v11, v54  }
0x2f3: {  	v51 =	vshra.s32 v39, $0x1;
	v52 =	vmul.f32 $5.000000000e-01, v39;
	v50 =	vshra.s32 v25, $0x1  }
0x2f4: {  	v16 =	vadd.f32 v16, v38;
	v11 =	vadd.f32 v11, v31;
	v31 =	vmul.f32 $5.000000000e-01, v25  }
0x2f5: {  	v42 =	vsub.s32 $0x5F3759DF, v51;
	v17 =	vmul.f32 v17, v26;
	v53 =	vsub.s32 $0x5F3759DF, v50  }
0x2f6: {  	v14 =	vld.idx.msk [tilespmem:v14+s21+$0x0], $0xffff;
	v16 =	vmax.f32 v16, $1.000000020e-35;
	v11 =	vmul.f32 $3.333333430e-01, v11;
	v57 =	vmul.f32 v53, v31  }
0x2f7: {  	v15 =	vld.idx.msk [tilespmem:v15+s21+$0x0], $0xffff;
	v54 =	vmul.f32 v42, v52;
	v23 =	vshra.s32 v16, $0x1;
	v55 =	vmul.f32 $5.000000000e-01, v16  }
0x2f8: {  	v24 =	vld.idx.msk [tilespmem:v24+s21+$0x0], $0xffff;
	v23 =	vsub.s32 $0x5F3759DF, v23;
	v11 =	vadd.f32 $9.999999970e-07, v11;
	v26 =	vmul.f32 v53, v57  }
0x2f9: {  	v27 =	vld.idx.msk [tilespmem:v30+s22+$0x0], $0xffff;
	v38 =	vmul.f32 v42, v54;
	v58 =	vmul.f32 v23, v55  }
0x2fa: {  	v30 =	vld.idx.msk [tilespmem:v30+s21+$0x0], $0xffff;
	v20 =	vmul.f32 v20, v21;
	v21 =	vmax.f32 v11, $1.000000020e-35;
	v11 =	vsub.f32 $1.500000000e+00, v26  }
0x2fb: {  	s28 =	simm.s32 $0x0;
	s29 =	rddreg [dreg:$0x1c];
	v56 =	vld.idx.msk [tilespmem:v33+s22+$0x0], $0xffff;
	v38 =	vsub.f32 $1.500000000e+00, v38;
	v59 =	vmul.f32 v23, v58  }
0x2fc: {  	v63 =	vmul.f32 v35, v32;
	v26 =	vld.idx.msk [tilespmem:v33+s21+$0x0], $0xffff;
	[tilespmem:s18], [sflag:$0x2] =	stream.linear.gather [hbm4b:s29+s28], $0x2EE0, $0x38;
	v11 =	vmul.f32 v53, v11  }
0x2fd: {  	v60 =	vmul.f32 v42, v38;
	s29 =	rddreg [dreg:$0x1d];
	v61 =	vsub.f32 $1.500000000e+00, v59  }
0x2fe: {  	v12 =	vmul.f32 v37, v12;
	v34 =	vsub.f32 $1.500000000e+00, v63;
	[tilespmem:s19], [sflag:$0x2] =	stream.linear.gather [hbm4b:s29+s28], $0x2EE0, $0x38;
	v31 =	vmul.f32 v11, v31;
	[tilespmem:$0x1D4D0] =	vst v63  }
0x2ff: {  	v43 =	vmul.f32 v60, v52;
	v23 =	vmul.f32 v23, v61  }
0x300: {  	v32 =	vmul.f32 v34, v32;
	[tilespmem:s20], [sflag:$0x2] =	stream.linear.gather [hbm4b:s30+s28], $0x2EE0, $0x38;
	v31 =	vmul.f32 v31, v11;
	[tilespmem:$0x1D4D0] =	vst v63  }
0x301: {  	v14 =	vsub.f32 v14, v20;
	v38 =	vmul.f32 v43, v60;
	v45 =	vmul.f32 v23, v55  }
0x302: {  	v28 =	vmul.f32 v27, v36;
	v19 =	vmul.f32 v32, v19;
	[tilespmem:s21], [sflag:$0x2] =	stream.linear.gather [hbm4b:s31+s28], $0x2EE0, $0x38;
	v31 =	vsub.f32 $1.500000000e+00, v31;
	[tilespmem:$0x1D4D0] =	vst v63  }
0x303: {  	v12 =	vmul.f32 v14, v12;
	v47 =	vsub.f32 $1.500000000e+00, v38;
	v20 =	vmul.f32 v45, v23  }
0x304: {  	v27 =	vmul.f32 v27, v56;
	v15 =	vsub.f32 v15, v19;
	[tilespmem:s22], [sflag:$0x2] =	stream.linear.gather [hbm4b:s0+s28], $0x2EE0, $0x38;
	v11 =	vmul.f32 v31, v11;
	[tilespmem:$0x1D4D0] =	vst v63  }
0x305: {  	v12 =	vmul.f32 v12, v12;
	_ =	swait.ge [sflag:s23], $0x2EE0;
	v14 =	vsub.f32 $1.500000000e+00, v20;
	v20 =	vmul.f32 v47, v60  }
0x306: {  	v13 =	vmul.f32 v15, v13;
	[sflag:s23] =	ssyncset.done $0x0;
	v11 =	vmul.f32 v11, v25  }
0x307: {  	[sflag:s23] =	ssyncadd.s32 $0xFFFFD120;
	v14 =	vmul.f32 v14, v23;
	v19 =	vmul.f32 v20, v39  }
0x308: {  	v15 =	vmul.f32 v56, v36;
	v62 =	vmul.f32 $5.000000000e-01, v21;
	_ =	swait.ge [sflag:s23], $0x2EE0;
	v11 =	vsub.f32 v26, v11  }
0x309: {  	v42 =	vshra.s32 v21, $0x1;
	[sflag:s23] =	ssyncset.done $0x0;
	v14 =	vmul.f32 v14, v16;
	v16 =	vsub.f32 v24, v19  }
0x30a: {  	v13 =	vmul.f32 v13, v13;
	v35 =	vsub.s32 $0x5F3759DF, v42;
	[sflag:s23] =	ssyncadd.s32 $0xFFFFD120;
	v11 =	vmul.f32 v11, v28  }
0x30b: {  	v46 =	vmul.f32 v35, v62;
	_ =	swait.ge [sflag:s23], $0x2EE0;
	v14 =	vsub.f32 v30, v14;
	v15 =	vmul.f32 v16, v15  }
0x30c: {  	v12 =	vadd.f32 v13, v12;
	[sflag:s23] =	ssyncset.done $0x0;
	v16 =	vmul.f32 v17, v17;
	v11 =	vmul.f32 v11, v11  }
0x30d: {  	[sflag:s23] =	ssyncadd.s32 $0xFFFFD120;
	v13 =	vmul.f32 v14, v27;
	v14 =	vmul.f32 v15, v15;
	v15 =	vadd.s32 s28, v0  }
0x30e: {  	v17 =	vmul.f32 v35, v46;
	_ =	swait.ge [sflag:s23], $0x2EE0;
	v12 =	vadd.f32 v12, v16;
	v15 =	vand.u32 $0x7FF8, v15  }
0x30f: {  	[sflag:s23] =	ssyncset.done $0x0;
	v13 =	vmul.f32 v13, v13;
	v14 =	vadd.f32 v11, v14;
	v11 =	vor.u32 v4, v15  }
0x310: {  	v16 =	vsub.f32 $1.500000000e+00, v17;
	v17 =	vadd.s32 s28, v2;
	[sflag:s23] =	ssyncadd.s32 $0xFFFFD120;
	v15 =	vmul.f32 v18, v29  }
0x311: {  	v12 =	vmul.f32 $3.333333430e-01, v12;
	_ =	swait.ge [sflag:s23], $0x2EE0;
	v13 =	vadd.f32 v14, v13;
	v14 =	vand.u32 $0x7FF8, v17  }
0x312: {  	v16 =	vmul.f32 v35, v16;
	[sflag:s23] =	ssyncset.done $0x0;
	v15 =	vmul.f32 v15, v18;
	v20 =	vor.u32 v5, v14  }
0x313: {  	v12 =	vadd.f32 $9.999999970e-07, v12;
	[sflag:s23] =	ssyncadd.s32 $0xFFFFD120;
	v14 =	vadd.s32 s28, v3;
	v13 =	vmul.f32 $3.333333430e-01, v13  }
0x314: {  	v17 =	vmul.f32 v16, v62;
	v15 =	vsub.f32 $1.500000000e+00, v15;
	v14 =	vand.u32 $0x7FF8, v14;
	v19 =	vld.idx.msk [tilespmem:v11+s15+$0x0], $0xffff  }
0x315: {  	v24 =	vmax.f32 v12, $1.000000020e-35;
	v25 =	vld.idx.msk [tilespmem:v11+s14+$0x0], $0xffff;
	v12 =	vadd.f32 $9.999999970e-07, v13;
	v13 =	vor.u32 v6, v14  }
0x316: {  	v23 =	vmul.f32 $5.000000000e-01, v24;
	v14 =	vld.idx.msk [tilespmem:v11+s1+$0x0], $0xffff;
	v15 =	vmul.f32 v15, v18;
	v18 =	vshra.s32 v24, $0x1  }
0x317: {  	v17 =	vmul.f32 v17, v16;
	v18 =	vsub.s32 $0x5F3759DF, v18;
	v26 =	vmax.f32 v12, $1.000000020e-35;
	v12 =	vld.idx.msk [tilespmem:v20+s14+$0x0], $0xffff  }
0x318: {  	v27 =	vmul.f32 v18, v23;
	v30 =	vld.idx.msk [tilespmem:v20+s1+$0x0], $0xffff;
	v28 =	vshra.s32 v26, $0x1;
	v29 =	vmul.f32 $5.000000000e-01, v26  }
0x319: {  	v15 =	vmul.f32 v15, v22;
	v22 =	vsub.s32 $0x5F3759DF, v28;
	v28 =	vld.idx.msk [tilespmem:v20+s15+$0x0], $0xffff  }
0x31a: {  	v17 =	vsub.f32 $1.500000000e+00, v17;
	v27 =	vmul.f32 v18, v27;
	v31 =	vmul.f32 v22, v29;
	v48 =	vld.idx.msk [tilespmem:v13+s14+$0x0], $0xffff  }
0x31b: {  	v15 =	vadd.f32 v15, v10;
	v10 =	vld.idx.msk [tilespmem:v13+s1+$0x0], $0xffff  }
0x31c: {  	v16 =	vmul.f32 v17, v16;
	v17 =	vsub.f32 $1.500000000e+00, v27;
	v27 =	vmul.f32 v22, v31  }
0x31d: {  	v31 =	vld.idx.msk [tilespmem:v13+s15+$0x0], $0xffff;
	v49 =	vsub.f32 v25, v12;
	v50 =	vsub.f32 v14, v30  }
0x31e: {  	v16 =	vmul.f32 v16, v21;
	v17 =	vmul.f32 v18, v17;
	v18 =	vsub.f32 $1.500000000e+00, v27  }
0x31f: {  	v21 =	vsub.f32 v19, v28;
	v27 =	vmul.f32 v49, v49;
	v51 =	vmul.f32 v50, v50  }
0x320: {  	v23 =	vmul.f32 v17, v23;
	v14 =	vsub.f32 v14, v10;
	v25 =	vsub.f32 v25, v48  }
0x321: {  	v12 =	vsub.f32 v12, v48;
	v27 =	vadd.f32 v27, v51;
	v21 =	vmul.f32 v21, v21  }
0x322: {  	v18 =	vmul.f32 v22, v18;
	v28 =	vsub.f32 v28, v31;
	v14 =	vmul.f32 v14, v14  }
0x323: {  	v19 =	vsub.f32 v19, v31;
	v25 =	vmul.f32 v25, v25;
	v31 =	vmul.f32 v23, v17  }
0x324: {  	v12 =	vmul.f32 v12, v12;
	v21 =	vadd.f32 v21, v27;
	v29 =	vmul.f32 v18, v29  }
0x325: {  	s28 =	simm.s32 $0x30;
	v25 =	vadd.f32 v25, v14;
	v14 =	vsub.f32 v30, v10;
	v19 =	vmul.f32 v19, v19  }
0x326: {  	v31 =	vsub.f32 $1.500000000e+00, v31;
	v10 =	vmax.f32 v21, $1.000000020e-35;
	v21 =	vadd.s32 s28, v0  }
0x327: {  	v29 =	vmul.f32 v29, v18;
	v22 =	vshra.s32 v10, $0x1;
	v21 =	vand.u32 $0x7FF8, v21  }
0x328: {  	v14 =	vmul.f32 v14, v14;
	v27 =	vmul.f32 $5.000000000e-01, v10;
	v23 =	vor.u32 v4, v21  }
0x329: {  	v19 =	vadd.f32 v19, v25;
	v30 =	vsub.s32 $0x5F3759DF, v22;
	v22 =	vadd.s32 s28, v3  }
0x32a: {  	v33 =	vld.idx.msk [tilespmem:v20+s17+$0x0], $0xffff;
	v21 =	vmul.f32 v28, v28;
	v12 =	vadd.f32 v12, v14;
	v22 =	vand.u32 $0x7FF8, v22  }
0x32b: {  	v52 =	vld.idx.msk [tilespmem:v13+s17+$0x0], $0xffff;
	v17 =	vmul.f32 v31, v17;
	v28 =	vmul.f32 v30, v27;
	v22 =	vor.u32 v6, v22  }
0x32c: {  	v29 =	vsub.f32 $1.500000000e+00, v29;
	v14 =	vld.idx.msk [tilespmem:v11+s17+$0x0], $0xffff;
	v21 =	vadd.f32 v21, v12;
	v12 =	vadd.s32 s28, v2  }
0x32d: {  	v42 =	vmul.f32 v17, v24;
	v28 =	vmul.f32 v30, v28;
	v12 =	vand.u32 $0x7FF8, v12;
	v53 =	vld.idx.msk [tilespmem:v23+s15+$0x0], $0xffff  }
0x32e: {  	v17 =	vmul.f32 v29, v18;
	v12 =	vor.u32 v5, v12;
	v21 =	vmax.f32 v21, $1.000000020e-35;
	v54 =	vld.idx.msk [tilespmem:v23+s1+$0x0], $0xffff  }
0x32f: {  	v28 =	vsub.f32 $1.500000000e+00, v28;
	v56 =	vld.idx.msk [tilespmem:v23+s14+$0x0], $0xffff;
	v25 =	vshra.s32 v21, $0x1;
	v55 =	vmul.f32 $5.000000000e-01, v21  }
0x330: {  	v62 =	vadd.f32 v16, v15;
	v45 =	vmul.f32 v17, v26;
	v57 =	vsub.s32 $0x5F3759DF, v25;
	v59 =	vld.idx.msk [tilespmem:v22+s1+$0x0], $0xffff  }
0x331: {  	v25 =	vmax.f32 v19, $1.000000020e-35;
	v28 =	vmul.f32 v30, v28;
	v15 =	vld.idx.msk [tilespmem:v22+s15+$0x0], $0xffff;
	v19 =	vmul.f32 v57, v55  }
0x332: {  	v26 =	vmul.f32 v52, v33;
	v58 =	vld.idx.msk [tilespmem:v22+s14+$0x0], $0xffff;
	v31 =	vmul.f32 $5.000000000e-01, v25;
	v30 =	vshra.s32 v25, $0x1  }
0x333: {  	v27 =	vmul.f32 v28, v27;
	v29 =	vsub.s32 $0x5F3759DF, v30;
	v19 =	vmul.f32 v57, v19;
	v60 =	vld.idx.msk [tilespmem:v12+s14+$0x0], $0xffff  }
0x334: {  	v30 =	vmul.f32 v52, v14;
	v18 =	vld.idx.msk [tilespmem:v12+s1+$0x0], $0xffff;
	v24 =	vmul.f32 v29, v31  }
0x335: {  	v14 =	vmul.f32 v33, v14;
	v61 =	vld.idx.msk [tilespmem:v12+s15+$0x0], $0xffff;
	v27 =	vmul.f32 v27, v28;
	v19 =	vsub.f32 $1.500000000e+00, v19  }
0x336: {  	v63 =	vmul.f32 v29, v24;
	v17 =	vsub.f32 v54, v59;
	v34 =	vsub.f32 v53, v15  }
0x337: {  	v16 =	vsub.f32 $1.500000000e+00, v27;
	v27 =	vsub.f32 v56, v58;
	v24 =	vmul.f32 v57, v19  }
0x338: {  	v17 =	vmul.f32 v17, v17;
	v34 =	vmul.f32 v34, v34;
	v46 =	vsub.f32 $1.500000000e+00, v63  }
0x339: {  	v32 =	vld.idx.msk [tilespmem:v22+s17+$0x0], $0xffff;
	v37 =	vsub.f32 v56, v60;
	v35 =	vsub.f32 v54, v18;
	v27 =	vmul.f32 v27, v27  }
0x33a: {  	v19 =	vld.idx.msk [tilespmem:v23+s17+$0x0], $0xffff;
	v49 =	vsub.f32 v53, v61;
	v52 =	vmul.f32 v16, v28;
	v36 =	vmul.f32 v24, v55  }
0x33b: {  	v11 =	vld.idx.msk [tilespmem:v11+s16+$0x0], $0xffff;
	v43 =	vsub.f32 v61, v15;
	v46 =	vmul.f32 v29, v46;
	v37 =	vmul.f32 v37, v37  }
0x33c: {  	v51 =	vsub.f32 v60, v58;
	v35 =	vmul.f32 v35, v35;
	v15 =	vmul.f32 v36, v24  }
0x33d: {  	v27 =	vadd.f32 v27, v17;
	v50 =	vmul.f32 v49, v49;
	v31 =	vmul.f32 v46, v31  }
0x33e: {  	v10 =	vmul.f32 v52, v10;
	v35 =	vadd.f32 v37, v35;
	v15 =	vsub.f32 $1.500000000e+00, v15  }
0x33f: {  	v17 =	vmul.f32 v32, v19;
	v16 =	vadd.f32 v34, v27;
	v31 =	vmul.f32 v31, v46  }
0x340: {  	s28 =	simm.s32 $0x60;
	v11 =	vsub.f32 v11, v10;
	v27 =	vadd.f32 v50, v35;
	v24 =	vmul.f32 v15, v24  }
0x341: {  	v15 =	vsub.f32 v18, v59;
	v18 =	vadd.s32 s28, v0;
	v31 =	vsub.f32 $1.500000000e+00, v31  }
0x342: {  	v13 =	vld.idx.msk [tilespmem:v13+s16+$0x0], $0xffff;
	v34 =	vmax.f32 v27, $1.000000020e-35;
	v27 =	vmul.f32 v51, v51;
	v18 =	vand.u32 $0x7FF8, v18  }
0x343: {  	v28 =	vshra.s32 v34, $0x1;
	v53 =	vmul.f32 v15, v15;
	v54 =	vmul.f32 v24, v21  }
0x344: {  	v15 =	vor.u32 v4, v18;
	v55 =	vmul.f32 $5.000000000e-01, v34;
	v21 =	vmul.f32 v43, v43  }
0x345: {  	v24 =	vadd.s32 s28, v3;
	v31 =	vmul.f32 v31, v46;
	v56 =	vsub.s32 $0x5F3759DF, v28  }
0x346: {  	v20 =	vld.idx.msk [tilespmem:v20+s16+$0x0], $0xffff;
	v28 =	vadd.s32 s28, v2;
	v24 =	vand.u32 $0x7FF8, v24;
	v18 =	vadd.f32 v27, v53  }
0x347: {  	v27 =	vmul.f32 v56, v55;
	v28 =	vand.u32 $0x7FF8, v28;
	v36 =	vsub.f32 v13, v54  }
0x348: {  	v25 =	vmul.f32 v31, v25;
	v35 =	vadd.f32 v21, v18;
	v18 =	vor.u32 v6, v24;
	v24 =	vld.idx.msk [tilespmem:v12+s17+$0x0], $0xffff  }
0x349: {  	v21 =	vmax.f32 v16, $1.000000020e-35;
	v27 =	vmul.f32 v56, v27;
	v16 =	vor.u32 v5, v28;
	v40 =	vld.idx.msk [tilespmem:v15+s15+$0x0], $0xffff  }
0x34a: {  	v14 =	vmul.f32 v11, v14;
	v36 =	vmul.f32 v36, v26;
	v13 =	vld.idx.msk [tilespmem:v15+s17+$0x0], $0xffff  }
0x34b: {  	v25 =	vsub.f32 v20, v25;
	v28 =	vshra.s32 v21, $0x1;
	v43 =	vld.idx.msk [tilespmem:v15+s1+$0x0], $0xffff;
	v27 =	vsub.f32 $1.500000000e+00, v27  }
0x34c: {  	v26 =	vmul.f32 $5.000000000e-01, v21;
	v48 =	vld.idx.msk [tilespmem:v15+s14+$0x0], $0xffff;
	v35 =	vmax.f32 v35, $1.000000020e-35;
	v28 =	vsub.s32 $0x5F3759DF, v28  }
0x34d: {  	v57 =	vshra.s32 v35, $0x1;
	v58 =	vmul.f32 $5.000000000e-01, v35;
	v39 =	vmul.f32 v56, v27;
	v27 =	vld.idx.msk [tilespmem:v18+s17+$0x0], $0xffff  }
0x34e: {  	v36 =	vmul.f32 v36, v36;
	v25 =	vmul.f32 v25, v30;
	v41 =	vsub.s32 $0x5F3759DF, v57;
	v61 =	vld.idx.msk [tilespmem:v16+s15+$0x0], $0xffff  }
0x34f: {  	v42 =	vadd.f32 v42, v62;
	v60 =	vmul.f32 v28, v26;
	v59 =	vmul.f32 v41, v58;
	v62 =	vld.idx.msk [tilespmem:v18+s15+$0x0], $0xffff  }
0x350: {  	v56 =	vmul.f32 v14, v14;
	v33 =	vld.idx.msk [tilespmem:v18+s14+$0x0], $0xffff;
	v37 =	vmul.f32 v39, v55  }
0x351: {  	v10 =	vadd.f32 v45, v42;
	v25 =	vmul.f32 v25, v25;
	v63 =	vld.idx.msk [tilespmem:v16+s14+$0x0], $0xffff;
	v49 =	vmul.f32 v41, v59  }
0x352: {  	v11 =	vimm.f32 $0.0e+00;
	v29 =	vmul.f32 v28, v60;
	v38 =	vld.idx.msk [tilespmem:v18+s1+$0x0], $0xffff;
	v37 =	vmul.f32 v37, v39  }
0x353: {  	s28 =	simm.s32 $0x90;
	v32 =	vmul.f32 v32, v24;
	v45 =	vld.idx.msk [tilespmem:v16+s1+$0x0], $0xffff;
	v25 =	vadd.f32 v25, v56;
	v49 =	vsub.f32 $1.500000000e+00, v49  }
0x354: {  	v56 =	vadd.s32 s28, v0;
	v37 =	vsub.f32 $1.500000000e+00, v37;
	v57 =	vsub.f32 v40, v61  }
0x355: {  	v50 =	vsub.f32 v61, v62;
	v59 =	vsub.f32 v48, v33;
	v41 =	vmul.f32 v41, v49  }
0x356: {  	v14 =	vmul.f32 v27, v13;
	v48 =	vsub.f32 v48, v63;
	v40 =	vsub.f32 v40, v62  }
0x357: {  	v37 =	vmul.f32 v37, v39;
	v47 =	vmul.f32 v41, v58;
	v58 =	vsub.f32 v43, v38  }
0x358: {  	v60 =	vmul.f32 v59, v59;
	v61 =	vmul.f32 v48, v48;
	v43 =	vsub.f32 v43, v45  }
0x359: {  	v36 =	vadd.f32 v25, v36;
	v47 =	vmul.f32 v47, v41;
	v39 =	vmul.f32 v58, v58  }
0x35a: {  	v33 =	vsub.f32 v63, v33;
	v62 =	vmul.f32 v40, v40;
	v43 =	vmul.f32 v43, v43  }
0x35b: {  	v46 =	vmul.f32 v57, v57;
	v47 =	vsub.f32 $1.500000000e+00, v47;
	v31 =	vadd.f32 v60, v39  }
0x35c: {  	v48 =	vld.idx.msk [tilespmem:v22+s16+$0x0], $0xffff;
	v51 =	vmul.f32 v33, v33;
	v57 =	vmul.f32 v50, v50;
	v63 =	vadd.f32 v61, v43  }
0x35d: {  	v59 =	vadd.s32 s28, v2;
	v20 =	vadd.f32 v62, v31;
	v31 =	vmul.f32 v47, v41  }
0x35e: {  	v38 =	vsub.f32 v45, v38;
	v45 =	vmul.f32 v37, v34;
	v22 =	vadd.f32 v46, v63  }
0x35f: {  	v39 =	vand.u32 $0x7FF8, v56;
	v20 =	vmax.f32 v20, $1.000000020e-35;
	v31 =	vmul.f32 v31, v35  }
0x360: {  	v25 =	vor.u32 v4, v39;
	v22 =	vmax.f32 v22, $1.000000020e-35;
	v30 =	vshra.s32 v20, $0x1  }
0x361: {  	v52 =	vshra.s32 v22, $0x1;
	v53 =	vmul.f32 $5.000000000e-01, v22;
	v31 =	vsub.f32 v48, v31  }
0x362: {  	v54 =	vsub.s32 $0x5F3759DF, v52;
	v33 =	vsub.s32 $0x5F3759DF, v30;
	v30 =	vmul.f32 v38, v38  }
0x363: {  	v60 =	vadd.s32 s28, v3;
	v55 =	vmul.f32 v54, v53;
	v32 =	vmul.f32 v31, v32  }
0x364: {  	v30 =	vadd.f32 v51, v30;
	v31 =	vmul.f32 $3.333333430e-01, v36;
	v36 =	vmul.f32 $5.000000000e-01, v20  }
0x365: {  	v34 =	vand.u32 $0x7FF8, v59;
	v35 =	vand.u32 $0x7FF8, v60;
	v38 =	vmul.f32 v54, v55  }
0x366: {  	v48 =	vld.idx.msk [tilespmem:v23+s16+$0x0], $0xffff;
	v30 =	vadd.f32 v57, v30;
	v23 =	vadd.f32 $9.999999970e-07, v31;
	v61 =	vmul.f32 v33, v36  }
0x367: {  	v34 =	vor.u32 v5, v34;
	v39 =	vld.idx.msk [tilespmem:v25+s15+$0x0], $0xffff;
	v31 =	vor.u32 v6, v35;
	v58 =	vsub.f32 $1.500000000e+00, v38  }
0x368: {  	v38 =	vld.idx.msk [tilespmem:v16+s17+$0x0], $0xffff;
	v35 =	vmax.f32 v30, $1.000000020e-35;
	v23 =	vmax.f32 v23, $1.000000020e-35;
	v41 =	vmul.f32 v33, v61  }
0x369: {  	v37 =	vld.idx.msk [tilespmem:v25+s17+$0x0], $0xffff;
	v40 =	vmul.f32 v54, v58;
	v63 =	vshra.s32 v23, $0x1;
	v30 =	vmul.f32 $5.000000000e-01, v23  }
0x36a: {  	v42 =	vld.idx.msk [tilespmem:v25+s1+$0x0], $0xffff;
	v62 =	vshra.s32 v35, $0x1;
	v44 =	vmul.f32 $5.000000000e-01, v35;
	v46 =	vsub.s32 $0x5F3759DF, v63  }
0x36b: {  	s28 =	simm.s32 $0xC0;
	v43 =	vld.idx.msk [tilespmem:v25+s14+$0x0], $0xffff;
	v47 =	vsub.s32 $0x5F3759DF, v62;
	v49 =	vmul.f32 v40, v53;
	v50 =	vmul.f32 v46, v30  }
.LBB2_10:
0x36c: {  	p0 =	sne.s32 s28, $0x2EB0;
	v51 =	vld.idx.msk [tilespmem:v31+s17+$0x0], $0xffff;
	v52 =	vmul.f32 v47, v44;
	v54 =	vmul.f32 v24, v19;
	v45 =	vsub.f32 v48, v45;
	s29 =	smov.u32 s28;
	s28 =	sadd.s32 $0x30, s28  }
0x36d: {  	v53 =	vsub.f32 $1.500000000e+00, v29;
	v24 =	vmovc v38;
	v48 =	vld.idx.msk [tilespmem:v34+s15+$0x0], $0xffff;
	v49 =	vmul.f32 v49, v40;
	v50 =	vmul.f32 v46, v50  }
0x36e: {  	v19 =	vmovc v13;
	v29 =	vmov v41;
	v38 =	vld.idx.msk [tilespmem:v31+s15+$0x0], $0xffff;
	v52 =	vmul.f32 v47, v52;
	v45 =	vmul.f32 v45, v54  }
0x36f: {  	v53 =	vmul.f32 v28, v53;
	v28 =	vmovc v33;
	v13 =	vmovc v37;
	v41 =	vld.idx.msk [tilespmem:v31+s14+$0x0], $0xffff;
	v49 =	vsub.f32 $1.500000000e+00, v49;
	v50 =	vsub.f32 $1.500000000e+00, v50  }
0x370: {  	v33 =	vld.idx.msk [tilespmem:v31+s1+$0x0], $0xffff;
	v37 =	vsub.f32 $1.500000000e+00, v52;
	v52 =	vmul.f32 v27, v24;
	v45 =	vmul.f32 v45, v45  }
0x371: {  	v55 =	vmul.f32 v53, v26;
	v26 =	vmov v36;
	v54 =	vld.idx.msk [tilespmem:v34+s14+$0x0], $0xffff;
	v46 =	vmul.f32 v46, v50  }
0x372: {  	v50 =	vmul.f32 v51, v13;
	v27 =	vmov v51;
	v36 =	vld.idx.msk [tilespmem:v34+s1+$0x0], $0xffff;
	v37 =	vmul.f32 v47, v37  }
0x373: {  	v47 =	vsub.f32 v39, v48;
	v51 =	vmul.f32 v55, v53;
	v30 =	vmul.f32 v46, v30  }
0x374: {  	v40 =	vmul.f32 v49, v40;
	v48 =	vsub.f32 v48, v38;
	v44 =	vmul.f32 v37, v44  }
0x375: {  	v38 =	vsub.f32 v39, v38;
	v39 =	vsub.f32 $1.500000000e+00, v51;
	v30 =	vmul.f32 v30, v46  }
0x376: {  	v51 =	vsub.f32 v43, v41;
	v49 =	vsub.f32 v42, v33;
	v44 =	vmul.f32 v44, v37;
	v55 =	vld.idx.msk [tilespmem:v12+s16+$0x0], $0xffff  }
0x377: {  	v43 =	vsub.f32 v43, v54;
	v39 =	vmul.f32 v39, v53;
	v12 =	vmovc v16;
	v16 =	vmovc v34;
	v30 =	vsub.f32 $1.500000000e+00, v30  }
0x378: {  	v34 =	vsub.f32 v42, v36;
	v42 =	vmul.f32 v49, v49;
	v49 =	vmul.f32 v51, v51  }
0x379: {  	v43 =	vmul.f32 v43, v43;
	v44 =	vsub.f32 $1.500000000e+00, v44;
	v30 =	vmul.f32 v30, v46  }
0x37a: {  	v41 =	vsub.f32 v54, v41;
	v39 =	vmul.f32 v39, v21;
	v21 =	vmovc v20;
	v34 =	vmul.f32 v34, v34  }
0x37b: {  	v38 =	vmul.f32 v38, v38;
	v20 =	vadd.f32 v49, v42;
	v23 =	vmul.f32 v30, v23  }
0x37c: {  	v30 =	vadd.f32 v43, v34;
	v34 =	vmul.f32 v47, v47;
	v39 =	vsub.f32 v55, v39  }
0x37d: {  	v37 =	vmul.f32 v44, v37;
	v20 =	vadd.f32 v38, v20;
	v38 =	vld.idx.msk [tilespmem:v18+s16+$0x0], $0xffff;
	v11 =	vadd.f32 v23, v11  }
0x37e: {  	v32 =	vmul.f32 v32, v32;
	v23 =	vsub.f32 v36, v33;
	v30 =	vadd.f32 v34, v30;
	v18 =	vmovc v31  }
0x37f: {  	v20 =	vmax.f32 v20, $1.000000020e-35;
	v31 =	vmul.f32 v37, v35;
	v33 =	vmul.f32 v39, v17;
	v17 =	vmovc v14;
	v14 =	vmovc v50  }
0x380: {  	v35 =	vmul.f32 v41, v41;
	v34 =	vshra.s32 v20, $0x1;
	v30 =	vmax.f32 v30, $1.000000020e-35  }
0x381: {  	v37 =	vmul.f32 v33, v33;
	v36 =	vshra.s32 v30, $0x1;
	v47 =	vmul.f32 $5.000000000e-01, v30  }
0x382: {  	v33 =	vsub.s32 $0x5F3759DF, v34;
	v23 =	vmul.f32 v23, v23;
	v41 =	vsub.s32 $0x5F3759DF, v36  }
0x383: {  	v36 =	vadd.f32 v37, v45;
	v34 =	vmul.f32 v41, v47;
	v31 =	vsub.f32 v38, v31  }
0x384: {  	v37 =	vadd.s32 s29, v0;
	v23 =	vadd.f32 v35, v23;
	v35 =	vmul.f32 v48, v48  }
0x385: {  	v37 =	vand.u32 $0x7FF8, v37;
	v36 =	vadd.f32 v36, v32;
	v34 =	vmul.f32 v41, v34  }
0x386: {  	v42 =	vor.u32 v4, v37;
	v23 =	vadd.f32 v35, v23;
	v32 =	vmul.f32 v31, v52  }
0x387: {  	v45 =	vmul.f32 v40, v22;
	v22 =	vmovc v30;
	v31 =	vmul.f32 $3.333333430e-01, v36;
	v43 =	vsub.f32 $1.500000000e+00, v34  }
0x388: {  	v30 =	vadd.s32 s29, v2;
	v36 =	vmul.f32 $5.000000000e-01, v20;
	v34 =	vadd.s32 s29, v3  }
0x389: {  	v30 =	vand.u32 $0x7FF8, v30;
	v35 =	vand.u32 $0x7FF8, v34;
	v37 =	vadd.f32 $9.999999970e-07, v31;
	v48 =	vld.idx.msk [tilespmem:v15+s16+$0x0], $0xffff;
	v15 =	vmovc v25;
	v25 =	vmovc v42  }
.Ltmp4:
0x38a: {  	v34 =	vor.u32 v5, v30;
	v31 =	vor.u32 v6, v35;
	v35 =	vmax.f32 v23, $1.000000020e-35;
	v38 =	vld.idx.msk [tilespmem:v16+s17+$0x0], $0xffff;
	(pc) =	sbr.rel @p0 .LBB2_10-.Ltmp4, $4  }
0x38b: {  	v44 =	vmul.f32 v33, v36;
	v50 =	vshra.s32 v35, $0x1;
	v23 =	vmax.f32 v37, $1.000000020e-35;
	v39 =	vld.idx.msk [tilespmem:v42+s15+$0x0], $0xffff  }
0x38c: {  	v40 =	vmul.f32 v41, v43;
	v43 =	vshra.s32 v23, $0x1;
	v30 =	vmul.f32 $5.000000000e-01, v23;
	v37 =	vld.idx.msk [tilespmem:v42+s17+$0x0], $0xffff  }
0x38d: {  	v41 =	vmul.f32 v33, v44;
	v44 =	vmul.f32 $5.000000000e-01, v35;
	v46 =	vsub.s32 $0x5F3759DF, v43;
	v42 =	vld.idx.msk [tilespmem:v42+s1+$0x0], $0xffff  }
0x38e: {  	v49 =	vmul.f32 v40, v47;
	v47 =	vsub.s32 $0x5F3759DF, v50;
	v50 =	vmul.f32 v46, v30;
	v43 =	vld.idx.msk [tilespmem:v25+s14+$0x0], $0xffff  }
0x38f: {  	_ =	sdelay $0x1  }
0x390: {  	v51 =	vmul.f32 v47, v44;
	v19 =	vmul.f32 v24, v19  }
0x391: {  	v29 =	vsub.f32 $1.500000000e+00, v29;
	v27 =	vmul.f32 v27, v38;
	v32 =	vmul.f32 v32, v32  }
0x392: {  	v52 =	vld.idx.msk [tilespmem:v34+s15+$0x0], $0xffff;
	v24 =	vsub.f32 v48, v45;
	v13 =	vmul.f32 v38, v13;
	v50 =	vmul.f32 v46, v50  }
0x393: {  	v45 =	vld.idx.msk [tilespmem:v34+s14+$0x0], $0xffff;
	v41 =	vsub.f32 $1.500000000e+00, v41;
	v49 =	vmul.f32 v49, v40;
	v29 =	vmul.f32 v28, v29  }
0x394: {  	v53 =	vld.idx.msk [tilespmem:v34+s1+$0x0], $0xffff;
	v56 =	vmul.f32 v47, v51;
	v19 =	vmul.f32 v24, v19  }
0x395: {  	v54 =	vld.idx.msk [tilespmem:v31+s15+$0x0], $0xffff;
	v33 =	vmul.f32 v33, v41;
	v26 =	vmul.f32 v29, v26  }
0x396: {  	v51 =	vld.idx.msk [tilespmem:v31+s1+$0x0], $0xffff;
	v50 =	vsub.f32 $1.500000000e+00, v50;
	v24 =	vsub.f32 $1.500000000e+00, v56;
	v55 =	vmul.f32 v19, v19  }
0x397: {  	v48 =	vld.idx.msk [tilespmem:v31+s14+$0x0], $0xffff;
	v57 =	vsub.f32 $1.500000000e+00, v49;
	v36 =	vmul.f32 v33, v36;
	v26 =	vmul.f32 v26, v29  }
0x398: {  	v58 =	vsub.f32 v39, v52;
	v61 =	vsub.f32 v43, v45;
	v24 =	vmul.f32 v47, v24  }
0x399: {  	v19 =	vmul.f32 v46, v50;
	v62 =	vsub.f32 v42, v53;
	v26 =	vsub.f32 $1.500000000e+00, v26  }
0x39a: {  	v12 =	vld.idx.msk [tilespmem:v12+s16+$0x0], $0xffff;
	v63 =	vsub.f32 v39, v54;
	v47 =	vmul.f32 v36, v33;
	v59 =	vmul.f32 v24, v44  }
0x39b: {  	v60 =	vsub.f32 v42, v51;
	v42 =	vmul.f32 v62, v62;
	v26 =	vmul.f32 v26, v29  }
0x39c: {  	v45 =	vsub.f32 v45, v48;
	v39 =	vmul.f32 v63, v63;
	v44 =	vmul.f32 v59, v24  }
0x39d: {  	v46 =	vmul.f32 v58, v58;
	v21 =	vmul.f32 v26, v21;
	v26 =	vsub.f32 v43, v48  }
0x39e: {  	v50 =	vmul.f32 v45, v45;
	v43 =	vmul.f32 v61, v61;
	v44 =	vsub.f32 $1.500000000e+00, v44  }
0x39f: {  	v18 =	vld.idx.msk [tilespmem:v18+s16+$0x0], $0xffff;
	v49 =	vmul.f32 v60, v60;
	v26 =	vmul.f32 v26, v26;
	v12 =	vsub.f32 v12, v21  }
0x3a0: {  	v48 =	vsub.f32 v53, v51;
	v42 =	vadd.f32 v43, v42;
	v24 =	vmul.f32 v44, v24  }
0x3a1: {  	v21 =	vmul.f32 v57, v40;
	v26 =	vadd.f32 v26, v49;
	v12 =	vmul.f32 v12, v17  }
0x3a2: {  	v49 =	vadd.f32 v46, v42;
	v17 =	vsub.f32 v52, v54;
	v24 =	vmul.f32 v24, v35  }
0x3a3: {  	v26 =	vadd.f32 v39, v26;
	v39 =	vmul.f32 v48, v48;
	v12 =	vmul.f32 v12, v12  }
0x3a4: {  	v40 =	vmax.f32 v49, $1.000000020e-35;
	v17 =	vmul.f32 v17, v17;
	v18 =	vsub.f32 v18, v24  }
0x3a5: {  	v26 =	vmax.f32 v26, $1.000000020e-35;
	v39 =	vadd.f32 v50, v39;
	v12 =	vadd.f32 v12, v55  }
0x3a6: {  	v52 =	vshra.s32 v40, $0x1;
	v53 =	vmul.f32 $5.000000000e-01, v40;
	v51 =	vshra.s32 v26, $0x1  }
0x3a7: {  	v56 =	vmul.f32 $5.000000000e-01, v26;
	v17 =	vadd.f32 v17, v39;
	v12 =	vadd.f32 v12, v32  }
0x3a8: {  	v43 =	vsub.s32 $0x5F3759DF, v52;
	v18 =	vmul.f32 v18, v27;
	v54 =	vsub.s32 $0x5F3759DF, v51  }
0x3a9: {  	v15 =	vld.idx.msk [tilespmem:v15+s16+$0x0], $0xffff;
	v59 =	vmul.f32 v54, v56;
	v17 =	vmax.f32 v17, $1.000000020e-35;
	v12 =	vmul.f32 $3.333333430e-01, v12  }
0x3aa: {  	v28 =	vld.idx.msk [tilespmem:v31+s17+$0x0], $0xffff;
	v55 =	vmul.f32 v43, v53;
	v24 =	vshra.s32 v17, $0x1;
	v57 =	vmul.f32 $5.000000000e-01, v17  }
0x3ab: {  	v16 =	vld.idx.msk [tilespmem:v16+s16+$0x0], $0xffff;
	v27 =	vmul.f32 v54, v59;
	v24 =	vsub.s32 $0x5F3759DF, v24;
	v12 =	vadd.f32 $9.999999970e-07, v12  }
0x3ac: {  	v25 =	vld.idx.msk [tilespmem:v25+s16+$0x0], $0xffff;
	v39 =	vmul.f32 v43, v55;
	v60 =	vmul.f32 v24, v57  }
0x3ad: {  	v31 =	vld.idx.msk [tilespmem:v31+s16+$0x0], $0xffff;
	v21 =	vmul.f32 v21, v22;
	v22 =	vmax.f32 v12, $1.000000020e-35;
	v12 =	vsub.f32 $1.500000000e+00, v27  }
0x3ae: {  	s28 =	simm.s32 $0x0;
	v58 =	vld.idx.msk [tilespmem:v34+s17+$0x0], $0xffff;
	v35 =	vsub.f32 $1.500000000e+00, v47;
	v39 =	vsub.f32 $1.500000000e+00, v39;
	v61 =	vmul.f32 v24, v60  }
0x3af: {  	v29 =	vmul.f32 v28, v37;
	v15 =	vsub.f32 v15, v21;
	v27 =	vld.idx.msk [tilespmem:v34+s16+$0x0], $0xffff;
	[tilespmem:s28], [sflag:$0x1] =	stream.linear.gather [hbm4b:s2+s28], $0x2EE0, $0x38;
	v12 =	vmul.f32 v54, v12  }
0x3b0: {  	v33 =	vmul.f32 v35, v33;
	v62 =	vmul.f32 v43, v39;
	v63 =	vsub.f32 $1.500000000e+00, v61  }
0x3b1: {  	v13 =	vmul.f32 v15, v13;
	[tilespmem:s14], [sflag:$0x1] =	stream.linear.gather [hbm4b:s3+s28], $0x2EE0, $0x38;
	v32 =	vmul.f32 v12, v56;
	[tilespmem:$0x1D4D0] =	vst v63  }
0x3b2: {  	v49 =	vmul.f32 v62, v53;
	v24 =	vmul.f32 v24, v63  }
0x3b3: {  	v20 =	vmul.f32 v33, v20;
	[tilespmem:s15], [sflag:$0x1] =	stream.linear.gather [hbm4b:s4+s28], $0x2EE0, $0x38;
	v32 =	vmul.f32 v32, v12;
	[tilespmem:$0x1D4D0] =	vst v63  }
0x3b4: {  	v39 =	vmul.f32 v49, v62;
	v50 =	vmul.f32 v24, v57  }
0x3b5: {  	v28 =	vmul.f32 v28, v58;
	v16 =	vsub.f32 v16, v20;
	[tilespmem:s16], [sflag:$0x1] =	stream.linear.gather [hbm4b:s5+s28], $0x2EE0, $0x38;
	v32 =	vsub.f32 $1.500000000e+00, v32;
	[tilespmem:$0x1D4D0] =	vst v63  }
0x3b6: {  	v13 =	vmul.f32 v13, v13;
	v52 =	vsub.f32 $1.500000000e+00, v39;
	v21 =	vmul.f32 v50, v24  }
0x3b7: {  	v14 =	vmul.f32 v16, v14;
	[tilespmem:s17], [sflag:$0x1] =	stream.linear.gather [hbm4b:s6+s28], $0x2EE0, $0x38;
	v12 =	vmul.f32 v32, v12;
	[tilespmem:$0x1D4D0] =	vst v63  }
0x3b8: {  	v16 =	vmul.f32 v58, v37;
	_ =	swait.ge [sflag:s24], $0x2EE0;
	v15 =	vsub.f32 $1.500000000e+00, v21;
	v21 =	vmul.f32 v52, v62  }
0x3b9: {  	v14 =	vmul.f32 v14, v14;
	[sflag:s24] =	ssyncset.done $0x0;
	v12 =	vmul.f32 v12, v26  }
0x3ba: {  	[sflag:s24] =	ssyncadd.s32 $0xFFFFD120;
	v15 =	vmul.f32 v15, v24;
	v20 =	vmul.f32 v21, v40  }
0x3bb: {  	v46 =	vmul.f32 $5.000000000e-01, v22;
	v48 =	vshra.s32 v22, $0x1;
	_ =	swait.ge [sflag:s24], $0x2EE0;
	v12 =	vsub.f32 v27, v12  }
0x3bc: {  	v36 =	vsub.s32 $0x5F3759DF, v48;
	[sflag:s24] =	ssyncset.done $0x0;
	v15 =	vmul.f32 v15, v17;
	v17 =	vsub.f32 v25, v20  }
0x3bd: {  	v51 =	vmul.f32 v36, v46;
	[sflag:s24] =	ssyncadd.s32 $0xFFFFD120;
	v12 =	vmul.f32 v12, v29  }
0x3be: {  	_ =	swait.ge [sflag:s24], $0x2EE0;
	v15 =	vsub.f32 v31, v15;
	v16 =	vmul.f32 v17, v16;
	v17 =	vmul.f32 v18, v18  }
0x3bf: {  	v13 =	vadd.f32 v14, v13;
	[sflag:s24] =	ssyncset.done $0x0;
	v18 =	vmul.f32 v36, v51;
	v12 =	vmul.f32 v12, v12  }
0x3c0: {  	[sflag:s24] =	ssyncadd.s32 $0xFFFFD120;
	v14 =	vmul.f32 v15, v28;
	v15 =	vmul.f32 v16, v16;
	v16 =	vadd.s32 s28, v0  }
0x3c1: {  	_ =	swait.ge [sflag:s24], $0x2EE0;
	v13 =	vadd.f32 v13, v17;
	v17 =	vsub.f32 $1.500000000e+00, v18;
	v16 =	vand.u32 $0x7FF8, v16  }
0x3c2: {  	[sflag:s24] =	ssyncset.done $0x0;
	v14 =	vmul.f32 v14, v14;
	v15 =	vadd.f32 v12, v15;
	v12 =	vor.u32 v4, v16  }
0x3c3: {  	v18 =	vadd.s32 s28, v2;
	[sflag:s24] =	ssyncadd.s32 $0xFFFFD120;
	v16 =	vmul.f32 v19, v30;
	v13 =	vmul.f32 $3.333333430e-01, v13  }
0x3c4: {  	_ =	swait.ge [sflag:s24], $0x2EE0;
	v17 =	vmul.f32 v36, v17;
	v14 =	vadd.f32 v15, v14;
	v15 =	vand.u32 $0x7FF8, v18  }
0x3c5: {  	[sflag:s24] =	ssyncset.done $0x0;
	v16 =	vmul.f32 v16, v19;
	v13 =	vadd.f32 $9.999999970e-07, v13;
	v21 =	vor.u32 v5, v15  }
0x3c6: {  	[sflag:s24] =	ssyncadd.s32 $0xFFFFD120;
	v18 =	vmul.f32 v17, v46;
	v15 =	vadd.s32 s28, v3;
	v14 =	vmul.f32 $3.333333430e-01, v14  }
0x3c7: {  	v16 =	vsub.f32 $1.500000000e+00, v16;
	v15 =	vand.u32 $0x7FF8, v15;
	v25 =	vmax.f32 v13, $1.000000020e-35;
	v20 =	vld.idx.msk [tilespmem:v12+s20+$0x0], $0xffff  }
0x3c8: {  	v18 =	vmul.f32 v18, v17;
	v26 =	vld.idx.msk [tilespmem:v12+s19+$0x0], $0xffff;
	v13 =	vadd.f32 $9.999999970e-07, v14;
	v14 =	vor.u32 v6, v15  }
0x3c9: {  	v24 =	vmul.f32 $5.000000000e-01, v25;
	v15 =	vld.idx.msk [tilespmem:v12+s18+$0x0], $0xffff;
	v16 =	vmul.f32 v16, v19;
	v19 =	vshra.s32 v25, $0x1  }
0x3ca: {  	v18 =	vsub.f32 $1.500000000e+00, v18;
	v19 =	vsub.s32 $0x5F3759DF, v19;
	v27 =	vmax.f32 v13, $1.000000020e-35;
	v13 =	vld.idx.msk [tilespmem:v21+s19+$0x0], $0xffff  }
0x3cb: {  	v28 =	vmul.f32 v19, v24;
	v31 =	vld.idx.msk [tilespmem:v21+s18+$0x0], $0xffff;
	v29 =	vshra.s32 v27, $0x1;
	v30 =	vmul.f32 $5.000000000e-01, v27  }
0x3cc: {  	v16 =	vmul.f32 v16, v23;
	v17 =	vmul.f32 v18, v17;
	v23 =	vsub.s32 $0x5F3759DF, v29;
	v29 =	vld.idx.msk [tilespmem:v21+s20+$0x0], $0xffff  }
0x3cd: {  	v28 =	vmul.f32 v19, v28;
	v53 =	vmul.f32 v23, v30;
	v54 =	vld.idx.msk [tilespmem:v14+s19+$0x0], $0xffff  }
0x3ce: {  	v16 =	vadd.f32 v16, v11;
	v11 =	vld.idx.msk [tilespmem:v14+s18+$0x0], $0xffff  }
0x3cf: {  	v17 =	vmul.f32 v17, v22;
	v55 =	vld.idx.msk [tilespmem:v14+s20+$0x0], $0xffff;
	v18 =	vsub.f32 $1.500000000e+00, v28;
	v28 =	vmul.f32 v23, v53  }
0x3d0: {  	v56 =	vsub.f32 v26, v13;
	v57 =	vsub.f32 v15, v31  }
0x3d1: {  	v45 =	vadd.f32 v17, v16;
	v18 =	vmul.f32 v19, v18;
	v19 =	vsub.f32 $1.500000000e+00, v28  }
0x3d2: {  	v22 =	vsub.f32 v20, v29;
	v28 =	vmul.f32 v56, v56;
	v58 =	vmul.f32 v57, v57  }
0x3d3: {  	v24 =	vmul.f32 v18, v24;
	v15 =	vsub.f32 v15, v11;
	v26 =	vsub.f32 v26, v54  }
0x3d4: {  	v20 =	vsub.f32 v20, v55;
	v13 =	vsub.f32 v13, v54;
	v22 =	vmul.f32 v22, v22  }
0x3d5: {  	v28 =	vadd.f32 v28, v58;
	v19 =	vmul.f32 v23, v19;
	v15 =	vmul.f32 v15, v15  }
0x3d6: {  	v29 =	vsub.f32 v29, v55;
	v26 =	vmul.f32 v26, v26;
	v59 =	vmul.f32 v24, v18  }
0x3d7: {  	v13 =	vmul.f32 v13, v13;
	v20 =	vmul.f32 v20, v20;
	v22 =	vadd.f32 v22, v28  }
0x3d8: {  	s28 =	simm.s32 $0x30;
	v30 =	vmul.f32 v19, v30;
	v26 =	vadd.f32 v26, v15;
	v15 =	vsub.f32 v31, v11  }
0x3d9: {  	v32 =	vsub.f32 $1.500000000e+00, v59;
	v11 =	vmax.f32 v22, $1.000000020e-35;
	v22 =	vadd.s32 s28, v0  }
0x3da: {  	v30 =	vmul.f32 v30, v19;
	v23 =	vshra.s32 v11, $0x1;
	v22 =	vand.u32 $0x7FF8, v22  }
0x3db: {  	v15 =	vmul.f32 v15, v15;
	v28 =	vmul.f32 $5.000000000e-01, v11;
	v24 =	vor.u32 v4, v22  }
0x3dc: {  	v31 =	vsub.s32 $0x5F3759DF, v23;
	v22 =	vmul.f32 v29, v29;
	v23 =	vadd.s32 s28, v3  }
0x3dd: {  	v34 =	vld.idx.msk [tilespmem:v21+s22+$0x0], $0xffff;
	v13 =	vadd.f32 v13, v15;
	v29 =	vmul.f32 v31, v28;
	v23 =	vand.u32 $0x7FF8, v23  }
0x3de: {  	v60 =	vld.idx.msk [tilespmem:v14+s22+$0x0], $0xffff;
	v18 =	vmul.f32 v32, v18;
	v30 =	vsub.f32 $1.500000000e+00, v30;
	v23 =	vor.u32 v6, v23  }
0x3df: {  	v15 =	vld.idx.msk [tilespmem:v12+s22+$0x0], $0xffff;
	v22 =	vadd.f32 v22, v13;
	v13 =	vadd.s32 s28, v2;
	v29 =	vmul.f32 v31, v29  }
0x3e0: {  	v43 =	vmul.f32 v18, v25;
	v18 =	vmul.f32 v30, v19;
	v13 =	vand.u32 $0x7FF8, v13;
	v61 =	vld.idx.msk [tilespmem:v24+s20+$0x0], $0xffff  }
0x3e1: {  	v13 =	vor.u32 v5, v13;
	v22 =	vmax.f32 v22, $1.000000020e-35;
	v29 =	vsub.f32 $1.500000000e+00, v29;
	v62 =	vld.idx.msk [tilespmem:v24+s18+$0x0], $0xffff  }
0x3e2: {  	v20 =	vadd.f32 v20, v26;
	v48 =	vld.idx.msk [tilespmem:v24+s19+$0x0], $0xffff;
	v26 =	vshra.s32 v22, $0x1;
	v63 =	vmul.f32 $5.000000000e-01, v22  }
0x3e3: {  	v46 =	vmul.f32 v18, v27;
	v49 =	vsub.s32 $0x5F3759DF, v26;
	v29 =	vmul.f32 v31, v29;
	v51 =	vld.idx.msk [tilespmem:v23+s18+$0x0], $0xffff  }
0x3e4: {  	v27 =	vmul.f32 v60, v34;
	v26 =	vmax.f32 v20, $1.000000020e-35;
	v16 =	vld.idx.msk [tilespmem:v23+s20+$0x0], $0xffff;
	v20 =	vmul.f32 v49, v63  }
0x3e5: {  	v50 =	vld.idx.msk [tilespmem:v23+s19+$0x0], $0xffff;
	v32 =	vmul.f32 $5.000000000e-01, v26;
	v31 =	vshra.s32 v26, $0x1;
	v28 =	vmul.f32 v29, v28  }
0x3e6: {  	v30 =	vsub.s32 $0x5F3759DF, v31;
	v31 =	vmul.f32 v60, v15;
	v20 =	vmul.f32 v49, v20;
	v52 =	vld.idx.msk [tilespmem:v13+s19+$0x0], $0xffff  }
0x3e7: {  	v19 =	vld.idx.msk [tilespmem:v13+s18+$0x0], $0xffff;
	v25 =	vmul.f32 v30, v32;
	v28 =	vmul.f32 v28, v29  }
0x3e8: {  	v15 =	vmul.f32 v34, v15;
	v53 =	vld.idx.msk [tilespmem:v13+s20+$0x0], $0xffff;
	v20 =	vsub.f32 $1.500000000e+00, v20;
	v18 =	vsub.f32 v62, v51  }
0x3e9: {  	v47 =	vmul.f32 v30, v25;
	v35 =	vsub.f32 v61, v16;
	v17 =	vsub.f32 $1.500000000e+00, v28  }
0x3ea: {  	v28 =	vsub.f32 v48, v50;
	v25 =	vmul.f32 v49, v20;
	v18 =	vmul.f32 v18, v18  }
0x3eb: {  	v35 =	vmul.f32 v35, v35;
	v47 =	vsub.f32 $1.500000000e+00, v47;
	v38 =	vsub.f32 v48, v52  }
0x3ec: {  	v36 =	vsub.f32 v62, v19;
	v28 =	vmul.f32 v28, v28;
	v37 =	vmul.f32 v25, v63  }
0x3ed: {  	v54 =	vsub.f32 v61, v53;
	v47 =	vmul.f32 v30, v47;
	v38 =	vmul.f32 v38, v38  }
0x3ee: {  	v44 =	vsub.f32 v53, v16;
	v36 =	vmul.f32 v36, v36;
	v16 =	vmul.f32 v37, v25  }
0x3ef: {  	v57 =	vmul.f32 v17, v29;
	v28 =	vadd.f32 v28, v18;
	v32 =	vmul.f32 v47, v32  }
0x3f0: {  	v55 =	vmul.f32 v54, v54;
	v36 =	vadd.f32 v38, v36;
	v16 =	vsub.f32 $1.500000000e+00, v16  }
0x3f1: {  	v56 =	vsub.f32 v52, v50;
	v11 =	vmul.f32 v57, v11;
	v32 =	vmul.f32 v32, v47  }
0x3f2: {  	s28 =	simm.s32 $0x60;
	v17 =	vadd.f32 v35, v28;
	v28 =	vadd.f32 v55, v36;
	v25 =	vmul.f32 v16, v25  }
0x3f3: {  	v16 =	vsub.f32 v19, v51;
	v19 =	vadd.s32 s28, v0;
	v32 =	vsub.f32 $1.500000000e+00, v32  }
0x3f4: {  	v14 =	vld.idx.msk [tilespmem:v14+s21+$0x0], $0xffff;
	v35 =	vmax.f32 v28, $1.000000020e-35;
	v28 =	vmul.f32 v56, v56;
	v19 =	vand.u32 $0x7FF8, v19  }
0x3f5: {  	v12 =	vld.idx.msk [tilespmem:v12+s21+$0x0], $0xffff;
	v58 =	vmul.f32 v16, v16;
	v16 =	vor.u32 v4, v19;
	v59 =	vmul.f32 v25, v22  }
0x3f6: {  	v33 =	vld.idx.msk [tilespmem:v23+s22+$0x0], $0xffff;
	v29 =	vshra.s32 v35, $0x1;
	v60 =	vmul.f32 $5.000000000e-01, v35;
	v22 =	vmul.f32 v44, v44  }
0x3f7: {  	v20 =	vld.idx.msk [tilespmem:v24+s22+$0x0], $0xffff;
	v25 =	vadd.s32 s28, v3;
	v61 =	vsub.s32 $0x5F3759DF, v29;
	v19 =	vadd.f32 v28, v58  }
0x3f8: {  	v21 =	vld.idx.msk [tilespmem:v21+s21+$0x0], $0xffff;
	v29 =	vadd.s32 s28, v2;
	v25 =	vand.u32 $0x7FF8, v25;
	v28 =	vmul.f32 v61, v60  }
0x3f9: {  	v29 =	vand.u32 $0x7FF8, v29;
	v36 =	vadd.f32 v22, v19;
	v19 =	vor.u32 v6, v25;
	v25 =	vld.idx.msk [tilespmem:v13+s22+$0x0], $0xffff  }
0x3fa: {  	v22 =	vmax.f32 v17, $1.000000020e-35;
	v28 =	vmul.f32 v61, v28;
	v17 =	vor.u32 v5, v29;
	v41 =	vld.idx.msk [tilespmem:v16+s20+$0x0], $0xffff  }
0x3fb: {  	v12 =	vsub.f32 v12, v11;
	v32 =	vmul.f32 v32, v47;
	v37 =	vsub.f32 v14, v59;
	v14 =	vld.idx.msk [tilespmem:v16+s22+$0x0], $0xffff  }
0x3fc: {  	v43 =	vadd.f32 v43, v45;
	v18 =	vmul.f32 v33, v20;
	v44 =	vld.idx.msk [tilespmem:v16+s18+$0x0], $0xffff;
	v28 =	vsub.f32 $1.500000000e+00, v28  }
0x3fd: {  	v15 =	vmul.f32 v12, v15;
	v26 =	vmul.f32 v32, v26;
	v49 =	vld.idx.msk [tilespmem:v16+s19+$0x0], $0xffff;
	v36 =	vmax.f32 v36, $1.000000020e-35  }
0x3fe: {  	v62 =	vshra.s32 v36, $0x1;
	v63 =	vmul.f32 $5.000000000e-01, v36;
	v40 =	vmul.f32 v61, v28;
	v28 =	vld.idx.msk [tilespmem:v19+s22+$0x0], $0xffff  }
0x3ff: {  	v37 =	vmul.f32 v37, v27;
	v26 =	vsub.f32 v21, v26;
	v42 =	vsub.s32 $0x5F3759DF, v62;
	v57 =	vld.idx.msk [tilespmem:v17+s20+$0x0], $0xffff  }
0x400: {  	v29 =	vshra.s32 v22, $0x1;
	v27 =	vmul.f32 $5.000000000e-01, v22;
	v55 =	vmul.f32 v42, v63;
	v58 =	vld.idx.msk [tilespmem:v19+s20+$0x0], $0xffff  }
0x401: {  	v29 =	vsub.s32 $0x5F3759DF, v29;
	v26 =	vmul.f32 v26, v31;
	v39 =	vld.idx.msk [tilespmem:v19+s18+$0x0], $0xffff;
	v38 =	vmul.f32 v40, v60  }
0x402: {  	v11 =	vadd.f32 v46, v43;
	v56 =	vmul.f32 v29, v27;
	v46 =	vld.idx.msk [tilespmem:v17+s18+$0x0], $0xffff;
	v50 =	vmul.f32 v42, v55  }
0x403: {  	v12 =	vimm.f32 $0.0e+00;
	v37 =	vmul.f32 v37, v37;
	v59 =	vld.idx.msk [tilespmem:v19+s19+$0x0], $0xffff;
	v38 =	vmul.f32 v38, v40  }
0x404: {  	v26 =	vmul.f32 v26, v26;
	v30 =	vmul.f32 v29, v56;
	v60 =	vld.idx.msk [tilespmem:v17+s19+$0x0], $0xffff;
	v50 =	vsub.f32 $1.500000000e+00, v50  }
0x405: {  	v33 =	vmul.f32 v33, v25;
	v38 =	vsub.f32 $1.500000000e+00, v38;
	v61 =	vsub.f32 v41, v57  }
0x406: {  	v51 =	vsub.f32 v57, v58;
	v62 =	vsub.f32 v44, v39;
	v42 =	vmul.f32 v42, v50  }
0x407: {  	v44 =	vsub.f32 v44, v46;
	v50 =	vmul.f32 v15, v15;
	v15 =	vmul.f32 v28, v14  }
0x408: {  	v41 =	vsub.f32 v41, v58;
	v38 =	vmul.f32 v38, v40;
	v48 =	vmul.f32 v42, v63  }
0x409: {  	v40 =	vmul.f32 v62, v62;
	v63 =	vsub.f32 v49, v59;
	v49 =	vsub.f32 v49, v60  }
0x40a: {  	v39 =	vsub.f32 v46, v39;
	v44 =	vmul.f32 v44, v44;
	v48 =	vmul.f32 v48, v42  }
0x40b: {  	v34 =	vsub.f32 v60, v59;
	v53 =	vmul.f32 v63, v63;
	v54 =	vmul.f32 v49, v49  }
0x40c: {  	v56 =	vmul.f32 v41, v41;
	v26 =	vadd.f32 v26, v50;
	v48 =	vsub.f32 $1.500000000e+00, v48  }
0x40d: {  	v58 =	vmul.f32 v61, v61;
	v55 =	vadd.f32 v53, v40;
	v57 =	vadd.f32 v54, v44  }
0x40e: {  	v61 =	vmul.f32 v34, v34;
	v46 =	vmul.f32 v38, v35;
	v37 =	vadd.f32 v26, v37  }
0x40f: {  	s28 =	simm.s32 $0x90;
	v60 =	vld.idx.msk [tilespmem:v23+s21+$0x0], $0xffff;
	v21 =	vadd.f32 v56, v55;
	v59 =	vmul.f32 v48, v42;
	v23 =	vadd.f32 v58, v57  }
0x410: {  	v55 =	vadd.s32 s28, v0;
	v56 =	vmul.f32 v51, v51;
	v58 =	vmul.f32 $3.333333430e-01, v37  }
0x411: {  	v40 =	vand.u32 $0x7FF8, v55;
	v21 =	vmax.f32 v21, $1.000000020e-35;
	v32 =	vmul.f32 v59, v36  }
0x412: {  	v23 =	vmax.f32 v23, $1.000000020e-35;
	v26 =	vor.u32 v4, v40;
	v59 =	vadd.s32 s28, v2  }
0x413: {  	v31 =	vshra.s32 v21, $0x1;
	v62 =	vshra.s32 v23, $0x1;
	v48 =	vmul.f32 $5.000000000e-01, v23  }
0x414: {  	v63 =	vsub.s32 $0x5F3759DF, v62;
	v34 =	vsub.s32 $0x5F3759DF, v31;
	v31 =	vmul.f32 v39, v39  }
0x415: {  	v49 =	vld.idx.msk [tilespmem:v24+s21+$0x0], $0xffff;
	v24 =	vadd.f32 $9.999999970e-07, v58;
	v37 =	vmul.f32 $5.000000000e-01, v21;
	v54 =	vmul.f32 v63, v48  }
0x416: {  	v35 =	vand.u32 $0x7FF8, v59;
	v32 =	vsub.f32 v60, v32;
	v31 =	vadd.f32 v61, v31  }
0x417: {  	v60 =	vadd.s32 s28, v3;
	v35 =	vor.u32 v5, v35;
	v39 =	vmul.f32 v63, v54  }
0x418: {  	v36 =	vand.u32 $0x7FF8, v60;
	v61 =	vmul.f32 v34, v37;
	v31 =	vadd.f32 v56, v31  }
0x419: {  	v33 =	vmul.f32 v32, v33;
	v32 =	vor.u32 v6, v36;
	v40 =	vld.idx.msk [tilespmem:v26+s20+$0x0], $0xffff;
	v57 =	vsub.f32 $1.500000000e+00, v39  }
0x41a: {  	v24 =	vmax.f32 v24, $1.000000020e-35;
	v42 =	vmul.f32 v34, v61;
	v39 =	vld.idx.msk [tilespmem:v17+s22+$0x0], $0xffff;
	v36 =	vmax.f32 v31, $1.000000020e-35  }
0x41b: {  	v38 =	vld.idx.msk [tilespmem:v26+s22+$0x0], $0xffff;
	v31 =	vmul.f32 $5.000000000e-01, v24;
	v41 =	vmul.f32 v63, v57;
	v63 =	vshra.s32 v24, $0x1  }
0x41c: {  	v43 =	vld.idx.msk [tilespmem:v26+s18+$0x0], $0xffff;
	v62 =	vshra.s32 v36, $0x1;
	v45 =	vmul.f32 $5.000000000e-01, v36;
	v47 =	vsub.s32 $0x5F3759DF, v63  }
0x41d: {  	s28 =	simm.s32 $0xC0;
	v44 =	vld.idx.msk [tilespmem:v26+s19+$0x0], $0xffff;
	v50 =	vmul.f32 v41, v48;
	v48 =	vsub.s32 $0x5F3759DF, v62;
	v51 =	vmul.f32 v47, v31  }
.LBB2_12:
0x41e: {  	p0 =	sne.s32 s28, $0x2EB0;
	v52 =	vld.idx.msk [tilespmem:v32+s22+$0x0], $0xffff;
	v53 =	vmul.f32 v48, v45;
	v55 =	vmul.f32 v25, v20;
	v46 =	vsub.f32 v49, v46;
	s29 =	smov.u32 s28;
	s28 =	sadd.s32 $0x30, s28  }
0x41f: {  	v54 =	vsub.f32 $1.500000000e+00, v30;
	v25 =	vmovc v39;
	v49 =	vld.idx.msk [tilespmem:v35+s20+$0x0], $0xffff;
	v50 =	vmul.f32 v50, v41;
	v51 =	vmul.f32 v47, v51  }
0x420: {  	v20 =	vmovc v14;
	v30 =	vmov v42;
	v39 =	vld.idx.msk [tilespmem:v32+s20+$0x0], $0xffff;
	v53 =	vmul.f32 v48, v53;
	v46 =	vmul.f32 v46, v55  }
0x421: {  	v54 =	vmul.f32 v29, v54;
	v29 =	vmovc v34;
	v14 =	vmovc v38;
	v42 =	vld.idx.msk [tilespmem:v32+s19+$0x0], $0xffff;
	v50 =	vsub.f32 $1.500000000e+00, v50;
	v51 =	vsub.f32 $1.500000000e+00, v51  }
0x422: {  	v34 =	vld.idx.msk [tilespmem:v32+s18+$0x0], $0xffff;
	v38 =	vsub.f32 $1.500000000e+00, v53;
	v53 =	vmul.f32 v28, v25;
	v46 =	vmul.f32 v46, v46  }
0x423: {  	v56 =	vmul.f32 v54, v27;
	v27 =	vmov v37;
	v55 =	vld.idx.msk [tilespmem:v35+s19+$0x0], $0xffff;
	v47 =	vmul.f32 v47, v51  }
0x424: {  	v51 =	vmul.f32 v52, v14;
	v28 =	vmov v52;
	v37 =	vld.idx.msk [tilespmem:v35+s18+$0x0], $0xffff;
	v38 =	vmul.f32 v48, v38  }
0x425: {  	v48 =	vsub.f32 v40, v49;
	v52 =	vmul.f32 v56, v54;
	v31 =	vmul.f32 v47, v31  }
0x426: {  	v41 =	vmul.f32 v50, v41;
	v49 =	vsub.f32 v49, v39;
	v45 =	vmul.f32 v38, v45  }
0x427: {  	v39 =	vsub.f32 v40, v39;
	v40 =	vsub.f32 $1.500000000e+00, v52;
	v31 =	vmul.f32 v31, v47  }
0x428: {  	v52 =	vsub.f32 v44, v42;
	v50 =	vsub.f32 v43, v34;
	v45 =	vmul.f32 v45, v38;
	v56 =	vld.idx.msk [tilespmem:v13+s21+$0x0], $0xffff  }
0x429: {  	v44 =	vsub.f32 v44, v55;
	v40 =	vmul.f32 v40, v54;
	v13 =	vmovc v17;
	v17 =	vmovc v35;
	v31 =	vsub.f32 $1.500000000e+00, v31  }
0x42a: {  	v35 =	vsub.f32 v43, v37;
	v43 =	vmul.f32 v50, v50;
	v50 =	vmul.f32 v52, v52  }
0x42b: {  	v44 =	vmul.f32 v44, v44;
	v45 =	vsub.f32 $1.500000000e+00, v45;
	v31 =	vmul.f32 v31, v47  }
0x42c: {  	v42 =	vsub.f32 v55, v42;
	v40 =	vmul.f32 v40, v22;
	v22 =	vmovc v21;
	v35 =	vmul.f32 v35, v35  }
0x42d: {  	v39 =	vmul.f32 v39, v39;
	v21 =	vadd.f32 v50, v43;
	v24 =	vmul.f32 v31, v24  }
0x42e: {  	v31 =	vadd.f32 v44, v35;
	v35 =	vmul.f32 v48, v48;
	v40 =	vsub.f32 v56, v40  }
0x42f: {  	v38 =	vmul.f32 v45, v38;
	v21 =	vadd.f32 v39, v21;
	v39 =	vld.idx.msk [tilespmem:v19+s21+$0x0], $0xffff;
	v12 =	vadd.f32 v24, v12  }
0x430: {  	v33 =	vmul.f32 v33, v33;
	v24 =	vsub.f32 v37, v34;
	v31 =	vadd.f32 v35, v31;
	v19 =	vmovc v32  }
0x431: {  	v21 =	vmax.f32 v21, $1.000000020e-35;
	v32 =	vmul.f32 v38, v36;
	v34 =	vmul.f32 v40, v18;
	v18 =	vmovc v15;
	v15 =	vmovc v51  }
0x432: {  	v36 =	vmul.f32 v42, v42;
	v35 =	vshra.s32 v21, $0x1;
	v31 =	vmax.f32 v31, $1.000000020e-35  }
0x433: {  	v38 =	vmul.f32 v34, v34;
	v37 =	vshra.s32 v31, $0x1;
	v48 =	vmul.f32 $5.000000000e-01, v31  }
0x434: {  	v34 =	vsub.s32 $0x5F3759DF, v35;
	v24 =	vmul.f32 v24, v24;
	v42 =	vsub.s32 $0x5F3759DF, v37  }
0x435: {  	v37 =	vadd.f32 v38, v46;
	v35 =	vmul.f32 v42, v48;
	v32 =	vsub.f32 v39, v32  }
0x436: {  	v38 =	vadd.s32 s29, v0;
	v24 =	vadd.f32 v36, v24;
	v36 =	vmul.f32 v49, v49  }
0x437: {  	v38 =	vand.u32 $0x7FF8, v38;
	v37 =	vadd.f32 v37, v33;
	v35 =	vmul.f32 v42, v35  }
0x438: {  	v43 =	vor.u32 v4, v38;
	v24 =	vadd.f32 v36, v24;
	v33 =	vmul.f32 v32, v53  }
0x439: {  	v46 =	vmul.f32 v41, v23;
	v23 =	vmovc v31;
	v32 =	vmul.f32 $3.333333430e-01, v37;
	v44 =	vsub.f32 $1.500000000e+00, v35  }
0x43a: {  	v31 =	vadd.s32 s29, v2;
	v37 =	vmul.f32 $5.000000000e-01, v21;
	v35 =	vadd.s32 s29, v3  }
0x43b: {  	v31 =	vand.u32 $0x7FF8, v31;
	v36 =	vand.u32 $0x7FF8, v35;
	v38 =	vadd.f32 $9.999999970e-07, v32;
	v49 =	vld.idx.msk [tilespmem:v16+s21+$0x0], $0xffff;
	v16 =	vmovc v26;
	v26 =	vmovc v43  }
.Ltmp5:
0x43c: {  	v35 =	vor.u32 v5, v31;
	v32 =	vor.u32 v6, v36;
	v36 =	vmax.f32 v24, $1.000000020e-35;
	v39 =	vld.idx.msk [tilespmem:v17+s22+$0x0], $0xffff;
	(pc) =	sbr.rel @p0 .LBB2_12-.Ltmp5, $4  }
0x43d: {  	v45 =	vmul.f32 v34, v37;
	v51 =	vshra.s32 v36, $0x1;
	v24 =	vmax.f32 v38, $1.000000020e-35;
	v40 =	vld.idx.msk [tilespmem:v43+s20+$0x0], $0xffff  }
0x43e: {  	v41 =	vmul.f32 v42, v44;
	v44 =	vshra.s32 v24, $0x1;
	v31 =	vmul.f32 $5.000000000e-01, v24;
	v38 =	vld.idx.msk [tilespmem:v43+s22+$0x0], $0xffff  }
0x43f: {  	v42 =	vmul.f32 v34, v45;
	v45 =	vmul.f32 $5.000000000e-01, v36;
	v47 =	vsub.s32 $0x5F3759DF, v44;
	v43 =	vld.idx.msk [tilespmem:v43+s18+$0x0], $0xffff  }
0x440: {  	v50 =	vmul.f32 v41, v48;
	v48 =	vsub.s32 $0x5F3759DF, v51;
	v51 =	vmul.f32 v47, v31;
	v44 =	vld.idx.msk [tilespmem:v26+s19+$0x0], $0xffff  }
0x441: {  	_ =	sdelay $0x3  }
0x442: {  	v30 =	vsub.f32 $1.500000000e+00, v30;
	v52 =	vmul.f32 v48, v45;
	v53 =	vld.idx.msk [tilespmem:v35+s20+$0x0], $0xffff  }
0x443: {  	v20 =	vmul.f32 v25, v20;
	v25 =	vsub.f32 v49, v46;
	v49 =	vld.idx.msk [tilespmem:v32+s19+$0x0], $0xffff;
	v28 =	vmul.f32 v28, v39  }
0x444: {  	v46 =	vld.idx.msk [tilespmem:v35+s19+$0x0], $0xffff;
	v33 =	vmul.f32 v33, v33;
	v30 =	vmul.f32 v29, v30  }
0x445: {  	v54 =	vld.idx.msk [tilespmem:v35+s18+$0x0], $0xffff;
	v51 =	vmul.f32 v47, v51;
	v57 =	vmul.f32 v48, v52  }
0x446: {  	v55 =	vld.idx.msk [tilespmem:v32+s20+$0x0], $0xffff;
	v20 =	vmul.f32 v25, v20;
	v27 =	vmul.f32 v30, v27  }
0x447: {  	v42 =	vsub.f32 $1.500000000e+00, v42;
	v50 =	vmul.f32 v50, v41;
	v52 =	vld.idx.msk [tilespmem:v32+s18+$0x0], $0xffff;
	v25 =	vsub.f32 $1.500000000e+00, v57  }
0x448: {  	v51 =	vsub.f32 $1.500000000e+00, v51;
	v56 =	vmul.f32 v20, v20;
	v27 =	vmul.f32 v27, v30  }
0x449: {  	v58 =	vsub.f32 v40, v53;
	v61 =	vsub.f32 v44, v46;
	v25 =	vmul.f32 v48, v25  }
0x44a: {  	v20 =	vmul.f32 v47, v51;
	v62 =	vsub.f32 v43, v54;
	v27 =	vsub.f32 $1.500000000e+00, v27  }
0x44b: {  	v13 =	vld.idx.msk [tilespmem:v13+s21+$0x0], $0xffff;
	v63 =	vsub.f32 v40, v55;
	v46 =	vsub.f32 v46, v49;
	v59 =	vmul.f32 v25, v45  }
0x44c: {  	v60 =	vsub.f32 v43, v52;
	v43 =	vmul.f32 v62, v62;
	v27 =	vmul.f32 v27, v30  }
0x44d: {  	v48 =	vsub.f32 $1.500000000e+00, v50;
	v40 =	vmul.f32 v63, v63;
	v45 =	vmul.f32 v59, v25  }
0x44e: {  	v57 =	vmul.f32 v58, v58;
	v22 =	vmul.f32 v27, v22;
	v27 =	vsub.f32 v44, v49  }
0x44f: {  	v58 =	vsub.f32 v54, v52;
	v44 =	vmul.f32 v61, v61;
	v45 =	vsub.f32 $1.500000000e+00, v45  }
0x450: {  	v19 =	vld.idx.msk [tilespmem:v19+s21+$0x0], $0xffff;
	v50 =	vmul.f32 v60, v60;
	v27 =	vmul.f32 v27, v27;
	v13 =	vsub.f32 v13, v22  }
0x451: {  	v60 =	vmul.f32 v46, v46;
	v43 =	vadd.f32 v44, v43;
	v25 =	vmul.f32 v45, v25  }
0x452: {  	v22 =	vmul.f32 v48, v41;
	v27 =	vadd.f32 v27, v50;
	v13 =	vmul.f32 v13, v18  }
0x453: {  	v59 =	vadd.f32 v57, v43;
	v18 =	vsub.f32 v53, v55;
	v25 =	vmul.f32 v25, v36  }
0x454: {  	v27 =	vadd.f32 v40, v27;
	v40 =	vmul.f32 v58, v58;
	v13 =	vmul.f32 v13, v13  }
0x455: {  	v41 =	vmax.f32 v59, $1.000000020e-35;
	v18 =	vmul.f32 v18, v18;
	v19 =	vsub.f32 v19, v25  }
0x456: {  	v27 =	vmax.f32 v27, $1.000000020e-35;
	v40 =	vadd.f32 v60, v40;
	v13 =	vadd.f32 v13, v56  }
0x457: {  	v62 =	vshra.s32 v41, $0x1;
	v45 =	vmul.f32 $5.000000000e-01, v41;
	v61 =	vshra.s32 v27, $0x1  }
0x458: {  	v18 =	vadd.f32 v18, v40;
	v13 =	vadd.f32 v13, v33;
	v33 =	vmul.f32 $5.000000000e-01, v27  }
0x459: {  	v44 =	vsub.s32 $0x5F3759DF, v62;
	v19 =	vmul.f32 v19, v28;
	v63 =	vsub.s32 $0x5F3759DF, v61  }
0x45a: {  	v16 =	vld.idx.msk [tilespmem:v16+s21+$0x0], $0xffff;
	v18 =	vmax.f32 v18, $1.000000020e-35;
	v13 =	vmul.f32 $3.333333430e-01, v13;
	v54 =	vmul.f32 v63, v33  }
0x45b: {  	v17 =	vld.idx.msk [tilespmem:v17+s21+$0x0], $0xffff;
	v51 =	vmul.f32 v44, v45;
	v25 =	vshra.s32 v18, $0x1;
	v52 =	vmul.f32 $5.000000000e-01, v18  }
0x45c: {  	v26 =	vld.idx.msk [tilespmem:v26+s21+$0x0], $0xffff;
	v25 =	vsub.s32 $0x5F3759DF, v25;
	v13 =	vadd.f32 $9.999999970e-07, v13;
	v28 =	vmul.f32 v63, v54  }
0x45d: {  	v29 =	vld.idx.msk [tilespmem:v32+s22+$0x0], $0xffff;
	v40 =	vmul.f32 v44, v51;
	v55 =	vmul.f32 v25, v52  }
0x45e: {  	v34 =	vmul.f32 v34, v42;
	v53 =	vld.idx.msk [tilespmem:v35+s22+$0x0], $0xffff;
	v58 =	vmax.f32 v13, $1.000000020e-35;
	v13 =	vsub.f32 $1.500000000e+00, v28  }
0x45f: {  	s28 =	simm.s32 $0x0;
	v22 =	vmul.f32 v22, v23;
	v23 =	vld.idx.msk [tilespmem:v35+s21+$0x0], $0xffff;
	v40 =	vsub.f32 $1.500000000e+00, v40;
	v57 =	vmul.f32 v25, v55  }
0x460: {  	v37 =	vmul.f32 v34, v37;
	v56 =	vld.idx.msk [tilespmem:v32+s21+$0x0], $0xffff;
	[tilespmem:s18], [sflag:$0x2] =	stream.linear.gather [hbm4b:s7+s28], $0x2EE0, $0x38;
	v13 =	vmul.f32 v63, v13  }
0x461: {  	v14 =	vmul.f32 v39, v14;
	v28 =	vmul.f32 v44, v40;
	v59 =	vsub.f32 $1.500000000e+00, v57  }
0x462: {  	v16 =	vsub.f32 v16, v22;
	v61 =	vmul.f32 v37, v34;
	[tilespmem:s19], [sflag:$0x2] =	stream.linear.gather [hbm4b:s8+s28], $0x2EE0, $0x38;
	v33 =	vmul.f32 v13, v33;
	[tilespmem:$0x1D4D0] =	vst v63  }
0x463: {  	v63 =	vmul.f32 v28, v45;
	v25 =	vmul.f32 v25, v59  }
0x464: {  	v14 =	vmul.f32 v16, v14;
	v35 =	vsub.f32 $1.500000000e+00, v61;
	[tilespmem:s20], [sflag:$0x2] =	stream.linear.gather [hbm4b:s9+s28], $0x2EE0, $0x38;
	v33 =	vmul.f32 v33, v13;
	[tilespmem:$0x1D4D0] =	vst v63  }
0x465: {  	v37 =	vmul.f32 v63, v28;
	v44 =	vmul.f32 v25, v52  }
0x466: {  	v30 =	vmul.f32 v29, v38;
	v34 =	vmul.f32 v35, v34;
	[tilespmem:s21], [sflag:$0x2] =	stream.linear.gather [hbm4b:s10+s28], $0x2EE0, $0x38;
	v33 =	vsub.f32 $1.500000000e+00, v33;
	[tilespmem:$0x1D4D0] =	vst v63  }
0x467: {  	v14 =	vmul.f32 v14, v14;
	v37 =	vsub.f32 $1.500000000e+00, v37;
	v22 =	vmul.f32 v44, v25  }
0x468: {  	v21 =	vmul.f32 v34, v21;
	[tilespmem:s22], [sflag:$0x2] =	stream.linear.gather [hbm4b:s11+s28], $0x2EE0, $0x38;
	v13 =	vmul.f32 v33, v13;
	[tilespmem:$0x1D4D0] =	vst v63  }
0x469: {  	v60 =	vmul.f32 $5.000000000e-01, v58;
	_ =	swait.ge [sflag:s23], $0x2EE0;
	v16 =	vsub.f32 $1.500000000e+00, v22;
	v22 =	vmul.f32 v37, v28  }
0x46a: {  	v62 =	vshra.s32 v58, $0x1;
	v17 =	vsub.f32 v17, v21;
	[sflag:s23] =	ssyncset.done $0x0;
	v13 =	vmul.f32 v13, v27  }
0x46b: {  	v36 =	vsub.s32 $0x5F3759DF, v62;
	[sflag:s23] =	ssyncadd.s32 $0xFFFFD120;
	v16 =	vmul.f32 v16, v25;
	v21 =	vmul.f32 v22, v41  }
0x46c: {  	v45 =	vmul.f32 v36, v60;
	v15 =	vmul.f32 v17, v15;
	_ =	swait.ge [sflag:s23], $0x2EE0;
	v13 =	vsub.f32 v23, v13  }
0x46d: {  	v17 =	vmul.f32 v53, v38;
	[sflag:s23] =	ssyncset.done $0x0;
	v16 =	vmul.f32 v16, v18;
	v18 =	vsub.f32 v26, v21  }
0x46e: {  	v15 =	vmul.f32 v15, v15;
	[sflag:s23] =	ssyncadd.s32 $0xFFFFD120;
	v13 =	vmul.f32 v13, v30  }
0x46f: {  	_ =	swait.ge [sflag:s23], $0x2EE0;
	v28 =	vmul.f32 v29, v53;
	v16 =	vsub.f32 v56, v16;
	v17 =	vmul.f32 v18, v17  }
0x470: {  	v14 =	vadd.f32 v15, v14;
	[sflag:s23] =	ssyncset.done $0x0;
	v18 =	vmul.f32 v19, v19;
	v13 =	vmul.f32 v13, v13  }
0x471: {  	[sflag:s23] =	ssyncadd.s32 $0xFFFFD120;
	v15 =	vmul.f32 v16, v28;
	v16 =	vmul.f32 v17, v17;
	v17 =	vadd.s32 s28, v0  }
0x472: {  	_ =	swait.ge [sflag:s23], $0x2EE0;
	v19 =	vmul.f32 v36, v45;
	v14 =	vadd.f32 v14, v18;
	v17 =	vand.u32 $0x7FF8, v17  }
0x473: {  	[sflag:s23] =	ssyncset.done $0x0;
	v15 =	vmul.f32 v15, v15;
	v16 =	vadd.f32 v13, v16;
	v13 =	vor.u32 v4, v17  }
0x474: {  	[sflag:s23] =	ssyncadd.s32 $0xFFFFD120;
	v18 =	vsub.f32 $1.500000000e+00, v19;
	v19 =	vadd.s32 s28, v2;
	v17 =	vmul.f32 v20, v31  }
0x475: {  	_ =	swait.ge [sflag:s23], $0x2EE0;
	v14 =	vmul.f32 $3.333333430e-01, v14;
	v15 =	vadd.f32 v16, v15;
	v16 =	vand.u32 $0x7FF8, v19  }
0x476: {  	[sflag:s23] =	ssyncset.done $0x0;
	v18 =	vmul.f32 v36, v18;
	v17 =	vmul.f32 v17, v20;
	v23 =	vor.u32 v5, v16  }
0x477: {  	[sflag:s23] =	ssyncadd.s32 $0xFFFFD120;
	v14 =	vadd.f32 $9.999999970e-07, v14;
	v16 =	vadd.s32 s28, v3;
	v15 =	vmul.f32 $3.333333430e-01, v15  }
0x478: {  	v19 =	vmul.f32 v18, v60;
	v17 =	vsub.f32 $1.500000000e+00, v17;
	v16 =	vand.u32 $0x7FF8, v16;
	v21 =	vld.idx.msk [tilespmem:v13+s15+$0x0], $0xffff  }
0x479: {  	v22 =	vmax.f32 v14, $1.000000020e-35;
	v16 =	vor.u32 v6, v16;
	v26 =	vld.idx.msk [tilespmem:v13+s14+$0x0], $0xffff;
	v14 =	vadd.f32 $9.999999970e-07, v15  }
0x47a: {  	v25 =	vmul.f32 $5.000000000e-01, v22;
	v15 =	vld.idx.msk [tilespmem:v13+s1+$0x0], $0xffff;
	v17 =	vmul.f32 v17, v20;
	v20 =	vshra.s32 v22, $0x1  }
0x47b: {  	v20 =	vsub.s32 $0x5F3759DF, v20;
	v27 =	vmax.f32 v14, $1.000000020e-35;
	v14 =	vld.idx.msk [tilespmem:v23+s14+$0x0], $0xffff  }
0x47c: {  	v19 =	vmul.f32 v19, v18;
	v28 =	vmul.f32 v20, v25;
	v31 =	vld.idx.msk [tilespmem:v23+s1+$0x0], $0xffff;
	v29 =	vshra.s32 v27, $0x1  }
0x47d: {  	v17 =	vmul.f32 v17, v24;
	v30 =	vmul.f32 $5.000000000e-01, v27;
	v24 =	vsub.s32 $0x5F3759DF, v29;
	v29 =	vld.idx.msk [tilespmem:v23+s15+$0x0], $0xffff  }
0x47e: {  	v19 =	vsub.f32 $1.500000000e+00, v19;
	v28 =	vmul.f32 v20, v28;
	v47 =	vld.idx.msk [tilespmem:v16+s14+$0x0], $0xffff  }
0x47f: {  	v17 =	vadd.f32 v17, v12;
	v12 =	vld.idx.msk [tilespmem:v16+s1+$0x0], $0xffff;
	v46 =	vmul.f32 v24, v30  }
0x480: {  	v18 =	vmul.f32 v19, v18;
	v48 =	vld.idx.msk [tilespmem:v16+s15+$0x0], $0xffff;
	v19 =	vsub.f32 $1.500000000e+00, v28  }
0x481: {  	v28 =	vmul.f32 v24, v46;
	v49 =	vsub.f32 v26, v14  }
0x482: {  	v51 =	vmul.f32 v18, v58;
	v50 =	vsub.f32 v15, v31;
	v19 =	vmul.f32 v20, v19  }
0x483: {  	v18 =	vsub.f32 $1.500000000e+00, v28;
	v20 =	vsub.f32 v21, v29;
	v28 =	vmul.f32 v49, v49  }
0x484: {  	v60 =	vmul.f32 v50, v50;
	v15 =	vsub.f32 v15, v12;
	v26 =	vsub.f32 v26, v47  }
0x485: {  	v21 =	vsub.f32 v21, v48;
	v14 =	vsub.f32 v14, v47;
	v25 =	vmul.f32 v19, v25  }
0x486: {  	v28 =	vadd.f32 v28, v60;
	v20 =	vmul.f32 v20, v20;
	v15 =	vmul.f32 v15, v15  }
0x487: {  	v29 =	vsub.f32 v29, v48;
	v26 =	vmul.f32 v26, v26;
	v14 =	vmul.f32 v14, v14  }
0x488: {  	v21 =	vmul.f32 v21, v21;
	v25 =	vmul.f32 v25, v19;
	v20 =	vadd.f32 v20, v28  }
0x489: {  	s28 =	simm.s32 $0x30;
	v28 =	vmul.f32 v24, v18;
	v15 =	vadd.f32 v26, v15;
	v18 =	vsub.f32 v31, v12  }
0x48a: {  	v54 =	vsub.f32 $1.500000000e+00, v25;
	v12 =	vmax.f32 v20, $1.000000020e-35;
	v20 =	vadd.s32 s28, v0  }
0x48b: {  	v18 =	vmul.f32 v18, v18;
	v30 =	vmul.f32 v28, v30;
	v15 =	vadd.f32 v21, v15  }
0x48c: {  	v24 =	vshra.s32 v12, $0x1;
	v20 =	vand.u32 $0x7FF8, v20;
	v31 =	vmul.f32 $5.000000000e-01, v12  }
0x48d: {  	v19 =	vmul.f32 v54, v19;
	v61 =	vsub.s32 $0x5F3759DF, v24;
	v26 =	vor.u32 v4, v20  }
0x48e: {  	v14 =	vadd.f32 v14, v18;
	v20 =	vmul.f32 v29, v29;
	v24 =	vadd.s32 s28, v3  }
0x48f: {  	v34 =	vld.idx.msk [tilespmem:v23+s17+$0x0], $0xffff;
	v30 =	vmul.f32 v30, v28;
	v25 =	vmax.f32 v15, $1.000000020e-35;
	v24 =	vand.u32 $0x7FF8, v24  }
0x490: {  	v62 =	vld.idx.msk [tilespmem:v16+s17+$0x0], $0xffff;
	v29 =	vmul.f32 v61, v31;
	v39 =	vmul.f32 $5.000000000e-01, v25;
	v24 =	vor.u32 v6, v24  }
0x491: {  	v18 =	vld.idx.msk [tilespmem:v13+s17+$0x0], $0xffff;
	v58 =	vshra.s32 v25, $0x1;
	v20 =	vadd.f32 v20, v14;
	v14 =	vadd.s32 s28, v2  }
0x492: {  	v44 =	vmul.f32 v19, v22;
	v30 =	vsub.f32 $1.500000000e+00, v30;
	v14 =	vand.u32 $0x7FF8, v14;
	v63 =	vld.idx.msk [tilespmem:v26+s15+$0x0], $0xffff  }
0x493: {  	v45 =	vsub.s32 $0x5F3759DF, v58;
	v29 =	vmul.f32 v61, v29;
	v14 =	vor.u32 v5, v14;
	v52 =	vld.idx.msk [tilespmem:v26+s1+$0x0], $0xffff  }
0x494: {  	v20 =	vmax.f32 v20, $1.000000020e-35;
	v19 =	vmul.f32 v30, v28;
	v28 =	vmul.f32 v45, v39;
	v55 =	vld.idx.msk [tilespmem:v26+s14+$0x0], $0xffff  }
0x495: {  	v21 =	vsub.f32 $1.500000000e+00, v29;
	v29 =	vshra.s32 v20, $0x1;
	v53 =	vmul.f32 $5.000000000e-01, v20;
	v56 =	vld.idx.msk [tilespmem:v24+s14+$0x0], $0xffff  }
0x496: {  	v29 =	vsub.s32 $0x5F3759DF, v29;
	v47 =	vmul.f32 v45, v28;
	v57 =	vld.idx.msk [tilespmem:v24+s1+$0x0], $0xffff  }
0x497: {  	v36 =	vadd.f32 v51, v17;
	v15 =	vmul.f32 v61, v21;
	v21 =	vmul.f32 v29, v53;
	v17 =	vld.idx.msk [tilespmem:v24+s15+$0x0], $0xffff  }
0x498: {  	v32 =	vmul.f32 v62, v18;
	v47 =	vsub.f32 $1.500000000e+00, v47;
	v59 =	vld.idx.msk [tilespmem:v14+s14+$0x0], $0xffff  }
0x499: {  	v31 =	vmul.f32 v15, v31;
	v21 =	vmul.f32 v29, v21;
	v22 =	vld.idx.msk [tilespmem:v14+s1+$0x0], $0xffff  }
0x49a: {  	v18 =	vmul.f32 v34, v18;
	v30 =	vld.idx.msk [tilespmem:v14+s15+$0x0], $0xffff;
	v45 =	vmul.f32 v45, v47  }
0x49b: {  	v46 =	vmul.f32 v19, v27;
	v31 =	vmul.f32 v31, v15;
	v21 =	vsub.f32 $1.500000000e+00, v21  }
0x49c: {  	v19 =	vsub.f32 v52, v57;
	v35 =	vsub.f32 v63, v17;
	v39 =	vmul.f32 v45, v39  }
0x49d: {  	v27 =	vsub.f32 $1.500000000e+00, v31;
	v28 =	vmul.f32 v29, v21;
	v31 =	vsub.f32 v55, v56  }
0x49e: {  	v29 =	vmul.f32 v62, v34;
	v40 =	vsub.f32 v55, v59;
	v37 =	vsub.f32 v52, v22  }
0x49f: {  	v60 =	vsub.f32 v63, v30;
	v19 =	vmul.f32 v19, v19;
	v38 =	vmul.f32 v28, v53  }
0x4a0: {  	v17 =	vsub.f32 v30, v17;
	v40 =	vmul.f32 v40, v40;
	v37 =	vmul.f32 v37, v37  }
0x4a1: {  	v35 =	vmul.f32 v35, v35;
	v62 =	vsub.f32 v59, v56;
	v30 =	vmul.f32 v38, v28  }
0x4a2: {  	v22 =	vsub.f32 v22, v57;
	v61 =	vmul.f32 v60, v60;
	v37 =	vadd.f32 v40, v37  }
0x4a3: {  	v39 =	vmul.f32 v39, v45;
	v31 =	vmul.f32 v31, v31;
	v30 =	vsub.f32 $1.500000000e+00, v30  }
0x4a4: {  	s28 =	simm.s32 $0x60;
	v63 =	vmul.f32 v27, v15;
	v22 =	vmul.f32 v22, v22;
	v15 =	vadd.f32 v61, v37  }
0x4a5: {  	v39 =	vsub.f32 $1.500000000e+00, v39;
	v27 =	vmul.f32 v30, v28;
	v28 =	vadd.s32 s28, v0  }
0x4a6: {  	v54 =	vld.idx.msk [tilespmem:v16+s16+$0x0], $0xffff;
	v31 =	vadd.f32 v31, v19;
	v37 =	vmax.f32 v15, $1.000000020e-35;
	v15 =	vand.u32 $0x7FF8, v28  }
0x4a7: {  	v13 =	vld.idx.msk [tilespmem:v13+s16+$0x0], $0xffff;
	v17 =	vmul.f32 v17, v17;
	v30 =	vmul.f32 v62, v62;
	v15 =	vor.u32 v4, v15  }
0x4a8: {  	v33 =	vld.idx.msk [tilespmem:v24+s17+$0x0], $0xffff;
	v12 =	vmul.f32 v63, v12;
	v39 =	vmul.f32 v39, v45;
	v31 =	vadd.f32 v35, v31  }
0x4a9: {  	v21 =	vld.idx.msk [tilespmem:v26+s17+$0x0], $0xffff;
	v55 =	vmul.f32 v27, v20;
	v16 =	vadd.f32 v30, v22;
	v20 =	vadd.s32 s28, v3  }
0x4aa: {  	v23 =	vld.idx.msk [tilespmem:v23+s16+$0x0], $0xffff;
	v28 =	vshra.s32 v37, $0x1;
	v56 =	vmul.f32 $5.000000000e-01, v37;
	v20 =	vand.u32 $0x7FF8, v20  }
0x4ab: {  	v22 =	vadd.s32 s28, v2;
	v27 =	vld.idx.msk [tilespmem:v14+s17+$0x0], $0xffff;
	v17 =	vadd.f32 v17, v16;
	v20 =	vor.u32 v6, v20  }
0x4ac: {  	v13 =	vsub.f32 v13, v12;
	v57 =	vsub.s32 $0x5F3759DF, v28;
	v16 =	vand.u32 $0x7FF8, v22;
	v43 =	vld.idx.msk [tilespmem:v15+s15+$0x0], $0xffff  }
0x4ad: {  	v28 =	vmul.f32 v57, v56;
	v16 =	vor.u32 v5, v16;
	v35 =	vmax.f32 v17, $1.000000020e-35;
	v17 =	vld.idx.msk [tilespmem:v15+s17+$0x0], $0xffff  }
0x4ae: {  	v36 =	vadd.f32 v44, v36;
	v19 =	vmul.f32 v33, v21;
	v25 =	vmul.f32 v39, v25;
	v49 =	vld.idx.msk [tilespmem:v15+s1+$0x0], $0xffff  }
0x4af: {  	v18 =	vmul.f32 v13, v18;
	v22 =	vmax.f32 v31, $1.000000020e-35;
	v28 =	vmul.f32 v57, v28;
	v52 =	vld.idx.msk [tilespmem:v15+s14+$0x0], $0xffff  }
0x4b0: {  	v25 =	vsub.f32 v23, v25;
	v31 =	vsub.f32 v54, v55;
	v30 =	vshra.s32 v22, $0x1;
	v63 =	vld.idx.msk [tilespmem:v20+s15+$0x0], $0xffff  }
0x4b1: {  	v59 =	vshra.s32 v35, $0x1;
	v60 =	vmul.f32 $5.000000000e-01, v35;
	v58 =	vsub.f32 $1.500000000e+00, v28;
	v34 =	vld.idx.msk [tilespmem:v20+s14+$0x0], $0xffff  }
0x4b2: {  	v51 =	vmul.f32 v31, v29;
	v28 =	vmul.f32 $5.000000000e-01, v22;
	v48 =	vsub.s32 $0x5F3759DF, v59;
	v62 =	vld.idx.msk [tilespmem:v16+s15+$0x0], $0xffff  }
0x4b3: {  	v30 =	vsub.s32 $0x5F3759DF, v30;
	v31 =	vmul.f32 v48, v60;
	v38 =	vmul.f32 v57, v58;
	v58 =	vld.idx.msk [tilespmem:v16+s14+$0x0], $0xffff  }
0x4b4: {  	v12 =	vadd.f32 v46, v36;
	v32 =	vmul.f32 v25, v32;
	v61 =	vmul.f32 v30, v28;
	v46 =	vld.idx.msk [tilespmem:v16+s1+$0x0], $0xffff  }
0x4b5: {  	v29 =	vld.idx.msk [tilespmem:v20+s17+$0x0], $0xffff;
	v40 =	vmul.f32 v38, v56;
	v56 =	vmul.f32 v48, v31  }
0x4b6: {  	v13 =	vimm.f32 $0.0e+00;
	v32 =	vmul.f32 v32, v32;
	v33 =	vmul.f32 v33, v27  }
0x4b7: {  	v31 =	vmul.f32 v30, v61;
	v57 =	vsub.f32 $1.500000000e+00, v56;
	v61 =	vsub.f32 v52, v34  }
0x4b8: {  	v41 =	vld.idx.msk [tilespmem:v20+s1+$0x0], $0xffff;
	v40 =	vmul.f32 v40, v38;
	v59 =	vsub.f32 v43, v62;
	v42 =	vsub.f32 v62, v63  }
0x4b9: {  	v52 =	vsub.f32 v52, v58;
	v62 =	vsub.f32 v49, v46;
	v47 =	vmul.f32 v48, v57  }
0x4ba: {  	v43 =	vsub.f32 v43, v63;
	v48 =	vmul.f32 v18, v18;
	v18 =	vmul.f32 v29, v17  }
0x4bb: {  	v34 =	vsub.f32 v58, v34;
	v63 =	vmul.f32 v61, v61;
	v50 =	vmul.f32 v47, v60  }
0x4bc: {  	v40 =	vsub.f32 $1.500000000e+00, v40;
	v52 =	vmul.f32 v52, v52;
	v45 =	vmul.f32 v62, v62  }
0x4bd: {  	v57 =	vmul.f32 v59, v59;
	v59 =	vsub.f32 v46, v41;
	v50 =	vmul.f32 v50, v47  }
0x4be: {  	v55 =	vmul.f32 v43, v43;
	v60 =	vsub.f32 v49, v41;
	v56 =	vadd.f32 v52, v45  }
0x4bf: {  	v34 =	vmul.f32 v34, v34;
	v53 =	vmul.f32 v59, v59;
	v50 =	vsub.f32 $1.500000000e+00, v50  }
0x4c0: {  	v24 =	vld.idx.msk [tilespmem:v24+s16+$0x0], $0xffff;
	v38 =	vmul.f32 v40, v38;
	v40 =	vmul.f32 v60, v60;
	v36 =	vadd.f32 v57, v56  }
0x4c1: {  	s28 =	simm.s32 $0x90;
	v34 =	vadd.f32 v34, v53;
	v56 =	vmul.f32 v42, v42;
	v58 =	vmul.f32 v50, v47  }
0x4c2: {  	v59 =	vadd.s32 s28, v2;
	v60 =	vmul.f32 v51, v51;
	v54 =	vadd.f32 v63, v40  }
0x4c3: {  	v25 =	vmax.f32 v36, $1.000000020e-35;
	v34 =	vadd.f32 v56, v34;
	v35 =	vmul.f32 v58, v35  }
0x4c4: {  	v23 =	vadd.f32 v55, v54;
	v62 =	vshra.s32 v25, $0x1;
	v49 =	vmul.f32 $5.000000000e-01, v25  }
0x4c5: {  	v55 =	vadd.s32 s28, v0;
	v35 =	vsub.f32 v24, v35;
	v24 =	vadd.f32 v32, v48  }
0x4c6: {  	v47 =	vmul.f32 v38, v37;
	v63 =	vsub.s32 $0x5F3759DF, v62;
	v23 =	vmax.f32 v23, $1.000000020e-35  }
0x4c7: {  	v54 =	vmul.f32 v63, v49;
	v32 =	vand.u32 $0x7FF8, v55;
	v41 =	vadd.f32 v24, v60  }
0x4c8: {  	v61 =	vshra.s32 v23, $0x1;
	v39 =	vmul.f32 $5.000000000e-01, v23;
	v24 =	vor.u32 v4, v32  }
0x4c9: {  	v36 =	vsub.s32 $0x5F3759DF, v61;
	v40 =	vmul.f32 v63, v54;
	v58 =	vmul.f32 $3.333333430e-01, v41  }
0x4ca: {  	v61 =	vmul.f32 v36, v39;
	v35 =	vmul.f32 v35, v33;
	v60 =	vadd.s32 s28, v3  }
0x4cb: {  	v50 =	vld.idx.msk [tilespmem:v26+s16+$0x0], $0xffff;
	v33 =	vand.u32 $0x7FF8, v59;
	v37 =	vand.u32 $0x7FF8, v60;
	v26 =	vadd.f32 $9.999999970e-07, v58  }
0x4cc: {  	v57 =	vsub.f32 $1.500000000e+00, v40;
	v40 =	vld.idx.msk [tilespmem:v16+s17+$0x0], $0xffff;
	v33 =	vor.u32 v5, v33;
	v32 =	vor.u32 v6, v37  }
0x4cd: {  	v43 =	vmul.f32 v36, v61;
	v37 =	vmax.f32 v34, $1.000000020e-35;
	v41 =	vld.idx.msk [tilespmem:v24+s15+$0x0], $0xffff;
	v26 =	vmax.f32 v26, $1.000000020e-35  }
0x4ce: {  	v42 =	vmul.f32 v63, v57;
	v38 =	vld.idx.msk [tilespmem:v24+s17+$0x0], $0xffff;
	v63 =	vshra.s32 v26, $0x1;
	v34 =	vmul.f32 $5.000000000e-01, v26  }
0x4cf: {  	v62 =	vshra.s32 v37, $0x1;
	v46 =	vmul.f32 $5.000000000e-01, v37;
	v44 =	vld.idx.msk [tilespmem:v24+s1+$0x0], $0xffff;
	v48 =	vsub.s32 $0x5F3759DF, v63  }
0x4d0: {  	s28 =	simm.s32 $0xC0;
	v51 =	vmul.f32 v42, v49;
	v49 =	vsub.s32 $0x5F3759DF, v62;
	v45 =	vld.idx.msk [tilespmem:v24+s14+$0x0], $0xffff;
	v52 =	vmul.f32 v48, v34  }
.LBB2_14:
0x4d1: {  	p0 =	sne.s32 s28, $0x2EB0;
	v53 =	vld.idx.msk [tilespmem:v32+s17+$0x0], $0xffff;
	v54 =	vmul.f32 v49, v46;
	v56 =	vmul.f32 v27, v21;
	v47 =	vsub.f32 v50, v47;
	s29 =	smov.u32 s28;
	s28 =	sadd.s32 $0x30, s28  }
0x4d2: {  	v55 =	vsub.f32 $1.500000000e+00, v31;
	v27 =	vmovc v40;
	v50 =	vld.idx.msk [tilespmem:v33+s15+$0x0], $0xffff;
	v51 =	vmul.f32 v51, v42;
	v52 =	vmul.f32 v48, v52  }
0x4d3: {  	v21 =	vmovc v17;
	v31 =	vmov v43;
	v40 =	vld.idx.msk [tilespmem:v32+s15+$0x0], $0xffff;
	v54 =	vmul.f32 v49, v54;
	v47 =	vmul.f32 v47, v56  }
0x4d4: {  	v55 =	vmul.f32 v30, v55;
	v30 =	vmovc v36;
	v17 =	vmovc v38;
	v43 =	vld.idx.msk [tilespmem:v32+s14+$0x0], $0xffff;
	v51 =	vsub.f32 $1.500000000e+00, v51;
	v52 =	vsub.f32 $1.500000000e+00, v52  }
0x4d5: {  	v36 =	vld.idx.msk [tilespmem:v32+s1+$0x0], $0xffff;
	v38 =	vsub.f32 $1.500000000e+00, v54;
	v54 =	vmul.f32 v29, v27;
	v47 =	vmul.f32 v47, v47  }
0x4d6: {  	v57 =	vmul.f32 v55, v28;
	v28 =	vmov v39;
	v56 =	vld.idx.msk [tilespmem:v33+s14+$0x0], $0xffff;
	v48 =	vmul.f32 v48, v52  }
0x4d7: {  	v52 =	vmul.f32 v53, v17;
	v29 =	vmov v53;
	v39 =	vld.idx.msk [tilespmem:v33+s1+$0x0], $0xffff;
	v38 =	vmul.f32 v49, v38  }
0x4d8: {  	v49 =	vsub.f32 v41, v50;
	v53 =	vmul.f32 v57, v55;
	v34 =	vmul.f32 v48, v34  }
0x4d9: {  	v42 =	vmul.f32 v51, v42;
	v50 =	vsub.f32 v50, v40;
	v46 =	vmul.f32 v38, v46  }
0x4da: {  	v40 =	vsub.f32 v41, v40;
	v41 =	vsub.f32 $1.500000000e+00, v53;
	v34 =	vmul.f32 v34, v48  }
0x4db: {  	v53 =	vsub.f32 v45, v43;
	v51 =	vsub.f32 v44, v36;
	v46 =	vmul.f32 v46, v38;
	v57 =	vld.idx.msk [tilespmem:v14+s16+$0x0], $0xffff  }
0x4dc: {  	v45 =	vsub.f32 v45, v56;
	v41 =	vmul.f32 v41, v55;
	v14 =	vmovc v16;
	v16 =	vmovc v33;
	v34 =	vsub.f32 $1.500000000e+00, v34  }
0x4dd: {  	v33 =	vsub.f32 v44, v39;
	v44 =	vmul.f32 v51, v51;
	v51 =	vmul.f32 v53, v53  }
0x4de: {  	v45 =	vmul.f32 v45, v45;
	v46 =	vsub.f32 $1.500000000e+00, v46;
	v34 =	vmul.f32 v34, v48  }
0x4df: {  	v43 =	vsub.f32 v56, v43;
	v41 =	vmul.f32 v41, v22;
	v22 =	vmovc v23;
	v33 =	vmul.f32 v33, v33  }
0x4e0: {  	v40 =	vmul.f32 v40, v40;
	v23 =	vadd.f32 v51, v44;
	v26 =	vmul.f32 v34, v26  }
0x4e1: {  	v33 =	vadd.f32 v45, v33;
	v34 =	vmul.f32 v49, v49;
	v41 =	vsub.f32 v57, v41  }
0x4e2: {  	v38 =	vmul.f32 v46, v38;
	v23 =	vadd.f32 v40, v23;
	v40 =	vld.idx.msk [tilespmem:v20+s16+$0x0], $0xffff;
	v13 =	vadd.f32 v26, v13  }
0x4e3: {  	v26 =	vsub.f32 v39, v36;
	v33 =	vadd.f32 v34, v33;
	v34 =	vmul.f32 v35, v35;
	v20 =	vmovc v32  }
0x4e4: {  	v23 =	vmax.f32 v23, $1.000000020e-35;
	v32 =	vmul.f32 v38, v37;
	v35 =	vmul.f32 v41, v19;
	v19 =	vmovc v18;
	v18 =	vmovc v52  }
0x4e5: {  	v37 =	vmul.f32 v43, v43;
	v36 =	vshra.s32 v23, $0x1;
	v33 =	vmax.f32 v33, $1.000000020e-35  }
0x4e6: {  	v35 =	vmul.f32 v35, v35;
	v38 =	vshra.s32 v33, $0x1;
	v49 =	vmul.f32 $5.000000000e-01, v33  }
0x4e7: {  	v36 =	vsub.s32 $0x5F3759DF, v36;
	v26 =	vmul.f32 v26, v26;
	v43 =	vsub.s32 $0x5F3759DF, v38  }
0x4e8: {  	v35 =	vadd.f32 v35, v47;
	v38 =	vmul.f32 v43, v49;
	v32 =	vsub.f32 v40, v32  }
0x4e9: {  	v39 =	vadd.s32 s29, v0;
	v26 =	vadd.f32 v37, v26;
	v37 =	vmul.f32 v50, v50  }
0x4ea: {  	v39 =	vand.u32 $0x7FF8, v39;
	v34 =	vadd.f32 v35, v34;
	v38 =	vmul.f32 v43, v38  }
0x4eb: {  	v44 =	vor.u32 v4, v39;
	v26 =	vadd.f32 v37, v26;
	v35 =	vmul.f32 v32, v54  }
0x4ec: {  	v47 =	vmul.f32 v42, v25;
	v25 =	vmovc v33;
	v32 =	vmul.f32 $3.333333430e-01, v34;
	v45 =	vsub.f32 $1.500000000e+00, v38  }
0x4ed: {  	v39 =	vmul.f32 $5.000000000e-01, v23;
	v33 =	vadd.s32 s29, v2;
	v34 =	vadd.s32 s29, v3  }
0x4ee: {  	v33 =	vand.u32 $0x7FF8, v33;
	v34 =	vand.u32 $0x7FF8, v34;
	v38 =	vadd.f32 $9.999999970e-07, v32;
	v50 =	vld.idx.msk [tilespmem:v15+s16+$0x0], $0xffff;
	v15 =	vmovc v24;
	v24 =	vmovc v44  }
.Ltmp6:
0x4ef: {  	v33 =	vor.u32 v5, v33;
	v37 =	vmax.f32 v26, $1.000000020e-35;
	v32 =	vor.u32 v6, v34;
	v40 =	vld.idx.msk [tilespmem:v16+s17+$0x0], $0xffff;
	(pc) =	sbr.rel @p0 .LBB2_14-.Ltmp6, $4  }
0x4f0: {  	v46 =	vmul.f32 v36, v39;
	v52 =	vshra.s32 v37, $0x1;
	v26 =	vmax.f32 v38, $1.000000020e-35;
	v41 =	vld.idx.msk [tilespmem:v44+s15+$0x0], $0xffff  }
0x4f1: {  	v42 =	vmul.f32 v43, v45;
	v45 =	vshra.s32 v26, $0x1;
	v34 =	vmul.f32 $5.000000000e-01, v26;
	v38 =	vld.idx.msk [tilespmem:v44+s17+$0x0], $0xffff  }
0x4f2: {  	v43 =	vmul.f32 v36, v46;
	v46 =	vmul.f32 $5.000000000e-01, v37;
	v48 =	vsub.s32 $0x5F3759DF, v45;
	v44 =	vld.idx.msk [tilespmem:v44+s1+$0x0], $0xffff  }
0x4f3: {  	v51 =	vmul.f32 v42, v49;
	v49 =	vsub.s32 $0x5F3759DF, v52;
	v52 =	vmul.f32 v48, v34;
	v45 =	vld.idx.msk [tilespmem:v24+s14+$0x0], $0xffff  }
0x4f4: {  	_ =	sdelay $0x2  }
0x4f5: {  	v31 =	vsub.f32 $1.500000000e+00, v31;
	v53 =	vmul.f32 v49, v46  }
0x4f6: {  	v54 =	vld.idx.msk [tilespmem:v33+s15+$0x0], $0xffff;
	v21 =	vmul.f32 v27, v21;
	v29 =	vmul.f32 v29, v40  }
0x4f7: {  	v27 =	vsub.f32 v50, v47;
	v47 =	vld.idx.msk [tilespmem:v33+s14+$0x0], $0xffff;
	v35 =	vmul.f32 v35, v35;
	v30 =	vmul.f32 v30, v31  }
0x4f8: {  	v55 =	vld.idx.msk [tilespmem:v33+s1+$0x0], $0xffff;
	v17 =	vmul.f32 v40, v17;
	v52 =	vmul.f32 v48, v52  }
0x4f9: {  	v56 =	vld.idx.msk [tilespmem:v32+s15+$0x0], $0xffff;
	v43 =	vsub.f32 $1.500000000e+00, v43;
	v57 =	vmul.f32 v49, v53;
	v28 =	vmul.f32 v30, v28  }
0x4fa: {  	v50 =	vld.idx.msk [tilespmem:v32+s14+$0x0], $0xffff;
	v51 =	vmul.f32 v51, v42;
	v21 =	vmul.f32 v27, v21  }
0x4fb: {  	v53 =	vld.idx.msk [tilespmem:v32+s1+$0x0], $0xffff;
	v36 =	vmul.f32 v36, v43;
	v27 =	vsub.f32 $1.500000000e+00, v57;
	v28 =	vmul.f32 v28, v30  }
0x4fc: {  	v52 =	vsub.f32 $1.500000000e+00, v52;
	v57 =	vmul.f32 v21, v21;
	v58 =	vsub.f32 v41, v54  }
0x4fd: {  	v61 =	vsub.f32 v45, v47;
	v27 =	vmul.f32 v49, v27;
	v28 =	vsub.f32 $1.500000000e+00, v28  }
0x4fe: {  	v21 =	vmul.f32 v48, v52;
	v62 =	vsub.f32 v44, v55;
	v63 =	vsub.f32 v41, v56  }
0x4ff: {  	v14 =	vld.idx.msk [tilespmem:v14+s16+$0x0], $0xffff;
	v47 =	vsub.f32 v47, v50;
	v59 =	vmul.f32 v27, v46;
	v28 =	vmul.f32 v28, v30  }
0x500: {  	v49 =	vsub.f32 $1.500000000e+00, v51;
	v60 =	vsub.f32 v44, v53;
	v44 =	vmul.f32 v62, v62  }
0x501: {  	v46 =	vmul.f32 v59, v27;
	v22 =	vmul.f32 v28, v22;
	v28 =	vsub.f32 v45, v50  }
0x502: {  	v41 =	vmul.f32 v63, v63;
	v52 =	vsub.f32 v55, v53;
	v45 =	vmul.f32 v61, v61  }
0x503: {  	v51 =	vmul.f32 v60, v60;
	v46 =	vsub.f32 $1.500000000e+00, v46;
	v28 =	vmul.f32 v28, v28  }
0x504: {  	v20 =	vld.idx.msk [tilespmem:v20+s16+$0x0], $0xffff;
	v44 =	vadd.f32 v45, v44;
	v14 =	vsub.f32 v14, v22;
	v22 =	vmul.f32 v49, v42  }
0x505: {  	v27 =	vmul.f32 v46, v27;
	v28 =	vadd.f32 v28, v51;
	v51 =	vmul.f32 v58, v58  }
0x506: {  	v14 =	vmul.f32 v14, v19;
	v19 =	vsub.f32 v54, v56;
	v54 =	vmul.f32 v47, v47  }
0x507: {  	v27 =	vmul.f32 v27, v37;
	v28 =	vadd.f32 v41, v28;
	v41 =	vmul.f32 v52, v52  }
0x508: {  	v22 =	vmul.f32 v22, v25;
	v53 =	vadd.f32 v51, v44;
	v14 =	vmul.f32 v14, v14  }
0x509: {  	v19 =	vmul.f32 v19, v19;
	v20 =	vsub.f32 v20, v27;
	v41 =	vadd.f32 v54, v41  }
0x50a: {  	v28 =	vmax.f32 v28, $1.000000020e-35;
	v42 =	vmax.f32 v53, $1.000000020e-35;
	v14 =	vadd.f32 v14, v57  }
0x50b: {  	v55 =	vshra.s32 v28, $0x1;
	v56 =	vshra.s32 v42, $0x1;
	v19 =	vadd.f32 v19, v41  }
0x50c: {  	v58 =	vmul.f32 $5.000000000e-01, v42;
	v61 =	vmul.f32 $5.000000000e-01, v28;
	v45 =	vsub.s32 $0x5F3759DF, v56  }
0x50d: {  	v15 =	vld.idx.msk [tilespmem:v15+s16+$0x0], $0xffff;
	v59 =	vsub.s32 $0x5F3759DF, v55;
	v14 =	vadd.f32 v14, v35;
	v19 =	vmax.f32 v19, $1.000000020e-35  }
0x50e: {  	v60 =	vmul.f32 v45, v58;
	v27 =	vshra.s32 v19, $0x1;
	v62 =	vmul.f32 $5.000000000e-01, v19  }
0x50f: {  	v31 =	vld.idx.msk [tilespmem:v32+s17+$0x0], $0xffff;
	v63 =	vmul.f32 v59, v61;
	v14 =	vmul.f32 $3.333333430e-01, v14;
	v27 =	vsub.s32 $0x5F3759DF, v27  }
0x510: {  	v20 =	vmul.f32 v20, v29;
	v52 =	vmul.f32 v27, v62  }
0x511: {  	v41 =	vmul.f32 v45, v60;
	v29 =	vmul.f32 v59, v63;
	v14 =	vadd.f32 $9.999999970e-07, v14  }
0x512: {  	v39 =	vmul.f32 v36, v39;
	v15 =	vsub.f32 v15, v22;
	v53 =	vmul.f32 v27, v52  }
0x513: {  	v41 =	vsub.f32 $1.500000000e+00, v41;
	v25 =	vmax.f32 v14, $1.000000020e-35;
	v14 =	vsub.f32 $1.500000000e+00, v29  }
0x514: {  	v30 =	vmul.f32 v31, v38;
	v15 =	vmul.f32 v15, v17;
	v54 =	vsub.f32 $1.500000000e+00, v53  }
0x515: {  	v29 =	vmul.f32 v45, v41;
	v14 =	vmul.f32 v59, v14  }
0x516: {  	v56 =	vmul.f32 v39, v36;
	v27 =	vmul.f32 v27, v54  }
0x517: {  	v58 =	vmul.f32 v29, v58;
	v35 =	vmul.f32 v14, v61  }
0x518: {  	v15 =	vmul.f32 v15, v15;
	v37 =	vsub.f32 $1.500000000e+00, v56;
	v60 =	vmul.f32 v27, v62  }
0x519: {  	v16 =	vld.idx.msk [tilespmem:v16+s16+$0x0], $0xffff;
	v41 =	vmul.f32 v58, v29;
	v35 =	vmul.f32 v35, v14  }
0x51a: {  	v24 =	vld.idx.msk [tilespmem:v24+s16+$0x0], $0xffff;
	v36 =	vmul.f32 v37, v36;
	v22 =	vmul.f32 v60, v27  }
0x51b: {  	v55 =	vmul.f32 $5.000000000e-01, v25;
	v59 =	vld.idx.msk [tilespmem:v33+s17+$0x0], $0xffff;
	v63 =	vsub.f32 $1.500000000e+00, v41;
	v35 =	vsub.f32 $1.500000000e+00, v35  }
0x51c: {  	v57 =	vshra.s32 v25, $0x1;
	v17 =	vsub.f32 $1.500000000e+00, v22;
	v22 =	vmul.f32 v36, v23;
	v23 =	vld.idx.msk [tilespmem:v33+s16+$0x0], $0xffff  }
0x51d: {  	v39 =	vsub.s32 $0x5F3759DF, v57;
	v61 =	vld.idx.msk [tilespmem:v32+s16+$0x0], $0xffff;
	v29 =	vmul.f32 v63, v29;
	v14 =	vmul.f32 v35, v14;
	_ =	swait.ge [sflag:s24], $0x2EE0  }
0x51e: {  	v62 =	vmul.f32 v39, v55;
	[sflag:s24] =	ssyncset.done $0x0;
	v16 =	vsub.f32 v16, v22;
	v17 =	vmul.f32 v17, v27  }
0x51f: {  	v14 =	vmul.f32 v14, v28;
	v22 =	vmul.f32 v29, v42;
	[sflag:s24] =	ssyncadd.s32 $0xFFFFD120  }
0x520: {  	_ =	swait.ge [sflag:s24], $0x2EE0;
	v17 =	vmul.f32 v17, v19;
	v16 =	vmul.f32 v16, v18  }
0x521: {  	v18 =	vmul.f32 v59, v38;
	v19 =	vsub.f32 v24, v22;
	[sflag:s24] =	ssyncset.done $0x0;
	v14 =	vsub.f32 v23, v14  }
0x522: {  	v31 =	vmul.f32 v31, v59;
	[sflag:s24] =	ssyncadd.s32 $0xFFFFD120;
	v16 =	vmul.f32 v16, v16;
	v17 =	vsub.f32 v61, v17  }
0x523: {  	v18 =	vmul.f32 v19, v18;
	_ =	swait.ge [sflag:s24], $0x2EE0;
	v14 =	vmul.f32 v14, v30  }
0x524: {  	s28 =	simm.s32 $0x0;
	v19 =	vmul.f32 v20, v20;
	[sflag:s24] =	ssyncset.done $0x0;
	v15 =	vadd.f32 v16, v15;
	v16 =	vmul.f32 v17, v31  }
0x525: {  	v17 =	vmul.f32 v18, v18;
	[sflag:s24] =	ssyncadd.s32 $0xFFFFD120;
	v18 =	vadd.s32 s28, v0;
	v14 =	vmul.f32 v14, v14  }
0x526: {  	v20 =	vmul.f32 v39, v62;
	_ =	swait.ge [sflag:s24], $0x2EE0;
	v18 =	vand.u32 $0x7FF8, v18;
	v15 =	vadd.f32 v15, v19  }
0x527: {  	v16 =	vmul.f32 v16, v16;
	[sflag:s24] =	ssyncset.done $0x0;
	v17 =	vadd.f32 v14, v17;
	v14 =	vor.u32 v4, v18  }
0x528: {  	v19 =	vsub.f32 $1.500000000e+00, v20;
	v20 =	vadd.s32 s28, v2;
	v18 =	vmul.f32 v21, v34;
	[sflag:s24] =	ssyncadd.s32 $0xFFFFD120  }
0x529: {  	v15 =	vmul.f32 $3.333333430e-01, v15;
	_ =	swait.ge [sflag:s24], $0x2EE0;
	v16 =	vadd.f32 v17, v16;
	v17 =	vand.u32 $0x7FF8, v20  }
0x52a: {  	v19 =	vmul.f32 v39, v19;
	v18 =	vmul.f32 v18, v21;
	[sflag:s24] =	ssyncset.done $0x0;
	v24 =	vor.u32 v5, v17  }
0x52b: {  	v15 =	vadd.f32 $9.999999970e-07, v15;
	[sflag:s24] =	ssyncadd.s32 $0xFFFFD120;
	v17 =	vadd.s32 s28, v3;
	v16 =	vmul.f32 $3.333333430e-01, v16  }
0x52c: {  	v20 =	vmul.f32 v19, v55;
	v18 =	vsub.f32 $1.500000000e+00, v18;
	v17 =	vand.u32 $0x7FF8, v17;
	v22 =	vld.idx.msk [tilespmem:v14+s20+$0x0], $0xffff  }
0x52d: {  	v23 =	vmax.f32 v15, $1.000000020e-35;
	v17 =	vor.u32 v6, v17;
	v28 =	vld.idx.msk [tilespmem:v14+s19+$0x0], $0xffff;
	v15 =	vadd.f32 $9.999999970e-07, v16  }
0x52e: {  	v16 =	vld.idx.msk [tilespmem:v14+s18+$0x0], $0xffff;
	v18 =	vmul.f32 v18, v21;
	v21 =	vshra.s32 v23, $0x1;
	v27 =	vmul.f32 $5.000000000e-01, v23  }
0x52f: {  	v21 =	vsub.s32 $0x5F3759DF, v21;
	v30 =	vmax.f32 v15, $1.000000020e-35;
	v15 =	vld.idx.msk [tilespmem:v24+s19+$0x0], $0xffff  }
0x530: {  	v20 =	vmul.f32 v20, v19;
	v29 =	vmul.f32 v21, v27;
	v44 =	vld.idx.msk [tilespmem:v24+s18+$0x0], $0xffff;
	v31 =	vshra.s32 v30, $0x1  }
0x531: {  	v18 =	vmul.f32 v18, v26;
	v43 =	vmul.f32 $5.000000000e-01, v30;
	v26 =	vsub.s32 $0x5F3759DF, v31;
	v31 =	vld.idx.msk [tilespmem:v24+s20+$0x0], $0xffff  }
0x532: {  	v20 =	vsub.f32 $1.500000000e+00, v20;
	v29 =	vmul.f32 v21, v29;
	v46 =	vld.idx.msk [tilespmem:v17+s19+$0x0], $0xffff  }
0x533: {  	v18 =	vadd.f32 v18, v13;
	v13 =	vld.idx.msk [tilespmem:v17+s18+$0x0], $0xffff;
	v45 =	vmul.f32 v26, v43  }
0x534: {  	v19 =	vmul.f32 v20, v19;
	v47 =	vld.idx.msk [tilespmem:v17+s20+$0x0], $0xffff;
	v20 =	vsub.f32 $1.500000000e+00, v29  }
0x535: {  	v29 =	vmul.f32 v26, v45;
	v48 =	vsub.f32 v28, v15  }
0x536: {  	v19 =	vmul.f32 v19, v25;
	v49 =	vsub.f32 v16, v44;
	v21 =	vmul.f32 v21, v20  }
0x537: {  	v20 =	vsub.f32 $1.500000000e+00, v29;
	v25 =	vsub.f32 v22, v31;
	v29 =	vmul.f32 v48, v48  }
0x538: {  	v50 =	vmul.f32 v49, v49;
	v16 =	vsub.f32 v16, v13;
	v28 =	vsub.f32 v28, v46  }
0x539: {  	v31 =	vsub.f32 v31, v47;
	v22 =	vsub.f32 v22, v47  }
0x53a: {  	v15 =	vsub.f32 v15, v46;
	v29 =	vadd.f32 v29, v50;
	v25 =	vmul.f32 v25, v25  }
0x53b: {  	v27 =	vmul.f32 v21, v27;
	v51 =	vmul.f32 v26, v20;
	v20 =	vsub.f32 v44, v13  }
0x53c: {  	v16 =	vmul.f32 v16, v16;
	v28 =	vmul.f32 v28, v28;
	v25 =	vadd.f32 v25, v29  }
0x53d: {  	s28 =	simm.s32 $0x30;
	v47 =	vadd.f32 v19, v18;
	v15 =	vmul.f32 v15, v15;
	v20 =	vmul.f32 v20, v20  }
0x53e: {  	v27 =	vmul.f32 v27, v21;
	v13 =	vmax.f32 v25, $1.000000020e-35;
	v25 =	vadd.s32 s28, v0  }
0x53f: {  	v16 =	vadd.f32 v28, v16;
	v15 =	vadd.f32 v15, v20;
	v25 =	vand.u32 $0x7FF8, v25  }
0x540: {  	v26 =	vshra.s32 v13, $0x1;
	v28 =	vmul.f32 $5.000000000e-01, v13;
	v29 =	vor.u32 v4, v25  }
0x541: {  	v56 =	vsub.s32 $0x5F3759DF, v26;
	v25 =	vmul.f32 v31, v31;
	v26 =	vadd.s32 s28, v3  }
0x542: {  	v32 =	vld.idx.msk [tilespmem:v24+s22+$0x0], $0xffff;
	v22 =	vmul.f32 v22, v22;
	v27 =	vsub.f32 $1.500000000e+00, v27;
	v26 =	vand.u32 $0x7FF8, v26  }
0x543: {  	v57 =	vld.idx.msk [tilespmem:v17+s22+$0x0], $0xffff;
	v31 =	vmul.f32 v56, v28;
	v58 =	vadd.f32 v25, v15;
	v25 =	vor.u32 v6, v26  }
0x544: {  	v20 =	vld.idx.msk [tilespmem:v14+s22+$0x0], $0xffff;
	v16 =	vadd.f32 v22, v16;
	v21 =	vmul.f32 v27, v21;
	v15 =	vadd.s32 s28, v2  }
0x545: {  	v26 =	vmul.f32 v51, v43;
	v31 =	vmul.f32 v56, v31;
	v15 =	vand.u32 $0x7FF8, v15;
	v59 =	vld.idx.msk [tilespmem:v29+s20+$0x0], $0xffff  }
0x546: {  	v45 =	vmul.f32 v21, v23;
	v15 =	vor.u32 v5, v15;
	v36 =	vmax.f32 v58, $1.000000020e-35;
	v60 =	vld.idx.msk [tilespmem:v29+s18+$0x0], $0xffff  }
0x547: {  	v62 =	vmul.f32 v26, v51;
	v26 =	vmax.f32 v16, $1.000000020e-35;
	v22 =	vsub.f32 $1.500000000e+00, v31;
	v63 =	vld.idx.msk [tilespmem:v29+s19+$0x0], $0xffff  }
0x548: {  	v31 =	vshra.s32 v36, $0x1;
	v61 =	vmul.f32 $5.000000000e-01, v36;
	v40 =	vmul.f32 $5.000000000e-01, v26;
	v52 =	vld.idx.msk [tilespmem:v25+s19+$0x0], $0xffff  }
0x549: {  	v54 =	vshra.s32 v26, $0x1;
	v31 =	vsub.s32 $0x5F3759DF, v31;
	v27 =	vsub.f32 $1.500000000e+00, v62;
	v53 =	vld.idx.msk [tilespmem:v25+s18+$0x0], $0xffff  }
0x54a: {  	v34 =	vsub.s32 $0x5F3759DF, v54;
	v16 =	vmul.f32 v56, v22;
	v22 =	vmul.f32 v31, v61;
	v18 =	vld.idx.msk [tilespmem:v25+s20+$0x0], $0xffff  }
0x54b: {  	v21 =	vmul.f32 v27, v51;
	v27 =	vmul.f32 v34, v40;
	v55 =	vld.idx.msk [tilespmem:v15+s19+$0x0], $0xffff  }
0x54c: {  	v28 =	vmul.f32 v16, v28;
	v22 =	vmul.f32 v31, v22;
	v23 =	vld.idx.msk [tilespmem:v15+s18+$0x0], $0xffff  }
0x54d: {  	v33 =	vmul.f32 v57, v20;
	v45 =	vadd.f32 v45, v47;
	v56 =	vld.idx.msk [tilespmem:v15+s20+$0x0], $0xffff;
	v49 =	vmul.f32 v34, v27  }
0x54e: {  	v28 =	vmul.f32 v28, v16;
	v22 =	vsub.f32 $1.500000000e+00, v22;
	v27 =	vsub.f32 v60, v53  }
0x54f: {  	v48 =	vmul.f32 v21, v30;
	v30 =	vsub.f32 v63, v52;
	v37 =	vsub.f32 v59, v18  }
0x550: {  	v20 =	vmul.f32 v32, v20;
	v49 =	vsub.f32 $1.500000000e+00, v49;
	v19 =	vsub.f32 $1.500000000e+00, v28  }
0x551: {  	v21 =	vmul.f32 v31, v22;
	v28 =	vmul.f32 v57, v32;
	v57 =	vsub.f32 v63, v55  }
0x552: {  	v38 =	vsub.f32 v60, v23;
	v58 =	vsub.f32 v59, v56;
	v27 =	vmul.f32 v27, v27  }
0x553: {  	v30 =	vmul.f32 v30, v30;
	v46 =	vsub.f32 v56, v18;
	v34 =	vmul.f32 v34, v49  }
0x554: {  	v23 =	vsub.f32 v23, v53;
	v39 =	vmul.f32 v57, v57;
	v38 =	vmul.f32 v38, v38  }
0x555: {  	v31 =	vmul.f32 v21, v61;
	v62 =	vmul.f32 v19, v16;
	v27 =	vadd.f32 v30, v27  }
0x556: {  	v30 =	vmul.f32 v37, v37;
	v60 =	vmul.f32 v58, v58;
	v59 =	vadd.f32 v39, v38  }
0x557: {  	v61 =	vsub.f32 v55, v52;
	v23 =	vmul.f32 v23, v23;
	v31 =	vmul.f32 v31, v21  }
0x558: {  	s28 =	simm.s32 $0x60;
	v40 =	vmul.f32 v34, v40;
	v19 =	vadd.f32 v30, v27;
	v16 =	vadd.f32 v60, v59  }
0x559: {  	v35 =	vld.idx.msk [tilespmem:v25+s22+$0x0], $0xffff;
	v27 =	vadd.s32 s28, v0;
	v30 =	vmul.f32 v61, v61;
	v31 =	vsub.f32 $1.500000000e+00, v31  }
0x55a: {  	v22 =	vld.idx.msk [tilespmem:v29+s22+$0x0], $0xffff;
	v13 =	vmul.f32 v62, v13;
	v38 =	vmax.f32 v16, $1.000000020e-35;
	v16 =	vand.u32 $0x7FF8, v27  }
0x55b: {  	v21 =	vmul.f32 v31, v21;
	v31 =	vld.idx.msk [tilespmem:v17+s21+$0x0], $0xffff;
	v17 =	vadd.f32 v30, v23;
	v16 =	vor.u32 v4, v16  }
0x55c: {  	v23 =	vadd.s32 s28, v3;
	v27 =	vshra.s32 v38, $0x1;
	v63 =	vmul.f32 $5.000000000e-01, v38  }
0x55d: {  	v24 =	vld.idx.msk [tilespmem:v24+s21+$0x0], $0xffff;
	v36 =	vmul.f32 v21, v36;
	v21 =	vmul.f32 v46, v46;
	v56 =	vsub.s32 $0x5F3759DF, v27  }
0x55e: {  	v14 =	vld.idx.msk [tilespmem:v14+s21+$0x0], $0xffff;
	v23 =	vand.u32 $0x7FF8, v23;
	v27 =	vadd.s32 s28, v2;
	v30 =	vmul.f32 v56, v63  }
0x55f: {  	v57 =	vadd.f32 v21, v17;
	v17 =	vand.u32 $0x7FF8, v27;
	v21 =	vor.u32 v6, v23;
	v27 =	vld.idx.msk [tilespmem:v15+s22+$0x0], $0xffff  }
0x560: {  	v18 =	vmul.f32 v35, v22;
	v23 =	vmax.f32 v19, $1.000000020e-35;
	v17 =	vor.u32 v5, v17;
	v43 =	vld.idx.msk [tilespmem:v16+s20+$0x0], $0xffff  }
0x561: {  	v31 =	vsub.f32 v31, v36;
	v30 =	vmul.f32 v56, v30;
	v36 =	vmax.f32 v57, $1.000000020e-35;
	v19 =	vld.idx.msk [tilespmem:v16+s22+$0x0], $0xffff  }
0x562: {  	v40 =	vmul.f32 v40, v34;
	v58 =	vshra.s32 v23, $0x1;
	v42 =	vshra.s32 v36, $0x1;
	v46 =	vld.idx.msk [tilespmem:v16+s18+$0x0], $0xffff  }
0x563: {  	v59 =	vmul.f32 $5.000000000e-01, v36;
	v51 =	vmul.f32 v31, v28;
	v52 =	vld.idx.msk [tilespmem:v16+s19+$0x0], $0xffff;
	v30 =	vsub.f32 $1.500000000e+00, v30  }
0x564: {  	v31 =	vsub.s32 $0x5F3759DF, v58;
	v58 =	vsub.f32 $1.500000000e+00, v40;
	v42 =	vsub.s32 $0x5F3759DF, v42;
	v54 =	vld.idx.msk [tilespmem:v21+s19+$0x0], $0xffff  }
0x565: {  	v14 =	vsub.f32 v14, v13;
	v60 =	vmul.f32 v42, v59;
	v39 =	vmul.f32 v56, v30;
	v30 =	vld.idx.msk [tilespmem:v21+s22+$0x0], $0xffff  }
0x566: {  	v28 =	vmul.f32 $5.000000000e-01, v23;
	v34 =	vmul.f32 v58, v34;
	v62 =	vld.idx.msk [tilespmem:v17+s20+$0x0], $0xffff  }
0x567: {  	v13 =	vadd.f32 v48, v45;
	v20 =	vmul.f32 v14, v20;
	v45 =	vld.idx.msk [tilespmem:v17+s19+$0x0], $0xffff;
	v44 =	vmul.f32 v42, v60  }
0x568: {  	v61 =	vmul.f32 v31, v28;
	v48 =	vld.idx.msk [tilespmem:v17+s18+$0x0], $0xffff;
	v26 =	vmul.f32 v34, v26  }
0x569: {  	v14 =	vimm.f32 $0.0e+00;
	v37 =	vmul.f32 v39, v63;
	v63 =	vld.idx.msk [tilespmem:v21+s20+$0x0], $0xffff;
	v44 =	vsub.f32 $1.500000000e+00, v44  }
0x56a: {  	v35 =	vmul.f32 v35, v27;
	v32 =	vmul.f32 v31, v61;
	v26 =	vsub.f32 v24, v26  }
0x56b: {  	v41 =	vld.idx.msk [tilespmem:v21+s18+$0x0], $0xffff;
	v37 =	vmul.f32 v37, v39;
	v60 =	vsub.f32 v52, v54;
	v42 =	vmul.f32 v42, v44  }
0x56c: {  	v44 =	vmul.f32 v20, v20;
	v20 =	vmul.f32 v30, v19;
	v57 =	vsub.f32 v43, v62  }
0x56d: {  	v52 =	vsub.f32 v52, v45;
	v61 =	vsub.f32 v46, v48;
	v33 =	vmul.f32 v26, v33  }
0x56e: {  	v37 =	vsub.f32 $1.500000000e+00, v37;
	v50 =	vmul.f32 v42, v59;
	v53 =	vsub.f32 v62, v63  }
0x56f: {  	v43 =	vsub.f32 v43, v63;
	v62 =	vmul.f32 v60, v60;
	v63 =	vmul.f32 v52, v52  }
0x570: {  	v59 =	vsub.f32 v46, v41;
	v57 =	vmul.f32 v57, v57;
	v39 =	vmul.f32 v37, v39  }
0x571: {  	v56 =	vsub.f32 v45, v54;
	v37 =	vmul.f32 v61, v61;
	v50 =	vmul.f32 v50, v42  }
0x572: {  	v60 =	vmul.f32 v51, v51;
	v40 =	vmul.f32 v59, v59;
	v59 =	vsub.f32 v48, v41  }
0x573: {  	v33 =	vmul.f32 v33, v33;
	v37 =	vadd.f32 v63, v37;
	v50 =	vsub.f32 $1.500000000e+00, v50  }
0x574: {  	v25 =	vld.idx.msk [tilespmem:v25+s21+$0x0], $0xffff;
	v55 =	vmul.f32 v43, v43;
	v52 =	vadd.f32 v62, v40;
	v62 =	vmul.f32 v56, v56  }
0x575: {  	s28 =	simm.s32 $0x90;
	v54 =	vmul.f32 v59, v59;
	v37 =	vadd.f32 v57, v37;
	v58 =	vmul.f32 v50, v42  }
0x576: {  	v56 =	vadd.s32 s28, v0;
	v57 =	vmul.f32 v53, v53;
	v24 =	vadd.f32 v55, v52  }
0x577: {  	v50 =	vmul.f32 v39, v38;
	v26 =	vmax.f32 v37, $1.000000020e-35;
	v34 =	vmul.f32 v58, v36  }
0x578: {  	v24 =	vmax.f32 v24, $1.000000020e-35;
	v37 =	vshra.s32 v26, $0x1;
	v52 =	vmul.f32 $5.000000000e-01, v26  }
0x579: {  	v61 =	vshra.s32 v24, $0x1;
	v34 =	vsub.f32 v25, v34;
	v25 =	vadd.f32 v33, v44  }
0x57a: {  	v36 =	vadd.f32 v62, v54;
	v63 =	vsub.s32 $0x5F3759DF, v37;
	v37 =	vsub.s32 $0x5F3759DF, v61  }
0x57b: {  	v55 =	vmul.f32 v63, v52;
	v33 =	vand.u32 $0x7FF8, v56;
	v41 =	vadd.f32 v25, v60  }
0x57c: {  	v42 =	vadd.f32 v57, v36;
	v61 =	vadd.s32 s28, v3;
	v25 =	vor.u32 v4, v33  }
0x57d: {  	v38 =	vand.u32 $0x7FF8, v61;
	v40 =	vmul.f32 v63, v55;
	v59 =	vmul.f32 $3.333333430e-01, v41  }
0x57e: {  	v36 =	vmul.f32 v34, v35;
	v60 =	vadd.s32 s28, v2;
	v39 =	vmax.f32 v42, $1.000000020e-35  }
0x57f: {  	v51 =	vld.idx.msk [tilespmem:v29+s21+$0x0], $0xffff;
	v58 =	vsub.f32 $1.500000000e+00, v40;
	v40 =	vmul.f32 $5.000000000e-01, v24;
	v29 =	vadd.f32 $9.999999970e-07, v59  }
0x580: {  	v43 =	vld.idx.msk [tilespmem:v17+s22+$0x0], $0xffff;
	v33 =	vor.u32 v6, v38;
	v35 =	vand.u32 $0x7FF8, v60;
	v42 =	vshra.s32 v39, $0x1  }
0x581: {  	v35 =	vor.u32 v5, v35;
	v62 =	vmul.f32 v37, v40;
	v45 =	vld.idx.msk [tilespmem:v25+s20+$0x0], $0xffff;
	v29 =	vmax.f32 v29, $1.000000020e-35  }
0x582: {  	v48 =	vmul.f32 v63, v58;
	v41 =	vld.idx.msk [tilespmem:v25+s22+$0x0], $0xffff;
	v63 =	vshra.s32 v29, $0x1;
	v34 =	vmul.f32 $5.000000000e-01, v29  }
0x583: {  	v49 =	vmul.f32 $5.000000000e-01, v39;
	v44 =	vld.idx.msk [tilespmem:v25+s18+$0x0], $0xffff;
	v46 =	vmul.f32 v37, v62;
	v38 =	vsub.s32 $0x5F3759DF, v63  }
0x584: {  	s28 =	simm.s32 $0xC0;
	v47 =	vld.idx.msk [tilespmem:v25+s19+$0x0], $0xffff;
	v53 =	vmul.f32 v48, v52;
	v52 =	vsub.s32 $0x5F3759DF, v42;
	v42 =	vmul.f32 v38, v34  }
.LBB2_16:
0x585: {  	p0 =	sne.s32 s28, $0x2EB0;
	v54 =	vld.idx.msk [tilespmem:v33+s22+$0x0], $0xffff;
	v55 =	vmul.f32 v52, v49;
	v57 =	vmul.f32 v27, v22;
	v50 =	vsub.f32 v51, v50;
	s29 =	smov.u32 s28;
	s28 =	sadd.s32 $0x30, s28  }
0x586: {  	v56 =	vsub.f32 $1.500000000e+00, v32;
	v27 =	vmovc v43;
	v51 =	vld.idx.msk [tilespmem:v35+s20+$0x0], $0xffff;
	v53 =	vmul.f32 v53, v48;
	v42 =	vmul.f32 v38, v42  }
0x587: {  	v22 =	vmovc v19;
	v32 =	vmov v46;
	v43 =	vld.idx.msk [tilespmem:v33+s20+$0x0], $0xffff;
	v55 =	vmul.f32 v52, v55;
	v50 =	vmul.f32 v50, v57  }
0x588: {  	v56 =	vmul.f32 v31, v56;
	v31 =	vmovc v37;
	v19 =	vmovc v41;
	v46 =	vld.idx.msk [tilespmem:v33+s19+$0x0], $0xffff;
	v53 =	vsub.f32 $1.500000000e+00, v53;
	v42 =	vsub.f32 $1.500000000e+00, v42  }
0x589: {  	v37 =	vld.idx.msk [tilespmem:v33+s18+$0x0], $0xffff;
	v41 =	vsub.f32 $1.500000000e+00, v55;
	v55 =	vmul.f32 v30, v27;
	v50 =	vmul.f32 v50, v50  }
0x58a: {  	v58 =	vmul.f32 v56, v28;
	v28 =	vmov v40;
	v57 =	vld.idx.msk [tilespmem:v35+s19+$0x0], $0xffff;
	v38 =	vmul.f32 v38, v42  }
0x58b: {  	v42 =	vmul.f32 v54, v19;
	v30 =	vmov v54;
	v40 =	vld.idx.msk [tilespmem:v35+s18+$0x0], $0xffff;
	v41 =	vmul.f32 v52, v41  }
0x58c: {  	v52 =	vsub.f32 v45, v51;
	v54 =	vmul.f32 v58, v56;
	v34 =	vmul.f32 v38, v34  }
0x58d: {  	v48 =	vmul.f32 v53, v48;
	v51 =	vsub.f32 v51, v43;
	v49 =	vmul.f32 v41, v49  }
0x58e: {  	v43 =	vsub.f32 v45, v43;
	v45 =	vsub.f32 $1.500000000e+00, v54;
	v34 =	vmul.f32 v34, v38  }
0x58f: {  	v54 =	vsub.f32 v47, v46;
	v53 =	vsub.f32 v44, v37;
	v49 =	vmul.f32 v49, v41;
	v58 =	vld.idx.msk [tilespmem:v15+s21+$0x0], $0xffff  }
0x590: {  	v47 =	vsub.f32 v47, v57;
	v45 =	vmul.f32 v45, v56;
	v15 =	vmovc v17;
	v17 =	vmovc v35;
	v34 =	vsub.f32 $1.500000000e+00, v34  }
0x591: {  	v35 =	vsub.f32 v44, v40;
	v44 =	vmul.f32 v53, v53;
	v53 =	vmul.f32 v54, v54  }
0x592: {  	v47 =	vmul.f32 v47, v47;
	v49 =	vsub.f32 $1.500000000e+00, v49;
	v34 =	vmul.f32 v34, v38  }
0x593: {  	v45 =	vmul.f32 v45, v23;
	v23 =	vmovc v24;
	v38 =	vsub.f32 v57, v46;
	v35 =	vmul.f32 v35, v35  }
0x594: {  	v43 =	vmul.f32 v43, v43;
	v24 =	vadd.f32 v53, v44;
	v29 =	vmul.f32 v34, v29  }
0x595: {  	v34 =	vadd.f32 v47, v35;
	v35 =	vmul.f32 v52, v52;
	v44 =	vsub.f32 v58, v45  }
0x596: {  	v41 =	vmul.f32 v49, v41;
	v24 =	vadd.f32 v43, v24;
	v43 =	vld.idx.msk [tilespmem:v21+s21+$0x0], $0xffff;
	v14 =	vadd.f32 v29, v14  }
0x597: {  	v29 =	vsub.f32 v40, v37;
	v34 =	vadd.f32 v35, v34;
	v35 =	vmul.f32 v36, v36;
	v21 =	vmovc v33  }
0x598: {  	v24 =	vmax.f32 v24, $1.000000020e-35;
	v33 =	vmul.f32 v41, v39;
	v36 =	vmul.f32 v44, v18;
	v18 =	vmovc v20;
	v20 =	vmovc v42  }
0x599: {  	v38 =	vmul.f32 v38, v38;
	v37 =	vshra.s32 v24, $0x1;
	v34 =	vmax.f32 v34, $1.000000020e-35  }
0x59a: {  	v36 =	vmul.f32 v36, v36;
	v39 =	vshra.s32 v34, $0x1;
	v42 =	vmul.f32 $5.000000000e-01, v34  }
0x59b: {  	v37 =	vsub.s32 $0x5F3759DF, v37;
	v29 =	vmul.f32 v29, v29;
	v44 =	vsub.s32 $0x5F3759DF, v39  }
0x59c: {  	v36 =	vadd.f32 v36, v50;
	v39 =	vmul.f32 v44, v42;
	v33 =	vsub.f32 v43, v33  }
0x59d: {  	v40 =	vadd.s32 s29, v0;
	v29 =	vadd.f32 v38, v29;
	v38 =	vmul.f32 v51, v51  }
0x59e: {  	v40 =	vand.u32 $0x7FF8, v40;
	v35 =	vadd.f32 v36, v35;
	v39 =	vmul.f32 v44, v39  }
0x59f: {  	v46 =	vor.u32 v4, v40;
	v29 =	vadd.f32 v38, v29;
	v36 =	vmul.f32 v33, v55  }
0x5a0: {  	v50 =	vmul.f32 v48, v26;
	v26 =	vmovc v34;
	v33 =	vmul.f32 $3.333333430e-01, v35;
	v38 =	vsub.f32 $1.500000000e+00, v39  }
0x5a1: {  	v40 =	vmul.f32 $5.000000000e-01, v24;
	v34 =	vadd.s32 s29, v2;
	v35 =	vadd.s32 s29, v3  }
0x5a2: {  	v34 =	vand.u32 $0x7FF8, v34;
	v39 =	vand.u32 $0x7FF8, v35;
	v41 =	vadd.f32 $9.999999970e-07, v33;
	v51 =	vld.idx.msk [tilespmem:v16+s21+$0x0], $0xffff;
	v16 =	vmovc v25;
	v25 =	vmovc v46  }
.Ltmp7:
0x5a3: {  	v35 =	vor.u32 v5, v34;
	v33 =	vor.u32 v6, v39;
	v39 =	vmax.f32 v29, $1.000000020e-35;
	v43 =	vld.idx.msk [tilespmem:v17+s22+$0x0], $0xffff;
	(pc) =	sbr.rel @p0 .LBB2_16-.Ltmp7, $4  }
0x5a4: {  	v47 =	vmul.f32 v37, v40;
	v52 =	vshra.s32 v39, $0x1;
	v29 =	vmax.f32 v41, $1.000000020e-35;
	v45 =	vld.idx.msk [tilespmem:v46+s20+$0x0], $0xffff  }
0x5a5: {  	v48 =	vmul.f32 v44, v38;
	v38 =	vshra.s32 v29, $0x1;
	v34 =	vmul.f32 $5.000000000e-01, v29;
	v41 =	vld.idx.msk [tilespmem:v46+s22+$0x0], $0xffff  }
0x5a6: {  	v49 =	vmul.f32 $5.000000000e-01, v39;
	v38 =	vsub.s32 $0x5F3759DF, v38;
	v44 =	vld.idx.msk [tilespmem:v46+s18+$0x0], $0xffff;
	v46 =	vmul.f32 v37, v47  }
0x5a7: {  	v52 =	vsub.s32 $0x5F3759DF, v52;
	v53 =	vmul.f32 v48, v42;
	v42 =	vmul.f32 v38, v34;
	v47 =	vld.idx.msk [tilespmem:v25+s19+$0x0], $0xffff  }
0x5a8: {  	_ =	sdelay $0x3  }
0x5a9: {  	v56 =	vld.idx.msk [tilespmem:v35+s20+$0x0], $0xffff  }
0x5aa: {  	v22 =	vmul.f32 v27, v22;
	v27 =	vld.idx.msk [tilespmem:v33+s20+$0x0], $0xffff  }
0x5ab: {  	v32 =	vsub.f32 $1.500000000e+00, v32;
	v55 =	vmul.f32 v52, v49;
	v60 =	vld.idx.msk [tilespmem:v35+s19+$0x0], $0xffff  }
0x5ac: {  	v50 =	vsub.f32 v51, v50;
	v30 =	vmul.f32 v30, v43;
	v57 =	vld.idx.msk [tilespmem:v35+s18+$0x0], $0xffff;
	v62 =	vmul.f32 v53, v48  }
0x5ad: {  	v36 =	vmul.f32 v36, v36;
	v46 =	vsub.f32 $1.500000000e+00, v46;
	v53 =	vld.idx.msk [tilespmem:v33+s19+$0x0], $0xffff;
	v61 =	vmul.f32 v52, v55  }
0x5ae: {  	v19 =	vmul.f32 v43, v19;
	v31 =	vmul.f32 v31, v32;
	v55 =	vld.idx.msk [tilespmem:v33+s18+$0x0], $0xffff;
	v63 =	vsub.f32 $1.500000000e+00, v62  }
0x5af: {  	v22 =	vmul.f32 v50, v22;
	v37 =	vmul.f32 v37, v46;
	v32 =	vsub.f32 $1.500000000e+00, v61  }
0x5b0: {  	v28 =	vmul.f32 v31, v28;
	v48 =	vmul.f32 v63, v48;
	v58 =	vsub.f32 v47, v60  }
0x5b1: {  	v59 =	vsub.f32 v44, v57;
	v32 =	vmul.f32 v52, v32;
	v52 =	vsub.f32 v45, v56  }
0x5b2: {  	v28 =	vmul.f32 v28, v31;
	v56 =	vsub.f32 v56, v27;
	v27 =	vsub.f32 v45, v27  }
0x5b3: {  	v63 =	vsub.f32 v47, v53;
	v62 =	vsub.f32 v44, v55;
	v47 =	vmul.f32 v58, v58  }
0x5b4: {  	v44 =	vmul.f32 v59, v59;
	v28 =	vsub.f32 $1.500000000e+00, v28;
	v61 =	vmul.f32 v32, v49  }
0x5b5: {  	v15 =	vld.idx.msk [tilespmem:v15+s21+$0x0], $0xffff;
	v51 =	vsub.f32 v60, v53;
	v50 =	vmul.f32 v63, v63;
	v45 =	vmul.f32 v62, v62  }
0x5b6: {  	v60 =	vsub.f32 v57, v55;
	v28 =	vmul.f32 v28, v31;
	v49 =	vmul.f32 v61, v32  }
0x5b7: {  	v27 =	vmul.f32 v27, v27;
	v44 =	vadd.f32 v47, v44;
	v45 =	vadd.f32 v50, v45  }
0x5b8: {  	v61 =	vmul.f32 v52, v52;
	v49 =	vsub.f32 $1.500000000e+00, v49;
	v23 =	vmul.f32 v28, v23  }
0x5b9: {  	v62 =	vmul.f32 v51, v51;
	v28 =	vmul.f32 v60, v60;
	v63 =	vadd.f32 v27, v45  }
0x5ba: {  	v51 =	vadd.f32 v61, v44;
	v15 =	vsub.f32 v15, v23;
	v49 =	vmul.f32 v49, v32  }
0x5bb: {  	v52 =	vmul.f32 v56, v56;
	v28 =	vadd.f32 v62, v28;
	v23 =	vmax.f32 v63, $1.000000020e-35  }
0x5bc: {  	v27 =	vmul.f32 v49, v39;
	v15 =	vmul.f32 v15, v18;
	v18 =	vmax.f32 v51, $1.000000020e-35  }
0x5bd: {  	v28 =	vadd.f32 v52, v28;
	v53 =	vshra.s32 v23, $0x1;
	v45 =	vmul.f32 $5.000000000e-01, v23  }
0x5be: {  	v21 =	vld.idx.msk [tilespmem:v21+s21+$0x0], $0xffff;
	v55 =	vshra.s32 v18, $0x1;
	v44 =	vmul.f32 $5.000000000e-01, v18;
	v32 =	vsub.s32 $0x5F3759DF, v53  }
0x5bf: {  	v39 =	vsub.s32 $0x5F3759DF, v55;
	v28 =	vmax.f32 v28, $1.000000020e-35;
	v58 =	vmul.f32 v32, v45  }
0x5c0: {  	v56 =	vshra.s32 v28, $0x1;
	v49 =	vmul.f32 $5.000000000e-01, v28;
	v57 =	vmul.f32 v39, v44  }
0x5c1: {  	v22 =	vmul.f32 v22, v22;
	v47 =	vsub.s32 $0x5F3759DF, v56;
	v61 =	vmul.f32 v32, v58  }
0x5c2: {  	v59 =	vmul.f32 v47, v49;
	v60 =	vmul.f32 v39, v57  }
0x5c3: {  	v40 =	vmul.f32 v37, v40;
	v21 =	vsub.f32 v21, v27;
	v63 =	vsub.f32 $1.500000000e+00, v61  }
0x5c4: {  	v16 =	vld.idx.msk [tilespmem:v16+s21+$0x0], $0xffff;
	v26 =	vmul.f32 v48, v26;
	v62 =	vmul.f32 v47, v59;
	v27 =	vsub.f32 $1.500000000e+00, v60  }
0x5c5: {  	v21 =	vmul.f32 v21, v30;
	v30 =	vmul.f32 v32, v63  }
0x5c6: {  	v54 =	vld.idx.msk [tilespmem:v33+s22+$0x0], $0xffff;
	v52 =	vmul.f32 v40, v37;
	v50 =	vsub.f32 $1.500000000e+00, v62;
	v27 =	vmul.f32 v39, v27  }
0x5c7: {  	v15 =	vmul.f32 v15, v15;
	v55 =	vmul.f32 v30, v45  }
0x5c8: {  	v51 =	vmul.f32 v47, v50;
	v53 =	vmul.f32 v27, v44  }
0x5c9: {  	v16 =	vsub.f32 v16, v26;
	v15 =	vadd.f32 v15, v22;
	v58 =	vmul.f32 v55, v30  }
0x5ca: {  	v17 =	vld.idx.msk [tilespmem:v17+s21+$0x0], $0xffff;
	v39 =	vsub.f32 $1.500000000e+00, v52;
	v57 =	vmul.f32 v51, v49;
	v22 =	vmul.f32 v53, v27  }
0x5cb: {  	v31 =	vmul.f32 v54, v41;
	v56 =	vld.idx.msk [tilespmem:v35+s22+$0x0], $0xffff;
	v15 =	vadd.f32 v15, v36;
	v36 =	vsub.f32 $1.500000000e+00, v58  }
0x5cc: {  	v61 =	vld.idx.msk [tilespmem:v35+s21+$0x0], $0xffff;
	v37 =	vmul.f32 v39, v37;
	v59 =	vmul.f32 v57, v51;
	v22 =	vsub.f32 $1.500000000e+00, v22  }
0x5cd: {  	v25 =	vld.idx.msk [tilespmem:v25+s21+$0x0], $0xffff;
	v16 =	vmul.f32 v16, v19;
	v30 =	vmul.f32 v36, v30  }
0x5ce: {  	v24 =	vmul.f32 v37, v24;
	v60 =	vsub.f32 $1.500000000e+00, v59;
	v22 =	vmul.f32 v22, v27  }
0x5cf: {  	v16 =	vmul.f32 v16, v16;
	v62 =	vld.idx.msk [tilespmem:v33+s21+$0x0], $0xffff;
	v30 =	vmul.f32 v30, v23  }
0x5d0: {  	v17 =	vsub.f32 v17, v24;
	v19 =	vmul.f32 v60, v51;
	v18 =	vmul.f32 v22, v18  }
0x5d1: {  	v21 =	vmul.f32 v21, v21;
	v32 =	vmul.f32 v56, v41;
	v22 =	vsub.f32 v61, v30  }
0x5d2: {  	v17 =	vmul.f32 v17, v20;
	v19 =	vmul.f32 v19, v28;
	v18 =	vsub.f32 v25, v18  }
0x5d3: {  	v63 =	vmul.f32 v54, v56;
	v35 =	vmul.f32 v22, v31  }
0x5d4: {  	v17 =	vmul.f32 v17, v17;
	v19 =	vsub.f32 v62, v19;
	v18 =	vmul.f32 v18, v32  }
0x5d5: {  	v15 =	vmul.f32 $3.333333430e-01, v15;
	v37 =	vmul.f32 v35, v35  }
0x5d6: {  	v16 =	vadd.f32 v17, v16;
	v19 =	vmul.f32 v19, v63;
	v36 =	vmul.f32 v18, v18  }
0x5d7: {  	v15 =	vadd.f32 $9.999999970e-07, v15  }
0x5d8: {  	v16 =	vadd.f32 v16, v21;
	v19 =	vmul.f32 v19, v19;
	v17 =	vadd.f32 v37, v36;
	_ =	sdelay $0x1  }
0x5d9: {  	v15 =	vmax.f32 v15, $1.000000020e-35;
	v16 =	vmul.f32 $3.333333430e-01, v16;
	v17 =	vadd.f32 v17, v19  }
0x5da: {  	v39 =	vshra.s32 v15, $0x1  }
0x5db: {  	v40 =	vmul.f32 $5.000000000e-01, v15;
	v16 =	vadd.f32 $9.999999970e-07, v16;
	v17 =	vmul.f32 $3.333333430e-01, v17  }
0x5dc: {  	v41 =	vmul.f32 v38, v42;
	v18 =	vsub.s32 $0x5F3759DF, v39  }
0x5dd: {  	v42 =	vmul.f32 v18, v40;
	v16 =	vmax.f32 v16, $1.000000020e-35;
	v17 =	vadd.f32 $9.999999970e-07, v17  }
0x5de: {  	v20 =	vsub.f32 $1.500000000e+00, v41;
	v43 =	vshra.s32 v16, $0x1;
	v44 =	vmul.f32 $5.000000000e-01, v16  }
0x5df: {  	v21 =	vmul.f32 v18, v42;
	v22 =	vsub.s32 $0x5F3759DF, v43;
	v17 =	vmax.f32 v17, $1.000000020e-35  }
0x5e0: {  	v45 =	vmul.f32 v22, v44;
	v46 =	vshra.s32 v17, $0x1;
	v47 =	vmul.f32 $5.000000000e-01, v17  }
0x5e1: {  	v20 =	vmul.f32 v38, v20;
	v21 =	vsub.f32 $1.500000000e+00, v21;
	v25 =	vsub.s32 $0x5F3759DF, v46  }
0x5e2: {  	v24 =	vmul.f32 v22, v45;
	v48 =	vmul.f32 v25, v47  }
0x5e3: {  	v49 =	vmul.f32 v20, v34;
	v18 =	vmul.f32 v18, v21  }
0x5e4: {  	v50 =	vsub.f32 $1.500000000e+00, v24;
	v51 =	vmul.f32 v25, v48  }
0x5e5: {  	v52 =	vmul.f32 v49, v20;
	v19 =	vmul.f32 v18, v40  }
0x5e6: {  	v21 =	vmul.f32 v22, v50;
	v53 =	vsub.f32 $1.500000000e+00, v51  }
0x5e7: {  	v54 =	vsub.f32 $1.500000000e+00, v52;
	v19 =	vmul.f32 v19, v18  }
0x5e8: {  	v23 =	vmul.f32 v21, v44;
	v22 =	vmul.f32 v25, v53  }
0x5e9: {  	v7 =	vadd.f32 $0.0e+00, v7;
	v20 =	vmul.f32 v54, v20  }
0x5ea: {  	v19 =	vsub.f32 $1.500000000e+00, v19;
	v23 =	vmul.f32 v23, v21;
	v55 =	vmul.f32 v22, v47  }
0x5eb: {  	v7 =	vadd.f32 v8, v7;
	v20 =	vmul.f32 v20, v29  }
0x5ec: {  	v18 =	vmul.f32 v19, v18;
	v56 =	vsub.f32 $1.500000000e+00, v23;
	v57 =	vmul.f32 v55, v22  }
0x5ed: {  	v7 =	vadd.f32 v9, v7;
	v8 =	vadd.f32 v20, v14  }
0x5ee: {  	v58 =	vmul.f32 v18, v15;
	v59 =	vmul.f32 v56, v21;
	v60 =	vsub.f32 $1.500000000e+00, v57  }
0x5ef: {  	v7 =	vadd.f32 v10, v7  }
0x5f0: {  	v8 =	vadd.f32 v58, v8;
	v61 =	vmul.f32 v59, v16;
	v62 =	vmul.f32 v60, v22;
	_ =	sdelay $0x1  }
0x5f1: {  	v7 =	vadd.f32 v11, v7;
	v8 =	vadd.f32 v61, v8;
	v63 =	vmul.f32 v62, v17;
	_ =	sdelay $0x1  }
0x5f2: {  	v7 =	vadd.f32 v12, v7;
	v8 =	vadd.f32 v63, v8;
	_ =	sdelay $0x1  }
0x5f3: {  	v7 =	vadd.f32 v13, v7;
	v8 =	vmul.f32 v8, v1;
	_ =	sdelay $0x1  }
0x5f4: {  	s26 =	sadd.s32 $0x1, s26;
	v7 =	vadd.f32 v8, v7  }
0x5f5: {  	p0 =	sne.s32 s26, s13  }
.Ltmp8:
0x5f6: {  	s28 =	simm.s32 $0x1D4C0;
	[tilespmem:$0x1D4C0] =	vst v7;
	(pc) =	sbr.rel @p0 .LBB2_1-.Ltmp8, $4  }
0x5f7: {  	[hbm4b:s12+s1] =	stream.linear.scatter [tilespmem:s28], [sflag:$0x3], $0x10, $0x38;
	[tilespmem:$0x1D4D0] =	vst v63  }
0x5f8: {  	_ =	swait.ge [sflag:s25], $0x10  }
0x5f9: {  	[sflag:s25] =	ssyncset.done $0x0  }
0x5fa: {  	[sflag:s25] =	ssyncadd.s32 $0xFFFFFFF0  }
0x5fb: {  	_ =	sfence.sel $0x180000  }
0x5fc: {  	[bflag:$0x0] =	sbarrier.arrive $0xFFFF  }
0x5fd: {  	_ =	strace $0x90000047  }
0x5fe: {  	s0 =	stileid.u32;
	[bflag:$0x2] =	sbarrier.arrive $0xFFFF  }
0x5ff: {  	p0 =	sne.s32 s0, $0x0;
	s0 =	rddreg [dreg:$0x2]  }
0x600: {  	s0 =	sadd.s32 @!p0 $0x100000, s0  }
0x601: {  	[sflag:s0] =	ssyncadd.tile.s32 @!p0 $0x1;
	_ =	shalt  }
.Lfunc_end2:
_tile_overlayer_lowered:
.L_overlay_start_2:
0x602: {  	(tag) =	ssettag $0x2  }
0x603: {  	s0 =	rddreg [dreg:$0x0];
	s2 =	stileid.u32  }
0x604: {  	s1 =	rddreg [dreg:$0x1];
	p0 =	sne.s32 s2, $0x0  }
0x605: {  	s3 =	rddreg [dreg:$0x2];
	[bflag:$0x3] =	sbarrier.arrive $0xFFFF;
	s2 =	simm.s32 @!p0 $0x1C03  }
0x606: {  	[timem:s3], [sflag:s2] =	dma.local @!p0 [hbm:s0], s1  }
0x607: {  	s0 =	simm.s32 @!p0 $0x3  }
0x608: {  	_ =	swait.ge @!p0 [sflag:s0], s1  }
0x609: {  	s1 =	ssub.s32 @!p0 $0x0, s1;
	[sflag:s0] =	ssyncset.done @!p0 $0x0  }
0x60a: {  	[sflag:s0] =	ssyncadd.s32 @!p0 s1  }
0x60b: {  	[bflag:$0x3] =	sbarrier.arrive $0xFFFF  }
0x60c: {  	_ =	shalt  }

</sc_bundles>
